<compile_context>
chip_gen: v7x
topology: tpu7x:2x2x1
jax: 0.10.2.dev20260603
libtpu: 0.0.44.dev20260713+nightly
codegen_flags: <defaults>
</compile_context>

<pallas_src>
import functools

import jax
import jax.numpy as jnp
from jax import lax
from jax.experimental import pallas as pl
from jax.experimental.pallas import tpu as pltpu
from jax.experimental.pallas import tpu_sc as plsc

N = 10000
E = 160000
D = 256
H = 128
NC = 2
NS = 16
_MESH = plsc.VectorSubcoreMesh(core_axis_name="c", subcore_axis_name="s")

ROWS_CH = 624


def _striped_rows(s, fn):
    fn(pl.multiple_of(s * ROWS_CH, 8), ROWS_CH)

    @pl.when(s == NS - 1)
    def _():
        fn(NS * ROWS_CH, N - NS * ROWS_CH)


NP = 10240
EDGES_T = 4992


@functools.partial(
    pl.kernel,
    out_type=jax.ShapeDtypeStruct((NC, NP), jnp.float32),
    mesh=_MESH,
    scratch_types=[
        pltpu.VMEM((E - (NC * NS - 1) * EDGES_T,), jnp.int32),
        pltpu.VMEM((NP,), jnp.float32),
        pltpu.VMEM((NS, 640), jnp.float32),
        pltpu.VMEM((640,), jnp.float32),
        pltpu.VMEM_SHARED((NS, NP), jnp.float32),
    ],
    compiler_params=pltpu.CompilerParams(needs_layout_passes=False),
)
def _sc_deg(dst_hbm, zeros_hbm, deg_out, idx_v, deg_v, red_v, sum_v, slots_sh):
    c = lax.axis_index("c")
    s = lax.axis_index("s")
    tile = c * NS + s

    pltpu.sync_copy(zeros_hbm, deg_v)
    base = pl.multiple_of(tile * EDGES_T, 8)
    last = E - (NC * NS - 1) * EDGES_T

    @pl.when(tile < NC * NS - 1)
    def _():
        pltpu.sync_copy(dst_hbm.at[pl.ds(base, EDGES_T)],
                        idx_v.at[pl.ds(0, EDGES_T)])

    @pl.when(tile == NC * NS - 1)
    def _():
        pltpu.sync_copy(dst_hbm.at[pl.ds(base, last)], idx_v)

    ones = jnp.full((16,), 1.0, jnp.float32)

    def body(i, _):
        iv = idx_v[pl.ds(i * 16, 16)]
        plsc.addupdate_scatter(deg_v, [iv], ones)
        return _

    n_groups = jnp.where(tile == NC * NS - 1, last // 16, EDGES_T // 16)
    lax.fori_loop(0, n_groups, body, None)

    pltpu.sync_copy(deg_v, slots_sh.at[s])
    plsc.subcore_barrier()
    col = pl.multiple_of(s * 640, 8)
    pltpu.sync_copy(slots_sh.at[:, pl.ds(col, 640)], red_v)
    for r in range(640 // 16):
        acc = red_v[0, pl.ds(r * 16, 16)]
        for k in range(1, NS):
            acc = acc + red_v[k, pl.ds(r * 16, 16)]
        sum_v[pl.ds(r * 16, 16)] = acc
    pltpu.sync_copy(sum_v, deg_out.at[c, pl.ds(col, 640)])


CH = 80
K_AGG = 125


@functools.partial(
    pl.kernel,
    out_type=jax.ShapeDtypeStruct((N, D), jnp.float32),
    mesh=_MESH,
    scratch_types=[
        pltpu.VMEM((K_AGG,), jnp.int32),
        pltpu.VMEM((K_AGG,), jnp.int32),
        pltpu.VMEM((K_AGG,), jnp.int32),
        pltpu.VMEM((K_AGG,), jnp.int32),
        pltpu.VMEM((K_AGG, H), jnp.float32),
        pltpu.VMEM((K_AGG, H), jnp.float32),
        pltpu.VMEM_SHARED((N, H), jnp.float32),
        pltpu.SemaphoreType.DMA,
        pltpu.SemaphoreType.DMA,
        pltpu.SemaphoreType.DMA,
        pltpu.SemaphoreType.DMA,
        pltpu.SemaphoreType.DMA,
        pltpu.SemaphoreType.DMA,
        pltpu.SemaphoreType.DMA,
        pltpu.SemaphoreType.DMA,
    ],
)
def _sc_agg(src_hbm, dst_hbm, g0_hbm, g1_hbm, out_hbm,
            isrc0, isrc1, idst0, idst1, rows0, rows1, acc_sh,
            sg0, sg1, ss0, ss1, sis0, sis1, sid0, sid1):
    c = lax.axis_index("c")
    s = lax.axis_index("s")

    def isrc_start(j, buf, sem):
        pltpu.async_copy(src_hbm.at[s, j], buf, sem)

    def isrc_wait(j, buf, sem):
        pltpu.make_async_copy(src_hbm.at[s, j], buf, sem).wait()

    def idst_start(j, buf, sem):
        pltpu.async_copy(dst_hbm.at[s, j], buf, sem)

    def idst_wait(j, buf, sem):
        pltpu.make_async_copy(dst_hbm.at[s, j], buf, sem).wait()

    def g_start(ibuf, buf, sem):
        @pl.when(c == 0)
        def _():
            pltpu.async_copy(g0_hbm.at[ibuf], buf, sem)

        @pl.when(c == 1)
        def _():
            pltpu.async_copy(g1_hbm.at[ibuf], buf, sem)

    def g_wait(ibuf, buf, sem):
        pltpu.make_async_copy(g0_hbm.at[ibuf], buf, sem).wait()

    def s_start(ibuf, buf, sem):
        pltpu.async_copy(buf, acc_sh.at[ibuf], sem, add=True)

    def s_wait(ibuf, buf, sem):
        pltpu.make_async_copy(buf, acc_sh.at[ibuf], sem).wait()

    pltpu.sync_copy(src_hbm.at[s, 0], isrc0)
    pltpu.sync_copy(dst_hbm.at[s, 0], idst0)
    pltpu.sync_copy(src_hbm.at[s, 1], isrc1)
    pltpu.sync_copy(dst_hbm.at[s, 1], idst1)
    g_start(isrc0, rows0, sg0)
    g_start(isrc1, rows1, sg1)

    def _init(off, sz):
        @pl.when(c == 0)
        def _():
            pltpu.sync_copy(g0_hbm.at[pl.ds(off, sz)],
                            acc_sh.at[pl.ds(off, sz)])

        @pl.when(c == 1)
        def _():
            pltpu.sync_copy(g1_hbm.at[pl.ds(off, sz)],
                            acc_sh.at[pl.ds(off, sz)])

    _striped_rows(s, _init)
    plsc.subcore_barrier()

    def body(p, _):
        j0 = p * 2
        g_wait(isrc0, rows0, sg0)
        s_start(idst0, rows0, ss0)
        isrc_start(j0 + 2, isrc0, sis0)
        g_wait(isrc1, rows1, sg1)
        s_wait(idst0, rows0, ss0)
        idst_start(j0 + 2, idst0, sid0)
        isrc_wait(j0 + 2, isrc0, sis0)
        g_start(isrc0, rows0, sg0)
        s_start(idst1, rows1, ss1)
        isrc_start(j0 + 3, isrc1, sis1)
        s_wait(idst1, rows1, ss1)
        idst_start(j0 + 3, idst1, sid1)
        isrc_wait(j0 + 3, isrc1, sis1)
        g_start(isrc1, rows1, sg1)
        idst_wait(j0 + 2, idst0, sid0)
        idst_wait(j0 + 3, idst1, sid1)
        return _

    lax.fori_loop(0, CH // 2 - 1, body, None)

    g_wait(isrc0, rows0, sg0)
    s_start(idst0, rows0, ss0)
    g_wait(isrc1, rows1, sg1)
    s_wait(idst0, rows0, ss0)
    s_start(idst1, rows1, ss1)
    s_wait(idst1, rows1, ss1)

    plsc.subcore_barrier()

    _striped_rows(s, lambda off, sz: pltpu.sync_copy(
        acc_sh.at[pl.ds(off, sz)],
        out_hbm.at[pl.ds(off, sz), pl.ds(c * H, H)]))


def _tc_lin_body(x_ref, w_ref, d0_ref, d1_ref, g0_ref, g1_ref, dv_ref):
    h = jnp.dot(x_ref[...], w_ref[...], preferred_element_type=jnp.float32)
    deg = d0_ref[...] + d1_ref[...] + 1.0
    dinv = lax.rsqrt(deg)
    g0_ref[...] = h[:, :H] * dinv
    g1_ref[...] = h[:, H:] * dinv
    dv_ref[...] = dinv


def _tc_lin(x, W, d0, d1):
    blk = 2000
    grid = (N // blk,)
    return pl.pallas_call(
        _tc_lin_body,
        grid=grid,
        in_specs=[
            pl.BlockSpec((blk, D), lambda i: (i, 0)),
            pl.BlockSpec((D, D), lambda i: (0, 0)),
            pl.BlockSpec((blk, 1), lambda i: (i, 0)),
            pl.BlockSpec((blk, 1), lambda i: (i, 0)),
        ],
        out_specs=[
            pl.BlockSpec((blk, H), lambda i: (i, 0)),
            pl.BlockSpec((blk, H), lambda i: (i, 0)),
            pl.BlockSpec((blk, 1), lambda i: (i, 0)),
        ],
        out_shape=[
            jax.ShapeDtypeStruct((N, H), jnp.float32),
            jax.ShapeDtypeStruct((N, H), jnp.float32),
            jax.ShapeDtypeStruct((N, 1), jnp.float32),
        ],
    )(x, W, d0, d1)


def _tc_out_body(acc_ref, dv_ref, b_ref, o_ref):
    o_ref[...] = acc_ref[...] * dv_ref[...] + b_ref[...]


def _tc_out(acc, dinv, b):
    blk = 1000
    grid = (N // blk,)
    return pl.pallas_call(
        _tc_out_body,
        grid=grid,
        in_specs=[
            pl.BlockSpec((blk, D), lambda i: (i, 0)),
            pl.BlockSpec((blk, 1), lambda i: (i, 0)),
            pl.BlockSpec((1, D), lambda i: (0, 0)),
        ],
        out_specs=pl.BlockSpec((blk, D), lambda i: (i, 0)),
        out_shape=jax.ShapeDtypeStruct((N, D), jnp.float32),
    )(acc, dinv, b)


def kernel(x, edge_index, W, b):
    src = edge_index[0]
    dst = edge_index[1]
    zeros = jnp.zeros((NP,), jnp.float32)
    deg2 = _sc_deg(dst, zeros)
    d0 = deg2[0, :N].reshape(N, 1)
    d1 = deg2[1, :N].reshape(N, 1)
    g0, g1, dinv = _tc_lin(x, W, d0, d1)
    src3 = src.reshape(NS, CH, K_AGG)
    dst3 = dst.reshape(NS, CH, K_AGG)
    acc = _sc_agg(src3, dst3, g0, g1)
    return _tc_out(acc, dinv, b.reshape(1, D))

# --- scband reference (transcript-rebuilt; emitter-appended) ---
"""Pipeline reference for scband-one-layer-gcn-13666585936076 (READ-ONLY COPY).

The authoritative reference and input builder live on the scoring server;
editing this copy changes nothing except your own understanding.
"""

import jax, jax.numpy as jnp
import numpy as np

N = 10000
E = 160000
D_IN = 256
D_OUT = 256


def setup_inputs(seed: int = 0) -> dict:
    key = jax.random.key(seed)
    k1, k2, k3, k4 = jax.random.split(key, 4)
    x = jax.random.normal(k1, (N, D_IN), dtype=jnp.float32)
    edge_index = jax.random.randint(k2, (2, E), 0, N, dtype=jnp.int32)
    # GCNConv learned params: linear weight (glorot-ish) and bias
    W = jax.random.normal(k3, (D_IN, D_OUT), dtype=jnp.float32) * (1.0 / np.sqrt(D_IN))
    b = jax.random.normal(k4, (D_OUT,), dtype=jnp.float32) * 0.01
    return {"x": x, "edge_index": edge_index, "W": W, "b": b}


def reference(x, edge_index, W, b):
    # Faithful GCNConv (PyG semantics): lin -> add self loops -> sym norm -> scatter-add -> +bias
    n = x.shape[0]
    src = edge_index[0]
    dst = edge_index[1]
    loop = jnp.arange(n, dtype=src.dtype)
    src = jnp.concatenate([src, loop])
    dst = jnp.concatenate([dst, loop])
    h = x @ W
    ones = jnp.ones(dst.shape[0], dtype=h.dtype)
    deg = jax.ops.segment_sum(ones, dst, num_segments=n)
    dinv = jnp.where(deg > 0, 1.0 / jnp.sqrt(deg), 0.0)
    norm = dinv[src] * dinv[dst]
    msg = jnp.take(h, src, axis=0) * norm[:, None]
    out = jax.ops.segment_sum(msg, dst, num_segments=n) + b
    return out

if __name__ == "__main__":
    import jax
    _d = setup_inputs()
    print(jax.jit(kernel)(*tuple(_d.values())))

</pallas_src>

<mosaic_0001>
#map = affine_map<(d0, d1) -> (0)>
#map1 = affine_map<(d0, d1) -> (0, 0)>
module attributes {stable_mosaic.version = 14 : i64} {
  func.func @_sc_deg(%arg0: i32, %arg1: i32, %arg2: memref<160000xi32, #tpu.memory_space<hbm>>, %arg3: memref<10240xf32, #tpu.memory_space<hbm>>, %arg4: memref<2x10240xf32, #tpu.memory_space<hbm>>, %arg5: memref<5248xi32, #tpu.memory_space<vmem>>, %arg6: memref<10240xf32, #tpu.memory_space<vmem>>, %arg7: memref<16x640xf32, #tpu.memory_space<vmem>>, %arg8: memref<640xf32, #tpu.memory_space<vmem>>, %arg9: memref<16x10240xf32, #tpu.memory_space<vmem_shared>>) attributes {dimension_semantics = [#tpu.dimension_semantics<core_parallel>, #tpu.dimension_semantics<subcore_parallel>], iteration_bounds = array<i64: 2, 16>, scalar_prefetch = 0 : i64, scratch_operands = 5 : i64, tpu.core_type = #tpu.core_type<sc_vector_subcore>, window_params = [{transform_indices = #map}, {transform_indices = #map}, {transform_indices = #map1}]} {
    %mul3A = arith.constant 16 : i32
    %mul3A_0 = arith.muli %arg0, %mul3A : i32
    %add3A = arith.addi %mul3A_0, %arg1 : i32
    "tpu.region"() ({
      %run_scoped3A = tpu.sem_alloc : memref<!tpu.dma_semaphore, #tpu.memory_space<semaphore_mem>>
      tpu.enqueue_dma source(%arg3 : memref<10240xf32, #tpu.memory_space<hbm>>) target(%arg6 : memref<10240xf32, #tpu.memory_space<vmem>>) target_semaphore(%run_scoped3A : memref<!tpu.dma_semaphore, #tpu.memory_space<semaphore_mem>>)
      tpu.wait_dma2 semaphore(%run_scoped3A : memref<!tpu.dma_semaphore, #tpu.memory_space<semaphore_mem>>) src(%arg3 : memref<10240xf32, #tpu.memory_space<hbm>>) dst(%arg6 : memref<10240xf32, #tpu.memory_space<vmem>>)
      tpu.yield
    }) : () -> ()
    %mul3A_1 = arith.constant 4992 : i32
    %mul3A_2 = arith.muli %add3A, %mul3A_1 : i32
    %multiple_of3A = tpu.assume_multiple %mul3A_2, 8 : i32
    %lt3A = arith.constant 31 : i32
    %lt3A_3 = arith.cmpi slt, %add3A, %lt3A : i32
    %convert_element_type3A = arith.extui %lt3A_3 : i1 to i32
    %cond3A = arith.constant 0 : i32
    %cond3A_4 = arith.cmpi ne, %convert_element_type3A, %cond3A : i32
    scf.if %cond3A_4 {
      "tpu.region"() ({
        %run_scoped3A = tpu.sem_alloc : memref<!tpu.dma_semaphore, #tpu.memory_space<semaphore_mem>>
        %dma_start3A = arith.constant 0 : i32
        %dma_start3A_3262 = tpu.memref_slice %arg5[%dma_start3A] : memref<5248xi32, #tpu.memory_space<vmem>> -> memref<4992xi32, #tpu.memory_space<vmem>>
        %dma_start3A_3263 = tpu.memref_slice %arg2[%multiple_of3A] : memref<160000xi32, #tpu.memory_space<hbm>> -> memref<4992xi32, #tpu.memory_space<hbm>>
        %dma_start3A_3264 = arith.constant 0 : i32
        %dma_start3A_3265 = tpu.memref_slice %arg5[%dma_start3A_3264] : memref<5248xi32, #tpu.memory_space<vmem>> -> memref<4992xi32, #tpu.memory_space<vmem>>
        %dma_start3A_3266 = tpu.memref_slice %arg2[%multiple_of3A] : memref<160000xi32, #tpu.memory_space<hbm>> -> memref<4992xi32, #tpu.memory_space<hbm>>
        tpu.enqueue_dma source(%dma_start3A_3266 : memref<4992xi32, #tpu.memory_space<hbm>>) target(%dma_start3A_3265 : memref<4992xi32, #tpu.memory_space<vmem>>) target_semaphore(%run_scoped3A : memref<!tpu.dma_semaphore, #tpu.memory_space<semaphore_mem>>)
        %dma_wait3A = arith.constant 0 : i32
        %dma_wait3A_3267 = tpu.memref_slice %arg5[%dma_wait3A] : memref<5248xi32, #tpu.memory_space<vmem>> -> memref<4992xi32, #tpu.memory_space<vmem>>
        %dma_wait3A_3268 = tpu.memref_slice %arg2[%multiple_of3A] : memref<160000xi32, #tpu.memory_space<hbm>> -> memref<4992xi32, #tpu.memory_space<hbm>>
        %dma_wait3A_3269 = arith.constant 0 : i32
        %dma_wait3A_3270 = tpu.memref_slice %arg5[%dma_wait3A_3269] : memref<5248xi32, #tpu.memory_space<vmem>> -> memref<4992xi32, #tpu.memory_space<vmem>>
        %dma_wait3A_3271 = tpu.memref_slice %arg2[%multiple_of3A] : memref<160000xi32, #tpu.memory_space<hbm>> -> memref<4992xi32, #tpu.memory_space<hbm>>
        tpu.wait_dma2 semaphore(%run_scoped3A : memref<!tpu.dma_semaphore, #tpu.memory_space<semaphore_mem>>) src(%dma_wait3A_3271 : memref<4992xi32, #tpu.memory_space<hbm>>) dst(%dma_wait3A_3270 : memref<4992xi32, #tpu.memory_space<vmem>>)
        tpu.yield
      }) : () -> ()
    } else {
    }
    %eq3A = arith.constant 31 : i32
    %eq3A_5 = arith.cmpi eq, %add3A, %eq3A : i32
    %convert_element_type3A_6 = arith.extui %eq3A_5 : i1 to i32
    %cond3A_7 = arith.constant 0 : i32
    %cond3A_8 = arith.cmpi ne, %convert_element_type3A_6, %cond3A_7 : i32
    scf.if %cond3A_8 {
      "tpu.region"() ({
        %run_scoped3A = tpu.sem_alloc : memref<!tpu.dma_semaphore, #tpu.memory_space<semaphore_mem>>
        %dma_start3A = tpu.memref_slice %arg2[%multiple_of3A] : memref<160000xi32, #tpu.memory_space<hbm>> -> memref<5248xi32, #tpu.memory_space<hbm>>
        %dma_start3A_3262 = tpu.memref_slice %arg2[%multiple_of3A] : memref<160000xi32, #tpu.memory_space<hbm>> -> memref<5248xi32, #tpu.memory_space<hbm>>
        tpu.enqueue_dma source(%dma_start3A_3262 : memref<5248xi32, #tpu.memory_space<hbm>>) target(%arg5 : memref<5248xi32, #tpu.memory_space<vmem>>) target_semaphore(%run_scoped3A : memref<!tpu.dma_semaphore, #tpu.memory_space<semaphore_mem>>)
        %dma_wait3A = tpu.memref_slice %arg2[%multiple_of3A] : memref<160000xi32, #tpu.memory_space<hbm>> -> memref<5248xi32, #tpu.memory_space<hbm>>
        %dma_wait3A_3263 = tpu.memref_slice %arg2[%multiple_of3A] : memref<160000xi32, #tpu.memory_space<hbm>> -> memref<5248xi32, #tpu.memory_space<hbm>>
        tpu.wait_dma2 semaphore(%run_scoped3A : memref<!tpu.dma_semaphore, #tpu.memory_space<semaphore_mem>>) src(%dma_wait3A_3263 : memref<5248xi32, #tpu.memory_space<hbm>>) dst(%arg5 : memref<5248xi32, #tpu.memory_space<vmem>>)
        tpu.yield
      }) : () -> ()
    } else {
    }
    %broadcast_in_dim3A = arith.constant 1.000000e+00 : f32
    %broadcast_in_dim3A_9 = vector.broadcast %broadcast_in_dim3A : f32 to vector<16xf32>
    %eq3A_10 = arith.constant 31 : i32
    %eq3A_11 = arith.cmpi eq, %add3A, %eq3A_10 : i32
    %jit3A = arith.constant 328 : i32
    %jit3A_12 = arith.constant 312 : i32
    %select_n3A = arith.select %eq3A_11, %jit3A, %jit3A_12 : i32
    %while3A = arith.constant 0 : i32
    %while3A_13 = arith.subi %select_n3A, %while3A : i32
    %while3A_14 = arith.addi %while3A, %while3A_13 : i32
    %while3A_15 = arith.constant 1 : i32
    %while3A_16 = arith.divsi %while3A_13, %while3A_15 : i32
    %while3A_17 = arith.muli %while3A_16, %while3A_15 : i32
    %while3A_18 = arith.addi %while3A, %while3A_17 : i32
    %while3A_19 = arith.constant 1 : i32
    scf.for %while3A_3262 = %while3A to %while3A_18 step %while3A_19  : i32 {
      %mul3A_3263 = arith.constant 16 : i32
      %mul3A_3264 = arith.muli %while3A_3262, %mul3A_3263 : i32
      %get3A_3265 = arith.index_cast %mul3A_3264 : i32 to index
      %get3A_3266 = tpu.vector_load %arg5[%get3A_3265] {strides = array<i32>} : memref<5248xi32, #tpu.memory_space<vmem>>, vector<16xi32>,
      tpu.vector_store_idx %arg6[%get3A_3266], %broadcast_in_dim3A_9 {add = true} : memref<10240xf32, #tpu.memory_space<vmem>>[vector<16xi32>], vector<16xf32>,
    }
    %while3A_20 = arith.constant 1 : i32
    scf.for %while3A_3262 = %while3A_18 to %while3A_14 step %while3A_20  : i32 {
      %mul3A_3263 = arith.constant 16 : i32
      %mul3A_3264 = arith.muli %while3A_3262, %mul3A_3263 : i32
      %get3A_3265 = arith.index_cast %mul3A_3264 : i32 to index
      %get3A_3266 = tpu.vector_load %arg5[%get3A_3265] {strides = array<i32>} : memref<5248xi32, #tpu.memory_space<vmem>>, vector<16xi32>,
      tpu.vector_store_idx %arg6[%get3A_3266], %broadcast_in_dim3A_9 {add = true} : memref<10240xf32, #tpu.memory_space<vmem>>[vector<16xi32>], vector<16xf32>,
    }
    "tpu.region"() ({
      %run_scoped3A = tpu.sem_alloc : memref<!tpu.dma_semaphore, #tpu.memory_space<semaphore_mem>>
      %dma_start3A = arith.constant 0 : i32
      %dma_start3A_3262 = tpu.memref_slice %arg9[%arg1, %dma_start3A] : memref<16x10240xf32, #tpu.memory_space<vmem_shared>> -> memref<1x10240xf32, #tpu.memory_space<vmem_shared>>
      %dma_start3A_3263 = tpu.memref_squeeze %dma_start3A_3262 : memref<1x10240xf32, #tpu.memory_space<vmem_shared>> -> memref<10240xf32, #tpu.memory_space<vmem_shared>>
      %dma_start3A_3264 = arith.constant 0 : i32
      %dma_start3A_3265 = tpu.memref_slice %arg9[%arg1, %dma_start3A_3264] : memref<16x10240xf32, #tpu.memory_space<vmem_shared>> -> memref<1x10240xf32, #tpu.memory_space<vmem_shared>>
      %dma_start3A_3266 = tpu.memref_squeeze %dma_start3A_3265 : memref<1x10240xf32, #tpu.memory_space<vmem_shared>> -> memref<10240xf32, #tpu.memory_space<vmem_shared>>
      tpu.enqueue_dma source(%arg6 : memref<10240xf32, #tpu.memory_space<vmem>>) target(%dma_start3A_3266 : memref<10240xf32, #tpu.memory_space<vmem_shared>>) target_semaphore(%run_scoped3A : memref<!tpu.dma_semaphore, #tpu.memory_space<semaphore_mem>>)
      %dma_wait3A = arith.constant 0 : i32
      %dma_wait3A_3267 = tpu.memref_slice %arg9[%arg1, %dma_wait3A] : memref<16x10240xf32, #tpu.memory_space<vmem_shared>> -> memref<1x10240xf32, #tpu.memory_space<vmem_shared>>
      %dma_wait3A_3268 = tpu.memref_squeeze %dma_wait3A_3267 : memref<1x10240xf32, #tpu.memory_space<vmem_shared>> -> memref<10240xf32, #tpu.memory_space<vmem_shared>>
      %dma_wait3A_3269 = arith.constant 0 : i32
      %dma_wait3A_3270 = tpu.memref_slice %arg9[%arg1, %dma_wait3A_3269] : memref<16x10240xf32, #tpu.memory_space<vmem_shared>> -> memref<1x10240xf32, #tpu.memory_space<vmem_shared>>
      %dma_wait3A_3271 = tpu.memref_squeeze %dma_wait3A_3270 : memref<1x10240xf32, #tpu.memory_space<vmem_shared>> -> memref<10240xf32, #tpu.memory_space<vmem_shared>>
      tpu.wait_dma2 semaphore(%run_scoped3A : memref<!tpu.dma_semaphore, #tpu.memory_space<semaphore_mem>>) src(%arg6 : memref<10240xf32, #tpu.memory_space<vmem>>) dst(%dma_wait3A_3271 : memref<10240xf32, #tpu.memory_space<vmem_shared>>)
      tpu.yield
    }) : () -> ()
    %barrier3A = arith.constant 0 : index
    tpu.barrier barrier_id(%barrier3A)
    %mul3A_21 = arith.constant 640 : i32
    %mul3A_22 = arith.muli %arg1, %mul3A_21 : i32
    %multiple_of3A_23 = tpu.assume_multiple %mul3A_22, 8 : i32
    "tpu.region"() ({
      %run_scoped3A = tpu.sem_alloc : memref<!tpu.dma_semaphore, #tpu.memory_space<semaphore_mem>>
      %dma_start3A = arith.constant 0 : i32
      %dma_start3A_3262 = tpu.memref_slice %arg9[%dma_start3A, %multiple_of3A_23] : memref<16x10240xf32, #tpu.memory_space<vmem_shared>> -> memref<16x640xf32, #tpu.memory_space<vmem_shared>>
      %dma_start3A_3263 = arith.constant 0 : i32
      %dma_start3A_3264 = tpu.memref_slice %arg9[%dma_start3A_3263, %multiple_of3A_23] : memref<16x10240xf32, #tpu.memory_space<vmem_shared>> -> memref<16x640xf32, #tpu.memory_space<vmem_shared>>
      tpu.enqueue_dma source(%dma_start3A_3264 : memref<16x640xf32, #tpu.memory_space<vmem_shared>>) target(%arg7 : memref<16x640xf32, #tpu.memory_space<vmem>>) target_semaphore(%run_scoped3A : memref<!tpu.dma_semaphore, #tpu.memory_space<semaphore_mem>>)
      %dma_wait3A = arith.constant 0 : i32
      %dma_wait3A_3265 = tpu.memref_slice %arg9[%dma_wait3A, %multiple_of3A_23] : memref<16x10240xf32, #tpu.memory_space<vmem_shared>> -> memref<16x640xf32, #tpu.memory_space<vmem_shared>>
      %dma_wait3A_3266 = arith.constant 0 : i32
      %dma_wait3A_3267 = tpu.memref_slice %arg9[%dma_wait3A_3266, %multiple_of3A_23] : memref<16x10240xf32, #tpu.memory_space<vmem_shared>> -> memref<16x640xf32, #tpu.memory_space<vmem_shared>>
      tpu.wait_dma2 semaphore(%run_scoped3A : memref<!tpu.dma_semaphore, #tpu.memory_space<semaphore_mem>>) src(%dma_wait3A_3267 : memref<16x640xf32, #tpu.memory_space<vmem_shared>>) dst(%arg7 : memref<16x640xf32, #tpu.memory_space<vmem>>)
      tpu.yield
    }) : () -> ()
    %get3A = arith.constant 0 : i32
    %get3A_24 = arith.index_cast %get3A : i32 to index
    %get3A_25 = arith.constant 0 : index
    %get3A_26 = tpu.vector_load %arg7[%get3A_24, %get3A_25] {strides = array<i32>} : memref<16x640xf32, #tpu.memory_space<vmem>>, vector<16xf32>,
    %get3A_27 = arith.constant 1 : i32
    %get3A_28 = arith.index_cast %get3A_27 : i32 to index
    %get3A_29 = arith.constant 0 : index
    %get3A_30 = tpu.vector_load %arg7[%get3A_28, %get3A_29] {strides = array<i32>} : memref<16x640xf32, #tpu.memory_space<vmem>>, vector<16xf32>,
    %add3A_31 = arith.addf %get3A_26, %get3A_30 : vector<16xf32>
    %get3A_32 = arith.constant 2 : i32
    %get3A_33 = arith.index_cast %get3A_32 : i32 to index
    %get3A_34 = arith.constant 0 : index
    %get3A_35 = tpu.vector_load %arg7[%get3A_33, %get3A_34] {strides = array<i32>} : memref<16x640xf32, #tpu.memory_space<vmem>>, vector<16xf32>,
    %add3A_36 = arith.addf %add3A_31, %get3A_35 : vector<16xf32>
    %get3A_37 = arith.constant 3 : i32
    %get3A_38 = arith.index_cast %get3A_37 : i32 to index
    %get3A_39 = arith.constant 0 : index
    %get3A_40 = tpu.vector_load %arg7[%get3A_38, %get3A_39] {strides = array<i32>} : memref<16x640xf32, #tpu.memory_space<vmem>>, vector<16xf32>,
    %add3A_41 = arith.addf %add3A_36, %get3A_40 : vector<16xf32>
    %get3A_42 = arith.constant 4 : i32
    %get3A_43 = arith.index_cast %get3A_42 : i32 to index
    %get3A_44 = arith.constant 0 : index
    %get3A_45 = tpu.vector_load %arg7[%get3A_43, %get3A_44] {strides = array<i32>} : memref<16x640xf32, #tpu.memory_space<vmem>>, vector<16xf32>,
    %add3A_46 = arith.addf %add3A_41, %get3A_45 : vector<16xf32>
    %get3A_47 = arith.constant 5 : i32
    %get3A_48 = arith.index_cast %get3A_47 : i32 to index
    %get3A_49 = arith.constant 0 : index
    %get3A_50 = tpu.vector_load %arg7[%get3A_48, %get3A_49] {strides = array<i32>} : memref<16x640xf32, #tpu.memory_space<vmem>>, vector<16xf32>,
    %add3A_51 = arith.addf %add3A_46, %get3A_50 : vector<16xf32>
    %get3A_52 = arith.constant 6 : i32
    %get3A_53 = arith.index_cast %get3A_52 : i32 to index
    %get3A_54 = arith.constant 0 : index
    %get3A_55 = tpu.vector_load %arg7[%get3A_53, %get3A_54] {strides = array<i32>} : memref<16x640xf32, #tpu.memory_space<vmem>>, vector<16xf32>,
    %add3A_56 = arith.addf %add3A_51, %get3A_55 : vector<16xf32>
    %get3A_57 = arith.constant 7 : i32
    %get3A_58 = arith.index_cast %get3A_57 : i32 to index
    %get3A_59 = arith.constant 0 : index
    %get3A_60 = tpu.vector_load %arg7[%get3A_58, %get3A_59] {strides = array<i32>} : memref<16x640xf32, #tpu.memory_space<vmem>>, vector<16xf32>,
    %add3A_61 = arith.addf %add3A_56, %get3A_60 : vector<16xf32>
    %get3A_62 = arith.constant 8 : i32
    %get3A_63 = arith.index_cast %get3A_62 : i32 to index
    %get3A_64 = arith.constant 0 : index
    %get3A_65 = tpu.vector_load %arg7[%get3A_63, %get3A_64] {strides = array<i32>} : memref<16x640xf32, #tpu.memory_space<vmem>>, vector<16xf32>,
    %add3A_66 = arith.addf %add3A_61, %get3A_65 : vector<16xf32>
    %get3A_67 = arith.constant 9 : i32
    %get3A_68 = arith.index_cast %get3A_67 : i32 to index
    %get3A_69 = arith.constant 0 : index
    %get3A_70 = tpu.vector_load %arg7[%get3A_68, %get3A_69] {strides = array<i32>} : memref<16x640xf32, #tpu.memory_space<vmem>>, vector<16xf32>,
    %add3A_71 = arith.addf %add3A_66, %get3A_70 : vector<16xf32>
    %get3A_72 = arith.constant 10 : i32
    %get3A_73 = arith.index_cast %get3A_72 : i32 to index
    %get3A_74 = arith.constant 0 : index
    %get3A_75 = tpu.vector_load %arg7[%get3A_73, %get3A_74] {strides = array<i32>} : memref<16x640xf32, #tpu.memory_space<vmem>>, vector<16xf32>,
    %add3A_76 = arith.addf %add3A_71, %get3A_75 : vector<16xf32>
    %get3A_77 = arith.constant 11 : i32
    %get3A_78 = arith.index_cast %get3A_77 : i32 to index
    %get3A_79 = arith.constant 0 : index
    %get3A_80 = tpu.vector_load %arg7[%get3A_78, %get3A_79] {strides = array<i32>} : memref<16x640xf32, #tpu.memory_space<vmem>>, vector<16xf32>,
    %add3A_81 = arith.addf %add3A_76, %get3A_80 : vector<16xf32>
    %get3A_82 = arith.constant 12 : i32
    %get3A_83 = arith.index_cast %get3A_82 : i32 to index
    %get3A_84 = arith.constant 0 : index
    %get3A_85 = tpu.vector_load %arg7[%get3A_83, %get3A_84] {strides = array<i32>} : memref<16x640xf32, #tpu.memory_space<vmem>>, vector<16xf32>,
    %add3A_86 = arith.addf %add3A_81, %get3A_85 : vector<16xf32>
    %get3A_87 = arith.constant 13 : i32
    %get3A_88 = arith.index_cast %get3A_87 : i32 to index
    %get3A_89 = arith.constant 0 : index
    %get3A_90 = tpu.vector_load %arg7[%get3A_88, %get3A_89] {strides = array<i32>} : memref<16x640xf32, #tpu.memory_space<vmem>>, vector<16xf32>,
    %add3A_91 = arith.addf %add3A_86, %get3A_90 : vector<16xf32>
    %get3A_92 = arith.constant 14 : i32
    %get3A_93 = arith.index_cast %get3A_92 : i32 to index
    %get3A_94 = arith.constant 0 : index
    %get3A_95 = tpu.vector_load %arg7[%get3A_93, %get3A_94] {strides = array<i32>} : memref<16x640xf32, #tpu.memory_space<vmem>>, vector<16xf32>,
    %add3A_96 = arith.addf %add3A_91, %get3A_95 : vector<16xf32>
    %get3A_97 = arith.constant 15 : i32
    %get3A_98 = arith.index_cast %get3A_97 : i32 to index
    %get3A_99 = arith.constant 0 : index
    %get3A_100 = tpu.vector_load %arg7[%get3A_98, %get3A_99] {strides = array<i32>} : memref<16x640xf32, #tpu.memory_space<vmem>>, vector<16xf32>,
    %add3A_101 = arith.addf %add3A_96, %get3A_100 : vector<16xf32>
    %swap3A = arith.constant 0 : index
    %swap3A_102 = tpu.vector_load %arg8[%swap3A] {strides = array<i32>} : memref<640xf32, #tpu.memory_space<vmem>>, vector<16xf32>,
    tpu.vector_store %arg8[%swap3A], %add3A_101 {strides = array<i32>} : memref<640xf32, #tpu.memory_space<vmem>>, vector<16xf32>,
    %get3A_103 = arith.constant 0 : i32
    %get3A_104 = arith.index_cast %get3A_103 : i32 to index
    %get3A_105 = arith.constant 16 : index
    %get3A_106 = tpu.vector_load %arg7[%get3A_104, %get3A_105] {strides = array<i32>} : memref<16x640xf32, #tpu.memory_space<vmem>>, vector<16xf32>,
    %get3A_107 = arith.constant 1 : i32
    %get3A_108 = arith.index_cast %get3A_107 : i32 to index
    %get3A_109 = arith.constant 16 : index
    %get3A_110 = tpu.vector_load %arg7[%get3A_108, %get3A_109] {strides = array<i32>} : memref<16x640xf32, #tpu.memory_space<vmem>>, vector<16xf32>,
    %add3A_111 = arith.addf %get3A_106, %get3A_110 : vector<16xf32>
    %get3A_112 = arith.constant 2 : i32
    %get3A_113 = arith.index_cast %get3A_112 : i32 to index
    %get3A_114 = arith.constant 16 : index
    %get3A_115 = tpu.vector_load %arg7[%get3A_113, %get3A_114] {strides = array<i32>} : memref<16x640xf32, #tpu.memory_space<vmem>>, vector<16xf32>,
    %add3A_116 = arith.addf %add3A_111, %get3A_115 : vector<16xf32>
    %get3A_117 = arith.constant 3 : i32
    %get3A_118 = arith.index_cast %get3A_117 : i32 to index
    %get3A_119 = arith.constant 16 : index
    %get3A_120 = tpu.vector_load %arg7[%get3A_118, %get3A_119] {strides = array<i32>} : memref<16x640xf32, #tpu.memory_space<vmem>>, vector<16xf32>,
    %add3A_121 = arith.addf %add3A_116, %get3A_120 : vector<16xf32>
    %get3A_122 = arith.constant 4 : i32
    %get3A_123 = arith.index_cast %get3A_122 : i32 to index
    %get3A_124 = arith.constant 16 : index
    %get3A_125 = tpu.vector_load %arg7[%get3A_123, %get3A_124] {strides = array<i32>} : memref<16x640xf32, #tpu.memory_space<vmem>>, vector<16xf32>,
    %add3A_126 = arith.addf %add3A_121, %get3A_125 : vector<16xf32>
    %get3A_127 = arith.constant 5 : i32
    %get3A_128 = arith.index_cast %get3A_127 : i32 to index
    %get3A_129 = arith.constant 16 : index
    %get3A_130 = tpu.vector_load %arg7[%get3A_128, %get3A_129] {strides = array<i32>} : memref<16x640xf32, #tpu.memory_space<vmem>>, vector<16xf32>,
    %add3A_131 = arith.addf %add3A_126, %get3A_130 : vector<16xf32>
    %get3A_132 = arith.constant 6 : i32
    %get3A_133 = arith.index_cast %get3A_132 : i32 to index
    %get3A_134 = arith.constant 16 : index
    %get3A_135 = tpu.vector_load %arg7[%get3A_133, %get3A_134] {strides = array<i32>} : memref<16x640xf32, #tpu.memory_space<vmem>>, vector<16xf32>,
    %add3A_136 = arith.addf %add3A_131, %get3A_135 : vector<16xf32>
    %get3A_137 = arith.constant 7 : i32
    %get3A_138 = arith.index_cast %get3A_137 : i32 to index
    %get3A_139 = arith.constant 16 : index
    %get3A_140 = tpu.vector_load %arg7[%get3A_138, %get3A_139] {strides = array<i32>} : memref<16x640xf32, #tpu.memory_space<vmem>>, vector<16xf32>,
    %add3A_141 = arith.addf %add3A_136, %get3A_140 : vector<16xf32>
    %get3A_142 = arith.constant 8 : i32
    %get3A_143 = arith.index_cast %get3A_142 : i32 to index
    %get3A_144 = arith.constant 16 : index
    %get3A_145 = tpu.vector_load %arg7[%get3A_143, %get3A_144] {strides = array<i32>} : memref<16x640xf32, #tpu.memory_space<vmem>>, vector<16xf32>,
    %add3A_146 = arith.addf %add3A_141, %get3A_145 : vector<16xf32>
    %get3A_147 = arith.constant 9 : i32
    %get3A_148 = arith.index_cast %get3A_147 : i32 to index
    %get3A_149 = arith.constant 16 : index
    %get3A_150 = tpu.vector_load %arg7[%get3A_148, %get3A_149] {strides = array<i32>} : memref<16x640xf32, #tpu.memory_space<vmem>>, vector<16xf32>,
    %add3A_151 = arith.addf %add3A_146, %get3A_150 : vector<16xf32>
    %get3A_152 = arith.constant 10 : i32
    %get3A_153 = arith.index_cast %get3A_152 : i32 to index
    %get3A_154 = arith.constant 16 : index
    %get3A_155 = tpu.vector_load %arg7[%get3A_153, %get3A_154] {strides = array<i32>} : memref<16x640xf32, #tpu.memory_space<vmem>>, vector<16xf32>,
    %add3A_156 = arith.addf %add3A_151, %get3A_155 : vector<16xf32>
    %get3A_157 = arith.constant 11 : i32
    %get3A_158 = arith.index_cast %get3A_157 : i32 to index
    %get3A_159 = arith.constant 16 : index
    %get3A_160 = tpu.vector_load %arg7[%get3A_158, %get3A_159] {strides = array<i32>} : memref<16x640xf32, #tpu.memory_space<vmem>>, vector<16xf32>,
    %add3A_161 = arith.addf %add3A_156, %get3A_160 : vector<16xf32>
    %get3A_162 = arith.constant 12 : i32
    %get3A_163 = arith.index_cast %get3A_162 : i32 to index
    %get3A_164 = arith.constant 16 : index
    %get3A_165 = tpu.vector_load %arg7[%get3A_163, %get3A_164] {strides = array<i32>} : memref<16x640xf32, #tpu.memory_space<vmem>>, vector<16xf32>,
    %add3A_166 = arith.addf %add3A_161, %get3A_165 : vector<16xf32>
    %get3A_167 = arith.constant 13 : i32
    %get3A_168 = arith.index_cast %get3A_167 : i32 to index
    %get3A_169 = arith.constant 16 : index
    %get3A_170 = tpu.vector_load %arg7[%get3A_168, %get3A_169] {strides = array<i32>} : memref<16x640xf32, #tpu.memory_space<vmem>>, vector<16xf32>,
    %add3A_171 = arith.addf %add3A_166, %get3A_170 : vector<16xf32>
    %get3A_172 = arith.constant 14 : i32
    %get3A_173 = arith.index_cast %get3A_172 : i32 to index
    %get3A_174 = arith.constant 16 : index
    %get3A_175 = tpu.vector_load %arg7[%get3A_173, %get3A_174] {strides = array<i32>} : memref<16x640xf32, #tpu.memory_space<vmem>>, vector<16xf32>,
    %add3A_176 = arith.addf %add3A_171, %get3A_175 : vector<16xf32>
    %get3A_177 = arith.constant 15 : i32
    %get3A_178 = arith.index_cast %get3A_177 : i32 to index
    %get3A_179 = arith.constant 16 : index
    %get3A_180 = tpu.vector_load %arg7[%get3A_178, %get3A_179] {strides = array<i32>} : memref<16x640xf32, #tpu.memory_space<vmem>>, vector<16xf32>,
    %add3A_181 = arith.addf %add3A_176, %get3A_180 : vector<16xf32>
    %swap3A_182 = arith.constant 16 : index
    %swap3A_183 = tpu.vector_load %arg8[%swap3A_182] {strides = array<i32>} : memref<640xf32, #tpu.memory_space<vmem>>, vector<16xf32>,
    tpu.vector_store %arg8[%swap3A_182], %add3A_181 {strides = array<i32>} : memref<640xf32, #tpu.memory_space<vmem>>, vector<16xf32>,
    %get3A_184 = arith.constant 0 : i32
    %get3A_185 = arith.index_cast %get3A_184 : i32 to index
    %get3A_186 = arith.constant 32 : index
    %get3A_187 = tpu.vector_load %arg7[%get3A_185, %get3A_186] {strides = array<i32>} : memref<16x640xf32, #tpu.memory_space<vmem>>, vector<16xf32>,
    %get3A_188 = arith.constant 1 : i32
    %get3A_189 = arith.index_cast %get3A_188 : i32 to index
    %get3A_190 = arith.constant 32 : index
    %get3A_191 = tpu.vector_load %arg7[%get3A_189, %get3A_190] {strides = array<i32>} : memref<16x640xf32, #tpu.memory_space<vmem>>, vector<16xf32>,
    %add3A_192 = arith.addf %get3A_187, %get3A_191 : vector<16xf32>
    %get3A_193 = arith.constant 2 : i32
    %get3A_194 = arith.index_cast %get3A_193 : i32 to index
    %get3A_195 = arith.constant 32 : index
    %get3A_196 = tpu.vector_load %arg7[%get3A_194, %get3A_195] {strides = array<i32>} : memref<16x640xf32, #tpu.memory_space<vmem>>, vector<16xf32>,
    %add3A_197 = arith.addf %add3A_192, %get3A_196 : vector<16xf32>
    %get3A_198 = arith.constant 3 : i32
    %get3A_199 = arith.index_cast %get3A_198 : i32 to index
    %get3A_200 = arith.constant 32 : index
    %get3A_201 = tpu.vector_load %arg7[%get3A_199, %get3A_200] {strides = array<i32>} : memref<16x640xf32, #tpu.memory_space<vmem>>, vector<16xf32>,
    %add3A_202 = arith.addf %add3A_197, %get3A_201 : vector<16xf32>
    %get3A_203 = arith.constant 4 : i32
    %get3A_204 = arith.index_cast %get3A_203 : i32 to index
    %get3A_205 = arith.constant 32 : index
    %get3A_206 = tpu.vector_load %arg7[%get3A_204, %get3A_205] {strides = array<i32>} : memref<16x640xf32, #tpu.memory_space<vmem>>, vector<16xf32>,
    %add3A_207 = arith.addf %add3A_202, %get3A_206 : vector<16xf32>
    %get3A_208 = arith.constant 5 : i32
    %get3A_209 = arith.index_cast %get3A_208 : i32 to index
    %get3A_210 = arith.constant 32 : index
    %get3A_211 = tpu.vector_load %arg7[%get3A_209, %get3A_210] {strides = array<i32>} : memref<16x640xf32, #tpu.memory_space<vmem>>, vector<16xf32>,
    %add3A_212 = arith.addf %add3A_207, %get3A_211 : vector<16xf32>
    %get3A_213 = arith.constant 6 : i32
    %get3A_214 = arith.index_cast %get3A_213 : i32 to index
    %get3A_215 = arith.constant 32 : index
    %get3A_216 = tpu.vector_load %arg7[%get3A_214, %get3A_215] {strides = array<i32>} : memref<16x640xf32, #tpu.memory_space<vmem>>, vector<16xf32>,
    %add3A_217 = arith.addf %add3A_212, %get3A_216 : vector<16xf32>
    %get3A_218 = arith.constant 7 : i32
    %get3A_219 = arith.index_cast %get3A_218 : i32 to index
    %get3A_220 = arith.constant 32 : index
    %get3A_221 = tpu.vector_load %arg7[%get3A_219, %get3A_220] {strides = array<i32>} : memref<16x640xf32, #tpu.memory_space<vmem>>, vector<16xf32>,
    %add3A_222 = arith.addf %add3A_217, %get3A_221 : vector<16xf32>
    %get3A_223 = arith.constant 8 : i32
    %get3A_224 = arith.index_cast %get3A_223 : i32 to index
    %get3A_225 = arith.constant 32 : index
    %get3A_226 = tpu.vector_load %arg7[%get3A_224, %get3A_225] {strides = array<i32>} : memref<16x640xf32, #tpu.memory_space<vmem>>, vector<16xf32>,
    %add3A_227 = arith.addf %add3A_222, %get3A_226 : vector<16xf32>
    %get3A_228 = arith.constant 9 : i32
    %get3A_229 = arith.index_cast %get3A_228 : i32 to index
    %get3A_230 = arith.constant 32 : index
    %get3A_231 = tpu.vector_load %arg7[%get3A_229, %get3A_230] {strides = array<i32>} : memref<16x640xf32, #tpu.memory_space<vmem>>, vector<16xf32>,
    %add3A_232 = arith.addf %add3A_227, %get3A_231 : vector<16xf32>
    %get3A_233 = arith.constant 10 : i32
    %get3A_234 = arith.index_cast %get3A_233 : i32 to index
    %get3A_235 = arith.constant 32 : index
    %get3A_236 = tpu.vector_load %arg7[%get3A_234, %get3A_235] {strides = array<i32>} : memref<16x640xf32, #tpu.memory_space<vmem>>, vector<16xf32>,
    %add3A_237 = arith.addf %add3A_232, %get3A_236 : vector<16xf32>
    %get3A_238 = arith.constant 11 : i32
    %get3A_239 = arith.index_cast %get3A_238 : i32 to index
    %get3A_240 = arith.constant 32 : index
    %get3A_241 = tpu.vector_load %arg7[%get3A_239, %get3A_240] {strides = array<i32>} : memref<16x640xf32, #tpu.memory_space<vmem>>, vector<16xf32>,
    %add3A_242 = arith.addf %add3A_237, %get3A_241 : vector<16xf32>
    %get3A_243 = arith.constant 12 : i32
    %get3A_244 = arith.index_cast %get3A_243 : i32 to index
    %get3A_245 = arith.constant 32 : index
    %get3A_246 = tpu.vector_load %arg7[%get3A_244, %get3A_245] {strides = array<i32>} : memref<16x640xf32, #tpu.memory_space<vmem>>, vector<16xf32>,
    %add3A_247 = arith.addf %add3A_242, %get3A_246 : vector<16xf32>
    %get3A_248 = arith.constant 13 : i32
    %get3A_249 = arith.index_cast %get3A_248 : i32 to index
    %get3A_250 = arith.constant 32 : index
    %get3A_251 = tpu.vector_load %arg7[%get3A_249, %get3A_250] {strides = array<i32>} : memref<16x640xf32, #tpu.memory_space<vmem>>, vector<16xf32>,
    %add3A_252 = arith.addf %add3A_247, %get3A_251 : vector<16xf32>
    %get3A_253 = arith.constant 14 : i32
    %get3A_254 = arith.index_cast %get3A_253 : i32 to index
    %get3A_255 = arith.constant 32 : index
    %get3A_256 = tpu.vector_load %arg7[%get3A_254, %get3A_255] {strides = array<i32>} : memref<16x640xf32, #tpu.memory_space<vmem>>, vector<16xf32>,
    %add3A_257 = arith.addf %add3A_252, %get3A_256 : vector<16xf32>
    %get3A_258 = arith.constant 15 : i32
    %get3A_259 = arith.index_cast %get3A_258 : i32 to index
    %get3A_260 = arith.constant 32 : index
    %get3A_261 = tpu.vector_load %arg7[%get3A_259, %get3A_260] {strides = array<i32>} : memref<16x640xf32, #tpu.memory_space<vmem>>, vector<16xf32>,
    %add3A_262 = arith.addf %add3A_257, %get3A_261 : vector<16xf32>
    %swap3A_263 = arith.constant 32 : index
    %swap3A_264 = tpu.vector_load %arg8[%swap3A_263] {strides = array<i32>} : memref<640xf32, #tpu.memory_space<vmem>>, vector<16xf32>,
    tpu.vector_store %arg8[%swap3A_263], %add3A_262 {strides = array<i32>} : memref<640xf32, #tpu.memory_space<vmem>>, vector<16xf32>,
    %get3A_265 = arith.constant 0 : i32
    %get3A_266 = arith.index_cast %get3A_265 : i32 to index
    %get3A_267 = arith.constant 48 : index
    %get3A_268 = tpu.vector_load %arg7[%get3A_266, %get3A_267] {strides = array<i32>} : memref<16x640xf32, #tpu.memory_space<vmem>>, vector<16xf32>,
    %get3A_269 = arith.constant 1 : i32
    %get3A_270 = arith.index_cast %get3A_269 : i32 to index
    %get3A_271 = arith.constant 48 : index
    %get3A_272 = tpu.vector_load %arg7[%get3A_270, %get3A_271] {strides = array<i32>} : memref<16x640xf32, #tpu.memory_space<vmem>>, vector<16xf32>,
    %add3A_273 = arith.addf %get3A_268, %get3A_272 : vector<16xf32>
    %get3A_274 = arith.constant 2 : i32
    %get3A_275 = arith.index_cast %get3A_274 : i32 to index
    %get3A_276 = arith.constant 48 : index
    %get3A_277 = tpu.vector_load %arg7[%get3A_275, %get3A_276] {strides = array<i32>} : memref<16x640xf32, #tpu.memory_space<vmem>>, vector<16xf32>,
    %add3A_278 = arith.addf %add3A_273, %get3A_277 : vector<16xf32>
    %get3A_279 = arith.constant 3 : i32
    %get3A_280 = arith.index_cast %get3A_279 : i32 to index
    %get3A_281 = arith.constant 48 : index
    %get3A_282 = tpu.vector_load %arg7[%get3A_280, %get3A_281] {strides = array<i32>} : memref<16x640xf32, #tpu.memory_space<vmem>>, vector<16xf32>,
    %add3A_283 = arith.addf %add3A_278, %get3A_282 : vector<16xf32>
    %get3A_284 = arith.constant 4 : i32
    %get3A_285 = arith.index_cast %get3A_284 : i32 to index
    %get3A_286 = arith.constant 48 : index
    %get3A_287 = tpu.vector_load %arg7[%get3A_285, %get3A_286] {strides = array<i32>} : memref<16x640xf32, #tpu.memory_space<vmem>>, vector<16xf32>,
    %add3A_288 = arith.addf %add3A_283, %get3A_287 : vector<16xf32>
    %get3A_289 = arith.constant 5 : i32
    %get3A_290 = arith.index_cast %get3A_289 : i32 to index
    %get3A_291 = arith.constant 48 : index
    %get3A_292 = tpu.vector_load %arg7[%get3A_290, %get3A_291] {strides = array<i32>} : memref<16x640xf32, #tpu.memory_space<vmem>>, vector<16xf32>,
    %add3A_293 = arith.addf %add3A_288, %get3A_292 : vector<16xf32>
    %get3A_294 = arith.constant 6 : i32
    %get3A_295 = arith.index_cast %get3A_294 : i32 to index
    %get3A_296 = arith.constant 48 : index
    %get3A_297 = tpu.vector_load %arg7[%get3A_295, %get3A_296] {strides = array<i32>} : memref<16x640xf32, #tpu.memory_space<vmem>>, vector<16xf32>,
    %add3A_298 = arith.addf %add3A_293, %get3A_297 : vector<16xf32>
    %get3A_299 = arith.constant 7 : i32
    %get3A_300 = arith.index_cast %get3A_299 : i32 to index
    %get3A_301 = arith.constant 48 : index
    %get3A_302 = tpu.vector_load %arg7[%get3A_300, %get3A_301] {strides = array<i32>} : memref<16x640xf32, #tpu.memory_space<vmem>>, vector<16xf32>,
    %add3A_303 = arith.addf %add3A_298, %get3A_302 : vector<16xf32>
    %get3A_304 = arith.constant 8 : i32
    %get3A_305 = arith.index_cast %get3A_304 : i32 to index
    %get3A_306 = arith.constant 48 : index
    %get3A_307 = tpu.vector_load %arg7[%get3A_305, %get3A_306] {strides = array<i32>} : memref<16x640xf32, #tpu.memory_space<vmem>>, vector<16xf32>,
    %add3A_308 = arith.addf %add3A_303, %get3A_307 : vector<16xf32>
    %get3A_309 = arith.constant 9 : i32
    %get3A_310 = arith.index_cast %get3A_309 : i32 to index
    %get3A_311 = arith.constant 48 : index
    %get3A_312 = tpu.vector_load %arg7[%get3A_310, %get3A_311] {strides = array<i32>} : memref<16x640xf32, #tpu.memory_space<vmem>>, vector<16xf32>,
    %add3A_313 = arith.addf %add3A_308, %get3A_312 : vector<16xf32>
    %get3A_314 = arith.constant 10 : i32
    %get3A_315 = arith.index_cast %get3A_314 : i32 to index
    %get3A_316 = arith.constant 48 : index
    %get3A_317 = tpu.vector_load %arg7[%get3A_315, %get3A_316] {strides = array<i32>} : memref<16x640xf32, #tpu.memory_space<vmem>>, vector<16xf32>,
    %add3A_318 = arith.addf %add3A_313, %get3A_317 : vector<16xf32>
    %get3A_319 = arith.constant 11 : i32
    %get3A_320 = arith.index_cast %get3A_319 : i32 to index
    %get3A_321 = arith.constant 48 : index
    %get3A_322 = tpu.vector_load %arg7[%get3A_320, %get3A_321] {strides = array<i32>} : memref<16x640xf32, #tpu.memory_space<vmem>>, vector<16xf32>,
    %add3A_323 = arith.addf %add3A_318, %get3A_322 : vector<16xf32>
    %get3A_324 = arith.constant 12 : i32
    %get3A_325 = arith.index_cast %get3A_324 : i32 to index
    %get3A_326 = arith.constant 48 : index
    %get3A_327 = tpu.vector_load %arg7[%get3A_325, %get3A_326] {strides = array<i32>} : memref<16x640xf32, #tpu.memory_space<vmem>>, vector<16xf32>,
    %add3A_328 = arith.addf %add3A_323, %get3A_327 : vector<16xf32>
    %get3A_329 = arith.constant 13 : i32
    %get3A_330 = arith.index_cast %get3A_329 : i32 to index
    %get3A_331 = arith.constant 48 : index
    %get3A_332 = tpu.vector_load %arg7[%get3A_330, %get3A_331] {strides = array<i32>} : memref<16x640xf32, #tpu.memory_space<vmem>>, vector<16xf32>,
    %add3A_333 = arith.addf %add3A_328, %get3A_332 : vector<16xf32>
    %get3A_334 = arith.constant 14 : i32
    %get3A_335 = arith.index_cast %get3A_334 : i32 to index
    %get3A_336 = arith.constant 48 : index
    %get3A_337 = tpu.vector_load %arg7[%get3A_335, %get3A_336] {strides = array<i32>} : memref<16x640xf32, #tpu.memory_space<vmem>>, vector<16xf32>,
    %add3A_338 = arith.addf %add3A_333, %get3A_337 : vector<16xf32>
    %get3A_339 = arith.constant 15 : i32
    %get3A_340 = arith.index_cast %get3A_339 : i32 to index
    %get3A_341 = arith.constant 48 : index
    %get3A_342 = tpu.vector_load %arg7[%get3A_340, %get3A_341] {strides = array<i32>} : memref<16x640xf32, #tpu.memory_space<vmem>>, vector<16xf32>,
    %add3A_343 = arith.addf %add3A_338, %get3A_342 : vector<16xf32>
    %swap3A_344 = arith.constant 48 : index
    %swap3A_345 = tpu.vector_load %arg8[%swap3A_344] {strides = array<i32>} : memref<640xf32, #tpu.memory_space<vmem>>, vector<16xf32>,
    tpu.vector_store %arg8[%swap3A_344], %add3A_343 {strides = array<i32>} : memref<640xf32, #tpu.memory_space<vmem>>, vector<16xf32>,
    %get3A_346 = arith.constant 0 : i32
    %get3A_347 = arith.index_cast %get3A_346 : i32 to index
    %get3A_348 = arith.constant 64 : index
    %get3A_349 = tpu.vector_load %arg7[%get3A_347, %get3A_348] {strides = array<i32>} : memref<16x640xf32, #tpu.memory_space<vmem>>, vector<16xf32>,
    %get3A_350 = arith.constant 1 : i32
    %get3A_351 = arith.index_cast %get3A_350 : i32 to index
    %get3A_352 = arith.constant 64 : index
    %get3A_353 = tpu.vector_load %arg7[%get3A_351, %get3A_352] {strides = array<i32>} : memref<16x640xf32, #tpu.memory_space<vmem>>, vector<16xf32>,
    %add3A_354 = arith.addf %get3A_349, %get3A_353 : vector<16xf32>
    %get3A_355 = arith.constant 2 : i32
    %get3A_356 = arith.index_cast %get3A_355 : i32 to index
    %get3A_357 = arith.constant 64 : index
    %get3A_358 = tpu.vector_load %arg7[%get3A_356, %get3A_357] {strides = array<i32>} : memref<16x640xf32, #tpu.memory_space<vmem>>, vector<16xf32>,
    %add3A_359 = arith.addf %add3A_354, %get3A_358 : vector<16xf32>
    %get3A_360 = arith.constant 3 : i32
    %get3A_361 = arith.index_cast %get3A_360 : i32 to index
    %get3A_362 = arith.constant 64 : index
    %get3A_363 = tpu.vector_load %arg7[%get3A_361, %get3A_362] {strides = array<i32>} : memref<16x640xf32, #tpu.memory_space<vmem>>, vector<16xf32>,
    %add3A_364 = arith.addf %add3A_359, %get3A_363 : vector<16xf32>
    %get3A_365 = arith.constant 4 : i32
    %get3A_366 = arith.index_cast %get3A_365 : i32 to index
    %get3A_367 = arith.constant 64 : index
    %get3A_368 = tpu.vector_load %arg7[%get3A_366, %get3A_367] {strides = array<i32>} : memref<16x640xf32, #tpu.memory_space<vmem>>, vector<16xf32>,
    %add3A_369 = arith.addf %add3A_364, %get3A_368 : vector<16xf32>
    %get3A_370 = arith.constant 5 : i32
    %get3A_371 = arith.index_cast %get3A_370 : i32 to index
    %get3A_372 = arith.constant 64 : index
    %get3A_373 = tpu.vector_load %arg7[%get3A_371, %get3A_372] {strides = array<i32>} : memref<16x640xf32, #tpu.memory_space<vmem>>, vector<16xf32>,
    %add3A_374 = arith.addf %add3A_369, %get3A_373 : vector<16xf32>
    %get3A_375 = arith.constant 6 : i32
    %get3A_376 = arith.index_cast %get3A_375 : i32 to index
    %get3A_377 = arith.constant 64 : index
    %get3A_378 = tpu.vector_load %arg7[%get3A_376, %get3A_377] {strides = array<i32>} : memref<16x640xf32, #tpu.memory_space<vmem>>, vector<16xf32>,
    %add3A_379 = arith.addf %add3A_374, %get3A_378 : vector<16xf32>
    %get3A_380 = arith.constant 7 : i32
    %get3A_381 = arith.index_cast %get3A_380 : i32 to index
    %get3A_382 = arith.constant 64 : index
    %get3A_383 = tpu.vector_load %arg7[%get3A_381, %get3A_382] {strides = array<i32>} : memref<16x640xf32, #tpu.memory_space<vmem>>, vector<16xf32>,
    %add3A_384 = arith.addf %add3A_379, %get3A_383 : vector<16xf32>
    %get3A_385 = arith.constant 8 : i32
    %get3A_386 = arith.index_cast %get3A_385 : i32 to index
    %get3A_387 = arith.constant 64 : index
    %get3A_388 = tpu.vector_load %arg7[%get3A_386, %get3A_387] {strides = array<i32>} : memref<16x640xf32, #tpu.memory_space<vmem>>, vector<16xf32>,
    %add3A_389 = arith.addf %add3A_384, %get3A_388 : vector<16xf32>
    %get3A_390 = arith.constant 9 : i32
    %get3A_391 = arith.index_cast %get3A_390 : i32 to index
    %get3A_392 = arith.constant 64 : index
    %get3A_393 = tpu.vector_load %arg7[%get3A_391, %get3A_392] {strides = array<i32>} : memref<16x640xf32, #tpu.memory_space<vmem>>, vector<16xf32>,
    %add3A_394 = arith.addf %add3A_389, %get3A_393 : vector<16xf32>
    %get3A_395 = arith.constant 10 : i32
    %get3A_396 = arith.index_cast %get3A_395 : i32 to index
    %get3A_397 = arith.constant 64 : index
    %get3A_398 = tpu.vector_load %arg7[%get3A_396, %get3A_397] {strides = array<i32>} : memref<16x640xf32, #tpu.memory_space<vmem>>, vector<16xf32>,
    %add3A_399 = arith.addf %add3A_394, %get3A_398 : vector<16xf32>
    %get3A_400 = arith.constant 11 : i32
    %get3A_401 = arith.index_cast %get3A_400 : i32 to index
    %get3A_402 = arith.constant 64 : index
    %get3A_403 = tpu.vector_load %arg7[%get3A_401, %get3A_402] {strides = array<i32>} : memref<16x640xf32, #tpu.memory_space<vmem>>, vector<16xf32>,
    %add3A_404 = arith.addf %add3A_399, %get3A_403 : vector<16xf32>
    %get3A_405 = arith.constant 12 : i32
    %get3A_406 = arith.index_cast %get3A_405 : i32 to index
    %get3A_407 = arith.constant 64 : index
    %get3A_408 = tpu.vector_load %arg7[%get3A_406, %get3A_407] {strides = array<i32>} : memref<16x640xf32, #tpu.memory_space<vmem>>, vector<16xf32>,
    %add3A_409 = arith.addf %add3A_404, %get3A_408 : vector<16xf32>
    %get3A_410 = arith.constant 13 : i32
    %get3A_411 = arith.index_cast %get3A_410 : i32 to index
    %get3A_412 = arith.constant 64 : index
    %get3A_413 = tpu.vector_load %arg7[%get3A_411, %get3A_412] {strides = array<i32>} : memref<16x640xf32, #tpu.memory_space<vmem>>, vector<16xf32>,
    %add3A_414 = arith.addf %add3A_409, %get3A_413 : vector<16xf32>
    %get3A_415 = arith.constant 14 : i32
    %get3A_416 = arith.index_cast %get3A_415 : i32 to index
    %get3A_417 = arith.constant 64 : index
    %get3A_418 = tpu.vector_load %arg7[%get3A_416, %get3A_417] {strides = array<i32>} : memref<16x640xf32, #tpu.memory_space<vmem>>, vector<16xf32>,
    %add3A_419 = arith.addf %add3A_414, %get3A_418 : vector<16xf32>
    %get3A_420 = arith.constant 15 : i32
    %get3A_421 = arith.index_cast %get3A_420 : i32 to index
    %get3A_422 = arith.constant 64 : index
    %get3A_423 = tpu.vector_load %arg7[%get3A_421, %get3A_422] {strides = array<i32>} : memref<16x640xf32, #tpu.memory_space<vmem>>, vector<16xf32>,
    %add3A_424 = arith.addf %add3A_419, %get3A_423 : vector<16xf32>
    %swap3A_425 = arith.constant 64 : index
    %swap3A_426 = tpu.vector_load %arg8[%swap3A_425] {strides = array<i32>} : memref<640xf32, #tpu.memory_space<vmem>>, vector<16xf32>,
    tpu.vector_store %arg8[%swap3A_425], %add3A_424 {strides = array<i32>} : memref<640xf32, #tpu.memory_space<vmem>>, vector<16xf32>,
    %get3A_427 = arith.constant 0 : i32
    %get3A_428 = arith.index_cast %get3A_427 : i32 to index
    %get3A_429 = arith.constant 80 : index
    %get3A_430 = tpu.vector_load %arg7[%get3A_428, %get3A_429] {strides = array<i32>} : memref<16x640xf32, #tpu.memory_space<vmem>>, vector<16xf32>,
    %get3A_431 = arith.constant 1 : i32
    %get3A_432 = arith.index_cast %get3A_431 : i32 to index
    %get3A_433 = arith.constant 80 : index
    %get3A_434 = tpu.vector_load %arg7[%get3A_432, %get3A_433] {strides = array<i32>} : memref<16x640xf32, #tpu.memory_space<vmem>>, vector<16xf32>,
    %add3A_435 = arith.addf %get3A_430, %get3A_434 : vector<16xf32>
    %get3A_436 = arith.constant 2 : i32
    %get3A_437 = arith.index_cast %get3A_436 : i32 to index
    %get3A_438 = arith.constant 80 : index
    %get3A_439 = tpu.vector_load %arg7[%get3A_437, %get3A_438] {strides = array<i32>} : memref<16x640xf32, #tpu.memory_space<vmem>>, vector<16xf32>,
    %add3A_440 = arith.addf %add3A_435, %get3A_439 : vector<16xf32>
    %get3A_441 = arith.constant 3 : i32
    %get3A_442 = arith.index_cast %get3A_441 : i32 to index
    %get3A_443 = arith.constant 80 : index
    %get3A_444 = tpu.vector_load %arg7[%get3A_442, %get3A_443] {strides = array<i32>} : memref<16x640xf32, #tpu.memory_space<vmem>>, vector<16xf32>,
    %add3A_445 = arith.addf %add3A_440, %get3A_444 : vector<16xf32>
    %get3A_446 = arith.constant 4 : i32
    %get3A_447 = arith.index_cast %get3A_446 : i32 to index
    %get3A_448 = arith.constant 80 : index
    %get3A_449 = tpu.vector_load %arg7[%get3A_447, %get3A_448] {strides = array<i32>} : memref<16x640xf32, #tpu.memory_space<vmem>>, vector<16xf32>,
    %add3A_450 = arith.addf %add3A_445, %get3A_449 : vector<16xf32>
    %get3A_451 = arith.constant 5 : i32
    %get3A_452 = arith.index_cast %get3A_451 : i32 to index
    %get3A_453 = arith.constant 80 : index
    %get3A_454 = tpu.vector_load %arg7[%get3A_452, %get3A_453] {strides = array<i32>} : memref<16x640xf32, #tpu.memory_space<vmem>>, vector<16xf32>,
    %add3A_455 = arith.addf %add3A_450, %get3A_454 : vector<16xf32>
    %get3A_456 = arith.constant 6 : i32
    %get3A_457 = arith.index_cast %get3A_456 : i32 to index
    %get3A_458 = arith.constant 80 : index
    %get3A_459 = tpu.vector_load %arg7[%get3A_457, %get3A_458] {strides = array<i32>} : memref<16x640xf32, #tpu.memory_space<vmem>>, vector<16xf32>,
    %add3A_460 = arith.addf %add3A_455, %get3A_459 : vector<16xf32>
    %get3A_461 = arith.constant 7 : i32
    %get3A_462 = arith.index_cast %get3A_461 : i32 to index
    %get3A_463 = arith.constant 80 : index
    %get3A_464 = tpu.vector_load %arg7[%get3A_462, %get3A_463] {strides = array<i32>} : memref<16x640xf32, #tpu.memory_space<vmem>>, vector<16xf32>,
    %add3A_465 = arith.addf %add3A_460, %get3A_464 : vector<16xf32>
    %get3A_466 = arith.constant 8 : i32
    %get3A_467 = arith.index_cast %get3A_466 : i32 to index
    %get3A_468 = arith.constant 80 : index
    %get3A_469 = tpu.vector_load %arg7[%get3A_467, %get3A_468] {strides = array<i32>} : memref<16x640xf32, #tpu.memory_space<vmem>>, vector<16xf32>,
    %add3A_470 = arith.addf %add3A_465, %get3A_469 : vector<16xf32>
    %get3A_471 = arith.constant 9 : i32
    %get3A_472 = arith.index_cast %get3A_471 : i32 to index
    %get3A_473 = arith.constant 80 : index
    %get3A_474 = tpu.vector_load %arg7[%get3A_472, %get3A_473] {strides = array<i32>} : memref<16x640xf32, #tpu.memory_space<vmem>>, vector<16xf32>,
    %add3A_475 = arith.addf %add3A_470, %get3A_474 : vector<16xf32>
    %get3A_476 = arith.constant 10 : i32
    %get3A_477 = arith.index_cast %get3A_476 : i32 to index
    %get3A_478 = arith.constant 80 : index
    %get3A_479 = tpu.vector_load %arg7[%get3A_477, %get3A_478] {strides = array<i32>} : memref<16x640xf32, #tpu.memory_space<vmem>>, vector<16xf32>,
    %add3A_480 = arith.addf %add3A_475, %get3A_479 : vector<16xf32>
    %get3A_481 = arith.constant 11 : i32
    %get3A_482 = arith.index_cast %get3A_481 : i32 to index
    %get3A_483 = arith.constant 80 : index
    %get3A_484 = tpu.vector_load %arg7[%get3A_482, %get3A_483] {strides = array<i32>} : memref<16x640xf32, #tpu.memory_space<vmem>>, vector<16xf32>,
    %add3A_485 = arith.addf %add3A_480, %get3A_484 : vector<16xf32>
    %get3A_486 = arith.constant 12 : i32
    %get3A_487 = arith.index_cast %get3A_486 : i32 to index
    %get3A_488 = arith.constant 80 : index
    %get3A_489 = tpu.vector_load %arg7[%get3A_487, %get3A_488] {strides = array<i32>} : memref<16x640xf32, #tpu.memory_space<vmem>>, vector<16xf32>,
    %add3A_490 = arith.addf %add3A_485, %get3A_489 : vector<16xf32>
    %get3A_491 = arith.constant 13 : i32
    %get3A_492 = arith.index_cast %get3A_491 : i32 to index
    %get3A_493 = arith.constant 80 : index
    %get3A_494 = tpu.vector_load %arg7[%get3A_492, %get3A_493] {strides = array<i32>} : memref<16x640xf32, #tpu.memory_space<vmem>>, vector<16xf32>,
    %add3A_495 = arith.addf %add3A_490, %get3A_494 : vector<16xf32>
    %get3A_496 = arith.constant 14 : i32
    %get3A_497 = arith.index_cast %get3A_496 : i32 to index
    %get3A_498 = arith.constant 80 : index
    %get3A_499 = tpu.vector_load %arg7[%get3A_497, %get3A_498] {strides = array<i32>} : memref<16x640xf32, #tpu.memory_space<vmem>>, vector<16xf32>,
    %add3A_500 = arith.addf %add3A_495, %get3A_499 : vector<16xf32>
    %get3A_501 = arith.constant 15 : i32
    %get3A_502 = arith.index_cast %get3A_501 : i32 to index
    %get3A_503 = arith.constant 80 : index
    %get3A_504 = tpu.vector_load %arg7[%get3A_502, %get3A_503] {strides = array<i32>} : memref<16x640xf32, #tpu.memory_space<vmem>>, vector<16xf32>,
    %add3A_505 = arith.addf %add3A_500, %get3A_504 : vector<16xf32>
    %swap3A_506 = arith.constant 80 : index
    %swap3A_507 = tpu.vector_load %arg8[%swap3A_506] {strides = array<i32>} : memref<640xf32, #tpu.memory_space<vmem>>, vector<16xf32>,
    tpu.vector_store %arg8[%swap3A_506], %add3A_505 {strides = array<i32>} : memref<640xf32, #tpu.memory_space<vmem>>, vector<16xf32>,
    %get3A_508 = arith.constant 0 : i32
    %get3A_509 = arith.index_cast %get3A_508 : i32 to index
    %get3A_510 = arith.constant 96 : index
    %get3A_511 = tpu.vector_load %arg7[%get3A_509, %get3A_510] {strides = array<i32>} : memref<16x640xf32, #tpu.memory_space<vmem>>, vector<16xf32>,
    %get3A_512 = arith.constant 1 : i32
    %get3A_513 = arith.index_cast %get3A_512 : i32 to index
    %get3A_514 = arith.constant 96 : index
    %get3A_515 = tpu.vector_load %arg7[%get3A_513, %get3A_514] {strides = array<i32>} : memref<16x640xf32, #tpu.memory_space<vmem>>, vector<16xf32>,
    %add3A_516 = arith.addf %get3A_511, %get3A_515 : vector<16xf32>
    %get3A_517 = arith.constant 2 : i32
    %get3A_518 = arith.index_cast %get3A_517 : i32 to index
    %get3A_519 = arith.constant 96 : index
    %get3A_520 = tpu.vector_load %arg7[%get3A_518, %get3A_519] {strides = array<i32>} : memref<16x640xf32, #tpu.memory_space<vmem>>, vector<16xf32>,
    %add3A_521 = arith.addf %add3A_516, %get3A_520 : vector<16xf32>
    %get3A_522 = arith.constant 3 : i32
    %get3A_523 = arith.index_cast %get3A_522 : i32 to index
    %get3A_524 = arith.constant 96 : index
    %get3A_525 = tpu.vector_load %arg7[%get3A_523, %get3A_524] {strides = array<i32>} : memref<16x640xf32, #tpu.memory_space<vmem>>, vector<16xf32>,
    %add3A_526 = arith.addf %add3A_521, %get3A_525 : vector<16xf32>
    %get3A_527 = arith.constant 4 : i32
    %get3A_528 = arith.index_cast %get3A_527 : i32 to index
    %get3A_529 = arith.constant 96 : index
    %get3A_530 = tpu.vector_load %arg7[%get3A_528, %get3A_529] {strides = array<i32>} : memref<16x640xf32, #tpu.memory_space<vmem>>, vector<16xf32>,
    %add3A_531 = arith.addf %add3A_526, %get3A_530 : vector<16xf32>
    %get3A_532 = arith.constant 5 : i32
    %get3A_533 = arith.index_cast %get3A_532 : i32 to index
    %get3A_534 = arith.constant 96 : index
    %get3A_535 = tpu.vector_load %arg7[%get3A_533, %get3A_534] {strides = array<i32>} : memref<16x640xf32, #tpu.memory_space<vmem>>, vector<16xf32>,
    %add3A_536 = arith.addf %add3A_531, %get3A_535 : vector<16xf32>
    %get3A_537 = arith.constant 6 : i32
    %get3A_538 = arith.index_cast %get3A_537 : i32 to index
    %get3A_539 = arith.constant 96 : index
    %get3A_540 = tpu.vector_load %arg7[%get3A_538, %get3A_539] {strides = array<i32>} : memref<16x640xf32, #tpu.memory_space<vmem>>, vector<16xf32>,
    %add3A_541 = arith.addf %add3A_536, %get3A_540 : vector<16xf32>
    %get3A_542 = arith.constant 7 : i32
    %get3A_543 = arith.index_cast %get3A_542 : i32 to index
    %get3A_544 = arith.constant 96 : index
    %get3A_545 = tpu.vector_load %arg7[%get3A_543, %get3A_544] {strides = array<i32>} : memref<16x640xf32, #tpu.memory_space<vmem>>, vector<16xf32>,
    %add3A_546 = arith.addf %add3A_541, %get3A_545 : vector<16xf32>
    %get3A_547 = arith.constant 8 : i32
    %get3A_548 = arith.index_cast %get3A_547 : i32 to index
    %get3A_549 = arith.constant 96 : index
    %get3A_550 = tpu.vector_load %arg7[%get3A_548, %get3A_549] {strides = array<i32>} : memref<16x640xf32, #tpu.memory_space<vmem>>, vector<16xf32>,
    %add3A_551 = arith.addf %add3A_546, %get3A_550 : vector<16xf32>
    %get3A_552 = arith.constant 9 : i32
    %get3A_553 = arith.index_cast %get3A_552 : i32 to index
    %get3A_554 = arith.constant 96 : index
    %get3A_555 = tpu.vector_load %arg7[%get3A_553, %get3A_554] {strides = array<i32>} : memref<16x640xf32, #tpu.memory_space<vmem>>, vector<16xf32>,
    %add3A_556 = arith.addf %add3A_551, %get3A_555 : vector<16xf32>
    %get3A_557 = arith.constant 10 : i32
    %get3A_558 = arith.index_cast %get3A_557 : i32 to index
    %get3A_559 = arith.constant 96 : index
    %get3A_560 = tpu.vector_load %arg7[%get3A_558, %get3A_559] {strides = array<i32>} : memref<16x640xf32, #tpu.memory_space<vmem>>, vector<16xf32>,
    %add3A_561 = arith.addf %add3A_556, %get3A_560 : vector<16xf32>
    %get3A_562 = arith.constant 11 : i32
    %get3A_563 = arith.index_cast %get3A_562 : i32 to index
    %get3A_564 = arith.constant 96 : index
    %get3A_565 = tpu.vector_load %arg7[%get3A_563, %get3A_564] {strides = array<i32>} : memref<16x640xf32, #tpu.memory_space<vmem>>, vector<16xf32>,
    %add3A_566 = arith.addf %add3A_561, %get3A_565 : vector<16xf32>
    %get3A_567 = arith.constant 12 : i32
    %get3A_568 = arith.index_cast %get3A_567 : i32 to index
    %get3A_569 = arith.constant 96 : index
    %get3A_570 = tpu.vector_load %arg7[%get3A_568, %get3A_569] {strides = array<i32>} : memref<16x640xf32, #tpu.memory_space<vmem>>, vector<16xf32>,
    %add3A_571 = arith.addf %add3A_566, %get3A_570 : vector<16xf32>
    %get3A_572 = arith.constant 13 : i32
    %get3A_573 = arith.index_cast %get3A_572 : i32 to index
    %get3A_574 = arith.constant 96 : index
    %get3A_575 = tpu.vector_load %arg7[%get3A_573, %get3A_574] {strides = array<i32>} : memref<16x640xf32, #tpu.memory_space<vmem>>, vector<16xf32>,
    %add3A_576 = arith.addf %add3A_571, %get3A_575 : vector<16xf32>
    %get3A_577 = arith.constant 14 : i32
    %get3A_578 = arith.index_cast %get3A_577 : i32 to index
    %get3A_579 = arith.constant 96 : index
    %get3A_580 = tpu.vector_load %arg7[%get3A_578, %get3A_579] {strides = array<i32>} : memref<16x640xf32, #tpu.memory_space<vmem>>, vector<16xf32>,
    %add3A_581 = arith.addf %add3A_576, %get3A_580 : vector<16xf32>
    %get3A_582 = arith.constant 15 : i32
    %get3A_583 = arith.index_cast %get3A_582 : i32 to index
    %get3A_584 = arith.constant 96 : index
    %get3A_585 = tpu.vector_load %arg7[%get3A_583, %get3A_584] {strides = array<i32>} : memref<16x640xf32, #tpu.memory_space<vmem>>, vector<16xf32>,
    %add3A_586 = arith.addf %add3A_581, %get3A_585 : vector<16xf32>
    %swap3A_587 = arith.constant 96 : index
    %swap3A_588 = tpu.vector_load %arg8[%swap3A_587] {strides = array<i32>} : memref<640xf32, #tpu.memory_space<vmem>>, vector<16xf32>,
    tpu.vector_store %arg8[%swap3A_587], %add3A_586 {strides = array<i32>} : memref<640xf32, #tpu.memory_space<vmem>>, vector<16xf32>,
    %get3A_589 = arith.constant 0 : i32
    %get3A_590 = arith.index_cast %get3A_589 : i32 to index
    %get3A_591 = arith.constant 112 : index
    %get3A_592 = tpu.vector_load %arg7[%get3A_590, %get3A_591] {strides = array<i32>} : memref<16x640xf32, #tpu.memory_space<vmem>>, vector<16xf32>,
    %get3A_593 = arith.constant 1 : i32
    %get3A_594 = arith.index_cast %get3A_593 : i32 to index
    %get3A_595 = arith.constant 112 : index
    %get3A_596 = tpu.vector_load %arg7[%get3A_594, %get3A_595] {strides = array<i32>} : memref<16x640xf32, #tpu.memory_space<vmem>>, vector<16xf32>,
    %add3A_597 = arith.addf %get3A_592, %get3A_596 : vector<16xf32>
    %get3A_598 = arith.constant 2 : i32
    %get3A_599 = arith.index_cast %get3A_598 : i32 to index
    %get3A_600 = arith.constant 112 : index
    %get3A_601 = tpu.vector_load %arg7[%get3A_599, %get3A_600] {strides = array<i32>} : memref<16x640xf32, #tpu.memory_space<vmem>>, vector<16xf32>,
    %add3A_602 = arith.addf %add3A_597, %get3A_601 : vector<16xf32>
    %get3A_603 = arith.constant 3 : i32
    %get3A_604 = arith.index_cast %get3A_603 : i32 to index
    %get3A_605 = arith.constant 112 : index
    %get3A_606 = tpu.vector_load %arg7[%get3A_604, %get3A_605] {strides = array<i32>} : memref<16x640xf32, #tpu.memory_space<vmem>>, vector<16xf32>,
    %add3A_607 = arith.addf %add3A_602, %get3A_606 : vector<16xf32>
    %get3A_608 = arith.constant 4 : i32
    %get3A_609 = arith.index_cast %get3A_608 : i32 to index
    %get3A_610 = arith.constant 112 : index
    %get3A_611 = tpu.vector_load %arg7[%get3A_609, %get3A_610] {strides = array<i32>} : memref<16x640xf32, #tpu.memory_space<vmem>>, vector<16xf32>,
    %add3A_612 = arith.addf %add3A_607, %get3A_611 : vector<16xf32>
    %get3A_613 = arith.constant 5 : i32
    %get3A_614 = arith.index_cast %get3A_613 : i32 to index
    %get3A_615 = arith.constant 112 : index
    %get3A_616 = tpu.vector_load %arg7[%get3A_614, %get3A_615] {strides = array<i32>} : memref<16x640xf32, #tpu.memory_space<vmem>>, vector<16xf32>,
    %add3A_617 = arith.addf %add3A_612, %get3A_616 : vector<16xf32>
    %get3A_618 = arith.constant 6 : i32
    %get3A_619 = arith.index_cast %get3A_618 : i32 to index
    %get3A_620 = arith.constant 112 : index
    %get3A_621 = tpu.vector_load %arg7[%get3A_619, %get3A_620] {strides = array<i32>} : memref<16x640xf32, #tpu.memory_space<vmem>>, vector<16xf32>,
    %add3A_622 = arith.addf %add3A_617, %get3A_621 : vector<16xf32>
    %get3A_623 = arith.constant 7 : i32
    %get3A_624 = arith.index_cast %get3A_623 : i32 to index
    %get3A_625 = arith.constant 112 : index
    %get3A_626 = tpu.vector_load %arg7[%get3A_624, %get3A_625] {strides = array<i32>} : memref<16x640xf32, #tpu.memory_space<vmem>>, vector<16xf32>,
    %add3A_627 = arith.addf %add3A_622, %get3A_626 : vector<16xf32>
    %get3A_628 = arith.constant 8 : i32
    %get3A_629 = arith.index_cast %get3A_628 : i32 to index
    %get3A_630 = arith.constant 112 : index
    %get3A_631 = tpu.vector_load %arg7[%get3A_629, %get3A_630] {strides = array<i32>} : memref<16x640xf32, #tpu.memory_space<vmem>>, vector<16xf32>,
    %add3A_632 = arith.addf %add3A_627, %get3A_631 : vector<16xf32>
    %get3A_633 = arith.constant 9 : i32
    %get3A_634 = arith.index_cast %get3A_633 : i32 to index
    %get3A_635 = arith.constant 112 : index
    %get3A_636 = tpu.vector_load %arg7[%get3A_634, %get3A_635] {strides = array<i32>} : memref<16x640xf32, #tpu.memory_space<vmem>>, vector<16xf32>,
    %add3A_637 = arith.addf %add3A_632, %get3A_636 : vector<16xf32>
    %get3A_638 = arith.constant 10 : i32
    %get3A_639 = arith.index_cast %get3A_638 : i32 to index
    %get3A_640 = arith.constant 112 : index
    %get3A_641 = tpu.vector_load %arg7[%get3A_639, %get3A_640] {strides = array<i32>} : memref<16x640xf32, #tpu.memory_space<vmem>>, vector<16xf32>,
    %add3A_642 = arith.addf %add3A_637, %get3A_641 : vector<16xf32>
    %get3A_643 = arith.constant 11 : i32
    %get3A_644 = arith.index_cast %get3A_643 : i32 to index
    %get3A_645 = arith.constant 112 : index
    %get3A_646 = tpu.vector_load %arg7[%get3A_644, %get3A_645] {strides = array<i32>} : memref<16x640xf32, #tpu.memory_space<vmem>>, vector<16xf32>,
    %add3A_647 = arith.addf %add3A_642, %get3A_646 : vector<16xf32>
    %get3A_648 = arith.constant 12 : i32
    %get3A_649 = arith.index_cast %get3A_648 : i32 to index
    %get3A_650 = arith.constant 112 : index
    %get3A_651 = tpu.vector_load %arg7[%get3A_649, %get3A_650] {strides = array<i32>} : memref<16x640xf32, #tpu.memory_space<vmem>>, vector<16xf32>,
    %add3A_652 = arith.addf %add3A_647, %get3A_651 : vector<16xf32>
    %get3A_653 = arith.constant 13 : i32
    %get3A_654 = arith.index_cast %get3A_653 : i32 to index
    %get3A_655 = arith.constant 112 : index
    %get3A_656 = tpu.vector_load %arg7[%get3A_654, %get3A_655] {strides = array<i32>} : memref<16x640xf32, #tpu.memory_space<vmem>>, vector<16xf32>,
    %add3A_657 = arith.addf %add3A_652, %get3A_656 : vector<16xf32>
    %get3A_658 = arith.constant 14 : i32
    %get3A_659 = arith.index_cast %get3A_658 : i32 to index
    %get3A_660 = arith.constant 112 : index
    %get3A_661 = tpu.vector_load %arg7[%get3A_659, %get3A_660] {strides = array<i32>} : memref<16x640xf32, #tpu.memory_space<vmem>>, vector<16xf32>,
    %add3A_662 = arith.addf %add3A_657, %get3A_661 : vector<16xf32>
    %get3A_663 = arith.constant 15 : i32
    %get3A_664 = arith.index_cast %get3A_663 : i32 to index
    %get3A_665 = arith.constant 112 : index
    %get3A_666 = tpu.vector_load %arg7[%get3A_664, %get3A_665] {strides = array<i32>} : memref<16x640xf32, #tpu.memory_space<vmem>>, vector<16xf32>,
    %add3A_667 = arith.addf %add3A_662, %get3A_666 : vector<16xf32>
    %swap3A_668 = arith.constant 112 : index
    %swap3A_669 = tpu.vector_load %arg8[%swap3A_668] {strides = array<i32>} : memref<640xf32, #tpu.memory_space<vmem>>, vector<16xf32>,
    tpu.vector_store %arg8[%swap3A_668], %add3A_667 {strides = array<i32>} : memref<640xf32, #tpu.memory_space<vmem>>, vector<16xf32>,
    %get3A_670 = arith.constant 0 : i32
    %get3A_671 = arith.index_cast %get3A_670 : i32 to index
    %get3A_672 = arith.constant 128 : index
    %get3A_673 = tpu.vector_load %arg7[%get3A_671, %get3A_672] {strides = array<i32>} : memref<16x640xf32, #tpu.memory_space<vmem>>, vector<16xf32>,
    %get3A_674 = arith.constant 1 : i32
    %get3A_675 = arith.index_cast %get3A_674 : i32 to index
    %get3A_676 = arith.constant 128 : index
    %get3A_677 = tpu.vector_load %arg7[%get3A_675, %get3A_676] {strides = array<i32>} : memref<16x640xf32, #tpu.memory_space<vmem>>, vector<16xf32>,
    %add3A_678 = arith.addf %get3A_673, %get3A_677 : vector<16xf32>
    %get3A_679 = arith.constant 2 : i32
    %get3A_680 = arith.index_cast %get3A_679 : i32 to index
    %get3A_681 = arith.constant 128 : index
    %get3A_682 = tpu.vector_load %arg7[%get3A_680, %get3A_681] {strides = array<i32>} : memref<16x640xf32, #tpu.memory_space<vmem>>, vector<16xf32>,
    %add3A_683 = arith.addf %add3A_678, %get3A_682 : vector<16xf32>
    %get3A_684 = arith.constant 3 : i32
    %get3A_685 = arith.index_cast %get3A_684 : i32 to index
    %get3A_686 = arith.constant 128 : index
    %get3A_687 = tpu.vector_load %arg7[%get3A_685, %get3A_686] {strides = array<i32>} : memref<16x640xf32, #tpu.memory_space<vmem>>, vector<16xf32>,
    %add3A_688 = arith.addf %add3A_683, %get3A_687 : vector<16xf32>
    %get3A_689 = arith.constant 4 : i32
    %get3A_690 = arith.index_cast %get3A_689 : i32 to index
    %get3A_691 = arith.constant 128 : index
    %get3A_692 = tpu.vector_load %arg7[%get3A_690, %get3A_691] {strides = array<i32>} : memref<16x640xf32, #tpu.memory_space<vmem>>, vector<16xf32>,
    %add3A_693 = arith.addf %add3A_688, %get3A_692 : vector<16xf32>
    %get3A_694 = arith.constant 5 : i32
    %get3A_695 = arith.index_cast %get3A_694 : i32 to index
    %get3A_696 = arith.constant 128 : index
    %get3A_697 = tpu.vector_load %arg7[%get3A_695, %get3A_696] {strides = array<i32>} : memref<16x640xf32, #tpu.memory_space<vmem>>, vector<16xf32>,
    %add3A_698 = arith.addf %add3A_693, %get3A_697 : vector<16xf32>
    %get3A_699 = arith.constant 6 : i32
    %get3A_700 = arith.index_cast %get3A_699 : i32 to index
    %get3A_701 = arith.constant 128 : index
    %get3A_702 = tpu.vector_load %arg7[%get3A_700, %get3A_701] {strides = array<i32>} : memref<16x640xf32, #tpu.memory_space<vmem>>, vector<16xf32>,
    %add3A_703 = arith.addf %add3A_698, %get3A_702 : vector<16xf32>
    %get3A_704 = arith.constant 7 : i32
    %get3A_705 = arith.index_cast %get3A_704 : i32 to index
    %get3A_706 = arith.constant 128 : index
    %get3A_707 = tpu.vector_load %arg7[%get3A_705, %get3A_706] {strides = array<i32>} : memref<16x640xf32, #tpu.memory_space<vmem>>, vector<16xf32>,
    %add3A_708 = arith.addf %add3A_703, %get3A_707 : vector<16xf32>
    %get3A_709 = arith.constant 8 : i32
    %get3A_710 = arith.index_cast %get3A_709 : i32 to index
    %get3A_711 = arith.constant 128 : index
    %get3A_712 = tpu.vector_load %arg7[%get3A_710, %get3A_711] {strides = array<i32>} : memref<16x640xf32, #tpu.memory_space<vmem>>, vector<16xf32>,
    %add3A_713 = arith.addf %add3A_708, %get3A_712 : vector<16xf32>
    %get3A_714 = arith.constant 9 : i32
    %get3A_715 = arith.index_cast %get3A_714 : i32 to index
    %get3A_716 = arith.constant 128 : index
    %get3A_717 = tpu.vector_load %arg7[%get3A_715, %get3A_716] {strides = array<i32>} : memref<16x640xf32, #tpu.memory_space<vmem>>, vector<16xf32>,
    %add3A_718 = arith.addf %add3A_713, %get3A_717 : vector<16xf32>
    %get3A_719 = arith.constant 10 : i32
    %get3A_720 = arith.index_cast %get3A_719 : i32 to index
    %get3A_721 = arith.constant 128 : index
    %get3A_722 = tpu.vector_load %arg7[%get3A_720, %get3A_721] {strides = array<i32>} : memref<16x640xf32, #tpu.memory_space<vmem>>, vector<16xf32>,
    %add3A_723 = arith.addf %add3A_718, %get3A_722 : vector<16xf32>
    %get3A_724 = arith.constant 11 : i32
    %get3A_725 = arith.index_cast %get3A_724 : i32 to index
    %get3A_726 = arith.constant 128 : index
    %get3A_727 = tpu.vector_load %arg7[%get3A_725, %get3A_726] {strides = array<i32>} : memref<16x640xf32, #tpu.memory_space<vmem>>, vector<16xf32>,
    %add3A_728 = arith.addf %add3A_723, %get3A_727 : vector<16xf32>
    %get3A_729 = arith.constant 12 : i32
    %get3A_730 = arith.index_cast %get3A_729 : i32 to index
    %get3A_731 = arith.constant 128 : index
    %get3A_732 = tpu.vector_load %arg7[%get3A_730, %get3A_731] {strides = array<i32>} : memref<16x640xf32, #tpu.memory_space<vmem>>, vector<16xf32>,
    %add3A_733 = arith.addf %add3A_728, %get3A_732 : vector<16xf32>
    %get3A_734 = arith.constant 13 : i32
    %get3A_735 = arith.index_cast %get3A_734 : i32 to index
    %get3A_736 = arith.constant 128 : index
    %get3A_737 = tpu.vector_load %arg7[%get3A_735, %get3A_736] {strides = array<i32>} : memref<16x640xf32, #tpu.memory_space<vmem>>, vector<16xf32>,
    %add3A_738 = arith.addf %add3A_733, %get3A_737 : vector<16xf32>
    %get3A_739 = arith.constant 14 : i32
    %get3A_740 = arith.index_cast %get3A_739 : i32 to index
    %get3A_741 = arith.constant 128 : index
    %get3A_742 = tpu.vector_load %arg7[%get3A_740, %get3A_741] {strides = array<i32>} : memref<16x640xf32, #tpu.memory_space<vmem>>, vector<16xf32>,
    %add3A_743 = arith.addf %add3A_738, %get3A_742 : vector<16xf32>
    %get3A_744 = arith.constant 15 : i32
    %get3A_745 = arith.index_cast %get3A_744 : i32 to index
    %get3A_746 = arith.constant 128 : index
    %get3A_747 = tpu.vector_load %arg7[%get3A_745, %get3A_746] {strides = array<i32>} : memref<16x640xf32, #tpu.memory_space<vmem>>, vector<16xf32>,
    %add3A_748 = arith.addf %add3A_743, %get3A_747 : vector<16xf32>
    %swap3A_749 = arith.constant 128 : index
    %swap3A_750 = tpu.vector_load %arg8[%swap3A_749] {strides = array<i32>} : memref<640xf32, #tpu.memory_space<vmem>>, vector<16xf32>,
    tpu.vector_store %arg8[%swap3A_749], %add3A_748 {strides = array<i32>} : memref<640xf32, #tpu.memory_space<vmem>>, vector<16xf32>,
    %get3A_751 = arith.constant 0 : i32
    %get3A_752 = arith.index_cast %get3A_751 : i32 to index
    %get3A_753 = arith.constant 144 : index
    %get3A_754 = tpu.vector_load %arg7[%get3A_752, %get3A_753] {strides = array<i32>} : memref<16x640xf32, #tpu.memory_space<vmem>>, vector<16xf32>,
    %get3A_755 = arith.constant 1 : i32
    %get3A_756 = arith.index_cast %get3A_755 : i32 to index
    %get3A_757 = arith.constant 144 : index
    %get3A_758 = tpu.vector_load %arg7[%get3A_756, %get3A_757] {strides = array<i32>} : memref<16x640xf32, #tpu.memory_space<vmem>>, vector<16xf32>,
    %add3A_759 = arith.addf %get3A_754, %get3A_758 : vector<16xf32>
    %get3A_760 = arith.constant 2 : i32
    %get3A_761 = arith.index_cast %get3A_760 : i32 to index
    %get3A_762 = arith.constant 144 : index
    %get3A_763 = tpu.vector_load %arg7[%get3A_761, %get3A_762] {strides = array<i32>} : memref<16x640xf32, #tpu.memory_space<vmem>>, vector<16xf32>,
    %add3A_764 = arith.addf %add3A_759, %get3A_763 : vector<16xf32>
    %get3A_765 = arith.constant 3 : i32
    %get3A_766 = arith.index_cast %get3A_765 : i32 to index
    %get3A_767 = arith.constant 144 : index
    %get3A_768 = tpu.vector_load %arg7[%get3A_766, %get3A_767] {strides = array<i32>} : memref<16x640xf32, #tpu.memory_space<vmem>>, vector<16xf32>,
    %add3A_769 = arith.addf %add3A_764, %get3A_768 : vector<16xf32>
    %get3A_770 = arith.constant 4 : i32
    %get3A_771 = arith.index_cast %get3A_770 : i32 to index
    %get3A_772 = arith.constant 144 : index
    %get3A_773 = tpu.vector_load %arg7[%get3A_771, %get3A_772] {strides = array<i32>} : memref<16x640xf32, #tpu.memory_space<vmem>>, vector<16xf32>,
    %add3A_774 = arith.addf %add3A_769, %get3A_773 : vector<16xf32>
    %get3A_775 = arith.constant 5 : i32
    %get3A_776 = arith.index_cast %get3A_775 : i32 to index
    %get3A_777 = arith.constant 144 : index
    %get3A_778 = tpu.vector_load %arg7[%get3A_776, %get3A_777] {strides = array<i32>} : memref<16x640xf32, #tpu.memory_space<vmem>>, vector<16xf32>,
    %add3A_779 = arith.addf %add3A_774, %get3A_778 : vector<16xf32>
    %get3A_780 = arith.constant 6 : i32
    %get3A_781 = arith.index_cast %get3A_780 : i32 to index
    %get3A_782 = arith.constant 144 : index
    %get3A_783 = tpu.vector_load %arg7[%get3A_781, %get3A_782] {strides = array<i32>} : memref<16x640xf32, #tpu.memory_space<vmem>>, vector<16xf32>,
    %add3A_784 = arith.addf %add3A_779, %get3A_783 : vector<16xf32>
    %get3A_785 = arith.constant 7 : i32
    %get3A_786 = arith.index_cast %get3A_785 : i32 to index
    %get3A_787 = arith.constant 144 : index
    %get3A_788 = tpu.vector_load %arg7[%get3A_786, %get3A_787] {strides = array<i32>} : memref<16x640xf32, #tpu.memory_space<vmem>>, vector<16xf32>,
    %add3A_789 = arith.addf %add3A_784, %get3A_788 : vector<16xf32>
    %get3A_790 = arith.constant 8 : i32
    %get3A_791 = arith.index_cast %get3A_790 : i32 to index
    %get3A_792 = arith.constant 144 : index
    %get3A_793 = tpu.vector_load %arg7[%get3A_791, %get3A_792] {strides = array<i32>} : memref<16x640xf32, #tpu.memory_space<vmem>>, vector<16xf32>,
    %add3A_794 = arith.addf %add3A_789, %get3A_793 : vector<16xf32>
    %get3A_795 = arith.constant 9 : i32
    %get3A_796 = arith.index_cast %get3A_795 : i32 to index
    %get3A_797 = arith.constant 144 : index
    %get3A_798 = tpu.vector_load %arg7[%get3A_796, %get3A_797] {strides = array<i32>} : memref<16x640xf32, #tpu.memory_space<vmem>>, vector<16xf32>,
    %add3A_799 = arith.addf %add3A_794, %get3A_798 : vector<16xf32>
    %get3A_800 = arith.constant 10 : i32
    %get3A_801 = arith.index_cast %get3A_800 : i32 to index
    %get3A_802 = arith.constant 144 : index
    %get3A_803 = tpu.vector_load %arg7[%get3A_801, %get3A_802] {strides = array<i32>} : memref<16x640xf32, #tpu.memory_space<vmem>>, vector<16xf32>,
    %add3A_804 = arith.addf %add3A_799, %get3A_803 : vector<16xf32>
    %get3A_805 = arith.constant 11 : i32
    %get3A_806 = arith.index_cast %get3A_805 : i32 to index
    %get3A_807 = arith.constant 144 : index
    %get3A_808 = tpu.vector_load %arg7[%get3A_806, %get3A_807] {strides = array<i32>} : memref<16x640xf32, #tpu.memory_space<vmem>>, vector<16xf32>,
    %add3A_809 = arith.addf %add3A_804, %get3A_808 : vector<16xf32>
    %get3A_810 = arith.constant 12 : i32
    %get3A_811 = arith.index_cast %get3A_810 : i32 to index
    %get3A_812 = arith.constant 144 : index
    %get3A_813 = tpu.vector_load %arg7[%get3A_811, %get3A_812] {strides = array<i32>} : memref<16x640xf32, #tpu.memory_space<vmem>>, vector<16xf32>,
    %add3A_814 = arith.addf %add3A_809, %get3A_813 : vector<16xf32>
    %get3A_815 = arith.constant 13 : i32
    %get3A_816 = arith.index_cast %get3A_815 : i32 to index
    %get3A_817 = arith.constant 144 : index
    %get3A_818 = tpu.vector_load %arg7[%get3A_816, %get3A_817] {strides = array<i32>} : memref<16x640xf32, #tpu.memory_space<vmem>>, vector<16xf32>,
    %add3A_819 = arith.addf %add3A_814, %get3A_818 : vector<16xf32>
    %get3A_820 = arith.constant 14 : i32
    %get3A_821 = arith.index_cast %get3A_820 : i32 to index
    %get3A_822 = arith.constant 144 : index
    %get3A_823 = tpu.vector_load %arg7[%get3A_821, %get3A_822] {strides = array<i32>} : memref<16x640xf32, #tpu.memory_space<vmem>>, vector<16xf32>,
    %add3A_824 = arith.addf %add3A_819, %get3A_823 : vector<16xf32>
    %get3A_825 = arith.constant 15 : i32
    %get3A_826 = arith.index_cast %get3A_825 : i32 to index
    %get3A_827 = arith.constant 144 : index
    %get3A_828 = tpu.vector_load %arg7[%get3A_826, %get3A_827] {strides = array<i32>} : memref<16x640xf32, #tpu.memory_space<vmem>>, vector<16xf32>,
    %add3A_829 = arith.addf %add3A_824, %get3A_828 : vector<16xf32>
    %swap3A_830 = arith.constant 144 : index
    %swap3A_831 = tpu.vector_load %arg8[%swap3A_830] {strides = array<i32>} : memref<640xf32, #tpu.memory_space<vmem>>, vector<16xf32>,
    tpu.vector_store %arg8[%swap3A_830], %add3A_829 {strides = array<i32>} : memref<640xf32, #tpu.memory_space<vmem>>, vector<16xf32>,
    %get3A_832 = arith.constant 0 : i32
    %get3A_833 = arith.index_cast %get3A_832 : i32 to index
    %get3A_834 = arith.constant 160 : index
    %get3A_835 = tpu.vector_load %arg7[%get3A_833, %get3A_834] {strides = array<i32>} : memref<16x640xf32, #tpu.memory_space<vmem>>, vector<16xf32>,
    %get3A_836 = arith.constant 1 : i32
    %get3A_837 = arith.index_cast %get3A_836 : i32 to index
    %get3A_838 = arith.constant 160 : index
    %get3A_839 = tpu.vector_load %arg7[%get3A_837, %get3A_838] {strides = array<i32>} : memref<16x640xf32, #tpu.memory_space<vmem>>, vector<16xf32>,
    %add3A_840 = arith.addf %get3A_835, %get3A_839 : vector<16xf32>
    %get3A_841 = arith.constant 2 : i32
    %get3A_842 = arith.index_cast %get3A_841 : i32 to index
    %get3A_843 = arith.constant 160 : index
    %get3A_844 = tpu.vector_load %arg7[%get3A_842, %get3A_843] {strides = array<i32>} : memref<16x640xf32, #tpu.memory_space<vmem>>, vector<16xf32>,
    %add3A_845 = arith.addf %add3A_840, %get3A_844 : vector<16xf32>
    %get3A_846 = arith.constant 3 : i32
    %get3A_847 = arith.index_cast %get3A_846 : i32 to index
    %get3A_848 = arith.constant 160 : index
    %get3A_849 = tpu.vector_load %arg7[%get3A_847, %get3A_848] {strides = array<i32>} : memref<16x640xf32, #tpu.memory_space<vmem>>, vector<16xf32>,
    %add3A_850 = arith.addf %add3A_845, %get3A_849 : vector<16xf32>
    %get3A_851 = arith.constant 4 : i32
    %get3A_852 = arith.index_cast %get3A_851 : i32 to index
    %get3A_853 = arith.constant 160 : index
    %get3A_854 = tpu.vector_load %arg7[%get3A_852, %get3A_853] {strides = array<i32>} : memref<16x640xf32, #tpu.memory_space<vmem>>, vector<16xf32>,
    %add3A_855 = arith.addf %add3A_850, %get3A_854 : vector<16xf32>
    %get3A_856 = arith.constant 5 : i32
    %get3A_857 = arith.index_cast %get3A_856 : i32 to index
    %get3A_858 = arith.constant 160 : index
    %get3A_859 = tpu.vector_load %arg7[%get3A_857, %get3A_858] {strides = array<i32>} : memref<16x640xf32, #tpu.memory_space<vmem>>, vector<16xf32>,
    %add3A_860 = arith.addf %add3A_855, %get3A_859 : vector<16xf32>
    %get3A_861 = arith.constant 6 : i32
    %get3A_862 = arith.index_cast %get3A_861 : i32 to index
    %get3A_863 = arith.constant 160 : index
    %get3A_864 = tpu.vector_load %arg7[%get3A_862, %get3A_863] {strides = array<i32>} : memref<16x640xf32, #tpu.memory_space<vmem>>, vector<16xf32>,
    %add3A_865 = arith.addf %add3A_860, %get3A_864 : vector<16xf32>
    %get3A_866 = arith.constant 7 : i32
    %get3A_867 = arith.index_cast %get3A_866 : i32 to index
    %get3A_868 = arith.constant 160 : index
    %get3A_869 = tpu.vector_load %arg7[%get3A_867, %get3A_868] {strides = array<i32>} : memref<16x640xf32, #tpu.memory_space<vmem>>, vector<16xf32>,
    %add3A_870 = arith.addf %add3A_865, %get3A_869 : vector<16xf32>
    %get3A_871 = arith.constant 8 : i32
    %get3A_872 = arith.index_cast %get3A_871 : i32 to index
    %get3A_873 = arith.constant 160 : index
    %get3A_874 = tpu.vector_load %arg7[%get3A_872, %get3A_873] {strides = array<i32>} : memref<16x640xf32, #tpu.memory_space<vmem>>, vector<16xf32>,
    %add3A_875 = arith.addf %add3A_870, %get3A_874 : vector<16xf32>
    %get3A_876 = arith.constant 9 : i32
    %get3A_877 = arith.index_cast %get3A_876 : i32 to index
    %get3A_878 = arith.constant 160 : index
    %get3A_879 = tpu.vector_load %arg7[%get3A_877, %get3A_878] {strides = array<i32>} : memref<16x640xf32, #tpu.memory_space<vmem>>, vector<16xf32>,
    %add3A_880 = arith.addf %add3A_875, %get3A_879 : vector<16xf32>
    %get3A_881 = arith.constant 10 : i32
    %get3A_882 = arith.index_cast %get3A_881 : i32 to index
    %get3A_883 = arith.constant 160 : index
    %get3A_884 = tpu.vector_load %arg7[%get3A_882, %get3A_883] {strides = array<i32>} : memref<16x640xf32, #tpu.memory_space<vmem>>, vector<16xf32>,
    %add3A_885 = arith.addf %add3A_880, %get3A_884 : vector<16xf32>
    %get3A_886 = arith.constant 11 : i32
    %get3A_887 = arith.index_cast %get3A_886 : i32 to index
    %get3A_888 = arith.constant 160 : index
    %get3A_889 = tpu.vector_load %arg7[%get3A_887, %get3A_888] {strides = array<i32>} : memref<16x640xf32, #tpu.memory_space<vmem>>, vector<16xf32>,
    %add3A_890 = arith.addf %add3A_885, %get3A_889 : vector<16xf32>
    %get3A_891 = arith.constant 12 : i32
    %get3A_892 = arith.index_cast %get3A_891 : i32 to index
    %get3A_893 = arith.constant 160 : index
    %get3A_894 = tpu.vector_load %arg7[%get3A_892, %get3A_893] {strides = array<i32>} : memref<16x640xf32, #tpu.memory_space<vmem>>, vector<16xf32>,
    %add3A_895 = arith.addf %add3A_890, %get3A_894 : vector<16xf32>
    %get3A_896 = arith.constant 13 : i32
    %get3A_897 = arith.index_cast %get3A_896 : i32 to index
    %get3A_898 = arith.constant 160 : index
    %get3A_899 = tpu.vector_load %arg7[%get3A_897, %get3A_898] {strides = array<i32>} : memref<16x640xf32, #tpu.memory_space<vmem>>, vector<16xf32>,
    %add3A_900 = arith.addf %add3A_895, %get3A_899 : vector<16xf32>
    %get3A_901 = arith.constant 14 : i32
    %get3A_902 = arith.index_cast %get3A_901 : i32 to index
    %get3A_903 = arith.constant 160 : index
    %get3A_904 = tpu.vector_load %arg7[%get3A_902, %get3A_903] {strides = array<i32>} : memref<16x640xf32, #tpu.memory_space<vmem>>, vector<16xf32>,
    %add3A_905 = arith.addf %add3A_900, %get3A_904 : vector<16xf32>
    %get3A_906 = arith.constant 15 : i32
    %get3A_907 = arith.index_cast %get3A_906 : i32 to index
    %get3A_908 = arith.constant 160 : index
    %get3A_909 = tpu.vector_load %arg7[%get3A_907, %get3A_908] {strides = array<i32>} : memref<16x640xf32, #tpu.memory_space<vmem>>, vector<16xf32>,
    %add3A_910 = arith.addf %add3A_905, %get3A_909 : vector<16xf32>
    %swap3A_911 = arith.constant 160 : index
    %swap3A_912 = tpu.vector_load %arg8[%swap3A_911] {strides = array<i32>} : memref<640xf32, #tpu.memory_space<vmem>>, vector<16xf32>,
    tpu.vector_store %arg8[%swap3A_911], %add3A_910 {strides = array<i32>} : memref<640xf32, #tpu.memory_space<vmem>>, vector<16xf32>,
    %get3A_913 = arith.constant 0 : i32
    %get3A_914 = arith.index_cast %get3A_913 : i32 to index
    %get3A_915 = arith.constant 176 : index
    %get3A_916 = tpu.vector_load %arg7[%get3A_914, %get3A_915] {strides = array<i32>} : memref<16x640xf32, #tpu.memory_space<vmem>>, vector<16xf32>,
    %get3A_917 = arith.constant 1 : i32
    %get3A_918 = arith.index_cast %get3A_917 : i32 to index
    %get3A_919 = arith.constant 176 : index
    %get3A_920 = tpu.vector_load %arg7[%get3A_918, %get3A_919] {strides = array<i32>} : memref<16x640xf32, #tpu.memory_space<vmem>>, vector<16xf32>,
    %add3A_921 = arith.addf %get3A_916, %get3A_920 : vector<16xf32>
    %get3A_922 = arith.constant 2 : i32
    %get3A_923 = arith.index_cast %get3A_922 : i32 to index
    %get3A_924 = arith.constant 176 : index
    %get3A_925 = tpu.vector_load %arg7[%get3A_923, %get3A_924] {strides = array<i32>} : memref<16x640xf32, #tpu.memory_space<vmem>>, vector<16xf32>,
    %add3A_926 = arith.addf %add3A_921, %get3A_925 : vector<16xf32>
    %get3A_927 = arith.constant 3 : i32
    %get3A_928 = arith.index_cast %get3A_927 : i32 to index
    %get3A_929 = arith.constant 176 : index
    %get3A_930 = tpu.vector_load %arg7[%get3A_928, %get3A_929] {strides = array<i32>} : memref<16x640xf32, #tpu.memory_space<vmem>>, vector<16xf32>,
    %add3A_931 = arith.addf %add3A_926, %get3A_930 : vector<16xf32>
    %get3A_932 = arith.constant 4 : i32
    %get3A_933 = arith.index_cast %get3A_932 : i32 to index
    %get3A_934 = arith.constant 176 : index
    %get3A_935 = tpu.vector_load %arg7[%get3A_933, %get3A_934] {strides = array<i32>} : memref<16x640xf32, #tpu.memory_space<vmem>>, vector<16xf32>,
    %add3A_936 = arith.addf %add3A_931, %get3A_935 : vector<16xf32>
    %get3A_937 = arith.constant 5 : i32
    %get3A_938 = arith.index_cast %get3A_937 : i32 to index
    %get3A_939 = arith.constant 176 : index
    %get3A_940 = tpu.vector_load %arg7[%get3A_938, %get3A_939] {strides = array<i32>} : memref<16x640xf32, #tpu.memory_space<vmem>>, vector<16xf32>,
    %add3A_941 = arith.addf %add3A_936, %get3A_940 : vector<16xf32>
    %get3A_942 = arith.constant 6 : i32
    %get3A_943 = arith.index_cast %get3A_942 : i32 to index
    %get3A_944 = arith.constant 176 : index
    %get3A_945 = tpu.vector_load %arg7[%get3A_943, %get3A_944] {strides = array<i32>} : memref<16x640xf32, #tpu.memory_space<vmem>>, vector<16xf32>,
    %add3A_946 = arith.addf %add3A_941, %get3A_945 : vector<16xf32>
    %get3A_947 = arith.constant 7 : i32
    %get3A_948 = arith.index_cast %get3A_947 : i32 to index
    %get3A_949 = arith.constant 176 : index
    %get3A_950 = tpu.vector_load %arg7[%get3A_948, %get3A_949] {strides = array<i32>} : memref<16x640xf32, #tpu.memory_space<vmem>>, vector<16xf32>,
    %add3A_951 = arith.addf %add3A_946, %get3A_950 : vector<16xf32>
    %get3A_952 = arith.constant 8 : i32
    %get3A_953 = arith.index_cast %get3A_952 : i32 to index
    %get3A_954 = arith.constant 176 : index
    %get3A_955 = tpu.vector_load %arg7[%get3A_953, %get3A_954] {strides = array<i32>} : memref<16x640xf32, #tpu.memory_space<vmem>>, vector<16xf32>,
    %add3A_956 = arith.addf %add3A_951, %get3A_955 : vector<16xf32>
    %get3A_957 = arith.constant 9 : i32
    %get3A_958 = arith.index_cast %get3A_957 : i32 to index
    %get3A_959 = arith.constant 176 : index
    %get3A_960 = tpu.vector_load %arg7[%get3A_958, %get3A_959] {strides = array<i32>} : memref<16x640xf32, #tpu.memory_space<vmem>>, vector<16xf32>,
    %add3A_961 = arith.addf %add3A_956, %get3A_960 : vector<16xf32>
    %get3A_962 = arith.constant 10 : i32
    %get3A_963 = arith.index_cast %get3A_962 : i32 to index
    %get3A_964 = arith.constant 176 : index
    %get3A_965 = tpu.vector_load %arg7[%get3A_963, %get3A_964] {strides = array<i32>} : memref<16x640xf32, #tpu.memory_space<vmem>>, vector<16xf32>,
    %add3A_966 = arith.addf %add3A_961, %get3A_965 : vector<16xf32>
    %get3A_967 = arith.constant 11 : i32
    %get3A_968 = arith.index_cast %get3A_967 : i32 to index
    %get3A_969 = arith.constant 176 : index
    %get3A_970 = tpu.vector_load %arg7[%get3A_968, %get3A_969] {strides = array<i32>} : memref<16x640xf32, #tpu.memory_space<vmem>>, vector<16xf32>,
    %add3A_971 = arith.addf %add3A_966, %get3A_970 : vector<16xf32>
    %get3A_972 = arith.constant 12 : i32
    %get3A_973 = arith.index_cast %get3A_972 : i32 to index
    %get3A_974 = arith.constant 176 : index
    %get3A_975 = tpu.vector_load %arg7[%get3A_973, %get3A_974] {strides = array<i32>} : memref<16x640xf32, #tpu.memory_space<vmem>>, vector<16xf32>,
    %add3A_976 = arith.addf %add3A_971, %get3A_975 : vector<16xf32>
    %get3A_977 = arith.constant 13 : i32
    %get3A_978 = arith.index_cast %get3A_977 : i32 to index
    %get3A_979 = arith.constant 176 : index
    %get3A_980 = tpu.vector_load %arg7[%get3A_978, %get3A_979] {strides = array<i32>} : memref<16x640xf32, #tpu.memory_space<vmem>>, vector<16xf32>,
    %add3A_981 = arith.addf %add3A_976, %get3A_980 : vector<16xf32>
    %get3A_982 = arith.constant 14 : i32
    %get3A_983 = arith.index_cast %get3A_982 : i32 to index
    %get3A_984 = arith.constant 176 : index
    %get3A_985 = tpu.vector_load %arg7[%get3A_983, %get3A_984] {strides = array<i32>} : memref<16x640xf32, #tpu.memory_space<vmem>>, vector<16xf32>,
    %add3A_986 = arith.addf %add3A_981, %get3A_985 : vector<16xf32>
    %get3A_987 = arith.constant 15 : i32
    %get3A_988 = arith.index_cast %get3A_987 : i32 to index
    %get3A_989 = arith.constant 176 : index
    %get3A_990 = tpu.vector_load %arg7[%get3A_988, %get3A_989] {strides = array<i32>} : memref<16x640xf32, #tpu.memory_space<vmem>>, vector<16xf32>,
    %add3A_991 = arith.addf %add3A_986, %get3A_990 : vector<16xf32>
    %swap3A_992 = arith.constant 176 : index
    %swap3A_993 = tpu.vector_load %arg8[%swap3A_992] {strides = array<i32>} : memref<640xf32, #tpu.memory_space<vmem>>, vector<16xf32>,
    tpu.vector_store %arg8[%swap3A_992], %add3A_991 {strides = array<i32>} : memref<640xf32, #tpu.memory_space<vmem>>, vector<16xf32>,
    %get3A_994 = arith.constant 0 : i32
    %get3A_995 = arith.index_cast %get3A_994 : i32 to index
    %get3A_996 = arith.constant 192 : index
    %get3A_997 = tpu.vector_load %arg7[%get3A_995, %get3A_996] {strides = array<i32>} : memref<16x640xf32, #tpu.memory_space<vmem>>, vector<16xf32>,
    %get3A_998 = arith.constant 1 : i32
    %get3A_999 = arith.index_cast %get3A_998 : i32 to index
    %get3A_1000 = arith.constant 192 : index
    %get3A_1001 = tpu.vector_load %arg7[%get3A_999, %get3A_1000] {strides = array<i32>} : memref<16x640xf32, #tpu.memory_space<vmem>>, vector<16xf32>,
    %add3A_1002 = arith.addf %get3A_997, %get3A_1001 : vector<16xf32>
    %get3A_1003 = arith.constant 2 : i32
    %get3A_1004 = arith.index_cast %get3A_1003 : i32 to index
    %get3A_1005 = arith.constant 192 : index
    %get3A_1006 = tpu.vector_load %arg7[%get3A_1004, %get3A_1005] {strides = array<i32>} : memref<16x640xf32, #tpu.memory_space<vmem>>, vector<16xf32>,
    %add3A_1007 = arith.addf %add3A_1002, %get3A_1006 : vector<16xf32>
    %get3A_1008 = arith.constant 3 : i32
    %get3A_1009 = arith.index_cast %get3A_1008 : i32 to index
    %get3A_1010 = arith.constant 192 : index
    %get3A_1011 = tpu.vector_load %arg7[%get3A_1009, %get3A_1010] {strides = array<i32>} : memref<16x640xf32, #tpu.memory_space<vmem>>, vector<16xf32>,
    %add3A_1012 = arith.addf %add3A_1007, %get3A_1011 : vector<16xf32>
    %get3A_1013 = arith.constant 4 : i32
    %get3A_1014 = arith.index_cast %get3A_1013 : i32 to index
    %get3A_1015 = arith.constant 192 : index
    %get3A_1016 = tpu.vector_load %arg7[%get3A_1014, %get3A_1015] {strides = array<i32>} : memref<16x640xf32, #tpu.memory_space<vmem>>, vector<16xf32>,
    %add3A_1017 = arith.addf %add3A_1012, %get3A_1016 : vector<16xf32>
    %get3A_1018 = arith.constant 5 : i32
    %get3A_1019 = arith.index_cast %get3A_1018 : i32 to index
    %get3A_1020 = arith.constant 192 : index
    %get3A_1021 = tpu.vector_load %arg7[%get3A_1019, %get3A_1020] {strides = array<i32>} : memref<16x640xf32, #tpu.memory_space<vmem>>, vector<16xf32>,
    %add3A_1022 = arith.addf %add3A_1017, %get3A_1021 : vector<16xf32>
    %get3A_1023 = arith.constant 6 : i32
    %get3A_1024 = arith.index_cast %get3A_1023 : i32 to index
    %get3A_1025 = arith.constant 192 : index
    %get3A_1026 = tpu.vector_load %arg7[%get3A_1024, %get3A_1025] {strides = array<i32>} : memref<16x640xf32, #tpu.memory_space<vmem>>, vector<16xf32>,
    %add3A_1027 = arith.addf %add3A_1022, %get3A_1026 : vector<16xf32>
    %get3A_1028 = arith.constant 7 : i32
    %get3A_1029 = arith.index_cast %get3A_1028 : i32 to index
    %get3A_1030 = arith.constant 192 : index
    %get3A_1031 = tpu.vector_load %arg7[%get3A_1029, %get3A_1030] {strides = array<i32>} : memref<16x640xf32, #tpu.memory_space<vmem>>, vector<16xf32>,
    %add3A_1032 = arith.addf %add3A_1027, %get3A_1031 : vector<16xf32>
    %get3A_1033 = arith.constant 8 : i32
    %get3A_1034 = arith.index_cast %get3A_1033 : i32 to index
    %get3A_1035 = arith.constant 192 : index
    %get3A_1036 = tpu.vector_load %arg7[%get3A_1034, %get3A_1035] {strides = array<i32>} : memref<16x640xf32, #tpu.memory_space<vmem>>, vector<16xf32>,
    %add3A_1037 = arith.addf %add3A_1032, %get3A_1036 : vector<16xf32>
    %get3A_1038 = arith.constant 9 : i32
    %get3A_1039 = arith.index_cast %get3A_1038 : i32 to index
    %get3A_1040 = arith.constant 192 : index
    %get3A_1041 = tpu.vector_load %arg7[%get3A_1039, %get3A_1040] {strides = array<i32>} : memref<16x640xf32, #tpu.memory_space<vmem>>, vector<16xf32>,
    %add3A_1042 = arith.addf %add3A_1037, %get3A_1041 : vector<16xf32>
    %get3A_1043 = arith.constant 10 : i32
    %get3A_1044 = arith.index_cast %get3A_1043 : i32 to index
    %get3A_1045 = arith.constant 192 : index
    %get3A_1046 = tpu.vector_load %arg7[%get3A_1044, %get3A_1045] {strides = array<i32>} : memref<16x640xf32, #tpu.memory_space<vmem>>, vector<16xf32>,
    %add3A_1047 = arith.addf %add3A_1042, %get3A_1046 : vector<16xf32>
    %get3A_1048 = arith.constant 11 : i32
    %get3A_1049 = arith.index_cast %get3A_1048 : i32 to index
    %get3A_1050 = arith.constant 192 : index
    %get3A_1051 = tpu.vector_load %arg7[%get3A_1049, %get3A_1050] {strides = array<i32>} : memref<16x640xf32, #tpu.memory_space<vmem>>, vector<16xf32>,
    %add3A_1052 = arith.addf %add3A_1047, %get3A_1051 : vector<16xf32>
    %get3A_1053 = arith.constant 12 : i32
    %get3A_1054 = arith.index_cast %get3A_1053 : i32 to index
    %get3A_1055 = arith.constant 192 : index
    %get3A_1056 = tpu.vector_load %arg7[%get3A_1054, %get3A_1055] {strides = array<i32>} : memref<16x640xf32, #tpu.memory_space<vmem>>, vector<16xf32>,
    %add3A_1057 = arith.addf %add3A_1052, %get3A_1056 : vector<16xf32>
    %get3A_1058 = arith.constant 13 : i32
    %get3A_1059 = arith.index_cast %get3A_1058 : i32 to index
    %get3A_1060 = arith.constant 192 : index
    %get3A_1061 = tpu.vector_load %arg7[%get3A_1059, %get3A_1060] {strides = array<i32>} : memref<16x640xf32, #tpu.memory_space<vmem>>, vector<16xf32>,
    %add3A_1062 = arith.addf %add3A_1057, %get3A_1061 : vector<16xf32>
    %get3A_1063 = arith.constant 14 : i32
    %get3A_1064 = arith.index_cast %get3A_1063 : i32 to index
    %get3A_1065 = arith.constant 192 : index
    %get3A_1066 = tpu.vector_load %arg7[%get3A_1064, %get3A_1065] {strides = array<i32>} : memref<16x640xf32, #tpu.memory_space<vmem>>, vector<16xf32>,
    %add3A_1067 = arith.addf %add3A_1062, %get3A_1066 : vector<16xf32>
    %get3A_1068 = arith.constant 15 : i32
    %get3A_1069 = arith.index_cast %get3A_1068 : i32 to index
    %get3A_1070 = arith.constant 192 : index
    %get3A_1071 = tpu.vector_load %arg7[%get3A_1069, %get3A_1070] {strides = array<i32>} : memref<16x640xf32, #tpu.memory_space<vmem>>, vector<16xf32>,
    %add3A_1072 = arith.addf %add3A_1067, %get3A_1071 : vector<16xf32>
    %swap3A_1073 = arith.constant 192 : index
    %swap3A_1074 = tpu.vector_load %arg8[%swap3A_1073] {strides = array<i32>} : memref<640xf32, #tpu.memory_space<vmem>>, vector<16xf32>,
    tpu.vector_store %arg8[%swap3A_1073], %add3A_1072 {strides = array<i32>} : memref<640xf32, #tpu.memory_space<vmem>>, vector<16xf32>,
    %get3A_1075 = arith.constant 0 : i32
    %get3A_1076 = arith.index_cast %get3A_1075 : i32 to index
    %get3A_1077 = arith.constant 208 : index
    %get3A_1078 = tpu.vector_load %arg7[%get3A_1076, %get3A_1077] {strides = array<i32>} : memref<16x640xf32, #tpu.memory_space<vmem>>, vector<16xf32>,
    %get3A_1079 = arith.constant 1 : i32
    %get3A_1080 = arith.index_cast %get3A_1079 : i32 to index
    %get3A_1081 = arith.constant 208 : index
    %get3A_1082 = tpu.vector_load %arg7[%get3A_1080, %get3A_1081] {strides = array<i32>} : memref<16x640xf32, #tpu.memory_space<vmem>>, vector<16xf32>,
    %add3A_1083 = arith.addf %get3A_1078, %get3A_1082 : vector<16xf32>
    %get3A_1084 = arith.constant 2 : i32
    %get3A_1085 = arith.index_cast %get3A_1084 : i32 to index
    %get3A_1086 = arith.constant 208 : index
    %get3A_1087 = tpu.vector_load %arg7[%get3A_1085, %get3A_1086] {strides = array<i32>} : memref<16x640xf32, #tpu.memory_space<vmem>>, vector<16xf32>,
    %add3A_1088 = arith.addf %add3A_1083, %get3A_1087 : vector<16xf32>
    %get3A_1089 = arith.constant 3 : i32
    %get3A_1090 = arith.index_cast %get3A_1089 : i32 to index
    %get3A_1091 = arith.constant 208 : index
    %get3A_1092 = tpu.vector_load %arg7[%get3A_1090, %get3A_1091] {strides = array<i32>} : memref<16x640xf32, #tpu.memory_space<vmem>>, vector<16xf32>,
    %add3A_1093 = arith.addf %add3A_1088, %get3A_1092 : vector<16xf32>
    %get3A_1094 = arith.constant 4 : i32
    %get3A_1095 = arith.index_cast %get3A_1094 : i32 to index
    %get3A_1096 = arith.constant 208 : index
    %get3A_1097 = tpu.vector_load %arg7[%get3A_1095, %get3A_1096] {strides = array<i32>} : memref<16x640xf32, #tpu.memory_space<vmem>>, vector<16xf32>,
    %add3A_1098 = arith.addf %add3A_1093, %get3A_1097 : vector<16xf32>
    %get3A_1099 = arith.constant 5 : i32
    %get3A_1100 = arith.index_cast %get3A_1099 : i32 to index
    %get3A_1101 = arith.constant 208 : index
    %get3A_1102 = tpu.vector_load %arg7[%get3A_1100, %get3A_1101] {strides = array<i32>} : memref<16x640xf32, #tpu.memory_space<vmem>>, vector<16xf32>,
    %add3A_1103 = arith.addf %add3A_1098, %get3A_1102 : vector<16xf32>
    %get3A_1104 = arith.constant 6 : i32
    %get3A_1105 = arith.index_cast %get3A_1104 : i32 to index
    %get3A_1106 = arith.constant 208 : index
    %get3A_1107 = tpu.vector_load %arg7[%get3A_1105, %get3A_1106] {strides = array<i32>} : memref<16x640xf32, #tpu.memory_space<vmem>>, vector<16xf32>,
    %add3A_1108 = arith.addf %add3A_1103, %get3A_1107 : vector<16xf32>
    %get3A_1109 = arith.constant 7 : i32
    %get3A_1110 = arith.index_cast %get3A_1109 : i32 to index
    %get3A_1111 = arith.constant 208 : index
    %get3A_1112 = tpu.vector_load %arg7[%get3A_1110, %get3A_1111] {strides = array<i32>} : memref<16x640xf32, #tpu.memory_space<vmem>>, vector<16xf32>,
    %add3A_1113 = arith.addf %add3A_1108, %get3A_1112 : vector<16xf32>
    %get3A_1114 = arith.constant 8 : i32
    %get3A_1115 = arith.index_cast %get3A_1114 : i32 to index
    %get3A_1116 = arith.constant 208 : index
    %get3A_1117 = tpu.vector_load %arg7[%get3A_1115, %get3A_1116] {strides = array<i32>} : memref<16x640xf32, #tpu.memory_space<vmem>>, vector<16xf32>,
    %add3A_1118 = arith.addf %add3A_1113, %get3A_1117 : vector<16xf32>
    %get3A_1119 = arith.constant 9 : i32
    %get3A_1120 = arith.index_cast %get3A_1119 : i32 to index
    %get3A_1121 = arith.constant 208 : index
    %get3A_1122 = tpu.vector_load %arg7[%get3A_1120, %get3A_1121] {strides = array<i32>} : memref<16x640xf32, #tpu.memory_space<vmem>>, vector<16xf32>,
    %add3A_1123 = arith.addf %add3A_1118, %get3A_1122 : vector<16xf32>
    %get3A_1124 = arith.constant 10 : i32
    %get3A_1125 = arith.index_cast %get3A_1124 : i32 to index
    %get3A_1126 = arith.constant 208 : index
    %get3A_1127 = tpu.vector_load %arg7[%get3A_1125, %get3A_1126] {strides = array<i32>} : memref<16x640xf32, #tpu.memory_space<vmem>>, vector<16xf32>,
    %add3A_1128 = arith.addf %add3A_1123, %get3A_1127 : vector<16xf32>
    %get3A_1129 = arith.constant 11 : i32
    %get3A_1130 = arith.index_cast %get3A_1129 : i32 to index
    %get3A_1131 = arith.constant 208 : index
    %get3A_1132 = tpu.vector_load %arg7[%get3A_1130, %get3A_1131] {strides = array<i32>} : memref<16x640xf32, #tpu.memory_space<vmem>>, vector<16xf32>,
    %add3A_1133 = arith.addf %add3A_1128, %get3A_1132 : vector<16xf32>
    %get3A_1134 = arith.constant 12 : i32
    %get3A_1135 = arith.index_cast %get3A_1134 : i32 to index
    %get3A_1136 = arith.constant 208 : index
    %get3A_1137 = tpu.vector_load %arg7[%get3A_1135, %get3A_1136] {strides = array<i32>} : memref<16x640xf32, #tpu.memory_space<vmem>>, vector<16xf32>,
    %add3A_1138 = arith.addf %add3A_1133, %get3A_1137 : vector<16xf32>
    %get3A_1139 = arith.constant 13 : i32
    %get3A_1140 = arith.index_cast %get3A_1139 : i32 to index
    %get3A_1141 = arith.constant 208 : index
    %get3A_1142 = tpu.vector_load %arg7[%get3A_1140, %get3A_1141] {strides = array<i32>} : memref<16x640xf32, #tpu.memory_space<vmem>>, vector<16xf32>,
    %add3A_1143 = arith.addf %add3A_1138, %get3A_1142 : vector<16xf32>
    %get3A_1144 = arith.constant 14 : i32
    %get3A_1145 = arith.index_cast %get3A_1144 : i32 to index
    %get3A_1146 = arith.constant 208 : index
    %get3A_1147 = tpu.vector_load %arg7[%get3A_1145, %get3A_1146] {strides = array<i32>} : memref<16x640xf32, #tpu.memory_space<vmem>>, vector<16xf32>,
    %add3A_1148 = arith.addf %add3A_1143, %get3A_1147 : vector<16xf32>
    %get3A_1149 = arith.constant 15 : i32
    %get3A_1150 = arith.index_cast %get3A_1149 : i32 to index
    %get3A_1151 = arith.constant 208 : index
    %get3A_1152 = tpu.vector_load %arg7[%get3A_1150, %get3A_1151] {strides = array<i32>} : memref<16x640xf32, #tpu.memory_space<vmem>>, vector<16xf32>,
    %add3A_1153 = arith.addf %add3A_1148, %get3A_1152 : vector<16xf32>
    %swap3A_1154 = arith.constant 208 : index
    %swap3A_1155 = tpu.vector_load %arg8[%swap3A_1154] {strides = array<i32>} : memref<640xf32, #tpu.memory_space<vmem>>, vector<16xf32>,
    tpu.vector_store %arg8[%swap3A_1154], %add3A_1153 {strides = array<i32>} : memref<640xf32, #tpu.memory_space<vmem>>, vector<16xf32>,
    %get3A_1156 = arith.constant 0 : i32
    %get3A_1157 = arith.index_cast %get3A_1156 : i32 to index
    %get3A_1158 = arith.constant 224 : index
    %get3A_1159 = tpu.vector_load %arg7[%get3A_1157, %get3A_1158] {strides = array<i32>} : memref<16x640xf32, #tpu.memory_space<vmem>>, vector<16xf32>,
    %get3A_1160 = arith.constant 1 : i32
    %get3A_1161 = arith.index_cast %get3A_1160 : i32 to index
    %get3A_1162 = arith.constant 224 : index
    %get3A_1163 = tpu.vector_load %arg7[%get3A_1161, %get3A_1162] {strides = array<i32>} : memref<16x640xf32, #tpu.memory_space<vmem>>, vector<16xf32>,
    %add3A_1164 = arith.addf %get3A_1159, %get3A_1163 : vector<16xf32>
    %get3A_1165 = arith.constant 2 : i32
    %get3A_1166 = arith.index_cast %get3A_1165 : i32 to index
    %get3A_1167 = arith.constant 224 : index
    %get3A_1168 = tpu.vector_load %arg7[%get3A_1166, %get3A_1167] {strides = array<i32>} : memref<16x640xf32, #tpu.memory_space<vmem>>, vector<16xf32>,
    %add3A_1169 = arith.addf %add3A_1164, %get3A_1168 : vector<16xf32>
    %get3A_1170 = arith.constant 3 : i32
    %get3A_1171 = arith.index_cast %get3A_1170 : i32 to index
    %get3A_1172 = arith.constant 224 : index
    %get3A_1173 = tpu.vector_load %arg7[%get3A_1171, %get3A_1172] {strides = array<i32>} : memref<16x640xf32, #tpu.memory_space<vmem>>, vector<16xf32>,
    %add3A_1174 = arith.addf %add3A_1169, %get3A_1173 : vector<16xf32>
    %get3A_1175 = arith.constant 4 : i32
    %get3A_1176 = arith.index_cast %get3A_1175 : i32 to index
    %get3A_1177 = arith.constant 224 : index
    %get3A_1178 = tpu.vector_load %arg7[%get3A_1176, %get3A_1177] {strides = array<i32>} : memref<16x640xf32, #tpu.memory_space<vmem>>, vector<16xf32>,
    %add3A_1179 = arith.addf %add3A_1174, %get3A_1178 : vector<16xf32>
    %get3A_1180 = arith.constant 5 : i32
    %get3A_1181 = arith.index_cast %get3A_1180 : i32 to index
    %get3A_1182 = arith.constant 224 : index
    %get3A_1183 = tpu.vector_load %arg7[%get3A_1181, %get3A_1182] {strides = array<i32>} : memref<16x640xf32, #tpu.memory_space<vmem>>, vector<16xf32>,
    %add3A_1184 = arith.addf %add3A_1179, %get3A_1183 : vector<16xf32>
    %get3A_1185 = arith.constant 6 : i32
    %get3A_1186 = arith.index_cast %get3A_1185 : i32 to index
    %get3A_1187 = arith.constant 224 : index
    %get3A_1188 = tpu.vector_load %arg7[%get3A_1186, %get3A_1187] {strides = array<i32>} : memref<16x640xf32, #tpu.memory_space<vmem>>, vector<16xf32>,
    %add3A_1189 = arith.addf %add3A_1184, %get3A_1188 : vector<16xf32>
    %get3A_1190 = arith.constant 7 : i32
    %get3A_1191 = arith.index_cast %get3A_1190 : i32 to index
    %get3A_1192 = arith.constant 224 : index
    %get3A_1193 = tpu.vector_load %arg7[%get3A_1191, %get3A_1192] {strides = array<i32>} : memref<16x640xf32, #tpu.memory_space<vmem>>, vector<16xf32>,
    %add3A_1194 = arith.addf %add3A_1189, %get3A_1193 : vector<16xf32>
    %get3A_1195 = arith.constant 8 : i32
    %get3A_1196 = arith.index_cast %get3A_1195 : i32 to index
    %get3A_1197 = arith.constant 224 : index
    %get3A_1198 = tpu.vector_load %arg7[%get3A_1196, %get3A_1197] {strides = array<i32>} : memref<16x640xf32, #tpu.memory_space<vmem>>, vector<16xf32>,
    %add3A_1199 = arith.addf %add3A_1194, %get3A_1198 : vector<16xf32>
    %get3A_1200 = arith.constant 9 : i32
    %get3A_1201 = arith.index_cast %get3A_1200 : i32 to index
    %get3A_1202 = arith.constant 224 : index
    %get3A_1203 = tpu.vector_load %arg7[%get3A_1201, %get3A_1202] {strides = array<i32>} : memref<16x640xf32, #tpu.memory_space<vmem>>, vector<16xf32>,
    %add3A_1204 = arith.addf %add3A_1199, %get3A_1203 : vector<16xf32>
    %get3A_1205 = arith.constant 10 : i32
    %get3A_1206 = arith.index_cast %get3A_1205 : i32 to index
    %get3A_1207 = arith.constant 224 : index
    %get3A_1208 = tpu.vector_load %arg7[%get3A_1206, %get3A_1207] {strides = array<i32>} : memref<16x640xf32, #tpu.memory_space<vmem>>, vector<16xf32>,
    %add3A_1209 = arith.addf %add3A_1204, %get3A_1208 : vector<16xf32>
    %get3A_1210 = arith.constant 11 : i32
    %get3A_1211 = arith.index_cast %get3A_1210 : i32 to index
    %get3A_1212 = arith.constant 224 : index
    %get3A_1213 = tpu.vector_load %arg7[%get3A_1211, %get3A_1212] {strides = array<i32>} : memref<16x640xf32, #tpu.memory_space<vmem>>, vector<16xf32>,
    %add3A_1214 = arith.addf %add3A_1209, %get3A_1213 : vector<16xf32>
    %get3A_1215 = arith.constant 12 : i32
    %get3A_1216 = arith.index_cast %get3A_1215 : i32 to index
    %get3A_1217 = arith.constant 224 : index
    %get3A_1218 = tpu.vector_load %arg7[%get3A_1216, %get3A_1217] {strides = array<i32>} : memref<16x640xf32, #tpu.memory_space<vmem>>, vector<16xf32>,
    %add3A_1219 = arith.addf %add3A_1214, %get3A_1218 : vector<16xf32>
    %get3A_1220 = arith.constant 13 : i32
    %get3A_1221 = arith.index_cast %get3A_1220 : i32 to index
    %get3A_1222 = arith.constant 224 : index
    %get3A_1223 = tpu.vector_load %arg7[%get3A_1221, %get3A_1222] {strides = array<i32>} : memref<16x640xf32, #tpu.memory_space<vmem>>, vector<16xf32>,
    %add3A_1224 = arith.addf %add3A_1219, %get3A_1223 : vector<16xf32>
    %get3A_1225 = arith.constant 14 : i32
    %get3A_1226 = arith.index_cast %get3A_1225 : i32 to index
    %get3A_1227 = arith.constant 224 : index
    %get3A_1228 = tpu.vector_load %arg7[%get3A_1226, %get3A_1227] {strides = array<i32>} : memref<16x640xf32, #tpu.memory_space<vmem>>, vector<16xf32>,
    %add3A_1229 = arith.addf %add3A_1224, %get3A_1228 : vector<16xf32>
    %get3A_1230 = arith.constant 15 : i32
    %get3A_1231 = arith.index_cast %get3A_1230 : i32 to index
    %get3A_1232 = arith.constant 224 : index
    %get3A_1233 = tpu.vector_load %arg7[%get3A_1231, %get3A_1232] {strides = array<i32>} : memref<16x640xf32, #tpu.memory_space<vmem>>, vector<16xf32>,
    %add3A_1234 = arith.addf %add3A_1229, %get3A_1233 : vector<16xf32>
    %swap3A_1235 = arith.constant 224 : index
    %swap3A_1236 = tpu.vector_load %arg8[%swap3A_1235] {strides = array<i32>} : memref<640xf32, #tpu.memory_space<vmem>>, vector<16xf32>,
    tpu.vector_store %arg8[%swap3A_1235], %add3A_1234 {strides = array<i32>} : memref<640xf32, #tpu.memory_space<vmem>>, vector<16xf32>,
    %get3A_1237 = arith.constant 0 : i32
    %get3A_1238 = arith.index_cast %get3A_1237 : i32 to index
    %get3A_1239 = arith.constant 240 : index
    %get3A_1240 = tpu.vector_load %arg7[%get3A_1238, %get3A_1239] {strides = array<i32>} : memref<16x640xf32, #tpu.memory_space<vmem>>, vector<16xf32>,
    %get3A_1241 = arith.constant 1 : i32
    %get3A_1242 = arith.index_cast %get3A_1241 : i32 to index
    %get3A_1243 = arith.constant 240 : index
    %get3A_1244 = tpu.vector_load %arg7[%get3A_1242, %get3A_1243] {strides = array<i32>} : memref<16x640xf32, #tpu.memory_space<vmem>>, vector<16xf32>,
    %add3A_1245 = arith.addf %get3A_1240, %get3A_1244 : vector<16xf32>
    %get3A_1246 = arith.constant 2 : i32
    %get3A_1247 = arith.index_cast %get3A_1246 : i32 to index
    %get3A_1248 = arith.constant 240 : index
    %get3A_1249 = tpu.vector_load %arg7[%get3A_1247, %get3A_1248] {strides = array<i32>} : memref<16x640xf32, #tpu.memory_space<vmem>>, vector<16xf32>,
    %add3A_1250 = arith.addf %add3A_1245, %get3A_1249 : vector<16xf32>
    %get3A_1251 = arith.constant 3 : i32
    %get3A_1252 = arith.index_cast %get3A_1251 : i32 to index
    %get3A_1253 = arith.constant 240 : index
    %get3A_1254 = tpu.vector_load %arg7[%get3A_1252, %get3A_1253] {strides = array<i32>} : memref<16x640xf32, #tpu.memory_space<vmem>>, vector<16xf32>,
    %add3A_1255 = arith.addf %add3A_1250, %get3A_1254 : vector<16xf32>
    %get3A_1256 = arith.constant 4 : i32
    %get3A_1257 = arith.index_cast %get3A_1256 : i32 to index
    %get3A_1258 = arith.constant 240 : index
    %get3A_1259 = tpu.vector_load %arg7[%get3A_1257, %get3A_1258] {strides = array<i32>} : memref<16x640xf32, #tpu.memory_space<vmem>>, vector<16xf32>,
    %add3A_1260 = arith.addf %add3A_1255, %get3A_1259 : vector<16xf32>
    %get3A_1261 = arith.constant 5 : i32
    %get3A_1262 = arith.index_cast %get3A_1261 : i32 to index
    %get3A_1263 = arith.constant 240 : index
    %get3A_1264 = tpu.vector_load %arg7[%get3A_1262, %get3A_1263] {strides = array<i32>} : memref<16x640xf32, #tpu.memory_space<vmem>>, vector<16xf32>,
    %add3A_1265 = arith.addf %add3A_1260, %get3A_1264 : vector<16xf32>
    %get3A_1266 = arith.constant 6 : i32
    %get3A_1267 = arith.index_cast %get3A_1266 : i32 to index
    %get3A_1268 = arith.constant 240 : index
    %get3A_1269 = tpu.vector_load %arg7[%get3A_1267, %get3A_1268] {strides = array<i32>} : memref<16x640xf32, #tpu.memory_space<vmem>>, vector<16xf32>,
    %add3A_1270 = arith.addf %add3A_1265, %get3A_1269 : vector<16xf32>
    %get3A_1271 = arith.constant 7 : i32
    %get3A_1272 = arith.index_cast %get3A_1271 : i32 to index
    %get3A_1273 = arith.constant 240 : index
    %get3A_1274 = tpu.vector_load %arg7[%get3A_1272, %get3A_1273] {strides = array<i32>} : memref<16x640xf32, #tpu.memory_space<vmem>>, vector<16xf32>,
    %add3A_1275 = arith.addf %add3A_1270, %get3A_1274 : vector<16xf32>
    %get3A_1276 = arith.constant 8 : i32
    %get3A_1277 = arith.index_cast %get3A_1276 : i32 to index
    %get3A_1278 = arith.constant 240 : index
    %get3A_1279 = tpu.vector_load %arg7[%get3A_1277, %get3A_1278] {strides = array<i32>} : memref<16x640xf32, #tpu.memory_space<vmem>>, vector<16xf32>,
    %add3A_1280 = arith.addf %add3A_1275, %get3A_1279 : vector<16xf32>
    %get3A_1281 = arith.constant 9 : i32
    %get3A_1282 = arith.index_cast %get3A_1281 : i32 to index
    %get3A_1283 = arith.constant 240 : index
    %get3A_1284 = tpu.vector_load %arg7[%get3A_1282, %get3A_1283] {strides = array<i32>} : memref<16x640xf32, #tpu.memory_space<vmem>>, vector<16xf32>,
    %add3A_1285 = arith.addf %add3A_1280, %get3A_1284 : vector<16xf32>
    %get3A_1286 = arith.constant 10 : i32
    %get3A_1287 = arith.index_cast %get3A_1286 : i32 to index
    %get3A_1288 = arith.constant 240 : index
    %get3A_1289 = tpu.vector_load %arg7[%get3A_1287, %get3A_1288] {strides = array<i32>} : memref<16x640xf32, #tpu.memory_space<vmem>>, vector<16xf32>,
    %add3A_1290 = arith.addf %add3A_1285, %get3A_1289 : vector<16xf32>
    %get3A_1291 = arith.constant 11 : i32
    %get3A_1292 = arith.index_cast %get3A_1291 : i32 to index
    %get3A_1293 = arith.constant 240 : index
    %get3A_1294 = tpu.vector_load %arg7[%get3A_1292, %get3A_1293] {strides = array<i32>} : memref<16x640xf32, #tpu.memory_space<vmem>>, vector<16xf32>,
    %add3A_1295 = arith.addf %add3A_1290, %get3A_1294 : vector<16xf32>
    %get3A_1296 = arith.constant 12 : i32
    %get3A_1297 = arith.index_cast %get3A_1296 : i32 to index
    %get3A_1298 = arith.constant 240 : index
    %get3A_1299 = tpu.vector_load %arg7[%get3A_1297, %get3A_1298] {strides = array<i32>} : memref<16x640xf32, #tpu.memory_space<vmem>>, vector<16xf32>,
    %add3A_1300 = arith.addf %add3A_1295, %get3A_1299 : vector<16xf32>
    %get3A_1301 = arith.constant 13 : i32
    %get3A_1302 = arith.index_cast %get3A_1301 : i32 to index
    %get3A_1303 = arith.constant 240 : index
    %get3A_1304 = tpu.vector_load %arg7[%get3A_1302, %get3A_1303] {strides = array<i32>} : memref<16x640xf32, #tpu.memory_space<vmem>>, vector<16xf32>,
    %add3A_1305 = arith.addf %add3A_1300, %get3A_1304 : vector<16xf32>
    %get3A_1306 = arith.constant 14 : i32
    %get3A_1307 = arith.index_cast %get3A_1306 : i32 to index
    %get3A_1308 = arith.constant 240 : index
    %get3A_1309 = tpu.vector_load %arg7[%get3A_1307, %get3A_1308] {strides = array<i32>} : memref<16x640xf32, #tpu.memory_space<vmem>>, vector<16xf32>,
    %add3A_1310 = arith.addf %add3A_1305, %get3A_1309 : vector<16xf32>
    %get3A_1311 = arith.constant 15 : i32
    %get3A_1312 = arith.index_cast %get3A_1311 : i32 to index
    %get3A_1313 = arith.constant 240 : index
    %get3A_1314 = tpu.vector_load %arg7[%get3A_1312, %get3A_1313] {strides = array<i32>} : memref<16x640xf32, #tpu.memory_space<vmem>>, vector<16xf32>,
    %add3A_1315 = arith.addf %add3A_1310, %get3A_1314 : vector<16xf32>
    %swap3A_1316 = arith.constant 240 : index
    %swap3A_1317 = tpu.vector_load %arg8[%swap3A_1316] {strides = array<i32>} : memref<640xf32, #tpu.memory_space<vmem>>, vector<16xf32>,
    tpu.vector_store %arg8[%swap3A_1316], %add3A_1315 {strides = array<i32>} : memref<640xf32, #tpu.memory_space<vmem>>, vector<16xf32>,
    %get3A_1318 = arith.constant 0 : i32
    %get3A_1319 = arith.index_cast %get3A_1318 : i32 to index
    %get3A_1320 = arith.constant 256 : index
    %get3A_1321 = tpu.vector_load %arg7[%get3A_1319, %get3A_1320] {strides = array<i32>} : memref<16x640xf32, #tpu.memory_space<vmem>>, vector<16xf32>,
    %get3A_1322 = arith.constant 1 : i32
    %get3A_1323 = arith.index_cast %get3A_1322 : i32 to index
    %get3A_1324 = arith.constant 256 : index
    %get3A_1325 = tpu.vector_load %arg7[%get3A_1323, %get3A_1324] {strides = array<i32>} : memref<16x640xf32, #tpu.memory_space<vmem>>, vector<16xf32>,
    %add3A_1326 = arith.addf %get3A_1321, %get3A_1325 : vector<16xf32>
    %get3A_1327 = arith.constant 2 : i32
    %get3A_1328 = arith.index_cast %get3A_1327 : i32 to index
    %get3A_1329 = arith.constant 256 : index
    %get3A_1330 = tpu.vector_load %arg7[%get3A_1328, %get3A_1329] {strides = array<i32>} : memref<16x640xf32, #tpu.memory_space<vmem>>, vector<16xf32>,
    %add3A_1331 = arith.addf %add3A_1326, %get3A_1330 : vector<16xf32>
    %get3A_1332 = arith.constant 3 : i32
    %get3A_1333 = arith.index_cast %get3A_1332 : i32 to index
    %get3A_1334 = arith.constant 256 : index
    %get3A_1335 = tpu.vector_load %arg7[%get3A_1333, %get3A_1334] {strides = array<i32>} : memref<16x640xf32, #tpu.memory_space<vmem>>, vector<16xf32>,
    %add3A_1336 = arith.addf %add3A_1331, %get3A_1335 : vector<16xf32>
    %get3A_1337 = arith.constant 4 : i32
    %get3A_1338 = arith.index_cast %get3A_1337 : i32 to index
    %get3A_1339 = arith.constant 256 : index
    %get3A_1340 = tpu.vector_load %arg7[%get3A_1338, %get3A_1339] {strides = array<i32>} : memref<16x640xf32, #tpu.memory_space<vmem>>, vector<16xf32>,
    %add3A_1341 = arith.addf %add3A_1336, %get3A_1340 : vector<16xf32>
    %get3A_1342 = arith.constant 5 : i32
    %get3A_1343 = arith.index_cast %get3A_1342 : i32 to index
    %get3A_1344 = arith.constant 256 : index
    %get3A_1345 = tpu.vector_load %arg7[%get3A_1343, %get3A_1344] {strides = array<i32>} : memref<16x640xf32, #tpu.memory_space<vmem>>, vector<16xf32>,
    %add3A_1346 = arith.addf %add3A_1341, %get3A_1345 : vector<16xf32>
    %get3A_1347 = arith.constant 6 : i32
    %get3A_1348 = arith.index_cast %get3A_1347 : i32 to index
    %get3A_1349 = arith.constant 256 : index
    %get3A_1350 = tpu.vector_load %arg7[%get3A_1348, %get3A_1349] {strides = array<i32>} : memref<16x640xf32, #tpu.memory_space<vmem>>, vector<16xf32>,
    %add3A_1351 = arith.addf %add3A_1346, %get3A_1350 : vector<16xf32>
    %get3A_1352 = arith.constant 7 : i32
    %get3A_1353 = arith.index_cast %get3A_1352 : i32 to index
    %get3A_1354 = arith.constant 256 : index
    %get3A_1355 = tpu.vector_load %arg7[%get3A_1353, %get3A_1354] {strides = array<i32>} : memref<16x640xf32, #tpu.memory_space<vmem>>, vector<16xf32>,
    %add3A_1356 = arith.addf %add3A_1351, %get3A_1355 : vector<16xf32>
    %get3A_1357 = arith.constant 8 : i32
    %get3A_1358 = arith.index_cast %get3A_1357 : i32 to index
    %get3A_1359 = arith.constant 256 : index
    %get3A_1360 = tpu.vector_load %arg7[%get3A_1358, %get3A_1359] {strides = array<i32>} : memref<16x640xf32, #tpu.memory_space<vmem>>, vector<16xf32>,
    %add3A_1361 = arith.addf %add3A_1356, %get3A_1360 : vector<16xf32>
    %get3A_1362 = arith.constant 9 : i32
    %get3A_1363 = arith.index_cast %get3A_1362 : i32 to index
    %get3A_1364 = arith.constant 256 : index
    %get3A_1365 = tpu.vector_load %arg7[%get3A_1363, %get3A_1364] {strides = array<i32>} : memref<16x640xf32, #tpu.memory_space<vmem>>, vector<16xf32>,
    %add3A_1366 = arith.addf %add3A_1361, %get3A_1365 : vector<16xf32>
    %get3A_1367 = arith.constant 10 : i32
    %get3A_1368 = arith.index_cast %get3A_1367 : i32 to index
    %get3A_1369 = arith.constant 256 : index
    %get3A_1370 = tpu.vector_load %arg7[%get3A_1368, %get3A_1369] {strides = array<i32>} : memref<16x640xf32, #tpu.memory_space<vmem>>, vector<16xf32>,
    %add3A_1371 = arith.addf %add3A_1366, %get3A_1370 : vector<16xf32>
    %get3A_1372 = arith.constant 11 : i32
    %get3A_1373 = arith.index_cast %get3A_1372 : i32 to index
    %get3A_1374 = arith.constant 256 : index
    %get3A_1375 = tpu.vector_load %arg7[%get3A_1373, %get3A_1374] {strides = array<i32>} : memref<16x640xf32, #tpu.memory_space<vmem>>, vector<16xf32>,
    %add3A_1376 = arith.addf %add3A_1371, %get3A_1375 : vector<16xf32>
    %get3A_1377 = arith.constant 12 : i32
    %get3A_1378 = arith.index_cast %get3A_1377 : i32 to index
    %get3A_1379 = arith.constant 256 : index
    %get3A_1380 = tpu.vector_load %arg7[%get3A_1378, %get3A_1379] {strides = array<i32>} : memref<16x640xf32, #tpu.memory_space<vmem>>, vector<16xf32>,
    %add3A_1381 = arith.addf %add3A_1376, %get3A_1380 : vector<16xf32>
    %get3A_1382 = arith.constant 13 : i32
    %get3A_1383 = arith.index_cast %get3A_1382 : i32 to index
    %get3A_1384 = arith.constant 256 : index
    %get3A_1385 = tpu.vector_load %arg7[%get3A_1383, %get3A_1384] {strides = array<i32>} : memref<16x640xf32, #tpu.memory_space<vmem>>, vector<16xf32>,
    %add3A_1386 = arith.addf %add3A_1381, %get3A_1385 : vector<16xf32>
    %get3A_1387 = arith.constant 14 : i32
    %get3A_1388 = arith.index_cast %get3A_1387 : i32 to index
    %get3A_1389 = arith.constant 256 : index
    %get3A_1390 = tpu.vector_load %arg7[%get3A_1388, %get3A_1389] {strides = array<i32>} : memref<16x640xf32, #tpu.memory_space<vmem>>, vector<16xf32>,
    %add3A_1391 = arith.addf %add3A_1386, %get3A_1390 : vector<16xf32>
    %get3A_1392 = arith.constant 15 : i32
    %get3A_1393 = arith.index_cast %get3A_1392 : i32 to index
    %get3A_1394 = arith.constant 256 : index
    %get3A_1395 = tpu.vector_load %arg7[%get3A_1393, %get3A_1394] {strides = array<i32>} : memref<16x640xf32, #tpu.memory_space<vmem>>, vector<16xf32>,
    %add3A_1396 = arith.addf %add3A_1391, %get3A_1395 : vector<16xf32>
    %swap3A_1397 = arith.constant 256 : index
    %swap3A_1398 = tpu.vector_load %arg8[%swap3A_1397] {strides = array<i32>} : memref<640xf32, #tpu.memory_space<vmem>>, vector<16xf32>,
    tpu.vector_store %arg8[%swap3A_1397], %add3A_1396 {strides = array<i32>} : memref<640xf32, #tpu.memory_space<vmem>>, vector<16xf32>,
    %get3A_1399 = arith.constant 0 : i32
    %get3A_1400 = arith.index_cast %get3A_1399 : i32 to index
    %get3A_1401 = arith.constant 272 : index
    %get3A_1402 = tpu.vector_load %arg7[%get3A_1400, %get3A_1401] {strides = array<i32>} : memref<16x640xf32, #tpu.memory_space<vmem>>, vector<16xf32>,
    %get3A_1403 = arith.constant 1 : i32
    %get3A_1404 = arith.index_cast %get3A_1403 : i32 to index
    %get3A_1405 = arith.constant 272 : index
    %get3A_1406 = tpu.vector_load %arg7[%get3A_1404, %get3A_1405] {strides = array<i32>} : memref<16x640xf32, #tpu.memory_space<vmem>>, vector<16xf32>,
    %add3A_1407 = arith.addf %get3A_1402, %get3A_1406 : vector<16xf32>
    %get3A_1408 = arith.constant 2 : i32
    %get3A_1409 = arith.index_cast %get3A_1408 : i32 to index
    %get3A_1410 = arith.constant 272 : index
    %get3A_1411 = tpu.vector_load %arg7[%get3A_1409, %get3A_1410] {strides = array<i32>} : memref<16x640xf32, #tpu.memory_space<vmem>>, vector<16xf32>,
    %add3A_1412 = arith.addf %add3A_1407, %get3A_1411 : vector<16xf32>
    %get3A_1413 = arith.constant 3 : i32
    %get3A_1414 = arith.index_cast %get3A_1413 : i32 to index
    %get3A_1415 = arith.constant 272 : index
    %get3A_1416 = tpu.vector_load %arg7[%get3A_1414, %get3A_1415] {strides = array<i32>} : memref<16x640xf32, #tpu.memory_space<vmem>>, vector<16xf32>,
    %add3A_1417 = arith.addf %add3A_1412, %get3A_1416 : vector<16xf32>
    %get3A_1418 = arith.constant 4 : i32
    %get3A_1419 = arith.index_cast %get3A_1418 : i32 to index
    %get3A_1420 = arith.constant 272 : index
    %get3A_1421 = tpu.vector_load %arg7[%get3A_1419, %get3A_1420] {strides = array<i32>} : memref<16x640xf32, #tpu.memory_space<vmem>>, vector<16xf32>,
    %add3A_1422 = arith.addf %add3A_1417, %get3A_1421 : vector<16xf32>
    %get3A_1423 = arith.constant 5 : i32
    %get3A_1424 = arith.index_cast %get3A_1423 : i32 to index
    %get3A_1425 = arith.constant 272 : index
    %get3A_1426 = tpu.vector_load %arg7[%get3A_1424, %get3A_1425] {strides = array<i32>} : memref<16x640xf32, #tpu.memory_space<vmem>>, vector<16xf32>,
    %add3A_1427 = arith.addf %add3A_1422, %get3A_1426 : vector<16xf32>
    %get3A_1428 = arith.constant 6 : i32
    %get3A_1429 = arith.index_cast %get3A_1428 : i32 to index
    %get3A_1430 = arith.constant 272 : index
    %get3A_1431 = tpu.vector_load %arg7[%get3A_1429, %get3A_1430] {strides = array<i32>} : memref<16x640xf32, #tpu.memory_space<vmem>>, vector<16xf32>,
    %add3A_1432 = arith.addf %add3A_1427, %get3A_1431 : vector<16xf32>
    %get3A_1433 = arith.constant 7 : i32
    %get3A_1434 = arith.index_cast %get3A_1433 : i32 to index
    %get3A_1435 = arith.constant 272 : index
    %get3A_1436 = tpu.vector_load %arg7[%get3A_1434, %get3A_1435] {strides = array<i32>} : memref<16x640xf32, #tpu.memory_space<vmem>>, vector<16xf32>,
    %add3A_1437 = arith.addf %add3A_1432, %get3A_1436 : vector<16xf32>
    %get3A_1438 = arith.constant 8 : i32
    %get3A_1439 = arith.index_cast %get3A_1438 : i32 to index
    %get3A_1440 = arith.constant 272 : index
    %get3A_1441 = tpu.vector_load %arg7[%get3A_1439, %get3A_1440] {strides = array<i32>} : memref<16x640xf32, #tpu.memory_space<vmem>>, vector<16xf32>,
    %add3A_1442 = arith.addf %add3A_1437, %get3A_1441 : vector<16xf32>
    %get3A_1443 = arith.constant 9 : i32
    %get3A_1444 = arith.index_cast %get3A_1443 : i32 to index
    %get3A_1445 = arith.constant 272 : index
    %get3A_1446 = tpu.vector_load %arg7[%get3A_1444, %get3A_1445] {strides = array<i32>} : memref<16x640xf32, #tpu.memory_space<vmem>>, vector<16xf32>,
    %add3A_1447 = arith.addf %add3A_1442, %get3A_1446 : vector<16xf32>
    %get3A_1448 = arith.constant 10 : i32
    %get3A_1449 = arith.index_cast %get3A_1448 : i32 to index
    %get3A_1450 = arith.constant 272 : index
    %get3A_1451 = tpu.vector_load %arg7[%get3A_1449, %get3A_1450] {strides = array<i32>} : memref<16x640xf32, #tpu.memory_space<vmem>>, vector<16xf32>,
    %add3A_1452 = arith.addf %add3A_1447, %get3A_1451 : vector<16xf32>
    %get3A_1453 = arith.constant 11 : i32
    %get3A_1454 = arith.index_cast %get3A_1453 : i32 to index
    %get3A_1455 = arith.constant 272 : index
    %get3A_1456 = tpu.vector_load %arg7[%get3A_1454, %get3A_1455] {strides = array<i32>} : memref<16x640xf32, #tpu.memory_space<vmem>>, vector<16xf32>,
    %add3A_1457 = arith.addf %add3A_1452, %get3A_1456 : vector<16xf32>
    %get3A_1458 = arith.constant 12 : i32
    %get3A_1459 = arith.index_cast %get3A_1458 : i32 to index
    %get3A_1460 = arith.constant 272 : index
    %get3A_1461 = tpu.vector_load %arg7[%get3A_1459, %get3A_1460] {strides = array<i32>} : memref<16x640xf32, #tpu.memory_space<vmem>>, vector<16xf32>,
    %add3A_1462 = arith.addf %add3A_1457, %get3A_1461 : vector<16xf32>
    %get3A_1463 = arith.constant 13 : i32
    %get3A_1464 = arith.index_cast %get3A_1463 : i32 to index
    %get3A_1465 = arith.constant 272 : index
    %get3A_1466 = tpu.vector_load %arg7[%get3A_1464, %get3A_1465] {strides = array<i32>} : memref<16x640xf32, #tpu.memory_space<vmem>>, vector<16xf32>,
    %add3A_1467 = arith.addf %add3A_1462, %get3A_1466 : vector<16xf32>
    %get3A_1468 = arith.constant 14 : i32
    %get3A_1469 = arith.index_cast %get3A_1468 : i32 to index
    %get3A_1470 = arith.constant 272 : index
    %get3A_1471 = tpu.vector_load %arg7[%get3A_1469, %get3A_1470] {strides = array<i32>} : memref<16x640xf32, #tpu.memory_space<vmem>>, vector<16xf32>,
    %add3A_1472 = arith.addf %add3A_1467, %get3A_1471 : vector<16xf32>
    %get3A_1473 = arith.constant 15 : i32
    %get3A_1474 = arith.index_cast %get3A_1473 : i32 to index
    %get3A_1475 = arith.constant 272 : index
    %get3A_1476 = tpu.vector_load %arg7[%get3A_1474, %get3A_1475] {strides = array<i32>} : memref<16x640xf32, #tpu.memory_space<vmem>>, vector<16xf32>,
    %add3A_1477 = arith.addf %add3A_1472, %get3A_1476 : vector<16xf32>
    %swap3A_1478 = arith.constant 272 : index
    %swap3A_1479 = tpu.vector_load %arg8[%swap3A_1478] {strides = array<i32>} : memref<640xf32, #tpu.memory_space<vmem>>, vector<16xf32>,
    tpu.vector_store %arg8[%swap3A_1478], %add3A_1477 {strides = array<i32>} : memref<640xf32, #tpu.memory_space<vmem>>, vector<16xf32>,
    %get3A_1480 = arith.constant 0 : i32
    %get3A_1481 = arith.index_cast %get3A_1480 : i32 to index
    %get3A_1482 = arith.constant 288 : index
    %get3A_1483 = tpu.vector_load %arg7[%get3A_1481, %get3A_1482] {strides = array<i32>} : memref<16x640xf32, #tpu.memory_space<vmem>>, vector<16xf32>,
    %get3A_1484 = arith.constant 1 : i32
    %get3A_1485 = arith.index_cast %get3A_1484 : i32 to index
    %get3A_1486 = arith.constant 288 : index
    %get3A_1487 = tpu.vector_load %arg7[%get3A_1485, %get3A_1486] {strides = array<i32>} : memref<16x640xf32, #tpu.memory_space<vmem>>, vector<16xf32>,
    %add3A_1488 = arith.addf %get3A_1483, %get3A_1487 : vector<16xf32>
    %get3A_1489 = arith.constant 2 : i32
    %get3A_1490 = arith.index_cast %get3A_1489 : i32 to index
    %get3A_1491 = arith.constant 288 : index
    %get3A_1492 = tpu.vector_load %arg7[%get3A_1490, %get3A_1491] {strides = array<i32>} : memref<16x640xf32, #tpu.memory_space<vmem>>, vector<16xf32>,
    %add3A_1493 = arith.addf %add3A_1488, %get3A_1492 : vector<16xf32>
    %get3A_1494 = arith.constant 3 : i32
    %get3A_1495 = arith.index_cast %get3A_1494 : i32 to index
    %get3A_1496 = arith.constant 288 : index
    %get3A_1497 = tpu.vector_load %arg7[%get3A_1495, %get3A_1496] {strides = array<i32>} : memref<16x640xf32, #tpu.memory_space<vmem>>, vector<16xf32>,
    %add3A_1498 = arith.addf %add3A_1493, %get3A_1497 : vector<16xf32>
    %get3A_1499 = arith.constant 4 : i32
    %get3A_1500 = arith.index_cast %get3A_1499 : i32 to index
    %get3A_1501 = arith.constant 288 : index
    %get3A_1502 = tpu.vector_load %arg7[%get3A_1500, %get3A_1501] {strides = array<i32>} : memref<16x640xf32, #tpu.memory_space<vmem>>, vector<16xf32>,
    %add3A_1503 = arith.addf %add3A_1498, %get3A_1502 : vector<16xf32>
    %get3A_1504 = arith.constant 5 : i32
    %get3A_1505 = arith.index_cast %get3A_1504 : i32 to index
    %get3A_1506 = arith.constant 288 : index
    %get3A_1507 = tpu.vector_load %arg7[%get3A_1505, %get3A_1506] {strides = array<i32>} : memref<16x640xf32, #tpu.memory_space<vmem>>, vector<16xf32>,
    %add3A_1508 = arith.addf %add3A_1503, %get3A_1507 : vector<16xf32>
    %get3A_1509 = arith.constant 6 : i32
    %get3A_1510 = arith.index_cast %get3A_1509 : i32 to index
    %get3A_1511 = arith.constant 288 : index
    %get3A_1512 = tpu.vector_load %arg7[%get3A_1510, %get3A_1511] {strides = array<i32>} : memref<16x640xf32, #tpu.memory_space<vmem>>, vector<16xf32>,
    %add3A_1513 = arith.addf %add3A_1508, %get3A_1512 : vector<16xf32>
    %get3A_1514 = arith.constant 7 : i32
    %get3A_1515 = arith.index_cast %get3A_1514 : i32 to index
    %get3A_1516 = arith.constant 288 : index
    %get3A_1517 = tpu.vector_load %arg7[%get3A_1515, %get3A_1516] {strides = array<i32>} : memref<16x640xf32, #tpu.memory_space<vmem>>, vector<16xf32>,
    %add3A_1518 = arith.addf %add3A_1513, %get3A_1517 : vector<16xf32>
    %get3A_1519 = arith.constant 8 : i32
    %get3A_1520 = arith.index_cast %get3A_1519 : i32 to index
    %get3A_1521 = arith.constant 288 : index
    %get3A_1522 = tpu.vector_load %arg7[%get3A_1520, %get3A_1521] {strides = array<i32>} : memref<16x640xf32, #tpu.memory_space<vmem>>, vector<16xf32>,
    %add3A_1523 = arith.addf %add3A_1518, %get3A_1522 : vector<16xf32>
    %get3A_1524 = arith.constant 9 : i32
    %get3A_1525 = arith.index_cast %get3A_1524 : i32 to index
    %get3A_1526 = arith.constant 288 : index
    %get3A_1527 = tpu.vector_load %arg7[%get3A_1525, %get3A_1526] {strides = array<i32>} : memref<16x640xf32, #tpu.memory_space<vmem>>, vector<16xf32>,
    %add3A_1528 = arith.addf %add3A_1523, %get3A_1527 : vector<16xf32>
    %get3A_1529 = arith.constant 10 : i32
    %get3A_1530 = arith.index_cast %get3A_1529 : i32 to index
    %get3A_1531 = arith.constant 288 : index
    %get3A_1532 = tpu.vector_load %arg7[%get3A_1530, %get3A_1531] {strides = array<i32>} : memref<16x640xf32, #tpu.memory_space<vmem>>, vector<16xf32>,
    %add3A_1533 = arith.addf %add3A_1528, %get3A_1532 : vector<16xf32>
    %get3A_1534 = arith.constant 11 : i32
    %get3A_1535 = arith.index_cast %get3A_1534 : i32 to index
    %get3A_1536 = arith.constant 288 : index
    %get3A_1537 = tpu.vector_load %arg7[%get3A_1535, %get3A_1536] {strides = array<i32>} : memref<16x640xf32, #tpu.memory_space<vmem>>, vector<16xf32>,
    %add3A_1538 = arith.addf %add3A_1533, %get3A_1537 : vector<16xf32>
    %get3A_1539 = arith.constant 12 : i32
    %get3A_1540 = arith.index_cast %get3A_1539 : i32 to index
    %get3A_1541 = arith.constant 288 : index
    %get3A_1542 = tpu.vector_load %arg7[%get3A_1540, %get3A_1541] {strides = array<i32>} : memref<16x640xf32, #tpu.memory_space<vmem>>, vector<16xf32>,
    %add3A_1543 = arith.addf %add3A_1538, %get3A_1542 : vector<16xf32>
    %get3A_1544 = arith.constant 13 : i32
    %get3A_1545 = arith.index_cast %get3A_1544 : i32 to index
    %get3A_1546 = arith.constant 288 : index
    %get3A_1547 = tpu.vector_load %arg7[%get3A_1545, %get3A_1546] {strides = array<i32>} : memref<16x640xf32, #tpu.memory_space<vmem>>, vector<16xf32>,
    %add3A_1548 = arith.addf %add3A_1543, %get3A_1547 : vector<16xf32>
    %get3A_1549 = arith.constant 14 : i32
    %get3A_1550 = arith.index_cast %get3A_1549 : i32 to index
    %get3A_1551 = arith.constant 288 : index
    %get3A_1552 = tpu.vector_load %arg7[%get3A_1550, %get3A_1551] {strides = array<i32>} : memref<16x640xf32, #tpu.memory_space<vmem>>, vector<16xf32>,
    %add3A_1553 = arith.addf %add3A_1548, %get3A_1552 : vector<16xf32>
    %get3A_1554 = arith.constant 15 : i32
    %get3A_1555 = arith.index_cast %get3A_1554 : i32 to index
    %get3A_1556 = arith.constant 288 : index
    %get3A_1557 = tpu.vector_load %arg7[%get3A_1555, %get3A_1556] {strides = array<i32>} : memref<16x640xf32, #tpu.memory_space<vmem>>, vector<16xf32>,
    %add3A_1558 = arith.addf %add3A_1553, %get3A_1557 : vector<16xf32>
    %swap3A_1559 = arith.constant 288 : index
    %swap3A_1560 = tpu.vector_load %arg8[%swap3A_1559] {strides = array<i32>} : memref<640xf32, #tpu.memory_space<vmem>>, vector<16xf32>,
    tpu.vector_store %arg8[%swap3A_1559], %add3A_1558 {strides = array<i32>} : memref<640xf32, #tpu.memory_space<vmem>>, vector<16xf32>,
    %get3A_1561 = arith.constant 0 : i32
    %get3A_1562 = arith.index_cast %get3A_1561 : i32 to index
    %get3A_1563 = arith.constant 304 : index
    %get3A_1564 = tpu.vector_load %arg7[%get3A_1562, %get3A_1563] {strides = array<i32>} : memref<16x640xf32, #tpu.memory_space<vmem>>, vector<16xf32>,
    %get3A_1565 = arith.constant 1 : i32
    %get3A_1566 = arith.index_cast %get3A_1565 : i32 to index
    %get3A_1567 = arith.constant 304 : index
    %get3A_1568 = tpu.vector_load %arg7[%get3A_1566, %get3A_1567] {strides = array<i32>} : memref<16x640xf32, #tpu.memory_space<vmem>>, vector<16xf32>,
    %add3A_1569 = arith.addf %get3A_1564, %get3A_1568 : vector<16xf32>
    %get3A_1570 = arith.constant 2 : i32
    %get3A_1571 = arith.index_cast %get3A_1570 : i32 to index
    %get3A_1572 = arith.constant 304 : index
    %get3A_1573 = tpu.vector_load %arg7[%get3A_1571, %get3A_1572] {strides = array<i32>} : memref<16x640xf32, #tpu.memory_space<vmem>>, vector<16xf32>,
    %add3A_1574 = arith.addf %add3A_1569, %get3A_1573 : vector<16xf32>
    %get3A_1575 = arith.constant 3 : i32
    %get3A_1576 = arith.index_cast %get3A_1575 : i32 to index
    %get3A_1577 = arith.constant 304 : index
    %get3A_1578 = tpu.vector_load %arg7[%get3A_1576, %get3A_1577] {strides = array<i32>} : memref<16x640xf32, #tpu.memory_space<vmem>>, vector<16xf32>,
    %add3A_1579 = arith.addf %add3A_1574, %get3A_1578 : vector<16xf32>
    %get3A_1580 = arith.constant 4 : i32
    %get3A_1581 = arith.index_cast %get3A_1580 : i32 to index
    %get3A_1582 = arith.constant 304 : index
    %get3A_1583 = tpu.vector_load %arg7[%get3A_1581, %get3A_1582] {strides = array<i32>} : memref<16x640xf32, #tpu.memory_space<vmem>>, vector<16xf32>,
    %add3A_1584 = arith.addf %add3A_1579, %get3A_1583 : vector<16xf32>
    %get3A_1585 = arith.constant 5 : i32
    %get3A_1586 = arith.index_cast %get3A_1585 : i32 to index
    %get3A_1587 = arith.constant 304 : index
    %get3A_1588 = tpu.vector_load %arg7[%get3A_1586, %get3A_1587] {strides = array<i32>} : memref<16x640xf32, #tpu.memory_space<vmem>>, vector<16xf32>,
    %add3A_1589 = arith.addf %add3A_1584, %get3A_1588 : vector<16xf32>
    %get3A_1590 = arith.constant 6 : i32
    %get3A_1591 = arith.index_cast %get3A_1590 : i32 to index
    %get3A_1592 = arith.constant 304 : index
    %get3A_1593 = tpu.vector_load %arg7[%get3A_1591, %get3A_1592] {strides = array<i32>} : memref<16x640xf32, #tpu.memory_space<vmem>>, vector<16xf32>,
    %add3A_1594 = arith.addf %add3A_1589, %get3A_1593 : vector<16xf32>
    %get3A_1595 = arith.constant 7 : i32
    %get3A_1596 = arith.index_cast %get3A_1595 : i32 to index
    %get3A_1597 = arith.constant 304 : index
    %get3A_1598 = tpu.vector_load %arg7[%get3A_1596, %get3A_1597] {strides = array<i32>} : memref<16x640xf32, #tpu.memory_space<vmem>>, vector<16xf32>,
    %add3A_1599 = arith.addf %add3A_1594, %get3A_1598 : vector<16xf32>
    %get3A_1600 = arith.constant 8 : i32
    %get3A_1601 = arith.index_cast %get3A_1600 : i32 to index
    %get3A_1602 = arith.constant 304 : index
    %get3A_1603 = tpu.vector_load %arg7[%get3A_1601, %get3A_1602] {strides = array<i32>} : memref<16x640xf32, #tpu.memory_space<vmem>>, vector<16xf32>,
    %add3A_1604 = arith.addf %add3A_1599, %get3A_1603 : vector<16xf32>
    %get3A_1605 = arith.constant 9 : i32
    %get3A_1606 = arith.index_cast %get3A_1605 : i32 to index
    %get3A_1607 = arith.constant 304 : index
    %get3A_1608 = tpu.vector_load %arg7[%get3A_1606, %get3A_1607] {strides = array<i32>} : memref<16x640xf32, #tpu.memory_space<vmem>>, vector<16xf32>,
    %add3A_1609 = arith.addf %add3A_1604, %get3A_1608 : vector<16xf32>
    %get3A_1610 = arith.constant 10 : i32
    %get3A_1611 = arith.index_cast %get3A_1610 : i32 to index
    %get3A_1612 = arith.constant 304 : index
    %get3A_1613 = tpu.vector_load %arg7[%get3A_1611, %get3A_1612] {strides = array<i32>} : memref<16x640xf32, #tpu.memory_space<vmem>>, vector<16xf32>,
    %add3A_1614 = arith.addf %add3A_1609, %get3A_1613 : vector<16xf32>
    %get3A_1615 = arith.constant 11 : i32
    %get3A_1616 = arith.index_cast %get3A_1615 : i32 to index
    %get3A_1617 = arith.constant 304 : index
    %get3A_1618 = tpu.vector_load %arg7[%get3A_1616, %get3A_1617] {strides = array<i32>} : memref<16x640xf32, #tpu.memory_space<vmem>>, vector<16xf32>,
    %add3A_1619 = arith.addf %add3A_1614, %get3A_1618 : vector<16xf32>
    %get3A_1620 = arith.constant 12 : i32
    %get3A_1621 = arith.index_cast %get3A_1620 : i32 to index
    %get3A_1622 = arith.constant 304 : index
    %get3A_1623 = tpu.vector_load %arg7[%get3A_1621, %get3A_1622] {strides = array<i32>} : memref<16x640xf32, #tpu.memory_space<vmem>>, vector<16xf32>,
    %add3A_1624 = arith.addf %add3A_1619, %get3A_1623 : vector<16xf32>
    %get3A_1625 = arith.constant 13 : i32
    %get3A_1626 = arith.index_cast %get3A_1625 : i32 to index
    %get3A_1627 = arith.constant 304 : index
    %get3A_1628 = tpu.vector_load %arg7[%get3A_1626, %get3A_1627] {strides = array<i32>} : memref<16x640xf32, #tpu.memory_space<vmem>>, vector<16xf32>,
    %add3A_1629 = arith.addf %add3A_1624, %get3A_1628 : vector<16xf32>
    %get3A_1630 = arith.constant 14 : i32
    %get3A_1631 = arith.index_cast %get3A_1630 : i32 to index
    %get3A_1632 = arith.constant 304 : index
    %get3A_1633 = tpu.vector_load %arg7[%get3A_1631, %get3A_1632] {strides = array<i32>} : memref<16x640xf32, #tpu.memory_space<vmem>>, vector<16xf32>,
    %add3A_1634 = arith.addf %add3A_1629, %get3A_1633 : vector<16xf32>
    %get3A_1635 = arith.constant 15 : i32
    %get3A_1636 = arith.index_cast %get3A_1635 : i32 to index
    %get3A_1637 = arith.constant 304 : index
    %get3A_1638 = tpu.vector_load %arg7[%get3A_1636, %get3A_1637] {strides = array<i32>} : memref<16x640xf32, #tpu.memory_space<vmem>>, vector<16xf32>,
    %add3A_1639 = arith.addf %add3A_1634, %get3A_1638 : vector<16xf32>
    %swap3A_1640 = arith.constant 304 : index
    %swap3A_1641 = tpu.vector_load %arg8[%swap3A_1640] {strides = array<i32>} : memref<640xf32, #tpu.memory_space<vmem>>, vector<16xf32>,
    tpu.vector_store %arg8[%swap3A_1640], %add3A_1639 {strides = array<i32>} : memref<640xf32, #tpu.memory_space<vmem>>, vector<16xf32>,
    %get3A_1642 = arith.constant 0 : i32
    %get3A_1643 = arith.index_cast %get3A_1642 : i32 to index
    %get3A_1644 = arith.constant 320 : index
    %get3A_1645 = tpu.vector_load %arg7[%get3A_1643, %get3A_1644] {strides = array<i32>} : memref<16x640xf32, #tpu.memory_space<vmem>>, vector<16xf32>,
    %get3A_1646 = arith.constant 1 : i32
    %get3A_1647 = arith.index_cast %get3A_1646 : i32 to index
    %get3A_1648 = arith.constant 320 : index
    %get3A_1649 = tpu.vector_load %arg7[%get3A_1647, %get3A_1648] {strides = array<i32>} : memref<16x640xf32, #tpu.memory_space<vmem>>, vector<16xf32>,
    %add3A_1650 = arith.addf %get3A_1645, %get3A_1649 : vector<16xf32>
    %get3A_1651 = arith.constant 2 : i32
    %get3A_1652 = arith.index_cast %get3A_1651 : i32 to index
    %get3A_1653 = arith.constant 320 : index
    %get3A_1654 = tpu.vector_load %arg7[%get3A_1652, %get3A_1653] {strides = array<i32>} : memref<16x640xf32, #tpu.memory_space<vmem>>, vector<16xf32>,
    %add3A_1655 = arith.addf %add3A_1650, %get3A_1654 : vector<16xf32>
    %get3A_1656 = arith.constant 3 : i32
    %get3A_1657 = arith.index_cast %get3A_1656 : i32 to index
    %get3A_1658 = arith.constant 320 : index
    %get3A_1659 = tpu.vector_load %arg7[%get3A_1657, %get3A_1658] {strides = array<i32>} : memref<16x640xf32, #tpu.memory_space<vmem>>, vector<16xf32>,
    %add3A_1660 = arith.addf %add3A_1655, %get3A_1659 : vector<16xf32>
    %get3A_1661 = arith.constant 4 : i32
    %get3A_1662 = arith.index_cast %get3A_1661 : i32 to index
    %get3A_1663 = arith.constant 320 : index
    %get3A_1664 = tpu.vector_load %arg7[%get3A_1662, %get3A_1663] {strides = array<i32>} : memref<16x640xf32, #tpu.memory_space<vmem>>, vector<16xf32>,
    %add3A_1665 = arith.addf %add3A_1660, %get3A_1664 : vector<16xf32>
    %get3A_1666 = arith.constant 5 : i32
    %get3A_1667 = arith.index_cast %get3A_1666 : i32 to index
    %get3A_1668 = arith.constant 320 : index
    %get3A_1669 = tpu.vector_load %arg7[%get3A_1667, %get3A_1668] {strides = array<i32>} : memref<16x640xf32, #tpu.memory_space<vmem>>, vector<16xf32>,
    %add3A_1670 = arith.addf %add3A_1665, %get3A_1669 : vector<16xf32>
    %get3A_1671 = arith.constant 6 : i32
    %get3A_1672 = arith.index_cast %get3A_1671 : i32 to index
    %get3A_1673 = arith.constant 320 : index
    %get3A_1674 = tpu.vector_load %arg7[%get3A_1672, %get3A_1673] {strides = array<i32>} : memref<16x640xf32, #tpu.memory_space<vmem>>, vector<16xf32>,
    %add3A_1675 = arith.addf %add3A_1670, %get3A_1674 : vector<16xf32>
    %get3A_1676 = arith.constant 7 : i32
    %get3A_1677 = arith.index_cast %get3A_1676 : i32 to index
    %get3A_1678 = arith.constant 320 : index
    %get3A_1679 = tpu.vector_load %arg7[%get3A_1677, %get3A_1678] {strides = array<i32>} : memref<16x640xf32, #tpu.memory_space<vmem>>, vector<16xf32>,
    %add3A_1680 = arith.addf %add3A_1675, %get3A_1679 : vector<16xf32>
    %get3A_1681 = arith.constant 8 : i32
    %get3A_1682 = arith.index_cast %get3A_1681 : i32 to index
    %get3A_1683 = arith.constant 320 : index
    %get3A_1684 = tpu.vector_load %arg7[%get3A_1682, %get3A_1683] {strides = array<i32>} : memref<16x640xf32, #tpu.memory_space<vmem>>, vector<16xf32>,
    %add3A_1685 = arith.addf %add3A_1680, %get3A_1684 : vector<16xf32>
    %get3A_1686 = arith.constant 9 : i32
    %get3A_1687 = arith.index_cast %get3A_1686 : i32 to index
    %get3A_1688 = arith.constant 320 : index
    %get3A_1689 = tpu.vector_load %arg7[%get3A_1687, %get3A_1688] {strides = array<i32>} : memref<16x640xf32, #tpu.memory_space<vmem>>, vector<16xf32>,
    %add3A_1690 = arith.addf %add3A_1685, %get3A_1689 : vector<16xf32>
    %get3A_1691 = arith.constant 10 : i32
    %get3A_1692 = arith.index_cast %get3A_1691 : i32 to index
    %get3A_1693 = arith.constant 320 : index
    %get3A_1694 = tpu.vector_load %arg7[%get3A_1692, %get3A_1693] {strides = array<i32>} : memref<16x640xf32, #tpu.memory_space<vmem>>, vector<16xf32>,
    %add3A_1695 = arith.addf %add3A_1690, %get3A_1694 : vector<16xf32>
    %get3A_1696 = arith.constant 11 : i32
    %get3A_1697 = arith.index_cast %get3A_1696 : i32 to index
    %get3A_1698 = arith.constant 320 : index
    %get3A_1699 = tpu.vector_load %arg7[%get3A_1697, %get3A_1698] {strides = array<i32>} : memref<16x640xf32, #tpu.memory_space<vmem>>, vector<16xf32>,
    %add3A_1700 = arith.addf %add3A_1695, %get3A_1699 : vector<16xf32>
    %get3A_1701 = arith.constant 12 : i32
    %get3A_1702 = arith.index_cast %get3A_1701 : i32 to index
    %get3A_1703 = arith.constant 320 : index
    %get3A_1704 = tpu.vector_load %arg7[%get3A_1702, %get3A_1703] {strides = array<i32>} : memref<16x640xf32, #tpu.memory_space<vmem>>, vector<16xf32>,
    %add3A_1705 = arith.addf %add3A_1700, %get3A_1704 : vector<16xf32>
    %get3A_1706 = arith.constant 13 : i32
    %get3A_1707 = arith.index_cast %get3A_1706 : i32 to index
    %get3A_1708 = arith.constant 320 : index
    %get3A_1709 = tpu.vector_load %arg7[%get3A_1707, %get3A_1708] {strides = array<i32>} : memref<16x640xf32, #tpu.memory_space<vmem>>, vector<16xf32>,
    %add3A_1710 = arith.addf %add3A_1705, %get3A_1709 : vector<16xf32>
    %get3A_1711 = arith.constant 14 : i32
    %get3A_1712 = arith.index_cast %get3A_1711 : i32 to index
    %get3A_1713 = arith.constant 320 : index
    %get3A_1714 = tpu.vector_load %arg7[%get3A_1712, %get3A_1713] {strides = array<i32>} : memref<16x640xf32, #tpu.memory_space<vmem>>, vector<16xf32>,
    %add3A_1715 = arith.addf %add3A_1710, %get3A_1714 : vector<16xf32>
    %get3A_1716 = arith.constant 15 : i32
    %get3A_1717 = arith.index_cast %get3A_1716 : i32 to index
    %get3A_1718 = arith.constant 320 : index
    %get3A_1719 = tpu.vector_load %arg7[%get3A_1717, %get3A_1718] {strides = array<i32>} : memref<16x640xf32, #tpu.memory_space<vmem>>, vector<16xf32>,
    %add3A_1720 = arith.addf %add3A_1715, %get3A_1719 : vector<16xf32>
    %swap3A_1721 = arith.constant 320 : index
    %swap3A_1722 = tpu.vector_load %arg8[%swap3A_1721] {strides = array<i32>} : memref<640xf32, #tpu.memory_space<vmem>>, vector<16xf32>,
    tpu.vector_store %arg8[%swap3A_1721], %add3A_1720 {strides = array<i32>} : memref<640xf32, #tpu.memory_space<vmem>>, vector<16xf32>,
    %get3A_1723 = arith.constant 0 : i32
    %get3A_1724 = arith.index_cast %get3A_1723 : i32 to index
    %get3A_1725 = arith.constant 336 : index
    %get3A_1726 = tpu.vector_load %arg7[%get3A_1724, %get3A_1725] {strides = array<i32>} : memref<16x640xf32, #tpu.memory_space<vmem>>, vector<16xf32>,
    %get3A_1727 = arith.constant 1 : i32
    %get3A_1728 = arith.index_cast %get3A_1727 : i32 to index
    %get3A_1729 = arith.constant 336 : index
    %get3A_1730 = tpu.vector_load %arg7[%get3A_1728, %get3A_1729] {strides = array<i32>} : memref<16x640xf32, #tpu.memory_space<vmem>>, vector<16xf32>,
    %add3A_1731 = arith.addf %get3A_1726, %get3A_1730 : vector<16xf32>
    %get3A_1732 = arith.constant 2 : i32
    %get3A_1733 = arith.index_cast %get3A_1732 : i32 to index
    %get3A_1734 = arith.constant 336 : index
    %get3A_1735 = tpu.vector_load %arg7[%get3A_1733, %get3A_1734] {strides = array<i32>} : memref<16x640xf32, #tpu.memory_space<vmem>>, vector<16xf32>,
    %add3A_1736 = arith.addf %add3A_1731, %get3A_1735 : vector<16xf32>
    %get3A_1737 = arith.constant 3 : i32
    %get3A_1738 = arith.index_cast %get3A_1737 : i32 to index
    %get3A_1739 = arith.constant 336 : index
    %get3A_1740 = tpu.vector_load %arg7[%get3A_1738, %get3A_1739] {strides = array<i32>} : memref<16x640xf32, #tpu.memory_space<vmem>>, vector<16xf32>,
    %add3A_1741 = arith.addf %add3A_1736, %get3A_1740 : vector<16xf32>
    %get3A_1742 = arith.constant 4 : i32
    %get3A_1743 = arith.index_cast %get3A_1742 : i32 to index
    %get3A_1744 = arith.constant 336 : index
    %get3A_1745 = tpu.vector_load %arg7[%get3A_1743, %get3A_1744] {strides = array<i32>} : memref<16x640xf32, #tpu.memory_space<vmem>>, vector<16xf32>,
    %add3A_1746 = arith.addf %add3A_1741, %get3A_1745 : vector<16xf32>
    %get3A_1747 = arith.constant 5 : i32
    %get3A_1748 = arith.index_cast %get3A_1747 : i32 to index
    %get3A_1749 = arith.constant 336 : index
    %get3A_1750 = tpu.vector_load %arg7[%get3A_1748, %get3A_1749] {strides = array<i32>} : memref<16x640xf32, #tpu.memory_space<vmem>>, vector<16xf32>,
    %add3A_1751 = arith.addf %add3A_1746, %get3A_1750 : vector<16xf32>
    %get3A_1752 = arith.constant 6 : i32
    %get3A_1753 = arith.index_cast %get3A_1752 : i32 to index
    %get3A_1754 = arith.constant 336 : index
    %get3A_1755 = tpu.vector_load %arg7[%get3A_1753, %get3A_1754] {strides = array<i32>} : memref<16x640xf32, #tpu.memory_space<vmem>>, vector<16xf32>,
    %add3A_1756 = arith.addf %add3A_1751, %get3A_1755 : vector<16xf32>
    %get3A_1757 = arith.constant 7 : i32
    %get3A_1758 = arith.index_cast %get3A_1757 : i32 to index
    %get3A_1759 = arith.constant 336 : index
    %get3A_1760 = tpu.vector_load %arg7[%get3A_1758, %get3A_1759] {strides = array<i32>} : memref<16x640xf32, #tpu.memory_space<vmem>>, vector<16xf32>,
    %add3A_1761 = arith.addf %add3A_1756, %get3A_1760 : vector<16xf32>
    %get3A_1762 = arith.constant 8 : i32
    %get3A_1763 = arith.index_cast %get3A_1762 : i32 to index
    %get3A_1764 = arith.constant 336 : index
    %get3A_1765 = tpu.vector_load %arg7[%get3A_1763, %get3A_1764] {strides = array<i32>} : memref<16x640xf32, #tpu.memory_space<vmem>>, vector<16xf32>,
    %add3A_1766 = arith.addf %add3A_1761, %get3A_1765 : vector<16xf32>
    %get3A_1767 = arith.constant 9 : i32
    %get3A_1768 = arith.index_cast %get3A_1767 : i32 to index
    %get3A_1769 = arith.constant 336 : index
    %get3A_1770 = tpu.vector_load %arg7[%get3A_1768, %get3A_1769] {strides = array<i32>} : memref<16x640xf32, #tpu.memory_space<vmem>>, vector<16xf32>,
    %add3A_1771 = arith.addf %add3A_1766, %get3A_1770 : vector<16xf32>
    %get3A_1772 = arith.constant 10 : i32
    %get3A_1773 = arith.index_cast %get3A_1772 : i32 to index
    %get3A_1774 = arith.constant 336 : index
    %get3A_1775 = tpu.vector_load %arg7[%get3A_1773, %get3A_1774] {strides = array<i32>} : memref<16x640xf32, #tpu.memory_space<vmem>>, vector<16xf32>,
    %add3A_1776 = arith.addf %add3A_1771, %get3A_1775 : vector<16xf32>
    %get3A_1777 = arith.constant 11 : i32
    %get3A_1778 = arith.index_cast %get3A_1777 : i32 to index
    %get3A_1779 = arith.constant 336 : index
    %get3A_1780 = tpu.vector_load %arg7[%get3A_1778, %get3A_1779] {strides = array<i32>} : memref<16x640xf32, #tpu.memory_space<vmem>>, vector<16xf32>,
    %add3A_1781 = arith.addf %add3A_1776, %get3A_1780 : vector<16xf32>
    %get3A_1782 = arith.constant 12 : i32
    %get3A_1783 = arith.index_cast %get3A_1782 : i32 to index
    %get3A_1784 = arith.constant 336 : index
    %get3A_1785 = tpu.vector_load %arg7[%get3A_1783, %get3A_1784] {strides = array<i32>} : memref<16x640xf32, #tpu.memory_space<vmem>>, vector<16xf32>,
    %add3A_1786 = arith.addf %add3A_1781, %get3A_1785 : vector<16xf32>
    %get3A_1787 = arith.constant 13 : i32
    %get3A_1788 = arith.index_cast %get3A_1787 : i32 to index
    %get3A_1789 = arith.constant 336 : index
    %get3A_1790 = tpu.vector_load %arg7[%get3A_1788, %get3A_1789] {strides = array<i32>} : memref<16x640xf32, #tpu.memory_space<vmem>>, vector<16xf32>,
    %add3A_1791 = arith.addf %add3A_1786, %get3A_1790 : vector<16xf32>
    %get3A_1792 = arith.constant 14 : i32
    %get3A_1793 = arith.index_cast %get3A_1792 : i32 to index
    %get3A_1794 = arith.constant 336 : index
    %get3A_1795 = tpu.vector_load %arg7[%get3A_1793, %get3A_1794] {strides = array<i32>} : memref<16x640xf32, #tpu.memory_space<vmem>>, vector<16xf32>,
    %add3A_1796 = arith.addf %add3A_1791, %get3A_1795 : vector<16xf32>
    %get3A_1797 = arith.constant 15 : i32
    %get3A_1798 = arith.index_cast %get3A_1797 : i32 to index
    %get3A_1799 = arith.constant 336 : index
    %get3A_1800 = tpu.vector_load %arg7[%get3A_1798, %get3A_1799] {strides = array<i32>} : memref<16x640xf32, #tpu.memory_space<vmem>>, vector<16xf32>,
    %add3A_1801 = arith.addf %add3A_1796, %get3A_1800 : vector<16xf32>
    %swap3A_1802 = arith.constant 336 : index
    %swap3A_1803 = tpu.vector_load %arg8[%swap3A_1802] {strides = array<i32>} : memref<640xf32, #tpu.memory_space<vmem>>, vector<16xf32>,
    tpu.vector_store %arg8[%swap3A_1802], %add3A_1801 {strides = array<i32>} : memref<640xf32, #tpu.memory_space<vmem>>, vector<16xf32>,
    %get3A_1804 = arith.constant 0 : i32
    %get3A_1805 = arith.index_cast %get3A_1804 : i32 to index
    %get3A_1806 = arith.constant 352 : index
    %get3A_1807 = tpu.vector_load %arg7[%get3A_1805, %get3A_1806] {strides = array<i32>} : memref<16x640xf32, #tpu.memory_space<vmem>>, vector<16xf32>,
    %get3A_1808 = arith.constant 1 : i32
    %get3A_1809 = arith.index_cast %get3A_1808 : i32 to index
    %get3A_1810 = arith.constant 352 : index
    %get3A_1811 = tpu.vector_load %arg7[%get3A_1809, %get3A_1810] {strides = array<i32>} : memref<16x640xf32, #tpu.memory_space<vmem>>, vector<16xf32>,
    %add3A_1812 = arith.addf %get3A_1807, %get3A_1811 : vector<16xf32>
    %get3A_1813 = arith.constant 2 : i32
    %get3A_1814 = arith.index_cast %get3A_1813 : i32 to index
    %get3A_1815 = arith.constant 352 : index
    %get3A_1816 = tpu.vector_load %arg7[%get3A_1814, %get3A_1815] {strides = array<i32>} : memref<16x640xf32, #tpu.memory_space<vmem>>, vector<16xf32>,
    %add3A_1817 = arith.addf %add3A_1812, %get3A_1816 : vector<16xf32>
    %get3A_1818 = arith.constant 3 : i32
    %get3A_1819 = arith.index_cast %get3A_1818 : i32 to index
    %get3A_1820 = arith.constant 352 : index
    %get3A_1821 = tpu.vector_load %arg7[%get3A_1819, %get3A_1820] {strides = array<i32>} : memref<16x640xf32, #tpu.memory_space<vmem>>, vector<16xf32>,
    %add3A_1822 = arith.addf %add3A_1817, %get3A_1821 : vector<16xf32>
    %get3A_1823 = arith.constant 4 : i32
    %get3A_1824 = arith.index_cast %get3A_1823 : i32 to index
    %get3A_1825 = arith.constant 352 : index
    %get3A_1826 = tpu.vector_load %arg7[%get3A_1824, %get3A_1825] {strides = array<i32>} : memref<16x640xf32, #tpu.memory_space<vmem>>, vector<16xf32>,
    %add3A_1827 = arith.addf %add3A_1822, %get3A_1826 : vector<16xf32>
    %get3A_1828 = arith.constant 5 : i32
    %get3A_1829 = arith.index_cast %get3A_1828 : i32 to index
    %get3A_1830 = arith.constant 352 : index
    %get3A_1831 = tpu.vector_load %arg7[%get3A_1829, %get3A_1830] {strides = array<i32>} : memref<16x640xf32, #tpu.memory_space<vmem>>, vector<16xf32>,
    %add3A_1832 = arith.addf %add3A_1827, %get3A_1831 : vector<16xf32>
    %get3A_1833 = arith.constant 6 : i32
    %get3A_1834 = arith.index_cast %get3A_1833 : i32 to index
    %get3A_1835 = arith.constant 352 : index
    %get3A_1836 = tpu.vector_load %arg7[%get3A_1834, %get3A_1835] {strides = array<i32>} : memref<16x640xf32, #tpu.memory_space<vmem>>, vector<16xf32>,
    %add3A_1837 = arith.addf %add3A_1832, %get3A_1836 : vector<16xf32>
    %get3A_1838 = arith.constant 7 : i32
    %get3A_1839 = arith.index_cast %get3A_1838 : i32 to index
    %get3A_1840 = arith.constant 352 : index
    %get3A_1841 = tpu.vector_load %arg7[%get3A_1839, %get3A_1840] {strides = array<i32>} : memref<16x640xf32, #tpu.memory_space<vmem>>, vector<16xf32>,
    %add3A_1842 = arith.addf %add3A_1837, %get3A_1841 : vector<16xf32>
    %get3A_1843 = arith.constant 8 : i32
    %get3A_1844 = arith.index_cast %get3A_1843 : i32 to index
    %get3A_1845 = arith.constant 352 : index
    %get3A_1846 = tpu.vector_load %arg7[%get3A_1844, %get3A_1845] {strides = array<i32>} : memref<16x640xf32, #tpu.memory_space<vmem>>, vector<16xf32>,
    %add3A_1847 = arith.addf %add3A_1842, %get3A_1846 : vector<16xf32>
    %get3A_1848 = arith.constant 9 : i32
    %get3A_1849 = arith.index_cast %get3A_1848 : i32 to index
    %get3A_1850 = arith.constant 352 : index
    %get3A_1851 = tpu.vector_load %arg7[%get3A_1849, %get3A_1850] {strides = array<i32>} : memref<16x640xf32, #tpu.memory_space<vmem>>, vector<16xf32>,
    %add3A_1852 = arith.addf %add3A_1847, %get3A_1851 : vector<16xf32>
    %get3A_1853 = arith.constant 10 : i32
    %get3A_1854 = arith.index_cast %get3A_1853 : i32 to index
    %get3A_1855 = arith.constant 352 : index
    %get3A_1856 = tpu.vector_load %arg7[%get3A_1854, %get3A_1855] {strides = array<i32>} : memref<16x640xf32, #tpu.memory_space<vmem>>, vector<16xf32>,
    %add3A_1857 = arith.addf %add3A_1852, %get3A_1856 : vector<16xf32>
    %get3A_1858 = arith.constant 11 : i32
    %get3A_1859 = arith.index_cast %get3A_1858 : i32 to index
    %get3A_1860 = arith.constant 352 : index
    %get3A_1861 = tpu.vector_load %arg7[%get3A_1859, %get3A_1860] {strides = array<i32>} : memref<16x640xf32, #tpu.memory_space<vmem>>, vector<16xf32>,
    %add3A_1862 = arith.addf %add3A_1857, %get3A_1861 : vector<16xf32>
    %get3A_1863 = arith.constant 12 : i32
    %get3A_1864 = arith.index_cast %get3A_1863 : i32 to index
    %get3A_1865 = arith.constant 352 : index
    %get3A_1866 = tpu.vector_load %arg7[%get3A_1864, %get3A_1865] {strides = array<i32>} : memref<16x640xf32, #tpu.memory_space<vmem>>, vector<16xf32>,
    %add3A_1867 = arith.addf %add3A_1862, %get3A_1866 : vector<16xf32>
    %get3A_1868 = arith.constant 13 : i32
    %get3A_1869 = arith.index_cast %get3A_1868 : i32 to index
    %get3A_1870 = arith.constant 352 : index
    %get3A_1871 = tpu.vector_load %arg7[%get3A_1869, %get3A_1870] {strides = array<i32>} : memref<16x640xf32, #tpu.memory_space<vmem>>, vector<16xf32>,
    %add3A_1872 = arith.addf %add3A_1867, %get3A_1871 : vector<16xf32>
    %get3A_1873 = arith.constant 14 : i32
    %get3A_1874 = arith.index_cast %get3A_1873 : i32 to index
    %get3A_1875 = arith.constant 352 : index
    %get3A_1876 = tpu.vector_load %arg7[%get3A_1874, %get3A_1875] {strides = array<i32>} : memref<16x640xf32, #tpu.memory_space<vmem>>, vector<16xf32>,
    %add3A_1877 = arith.addf %add3A_1872, %get3A_1876 : vector<16xf32>
    %get3A_1878 = arith.constant 15 : i32
    %get3A_1879 = arith.index_cast %get3A_1878 : i32 to index
    %get3A_1880 = arith.constant 352 : index
    %get3A_1881 = tpu.vector_load %arg7[%get3A_1879, %get3A_1880] {strides = array<i32>} : memref<16x640xf32, #tpu.memory_space<vmem>>, vector<16xf32>,
    %add3A_1882 = arith.addf %add3A_1877, %get3A_1881 : vector<16xf32>
    %swap3A_1883 = arith.constant 352 : index
    %swap3A_1884 = tpu.vector_load %arg8[%swap3A_1883] {strides = array<i32>} : memref<640xf32, #tpu.memory_space<vmem>>, vector<16xf32>,
    tpu.vector_store %arg8[%swap3A_1883], %add3A_1882 {strides = array<i32>} : memref<640xf32, #tpu.memory_space<vmem>>, vector<16xf32>,
    %get3A_1885 = arith.constant 0 : i32
    %get3A_1886 = arith.index_cast %get3A_1885 : i32 to index
    %get3A_1887 = arith.constant 368 : index
    %get3A_1888 = tpu.vector_load %arg7[%get3A_1886, %get3A_1887] {strides = array<i32>} : memref<16x640xf32, #tpu.memory_space<vmem>>, vector<16xf32>,
    %get3A_1889 = arith.constant 1 : i32
    %get3A_1890 = arith.index_cast %get3A_1889 : i32 to index
    %get3A_1891 = arith.constant 368 : index
    %get3A_1892 = tpu.vector_load %arg7[%get3A_1890, %get3A_1891] {strides = array<i32>} : memref<16x640xf32, #tpu.memory_space<vmem>>, vector<16xf32>,
    %add3A_1893 = arith.addf %get3A_1888, %get3A_1892 : vector<16xf32>
    %get3A_1894 = arith.constant 2 : i32
    %get3A_1895 = arith.index_cast %get3A_1894 : i32 to index
    %get3A_1896 = arith.constant 368 : index
    %get3A_1897 = tpu.vector_load %arg7[%get3A_1895, %get3A_1896] {strides = array<i32>} : memref<16x640xf32, #tpu.memory_space<vmem>>, vector<16xf32>,
    %add3A_1898 = arith.addf %add3A_1893, %get3A_1897 : vector<16xf32>
    %get3A_1899 = arith.constant 3 : i32
    %get3A_1900 = arith.index_cast %get3A_1899 : i32 to index
    %get3A_1901 = arith.constant 368 : index
    %get3A_1902 = tpu.vector_load %arg7[%get3A_1900, %get3A_1901] {strides = array<i32>} : memref<16x640xf32, #tpu.memory_space<vmem>>, vector<16xf32>,
    %add3A_1903 = arith.addf %add3A_1898, %get3A_1902 : vector<16xf32>
    %get3A_1904 = arith.constant 4 : i32
    %get3A_1905 = arith.index_cast %get3A_1904 : i32 to index
    %get3A_1906 = arith.constant 368 : index
    %get3A_1907 = tpu.vector_load %arg7[%get3A_1905, %get3A_1906] {strides = array<i32>} : memref<16x640xf32, #tpu.memory_space<vmem>>, vector<16xf32>,
    %add3A_1908 = arith.addf %add3A_1903, %get3A_1907 : vector<16xf32>
    %get3A_1909 = arith.constant 5 : i32
    %get3A_1910 = arith.index_cast %get3A_1909 : i32 to index
    %get3A_1911 = arith.constant 368 : index
    %get3A_1912 = tpu.vector_load %arg7[%get3A_1910, %get3A_1911] {strides = array<i32>} : memref<16x640xf32, #tpu.memory_space<vmem>>, vector<16xf32>,
    %add3A_1913 = arith.addf %add3A_1908, %get3A_1912 : vector<16xf32>
    %get3A_1914 = arith.constant 6 : i32
    %get3A_1915 = arith.index_cast %get3A_1914 : i32 to index
    %get3A_1916 = arith.constant 368 : index
    %get3A_1917 = tpu.vector_load %arg7[%get3A_1915, %get3A_1916] {strides = array<i32>} : memref<16x640xf32, #tpu.memory_space<vmem>>, vector<16xf32>,
    %add3A_1918 = arith.addf %add3A_1913, %get3A_1917 : vector<16xf32>
    %get3A_1919 = arith.constant 7 : i32
    %get3A_1920 = arith.index_cast %get3A_1919 : i32 to index
    %get3A_1921 = arith.constant 368 : index
    %get3A_1922 = tpu.vector_load %arg7[%get3A_1920, %get3A_1921] {strides = array<i32>} : memref<16x640xf32, #tpu.memory_space<vmem>>, vector<16xf32>,
    %add3A_1923 = arith.addf %add3A_1918, %get3A_1922 : vector<16xf32>
    %get3A_1924 = arith.constant 8 : i32
    %get3A_1925 = arith.index_cast %get3A_1924 : i32 to index
    %get3A_1926 = arith.constant 368 : index
    %get3A_1927 = tpu.vector_load %arg7[%get3A_1925, %get3A_1926] {strides = array<i32>} : memref<16x640xf32, #tpu.memory_space<vmem>>, vector<16xf32>,
    %add3A_1928 = arith.addf %add3A_1923, %get3A_1927 : vector<16xf32>
    %get3A_1929 = arith.constant 9 : i32
    %get3A_1930 = arith.index_cast %get3A_1929 : i32 to index
    %get3A_1931 = arith.constant 368 : index
    %get3A_1932 = tpu.vector_load %arg7[%get3A_1930, %get3A_1931] {strides = array<i32>} : memref<16x640xf32, #tpu.memory_space<vmem>>, vector<16xf32>,
    %add3A_1933 = arith.addf %add3A_1928, %get3A_1932 : vector<16xf32>
    %get3A_1934 = arith.constant 10 : i32
    %get3A_1935 = arith.index_cast %get3A_1934 : i32 to index
    %get3A_1936 = arith.constant 368 : index
    %get3A_1937 = tpu.vector_load %arg7[%get3A_1935, %get3A_1936] {strides = array<i32>} : memref<16x640xf32, #tpu.memory_space<vmem>>, vector<16xf32>,
    %add3A_1938 = arith.addf %add3A_1933, %get3A_1937 : vector<16xf32>
    %get3A_1939 = arith.constant 11 : i32
    %get3A_1940 = arith.index_cast %get3A_1939 : i32 to index
    %get3A_1941 = arith.constant 368 : index
    %get3A_1942 = tpu.vector_load %arg7[%get3A_1940, %get3A_1941] {strides = array<i32>} : memref<16x640xf32, #tpu.memory_space<vmem>>, vector<16xf32>,
    %add3A_1943 = arith.addf %add3A_1938, %get3A_1942 : vector<16xf32>
    %get3A_1944 = arith.constant 12 : i32
    %get3A_1945 = arith.index_cast %get3A_1944 : i32 to index
    %get3A_1946 = arith.constant 368 : index
    %get3A_1947 = tpu.vector_load %arg7[%get3A_1945, %get3A_1946] {strides = array<i32>} : memref<16x640xf32, #tpu.memory_space<vmem>>, vector<16xf32>,
    %add3A_1948 = arith.addf %add3A_1943, %get3A_1947 : vector<16xf32>
    %get3A_1949 = arith.constant 13 : i32
    %get3A_1950 = arith.index_cast %get3A_1949 : i32 to index
    %get3A_1951 = arith.constant 368 : index
    %get3A_1952 = tpu.vector_load %arg7[%get3A_1950, %get3A_1951] {strides = array<i32>} : memref<16x640xf32, #tpu.memory_space<vmem>>, vector<16xf32>,
    %add3A_1953 = arith.addf %add3A_1948, %get3A_1952 : vector<16xf32>
    %get3A_1954 = arith.constant 14 : i32
    %get3A_1955 = arith.index_cast %get3A_1954 : i32 to index
    %get3A_1956 = arith.constant 368 : index
    %get3A_1957 = tpu.vector_load %arg7[%get3A_1955, %get3A_1956] {strides = array<i32>} : memref<16x640xf32, #tpu.memory_space<vmem>>, vector<16xf32>,
    %add3A_1958 = arith.addf %add3A_1953, %get3A_1957 : vector<16xf32>
    %get3A_1959 = arith.constant 15 : i32
    %get3A_1960 = arith.index_cast %get3A_1959 : i32 to index
    %get3A_1961 = arith.constant 368 : index
    %get3A_1962 = tpu.vector_load %arg7[%get3A_1960, %get3A_1961] {strides = array<i32>} : memref<16x640xf32, #tpu.memory_space<vmem>>, vector<16xf32>,
    %add3A_1963 = arith.addf %add3A_1958, %get3A_1962 : vector<16xf32>
    %swap3A_1964 = arith.constant 368 : index
    %swap3A_1965 = tpu.vector_load %arg8[%swap3A_1964] {strides = array<i32>} : memref<640xf32, #tpu.memory_space<vmem>>, vector<16xf32>,
    tpu.vector_store %arg8[%swap3A_1964], %add3A_1963 {strides = array<i32>} : memref<640xf32, #tpu.memory_space<vmem>>, vector<16xf32>,
    %get3A_1966 = arith.constant 0 : i32
    %get3A_1967 = arith.index_cast %get3A_1966 : i32 to index
    %get3A_1968 = arith.constant 384 : index
    %get3A_1969 = tpu.vector_load %arg7[%get3A_1967, %get3A_1968] {strides = array<i32>} : memref<16x640xf32, #tpu.memory_space<vmem>>, vector<16xf32>,
    %get3A_1970 = arith.constant 1 : i32
    %get3A_1971 = arith.index_cast %get3A_1970 : i32 to index
    %get3A_1972 = arith.constant 384 : index
    %get3A_1973 = tpu.vector_load %arg7[%get3A_1971, %get3A_1972] {strides = array<i32>} : memref<16x640xf32, #tpu.memory_space<vmem>>, vector<16xf32>,
    %add3A_1974 = arith.addf %get3A_1969, %get3A_1973 : vector<16xf32>
    %get3A_1975 = arith.constant 2 : i32
    %get3A_1976 = arith.index_cast %get3A_1975 : i32 to index
    %get3A_1977 = arith.constant 384 : index
    %get3A_1978 = tpu.vector_load %arg7[%get3A_1976, %get3A_1977] {strides = array<i32>} : memref<16x640xf32, #tpu.memory_space<vmem>>, vector<16xf32>,
    %add3A_1979 = arith.addf %add3A_1974, %get3A_1978 : vector<16xf32>
    %get3A_1980 = arith.constant 3 : i32
    %get3A_1981 = arith.index_cast %get3A_1980 : i32 to index
    %get3A_1982 = arith.constant 384 : index
    %get3A_1983 = tpu.vector_load %arg7[%get3A_1981, %get3A_1982] {strides = array<i32>} : memref<16x640xf32, #tpu.memory_space<vmem>>, vector<16xf32>,
    %add3A_1984 = arith.addf %add3A_1979, %get3A_1983 : vector<16xf32>
    %get3A_1985 = arith.constant 4 : i32
    %get3A_1986 = arith.index_cast %get3A_1985 : i32 to index
    %get3A_1987 = arith.constant 384 : index
    %get3A_1988 = tpu.vector_load %arg7[%get3A_1986, %get3A_1987] {strides = array<i32>} : memref<16x640xf32, #tpu.memory_space<vmem>>, vector<16xf32>,
    %add3A_1989 = arith.addf %add3A_1984, %get3A_1988 : vector<16xf32>
    %get3A_1990 = arith.constant 5 : i32
    %get3A_1991 = arith.index_cast %get3A_1990 : i32 to index
    %get3A_1992 = arith.constant 384 : index
    %get3A_1993 = tpu.vector_load %arg7[%get3A_1991, %get3A_1992] {strides = array<i32>} : memref<16x640xf32, #tpu.memory_space<vmem>>, vector<16xf32>,
    %add3A_1994 = arith.addf %add3A_1989, %get3A_1993 : vector<16xf32>
    %get3A_1995 = arith.constant 6 : i32
    %get3A_1996 = arith.index_cast %get3A_1995 : i32 to index
    %get3A_1997 = arith.constant 384 : index
    %get3A_1998 = tpu.vector_load %arg7[%get3A_1996, %get3A_1997] {strides = array<i32>} : memref<16x640xf32, #tpu.memory_space<vmem>>, vector<16xf32>,
    %add3A_1999 = arith.addf %add3A_1994, %get3A_1998 : vector<16xf32>
    %get3A_2000 = arith.constant 7 : i32
    %get3A_2001 = arith.index_cast %get3A_2000 : i32 to index
    %get3A_2002 = arith.constant 384 : index
    %get3A_2003 = tpu.vector_load %arg7[%get3A_2001, %get3A_2002] {strides = array<i32>} : memref<16x640xf32, #tpu.memory_space<vmem>>, vector<16xf32>,
    %add3A_2004 = arith.addf %add3A_1999, %get3A_2003 : vector<16xf32>
    %get3A_2005 = arith.constant 8 : i32
    %get3A_2006 = arith.index_cast %get3A_2005 : i32 to index
    %get3A_2007 = arith.constant 384 : index
    %get3A_2008 = tpu.vector_load %arg7[%get3A_2006, %get3A_2007] {strides = array<i32>} : memref<16x640xf32, #tpu.memory_space<vmem>>, vector<16xf32>,
    %add3A_2009 = arith.addf %add3A_2004, %get3A_2008 : vector<16xf32>
    %get3A_2010 = arith.constant 9 : i32
    %get3A_2011 = arith.index_cast %get3A_2010 : i32 to index
    %get3A_2012 = arith.constant 384 : index
    %get3A_2013 = tpu.vector_load %arg7[%get3A_2011, %get3A_2012] {strides = array<i32>} : memref<16x640xf32, #tpu.memory_space<vmem>>, vector<16xf32>,
    %add3A_2014 = arith.addf %add3A_2009, %get3A_2013 : vector<16xf32>
    %get3A_2015 = arith.constant 10 : i32
    %get3A_2016 = arith.index_cast %get3A_2015 : i32 to index
    %get3A_2017 = arith.constant 384 : index
    %get3A_2018 = tpu.vector_load %arg7[%get3A_2016, %get3A_2017] {strides = array<i32>} : memref<16x640xf32, #tpu.memory_space<vmem>>, vector<16xf32>,
    %add3A_2019 = arith.addf %add3A_2014, %get3A_2018 : vector<16xf32>
    %get3A_2020 = arith.constant 11 : i32
    %get3A_2021 = arith.index_cast %get3A_2020 : i32 to index
    %get3A_2022 = arith.constant 384 : index
    %get3A_2023 = tpu.vector_load %arg7[%get3A_2021, %get3A_2022] {strides = array<i32>} : memref<16x640xf32, #tpu.memory_space<vmem>>, vector<16xf32>,
    %add3A_2024 = arith.addf %add3A_2019, %get3A_2023 : vector<16xf32>
    %get3A_2025 = arith.constant 12 : i32
    %get3A_2026 = arith.index_cast %get3A_2025 : i32 to index
    %get3A_2027 = arith.constant 384 : index
    %get3A_2028 = tpu.vector_load %arg7[%get3A_2026, %get3A_2027] {strides = array<i32>} : memref<16x640xf32, #tpu.memory_space<vmem>>, vector<16xf32>,
    %add3A_2029 = arith.addf %add3A_2024, %get3A_2028 : vector<16xf32>
    %get3A_2030 = arith.constant 13 : i32
    %get3A_2031 = arith.index_cast %get3A_2030 : i32 to index
    %get3A_2032 = arith.constant 384 : index
    %get3A_2033 = tpu.vector_load %arg7[%get3A_2031, %get3A_2032] {strides = array<i32>} : memref<16x640xf32, #tpu.memory_space<vmem>>, vector<16xf32>,
    %add3A_2034 = arith.addf %add3A_2029, %get3A_2033 : vector<16xf32>
    %get3A_2035 = arith.constant 14 : i32
    %get3A_2036 = arith.index_cast %get3A_2035 : i32 to index
    %get3A_2037 = arith.constant 384 : index
    %get3A_2038 = tpu.vector_load %arg7[%get3A_2036, %get3A_2037] {strides = array<i32>} : memref<16x640xf32, #tpu.memory_space<vmem>>, vector<16xf32>,
    %add3A_2039 = arith.addf %add3A_2034, %get3A_2038 : vector<16xf32>
    %get3A_2040 = arith.constant 15 : i32
    %get3A_2041 = arith.index_cast %get3A_2040 : i32 to index
    %get3A_2042 = arith.constant 384 : index
    %get3A_2043 = tpu.vector_load %arg7[%get3A_2041, %get3A_2042] {strides = array<i32>} : memref<16x640xf32, #tpu.memory_space<vmem>>, vector<16xf32>,
    %add3A_2044 = arith.addf %add3A_2039, %get3A_2043 : vector<16xf32>
    %swap3A_2045 = arith.constant 384 : index
    %swap3A_2046 = tpu.vector_load %arg8[%swap3A_2045] {strides = array<i32>} : memref<640xf32, #tpu.memory_space<vmem>>, vector<16xf32>,
    tpu.vector_store %arg8[%swap3A_2045], %add3A_2044 {strides = array<i32>} : memref<640xf32, #tpu.memory_space<vmem>>, vector<16xf32>,
    %get3A_2047 = arith.constant 0 : i32
    %get3A_2048 = arith.index_cast %get3A_2047 : i32 to index
    %get3A_2049 = arith.constant 400 : index
    %get3A_2050 = tpu.vector_load %arg7[%get3A_2048, %get3A_2049] {strides = array<i32>} : memref<16x640xf32, #tpu.memory_space<vmem>>, vector<16xf32>,
    %get3A_2051 = arith.constant 1 : i32
    %get3A_2052 = arith.index_cast %get3A_2051 : i32 to index
    %get3A_2053 = arith.constant 400 : index
    %get3A_2054 = tpu.vector_load %arg7[%get3A_2052, %get3A_2053] {strides = array<i32>} : memref<16x640xf32, #tpu.memory_space<vmem>>, vector<16xf32>,
    %add3A_2055 = arith.addf %get3A_2050, %get3A_2054 : vector<16xf32>
    %get3A_2056 = arith.constant 2 : i32
    %get3A_2057 = arith.index_cast %get3A_2056 : i32 to index
    %get3A_2058 = arith.constant 400 : index
    %get3A_2059 = tpu.vector_load %arg7[%get3A_2057, %get3A_2058] {strides = array<i32>} : memref<16x640xf32, #tpu.memory_space<vmem>>, vector<16xf32>,
    %add3A_2060 = arith.addf %add3A_2055, %get3A_2059 : vector<16xf32>
    %get3A_2061 = arith.constant 3 : i32
    %get3A_2062 = arith.index_cast %get3A_2061 : i32 to index
    %get3A_2063 = arith.constant 400 : index
    %get3A_2064 = tpu.vector_load %arg7[%get3A_2062, %get3A_2063] {strides = array<i32>} : memref<16x640xf32, #tpu.memory_space<vmem>>, vector<16xf32>,
    %add3A_2065 = arith.addf %add3A_2060, %get3A_2064 : vector<16xf32>
    %get3A_2066 = arith.constant 4 : i32
    %get3A_2067 = arith.index_cast %get3A_2066 : i32 to index
    %get3A_2068 = arith.constant 400 : index
    %get3A_2069 = tpu.vector_load %arg7[%get3A_2067, %get3A_2068] {strides = array<i32>} : memref<16x640xf32, #tpu.memory_space<vmem>>, vector<16xf32>,
    %add3A_2070 = arith.addf %add3A_2065, %get3A_2069 : vector<16xf32>
    %get3A_2071 = arith.constant 5 : i32
    %get3A_2072 = arith.index_cast %get3A_2071 : i32 to index
    %get3A_2073 = arith.constant 400 : index
    %get3A_2074 = tpu.vector_load %arg7[%get3A_2072, %get3A_2073] {strides = array<i32>} : memref<16x640xf32, #tpu.memory_space<vmem>>, vector<16xf32>,
    %add3A_2075 = arith.addf %add3A_2070, %get3A_2074 : vector<16xf32>
    %get3A_2076 = arith.constant 6 : i32
    %get3A_2077 = arith.index_cast %get3A_2076 : i32 to index
    %get3A_2078 = arith.constant 400 : index
    %get3A_2079 = tpu.vector_load %arg7[%get3A_2077, %get3A_2078] {strides = array<i32>} : memref<16x640xf32, #tpu.memory_space<vmem>>, vector<16xf32>,
    %add3A_2080 = arith.addf %add3A_2075, %get3A_2079 : vector<16xf32>
    %get3A_2081 = arith.constant 7 : i32
    %get3A_2082 = arith.index_cast %get3A_2081 : i32 to index
    %get3A_2083 = arith.constant 400 : index
    %get3A_2084 = tpu.vector_load %arg7[%get3A_2082, %get3A_2083] {strides = array<i32>} : memref<16x640xf32, #tpu.memory_space<vmem>>, vector<16xf32>,
    %add3A_2085 = arith.addf %add3A_2080, %get3A_2084 : vector<16xf32>
    %get3A_2086 = arith.constant 8 : i32
    %get3A_2087 = arith.index_cast %get3A_2086 : i32 to index
    %get3A_2088 = arith.constant 400 : index
    %get3A_2089 = tpu.vector_load %arg7[%get3A_2087, %get3A_2088] {strides = array<i32>} : memref<16x640xf32, #tpu.memory_space<vmem>>, vector<16xf32>,
    %add3A_2090 = arith.addf %add3A_2085, %get3A_2089 : vector<16xf32>
    %get3A_2091 = arith.constant 9 : i32
    %get3A_2092 = arith.index_cast %get3A_2091 : i32 to index
    %get3A_2093 = arith.constant 400 : index
    %get3A_2094 = tpu.vector_load %arg7[%get3A_2092, %get3A_2093] {strides = array<i32>} : memref<16x640xf32, #tpu.memory_space<vmem>>, vector<16xf32>,
    %add3A_2095 = arith.addf %add3A_2090, %get3A_2094 : vector<16xf32>
    %get3A_2096 = arith.constant 10 : i32
    %get3A_2097 = arith.index_cast %get3A_2096 : i32 to index
    %get3A_2098 = arith.constant 400 : index
    %get3A_2099 = tpu.vector_load %arg7[%get3A_2097, %get3A_2098] {strides = array<i32>} : memref<16x640xf32, #tpu.memory_space<vmem>>, vector<16xf32>,
    %add3A_2100 = arith.addf %add3A_2095, %get3A_2099 : vector<16xf32>
    %get3A_2101 = arith.constant 11 : i32
    %get3A_2102 = arith.index_cast %get3A_2101 : i32 to index
    %get3A_2103 = arith.constant 400 : index
    %get3A_2104 = tpu.vector_load %arg7[%get3A_2102, %get3A_2103] {strides = array<i32>} : memref<16x640xf32, #tpu.memory_space<vmem>>, vector<16xf32>,
    %add3A_2105 = arith.addf %add3A_2100, %get3A_2104 : vector<16xf32>
    %get3A_2106 = arith.constant 12 : i32
    %get3A_2107 = arith.index_cast %get3A_2106 : i32 to index
    %get3A_2108 = arith.constant 400 : index
    %get3A_2109 = tpu.vector_load %arg7[%get3A_2107, %get3A_2108] {strides = array<i32>} : memref<16x640xf32, #tpu.memory_space<vmem>>, vector<16xf32>,
    %add3A_2110 = arith.addf %add3A_2105, %get3A_2109 : vector<16xf32>
    %get3A_2111 = arith.constant 13 : i32
    %get3A_2112 = arith.index_cast %get3A_2111 : i32 to index
    %get3A_2113 = arith.constant 400 : index
    %get3A_2114 = tpu.vector_load %arg7[%get3A_2112, %get3A_2113] {strides = array<i32>} : memref<16x640xf32, #tpu.memory_space<vmem>>, vector<16xf32>,
    %add3A_2115 = arith.addf %add3A_2110, %get3A_2114 : vector<16xf32>
    %get3A_2116 = arith.constant 14 : i32
    %get3A_2117 = arith.index_cast %get3A_2116 : i32 to index
    %get3A_2118 = arith.constant 400 : index
    %get3A_2119 = tpu.vector_load %arg7[%get3A_2117, %get3A_2118] {strides = array<i32>} : memref<16x640xf32, #tpu.memory_space<vmem>>, vector<16xf32>,
    %add3A_2120 = arith.addf %add3A_2115, %get3A_2119 : vector<16xf32>
    %get3A_2121 = arith.constant 15 : i32
    %get3A_2122 = arith.index_cast %get3A_2121 : i32 to index
    %get3A_2123 = arith.constant 400 : index
    %get3A_2124 = tpu.vector_load %arg7[%get3A_2122, %get3A_2123] {strides = array<i32>} : memref<16x640xf32, #tpu.memory_space<vmem>>, vector<16xf32>,
    %add3A_2125 = arith.addf %add3A_2120, %get3A_2124 : vector<16xf32>
    %swap3A_2126 = arith.constant 400 : index
    %swap3A_2127 = tpu.vector_load %arg8[%swap3A_2126] {strides = array<i32>} : memref<640xf32, #tpu.memory_space<vmem>>, vector<16xf32>,
    tpu.vector_store %arg8[%swap3A_2126], %add3A_2125 {strides = array<i32>} : memref<640xf32, #tpu.memory_space<vmem>>, vector<16xf32>,
    %get3A_2128 = arith.constant 0 : i32
    %get3A_2129 = arith.index_cast %get3A_2128 : i32 to index
    %get3A_2130 = arith.constant 416 : index
    %get3A_2131 = tpu.vector_load %arg7[%get3A_2129, %get3A_2130] {strides = array<i32>} : memref<16x640xf32, #tpu.memory_space<vmem>>, vector<16xf32>,
    %get3A_2132 = arith.constant 1 : i32
    %get3A_2133 = arith.index_cast %get3A_2132 : i32 to index
    %get3A_2134 = arith.constant 416 : index
    %get3A_2135 = tpu.vector_load %arg7[%get3A_2133, %get3A_2134] {strides = array<i32>} : memref<16x640xf32, #tpu.memory_space<vmem>>, vector<16xf32>,
    %add3A_2136 = arith.addf %get3A_2131, %get3A_2135 : vector<16xf32>
    %get3A_2137 = arith.constant 2 : i32
    %get3A_2138 = arith.index_cast %get3A_2137 : i32 to index
    %get3A_2139 = arith.constant 416 : index
    %get3A_2140 = tpu.vector_load %arg7[%get3A_2138, %get3A_2139] {strides = array<i32>} : memref<16x640xf32, #tpu.memory_space<vmem>>, vector<16xf32>,
    %add3A_2141 = arith.addf %add3A_2136, %get3A_2140 : vector<16xf32>
    %get3A_2142 = arith.constant 3 : i32
    %get3A_2143 = arith.index_cast %get3A_2142 : i32 to index
    %get3A_2144 = arith.constant 416 : index
    %get3A_2145 = tpu.vector_load %arg7[%get3A_2143, %get3A_2144] {strides = array<i32>} : memref<16x640xf32, #tpu.memory_space<vmem>>, vector<16xf32>,
    %add3A_2146 = arith.addf %add3A_2141, %get3A_2145 : vector<16xf32>
    %get3A_2147 = arith.constant 4 : i32
    %get3A_2148 = arith.index_cast %get3A_2147 : i32 to index
    %get3A_2149 = arith.constant 416 : index
    %get3A_2150 = tpu.vector_load %arg7[%get3A_2148, %get3A_2149] {strides = array<i32>} : memref<16x640xf32, #tpu.memory_space<vmem>>, vector<16xf32>,
    %add3A_2151 = arith.addf %add3A_2146, %get3A_2150 : vector<16xf32>
    %get3A_2152 = arith.constant 5 : i32
    %get3A_2153 = arith.index_cast %get3A_2152 : i32 to index
    %get3A_2154 = arith.constant 416 : index
    %get3A_2155 = tpu.vector_load %arg7[%get3A_2153, %get3A_2154] {strides = array<i32>} : memref<16x640xf32, #tpu.memory_space<vmem>>, vector<16xf32>,
    %add3A_2156 = arith.addf %add3A_2151, %get3A_2155 : vector<16xf32>
    %get3A_2157 = arith.constant 6 : i32
    %get3A_2158 = arith.index_cast %get3A_2157 : i32 to index
    %get3A_2159 = arith.constant 416 : index
    %get3A_2160 = tpu.vector_load %arg7[%get3A_2158, %get3A_2159] {strides = array<i32>} : memref<16x640xf32, #tpu.memory_space<vmem>>, vector<16xf32>,
    %add3A_2161 = arith.addf %add3A_2156, %get3A_2160 : vector<16xf32>
    %get3A_2162 = arith.constant 7 : i32
    %get3A_2163 = arith.index_cast %get3A_2162 : i32 to index
    %get3A_2164 = arith.constant 416 : index
    %get3A_2165 = tpu.vector_load %arg7[%get3A_2163, %get3A_2164] {strides = array<i32>} : memref<16x640xf32, #tpu.memory_space<vmem>>, vector<16xf32>,
    %add3A_2166 = arith.addf %add3A_2161, %get3A_2165 : vector<16xf32>
    %get3A_2167 = arith.constant 8 : i32
    %get3A_2168 = arith.index_cast %get3A_2167 : i32 to index
    %get3A_2169 = arith.constant 416 : index
    %get3A_2170 = tpu.vector_load %arg7[%get3A_2168, %get3A_2169] {strides = array<i32>} : memref<16x640xf32, #tpu.memory_space<vmem>>, vector<16xf32>,
    %add3A_2171 = arith.addf %add3A_2166, %get3A_2170 : vector<16xf32>
    %get3A_2172 = arith.constant 9 : i32
    %get3A_2173 = arith.index_cast %get3A_2172 : i32 to index
    %get3A_2174 = arith.constant 416 : index
    %get3A_2175 = tpu.vector_load %arg7[%get3A_2173, %get3A_2174] {strides = array<i32>} : memref<16x640xf32, #tpu.memory_space<vmem>>, vector<16xf32>,
    %add3A_2176 = arith.addf %add3A_2171, %get3A_2175 : vector<16xf32>
    %get3A_2177 = arith.constant 10 : i32
    %get3A_2178 = arith.index_cast %get3A_2177 : i32 to index
    %get3A_2179 = arith.constant 416 : index
    %get3A_2180 = tpu.vector_load %arg7[%get3A_2178, %get3A_2179] {strides = array<i32>} : memref<16x640xf32, #tpu.memory_space<vmem>>, vector<16xf32>,
    %add3A_2181 = arith.addf %add3A_2176, %get3A_2180 : vector<16xf32>
    %get3A_2182 = arith.constant 11 : i32
    %get3A_2183 = arith.index_cast %get3A_2182 : i32 to index
    %get3A_2184 = arith.constant 416 : index
    %get3A_2185 = tpu.vector_load %arg7[%get3A_2183, %get3A_2184] {strides = array<i32>} : memref<16x640xf32, #tpu.memory_space<vmem>>, vector<16xf32>,
    %add3A_2186 = arith.addf %add3A_2181, %get3A_2185 : vector<16xf32>
    %get3A_2187 = arith.constant 12 : i32
    %get3A_2188 = arith.index_cast %get3A_2187 : i32 to index
    %get3A_2189 = arith.constant 416 : index
    %get3A_2190 = tpu.vector_load %arg7[%get3A_2188, %get3A_2189] {strides = array<i32>} : memref<16x640xf32, #tpu.memory_space<vmem>>, vector<16xf32>,
    %add3A_2191 = arith.addf %add3A_2186, %get3A_2190 : vector<16xf32>
    %get3A_2192 = arith.constant 13 : i32
    %get3A_2193 = arith.index_cast %get3A_2192 : i32 to index
    %get3A_2194 = arith.constant 416 : index
    %get3A_2195 = tpu.vector_load %arg7[%get3A_2193, %get3A_2194] {strides = array<i32>} : memref<16x640xf32, #tpu.memory_space<vmem>>, vector<16xf32>,
    %add3A_2196 = arith.addf %add3A_2191, %get3A_2195 : vector<16xf32>
    %get3A_2197 = arith.constant 14 : i32
    %get3A_2198 = arith.index_cast %get3A_2197 : i32 to index
    %get3A_2199 = arith.constant 416 : index
    %get3A_2200 = tpu.vector_load %arg7[%get3A_2198, %get3A_2199] {strides = array<i32>} : memref<16x640xf32, #tpu.memory_space<vmem>>, vector<16xf32>,
    %add3A_2201 = arith.addf %add3A_2196, %get3A_2200 : vector<16xf32>
    %get3A_2202 = arith.constant 15 : i32
    %get3A_2203 = arith.index_cast %get3A_2202 : i32 to index
    %get3A_2204 = arith.constant 416 : index
    %get3A_2205 = tpu.vector_load %arg7[%get3A_2203, %get3A_2204] {strides = array<i32>} : memref<16x640xf32, #tpu.memory_space<vmem>>, vector<16xf32>,
    %add3A_2206 = arith.addf %add3A_2201, %get3A_2205 : vector<16xf32>
    %swap3A_2207 = arith.constant 416 : index
    %swap3A_2208 = tpu.vector_load %arg8[%swap3A_2207] {strides = array<i32>} : memref<640xf32, #tpu.memory_space<vmem>>, vector<16xf32>,
    tpu.vector_store %arg8[%swap3A_2207], %add3A_2206 {strides = array<i32>} : memref<640xf32, #tpu.memory_space<vmem>>, vector<16xf32>,
    %get3A_2209 = arith.constant 0 : i32
    %get3A_2210 = arith.index_cast %get3A_2209 : i32 to index
    %get3A_2211 = arith.constant 432 : index
    %get3A_2212 = tpu.vector_load %arg7[%get3A_2210, %get3A_2211] {strides = array<i32>} : memref<16x640xf32, #tpu.memory_space<vmem>>, vector<16xf32>,
    %get3A_2213 = arith.constant 1 : i32
    %get3A_2214 = arith.index_cast %get3A_2213 : i32 to index
    %get3A_2215 = arith.constant 432 : index
    %get3A_2216 = tpu.vector_load %arg7[%get3A_2214, %get3A_2215] {strides = array<i32>} : memref<16x640xf32, #tpu.memory_space<vmem>>, vector<16xf32>,
    %add3A_2217 = arith.addf %get3A_2212, %get3A_2216 : vector<16xf32>
    %get3A_2218 = arith.constant 2 : i32
    %get3A_2219 = arith.index_cast %get3A_2218 : i32 to index
    %get3A_2220 = arith.constant 432 : index
    %get3A_2221 = tpu.vector_load %arg7[%get3A_2219, %get3A_2220] {strides = array<i32>} : memref<16x640xf32, #tpu.memory_space<vmem>>, vector<16xf32>,
    %add3A_2222 = arith.addf %add3A_2217, %get3A_2221 : vector<16xf32>
    %get3A_2223 = arith.constant 3 : i32
    %get3A_2224 = arith.index_cast %get3A_2223 : i32 to index
    %get3A_2225 = arith.constant 432 : index
    %get3A_2226 = tpu.vector_load %arg7[%get3A_2224, %get3A_2225] {strides = array<i32>} : memref<16x640xf32, #tpu.memory_space<vmem>>, vector<16xf32>,
    %add3A_2227 = arith.addf %add3A_2222, %get3A_2226 : vector<16xf32>
    %get3A_2228 = arith.constant 4 : i32
    %get3A_2229 = arith.index_cast %get3A_2228 : i32 to index
    %get3A_2230 = arith.constant 432 : index
    %get3A_2231 = tpu.vector_load %arg7[%get3A_2229, %get3A_2230] {strides = array<i32>} : memref<16x640xf32, #tpu.memory_space<vmem>>, vector<16xf32>,
    %add3A_2232 = arith.addf %add3A_2227, %get3A_2231 : vector<16xf32>
    %get3A_2233 = arith.constant 5 : i32
    %get3A_2234 = arith.index_cast %get3A_2233 : i32 to index
    %get3A_2235 = arith.constant 432 : index
    %get3A_2236 = tpu.vector_load %arg7[%get3A_2234, %get3A_2235] {strides = array<i32>} : memref<16x640xf32, #tpu.memory_space<vmem>>, vector<16xf32>,
    %add3A_2237 = arith.addf %add3A_2232, %get3A_2236 : vector<16xf32>
    %get3A_2238 = arith.constant 6 : i32
    %get3A_2239 = arith.index_cast %get3A_2238 : i32 to index
    %get3A_2240 = arith.constant 432 : index
    %get3A_2241 = tpu.vector_load %arg7[%get3A_2239, %get3A_2240] {strides = array<i32>} : memref<16x640xf32, #tpu.memory_space<vmem>>, vector<16xf32>,
    %add3A_2242 = arith.addf %add3A_2237, %get3A_2241 : vector<16xf32>
    %get3A_2243 = arith.constant 7 : i32
    %get3A_2244 = arith.index_cast %get3A_2243 : i32 to index
    %get3A_2245 = arith.constant 432 : index
    %get3A_2246 = tpu.vector_load %arg7[%get3A_2244, %get3A_2245] {strides = array<i32>} : memref<16x640xf32, #tpu.memory_space<vmem>>, vector<16xf32>,
    %add3A_2247 = arith.addf %add3A_2242, %get3A_2246 : vector<16xf32>
    %get3A_2248 = arith.constant 8 : i32
    %get3A_2249 = arith.index_cast %get3A_2248 : i32 to index
    %get3A_2250 = arith.constant 432 : index
    %get3A_2251 = tpu.vector_load %arg7[%get3A_2249, %get3A_2250] {strides = array<i32>} : memref<16x640xf32, #tpu.memory_space<vmem>>, vector<16xf32>,
    %add3A_2252 = arith.addf %add3A_2247, %get3A_2251 : vector<16xf32>
    %get3A_2253 = arith.constant 9 : i32
    %get3A_2254 = arith.index_cast %get3A_2253 : i32 to index
    %get3A_2255 = arith.constant 432 : index
    %get3A_2256 = tpu.vector_load %arg7[%get3A_2254, %get3A_2255] {strides = array<i32>} : memref<16x640xf32, #tpu.memory_space<vmem>>, vector<16xf32>,
    %add3A_2257 = arith.addf %add3A_2252, %get3A_2256 : vector<16xf32>
    %get3A_2258 = arith.constant 10 : i32
    %get3A_2259 = arith.index_cast %get3A_2258 : i32 to index
    %get3A_2260 = arith.constant 432 : index
    %get3A_2261 = tpu.vector_load %arg7[%get3A_2259, %get3A_2260] {strides = array<i32>} : memref<16x640xf32, #tpu.memory_space<vmem>>, vector<16xf32>,
    %add3A_2262 = arith.addf %add3A_2257, %get3A_2261 : vector<16xf32>
    %get3A_2263 = arith.constant 11 : i32
    %get3A_2264 = arith.index_cast %get3A_2263 : i32 to index
    %get3A_2265 = arith.constant 432 : index
    %get3A_2266 = tpu.vector_load %arg7[%get3A_2264, %get3A_2265] {strides = array<i32>} : memref<16x640xf32, #tpu.memory_space<vmem>>, vector<16xf32>,
    %add3A_2267 = arith.addf %add3A_2262, %get3A_2266 : vector<16xf32>
    %get3A_2268 = arith.constant 12 : i32
    %get3A_2269 = arith.index_cast %get3A_2268 : i32 to index
    %get3A_2270 = arith.constant 432 : index
    %get3A_2271 = tpu.vector_load %arg7[%get3A_2269, %get3A_2270] {strides = array<i32>} : memref<16x640xf32, #tpu.memory_space<vmem>>, vector<16xf32>,
    %add3A_2272 = arith.addf %add3A_2267, %get3A_2271 : vector<16xf32>
    %get3A_2273 = arith.constant 13 : i32
    %get3A_2274 = arith.index_cast %get3A_2273 : i32 to index
    %get3A_2275 = arith.constant 432 : index
    %get3A_2276 = tpu.vector_load %arg7[%get3A_2274, %get3A_2275] {strides = array<i32>} : memref<16x640xf32, #tpu.memory_space<vmem>>, vector<16xf32>,
    %add3A_2277 = arith.addf %add3A_2272, %get3A_2276 : vector<16xf32>
    %get3A_2278 = arith.constant 14 : i32
    %get3A_2279 = arith.index_cast %get3A_2278 : i32 to index
    %get3A_2280 = arith.constant 432 : index
    %get3A_2281 = tpu.vector_load %arg7[%get3A_2279, %get3A_2280] {strides = array<i32>} : memref<16x640xf32, #tpu.memory_space<vmem>>, vector<16xf32>,
    %add3A_2282 = arith.addf %add3A_2277, %get3A_2281 : vector<16xf32>
    %get3A_2283 = arith.constant 15 : i32
    %get3A_2284 = arith.index_cast %get3A_2283 : i32 to index
    %get3A_2285 = arith.constant 432 : index
    %get3A_2286 = tpu.vector_load %arg7[%get3A_2284, %get3A_2285] {strides = array<i32>} : memref<16x640xf32, #tpu.memory_space<vmem>>, vector<16xf32>,
    %add3A_2287 = arith.addf %add3A_2282, %get3A_2286 : vector<16xf32>
    %swap3A_2288 = arith.constant 432 : index
    %swap3A_2289 = tpu.vector_load %arg8[%swap3A_2288] {strides = array<i32>} : memref<640xf32, #tpu.memory_space<vmem>>, vector<16xf32>,
    tpu.vector_store %arg8[%swap3A_2288], %add3A_2287 {strides = array<i32>} : memref<640xf32, #tpu.memory_space<vmem>>, vector<16xf32>,
    %get3A_2290 = arith.constant 0 : i32
    %get3A_2291 = arith.index_cast %get3A_2290 : i32 to index
    %get3A_2292 = arith.constant 448 : index
    %get3A_2293 = tpu.vector_load %arg7[%get3A_2291, %get3A_2292] {strides = array<i32>} : memref<16x640xf32, #tpu.memory_space<vmem>>, vector<16xf32>,
    %get3A_2294 = arith.constant 1 : i32
    %get3A_2295 = arith.index_cast %get3A_2294 : i32 to index
    %get3A_2296 = arith.constant 448 : index
    %get3A_2297 = tpu.vector_load %arg7[%get3A_2295, %get3A_2296] {strides = array<i32>} : memref<16x640xf32, #tpu.memory_space<vmem>>, vector<16xf32>,
    %add3A_2298 = arith.addf %get3A_2293, %get3A_2297 : vector<16xf32>
    %get3A_2299 = arith.constant 2 : i32
    %get3A_2300 = arith.index_cast %get3A_2299 : i32 to index
    %get3A_2301 = arith.constant 448 : index
    %get3A_2302 = tpu.vector_load %arg7[%get3A_2300, %get3A_2301] {strides = array<i32>} : memref<16x640xf32, #tpu.memory_space<vmem>>, vector<16xf32>,
    %add3A_2303 = arith.addf %add3A_2298, %get3A_2302 : vector<16xf32>
    %get3A_2304 = arith.constant 3 : i32
    %get3A_2305 = arith.index_cast %get3A_2304 : i32 to index
    %get3A_2306 = arith.constant 448 : index
    %get3A_2307 = tpu.vector_load %arg7[%get3A_2305, %get3A_2306] {strides = array<i32>} : memref<16x640xf32, #tpu.memory_space<vmem>>, vector<16xf32>,
    %add3A_2308 = arith.addf %add3A_2303, %get3A_2307 : vector<16xf32>
    %get3A_2309 = arith.constant 4 : i32
    %get3A_2310 = arith.index_cast %get3A_2309 : i32 to index
    %get3A_2311 = arith.constant 448 : index
    %get3A_2312 = tpu.vector_load %arg7[%get3A_2310, %get3A_2311] {strides = array<i32>} : memref<16x640xf32, #tpu.memory_space<vmem>>, vector<16xf32>,
    %add3A_2313 = arith.addf %add3A_2308, %get3A_2312 : vector<16xf32>
    %get3A_2314 = arith.constant 5 : i32
    %get3A_2315 = arith.index_cast %get3A_2314 : i32 to index
    %get3A_2316 = arith.constant 448 : index
    %get3A_2317 = tpu.vector_load %arg7[%get3A_2315, %get3A_2316] {strides = array<i32>} : memref<16x640xf32, #tpu.memory_space<vmem>>, vector<16xf32>,
    %add3A_2318 = arith.addf %add3A_2313, %get3A_2317 : vector<16xf32>
    %get3A_2319 = arith.constant 6 : i32
    %get3A_2320 = arith.index_cast %get3A_2319 : i32 to index
    %get3A_2321 = arith.constant 448 : index
    %get3A_2322 = tpu.vector_load %arg7[%get3A_2320, %get3A_2321] {strides = array<i32>} : memref<16x640xf32, #tpu.memory_space<vmem>>, vector<16xf32>,
    %add3A_2323 = arith.addf %add3A_2318, %get3A_2322 : vector<16xf32>
    %get3A_2324 = arith.constant 7 : i32
    %get3A_2325 = arith.index_cast %get3A_2324 : i32 to index
    %get3A_2326 = arith.constant 448 : index
    %get3A_2327 = tpu.vector_load %arg7[%get3A_2325, %get3A_2326] {strides = array<i32>} : memref<16x640xf32, #tpu.memory_space<vmem>>, vector<16xf32>,
    %add3A_2328 = arith.addf %add3A_2323, %get3A_2327 : vector<16xf32>
    %get3A_2329 = arith.constant 8 : i32
    %get3A_2330 = arith.index_cast %get3A_2329 : i32 to index
    %get3A_2331 = arith.constant 448 : index
    %get3A_2332 = tpu.vector_load %arg7[%get3A_2330, %get3A_2331] {strides = array<i32>} : memref<16x640xf32, #tpu.memory_space<vmem>>, vector<16xf32>,
    %add3A_2333 = arith.addf %add3A_2328, %get3A_2332 : vector<16xf32>
    %get3A_2334 = arith.constant 9 : i32
    %get3A_2335 = arith.index_cast %get3A_2334 : i32 to index
    %get3A_2336 = arith.constant 448 : index
    %get3A_2337 = tpu.vector_load %arg7[%get3A_2335, %get3A_2336] {strides = array<i32>} : memref<16x640xf32, #tpu.memory_space<vmem>>, vector<16xf32>,
    %add3A_2338 = arith.addf %add3A_2333, %get3A_2337 : vector<16xf32>
    %get3A_2339 = arith.constant 10 : i32
    %get3A_2340 = arith.index_cast %get3A_2339 : i32 to index
    %get3A_2341 = arith.constant 448 : index
    %get3A_2342 = tpu.vector_load %arg7[%get3A_2340, %get3A_2341] {strides = array<i32>} : memref<16x640xf32, #tpu.memory_space<vmem>>, vector<16xf32>,
    %add3A_2343 = arith.addf %add3A_2338, %get3A_2342 : vector<16xf32>
    %get3A_2344 = arith.constant 11 : i32
    %get3A_2345 = arith.index_cast %get3A_2344 : i32 to index
    %get3A_2346 = arith.constant 448 : index
    %get3A_2347 = tpu.vector_load %arg7[%get3A_2345, %get3A_2346] {strides = array<i32>} : memref<16x640xf32, #tpu.memory_space<vmem>>, vector<16xf32>,
    %add3A_2348 = arith.addf %add3A_2343, %get3A_2347 : vector<16xf32>
    %get3A_2349 = arith.constant 12 : i32
    %get3A_2350 = arith.index_cast %get3A_2349 : i32 to index
    %get3A_2351 = arith.constant 448 : index
    %get3A_2352 = tpu.vector_load %arg7[%get3A_2350, %get3A_2351] {strides = array<i32>} : memref<16x640xf32, #tpu.memory_space<vmem>>, vector<16xf32>,
    %add3A_2353 = arith.addf %add3A_2348, %get3A_2352 : vector<16xf32>
    %get3A_2354 = arith.constant 13 : i32
    %get3A_2355 = arith.index_cast %get3A_2354 : i32 to index
    %get3A_2356 = arith.constant 448 : index
    %get3A_2357 = tpu.vector_load %arg7[%get3A_2355, %get3A_2356] {strides = array<i32>} : memref<16x640xf32, #tpu.memory_space<vmem>>, vector<16xf32>,
    %add3A_2358 = arith.addf %add3A_2353, %get3A_2357 : vector<16xf32>
    %get3A_2359 = arith.constant 14 : i32
    %get3A_2360 = arith.index_cast %get3A_2359 : i32 to index
    %get3A_2361 = arith.constant 448 : index
    %get3A_2362 = tpu.vector_load %arg7[%get3A_2360, %get3A_2361] {strides = array<i32>} : memref<16x640xf32, #tpu.memory_space<vmem>>, vector<16xf32>,
    %add3A_2363 = arith.addf %add3A_2358, %get3A_2362 : vector<16xf32>
    %get3A_2364 = arith.constant 15 : i32
    %get3A_2365 = arith.index_cast %get3A_2364 : i32 to index
    %get3A_2366 = arith.constant 448 : index
    %get3A_2367 = tpu.vector_load %arg7[%get3A_2365, %get3A_2366] {strides = array<i32>} : memref<16x640xf32, #tpu.memory_space<vmem>>, vector<16xf32>,
    %add3A_2368 = arith.addf %add3A_2363, %get3A_2367 : vector<16xf32>
    %swap3A_2369 = arith.constant 448 : index
    %swap3A_2370 = tpu.vector_load %arg8[%swap3A_2369] {strides = array<i32>} : memref<640xf32, #tpu.memory_space<vmem>>, vector<16xf32>,
    tpu.vector_store %arg8[%swap3A_2369], %add3A_2368 {strides = array<i32>} : memref<640xf32, #tpu.memory_space<vmem>>, vector<16xf32>,
    %get3A_2371 = arith.constant 0 : i32
    %get3A_2372 = arith.index_cast %get3A_2371 : i32 to index
    %get3A_2373 = arith.constant 464 : index
    %get3A_2374 = tpu.vector_load %arg7[%get3A_2372, %get3A_2373] {strides = array<i32>} : memref<16x640xf32, #tpu.memory_space<vmem>>, vector<16xf32>,
    %get3A_2375 = arith.constant 1 : i32
    %get3A_2376 = arith.index_cast %get3A_2375 : i32 to index
    %get3A_2377 = arith.constant 464 : index
    %get3A_2378 = tpu.vector_load %arg7[%get3A_2376, %get3A_2377] {strides = array<i32>} : memref<16x640xf32, #tpu.memory_space<vmem>>, vector<16xf32>,
    %add3A_2379 = arith.addf %get3A_2374, %get3A_2378 : vector<16xf32>
    %get3A_2380 = arith.constant 2 : i32
    %get3A_2381 = arith.index_cast %get3A_2380 : i32 to index
    %get3A_2382 = arith.constant 464 : index
    %get3A_2383 = tpu.vector_load %arg7[%get3A_2381, %get3A_2382] {strides = array<i32>} : memref<16x640xf32, #tpu.memory_space<vmem>>, vector<16xf32>,
    %add3A_2384 = arith.addf %add3A_2379, %get3A_2383 : vector<16xf32>
    %get3A_2385 = arith.constant 3 : i32
    %get3A_2386 = arith.index_cast %get3A_2385 : i32 to index
    %get3A_2387 = arith.constant 464 : index
    %get3A_2388 = tpu.vector_load %arg7[%get3A_2386, %get3A_2387] {strides = array<i32>} : memref<16x640xf32, #tpu.memory_space<vmem>>, vector<16xf32>,
    %add3A_2389 = arith.addf %add3A_2384, %get3A_2388 : vector<16xf32>
    %get3A_2390 = arith.constant 4 : i32
    %get3A_2391 = arith.index_cast %get3A_2390 : i32 to index
    %get3A_2392 = arith.constant 464 : index
    %get3A_2393 = tpu.vector_load %arg7[%get3A_2391, %get3A_2392] {strides = array<i32>} : memref<16x640xf32, #tpu.memory_space<vmem>>, vector<16xf32>,
    %add3A_2394 = arith.addf %add3A_2389, %get3A_2393 : vector<16xf32>
    %get3A_2395 = arith.constant 5 : i32
    %get3A_2396 = arith.index_cast %get3A_2395 : i32 to index
    %get3A_2397 = arith.constant 464 : index
    %get3A_2398 = tpu.vector_load %arg7[%get3A_2396, %get3A_2397] {strides = array<i32>} : memref<16x640xf32, #tpu.memory_space<vmem>>, vector<16xf32>,
    %add3A_2399 = arith.addf %add3A_2394, %get3A_2398 : vector<16xf32>
    %get3A_2400 = arith.constant 6 : i32
    %get3A_2401 = arith.index_cast %get3A_2400 : i32 to index
    %get3A_2402 = arith.constant 464 : index
    %get3A_2403 = tpu.vector_load %arg7[%get3A_2401, %get3A_2402] {strides = array<i32>} : memref<16x640xf32, #tpu.memory_space<vmem>>, vector<16xf32>,
    %add3A_2404 = arith.addf %add3A_2399, %get3A_2403 : vector<16xf32>
    %get3A_2405 = arith.constant 7 : i32
    %get3A_2406 = arith.index_cast %get3A_2405 : i32 to index
    %get3A_2407 = arith.constant 464 : index
    %get3A_2408 = tpu.vector_load %arg7[%get3A_2406, %get3A_2407] {strides = array<i32>} : memref<16x640xf32, #tpu.memory_space<vmem>>, vector<16xf32>,
    %add3A_2409 = arith.addf %add3A_2404, %get3A_2408 : vector<16xf32>
    %get3A_2410 = arith.constant 8 : i32
    %get3A_2411 = arith.index_cast %get3A_2410 : i32 to index
    %get3A_2412 = arith.constant 464 : index
    %get3A_2413 = tpu.vector_load %arg7[%get3A_2411, %get3A_2412] {strides = array<i32>} : memref<16x640xf32, #tpu.memory_space<vmem>>, vector<16xf32>,
    %add3A_2414 = arith.addf %add3A_2409, %get3A_2413 : vector<16xf32>
    %get3A_2415 = arith.constant 9 : i32
    %get3A_2416 = arith.index_cast %get3A_2415 : i32 to index
    %get3A_2417 = arith.constant 464 : index
    %get3A_2418 = tpu.vector_load %arg7[%get3A_2416, %get3A_2417] {strides = array<i32>} : memref<16x640xf32, #tpu.memory_space<vmem>>, vector<16xf32>,
    %add3A_2419 = arith.addf %add3A_2414, %get3A_2418 : vector<16xf32>
    %get3A_2420 = arith.constant 10 : i32
    %get3A_2421 = arith.index_cast %get3A_2420 : i32 to index
    %get3A_2422 = arith.constant 464 : index
    %get3A_2423 = tpu.vector_load %arg7[%get3A_2421, %get3A_2422] {strides = array<i32>} : memref<16x640xf32, #tpu.memory_space<vmem>>, vector<16xf32>,
    %add3A_2424 = arith.addf %add3A_2419, %get3A_2423 : vector<16xf32>
    %get3A_2425 = arith.constant 11 : i32
    %get3A_2426 = arith.index_cast %get3A_2425 : i32 to index
    %get3A_2427 = arith.constant 464 : index
    %get3A_2428 = tpu.vector_load %arg7[%get3A_2426, %get3A_2427] {strides = array<i32>} : memref<16x640xf32, #tpu.memory_space<vmem>>, vector<16xf32>,
    %add3A_2429 = arith.addf %add3A_2424, %get3A_2428 : vector<16xf32>
    %get3A_2430 = arith.constant 12 : i32
    %get3A_2431 = arith.index_cast %get3A_2430 : i32 to index
    %get3A_2432 = arith.constant 464 : index
    %get3A_2433 = tpu.vector_load %arg7[%get3A_2431, %get3A_2432] {strides = array<i32>} : memref<16x640xf32, #tpu.memory_space<vmem>>, vector<16xf32>,
    %add3A_2434 = arith.addf %add3A_2429, %get3A_2433 : vector<16xf32>
    %get3A_2435 = arith.constant 13 : i32
    %get3A_2436 = arith.index_cast %get3A_2435 : i32 to index
    %get3A_2437 = arith.constant 464 : index
    %get3A_2438 = tpu.vector_load %arg7[%get3A_2436, %get3A_2437] {strides = array<i32>} : memref<16x640xf32, #tpu.memory_space<vmem>>, vector<16xf32>,
    %add3A_2439 = arith.addf %add3A_2434, %get3A_2438 : vector<16xf32>
    %get3A_2440 = arith.constant 14 : i32
    %get3A_2441 = arith.index_cast %get3A_2440 : i32 to index
    %get3A_2442 = arith.constant 464 : index
    %get3A_2443 = tpu.vector_load %arg7[%get3A_2441, %get3A_2442] {strides = array<i32>} : memref<16x640xf32, #tpu.memory_space<vmem>>, vector<16xf32>,
    %add3A_2444 = arith.addf %add3A_2439, %get3A_2443 : vector<16xf32>
    %get3A_2445 = arith.constant 15 : i32
    %get3A_2446 = arith.index_cast %get3A_2445 : i32 to index
    %get3A_2447 = arith.constant 464 : index
    %get3A_2448 = tpu.vector_load %arg7[%get3A_2446, %get3A_2447] {strides = array<i32>} : memref<16x640xf32, #tpu.memory_space<vmem>>, vector<16xf32>,
    %add3A_2449 = arith.addf %add3A_2444, %get3A_2448 : vector<16xf32>
    %swap3A_2450 = arith.constant 464 : index
    %swap3A_2451 = tpu.vector_load %arg8[%swap3A_2450] {strides = array<i32>} : memref<640xf32, #tpu.memory_space<vmem>>, vector<16xf32>,
    tpu.vector_store %arg8[%swap3A_2450], %add3A_2449 {strides = array<i32>} : memref<640xf32, #tpu.memory_space<vmem>>, vector<16xf32>,
    %get3A_2452 = arith.constant 0 : i32
    %get3A_2453 = arith.index_cast %get3A_2452 : i32 to index
    %get3A_2454 = arith.constant 480 : index
    %get3A_2455 = tpu.vector_load %arg7[%get3A_2453, %get3A_2454] {strides = array<i32>} : memref<16x640xf32, #tpu.memory_space<vmem>>, vector<16xf32>,
    %get3A_2456 = arith.constant 1 : i32
    %get3A_2457 = arith.index_cast %get3A_2456 : i32 to index
    %get3A_2458 = arith.constant 480 : index
    %get3A_2459 = tpu.vector_load %arg7[%get3A_2457, %get3A_2458] {strides = array<i32>} : memref<16x640xf32, #tpu.memory_space<vmem>>, vector<16xf32>,
    %add3A_2460 = arith.addf %get3A_2455, %get3A_2459 : vector<16xf32>
    %get3A_2461 = arith.constant 2 : i32
    %get3A_2462 = arith.index_cast %get3A_2461 : i32 to index
    %get3A_2463 = arith.constant 480 : index
    %get3A_2464 = tpu.vector_load %arg7[%get3A_2462, %get3A_2463] {strides = array<i32>} : memref<16x640xf32, #tpu.memory_space<vmem>>, vector<16xf32>,
    %add3A_2465 = arith.addf %add3A_2460, %get3A_2464 : vector<16xf32>
    %get3A_2466 = arith.constant 3 : i32
    %get3A_2467 = arith.index_cast %get3A_2466 : i32 to index
    %get3A_2468 = arith.constant 480 : index
    %get3A_2469 = tpu.vector_load %arg7[%get3A_2467, %get3A_2468] {strides = array<i32>} : memref<16x640xf32, #tpu.memory_space<vmem>>, vector<16xf32>,
    %add3A_2470 = arith.addf %add3A_2465, %get3A_2469 : vector<16xf32>
    %get3A_2471 = arith.constant 4 : i32
    %get3A_2472 = arith.index_cast %get3A_2471 : i32 to index
    %get3A_2473 = arith.constant 480 : index
    %get3A_2474 = tpu.vector_load %arg7[%get3A_2472, %get3A_2473] {strides = array<i32>} : memref<16x640xf32, #tpu.memory_space<vmem>>, vector<16xf32>,
    %add3A_2475 = arith.addf %add3A_2470, %get3A_2474 : vector<16xf32>
    %get3A_2476 = arith.constant 5 : i32
    %get3A_2477 = arith.index_cast %get3A_2476 : i32 to index
    %get3A_2478 = arith.constant 480 : index
    %get3A_2479 = tpu.vector_load %arg7[%get3A_2477, %get3A_2478] {strides = array<i32>} : memref<16x640xf32, #tpu.memory_space<vmem>>, vector<16xf32>,
    %add3A_2480 = arith.addf %add3A_2475, %get3A_2479 : vector<16xf32>
    %get3A_2481 = arith.constant 6 : i32
    %get3A_2482 = arith.index_cast %get3A_2481 : i32 to index
    %get3A_2483 = arith.constant 480 : index
    %get3A_2484 = tpu.vector_load %arg7[%get3A_2482, %get3A_2483] {strides = array<i32>} : memref<16x640xf32, #tpu.memory_space<vmem>>, vector<16xf32>,
    %add3A_2485 = arith.addf %add3A_2480, %get3A_2484 : vector<16xf32>
    %get3A_2486 = arith.constant 7 : i32
    %get3A_2487 = arith.index_cast %get3A_2486 : i32 to index
    %get3A_2488 = arith.constant 480 : index
    %get3A_2489 = tpu.vector_load %arg7[%get3A_2487, %get3A_2488] {strides = array<i32>} : memref<16x640xf32, #tpu.memory_space<vmem>>, vector<16xf32>,
    %add3A_2490 = arith.addf %add3A_2485, %get3A_2489 : vector<16xf32>
    %get3A_2491 = arith.constant 8 : i32
    %get3A_2492 = arith.index_cast %get3A_2491 : i32 to index
    %get3A_2493 = arith.constant 480 : index
    %get3A_2494 = tpu.vector_load %arg7[%get3A_2492, %get3A_2493] {strides = array<i32>} : memref<16x640xf32, #tpu.memory_space<vmem>>, vector<16xf32>,
    %add3A_2495 = arith.addf %add3A_2490, %get3A_2494 : vector<16xf32>
    %get3A_2496 = arith.constant 9 : i32
    %get3A_2497 = arith.index_cast %get3A_2496 : i32 to index
    %get3A_2498 = arith.constant 480 : index
    %get3A_2499 = tpu.vector_load %arg7[%get3A_2497, %get3A_2498] {strides = array<i32>} : memref<16x640xf32, #tpu.memory_space<vmem>>, vector<16xf32>,
    %add3A_2500 = arith.addf %add3A_2495, %get3A_2499 : vector<16xf32>
    %get3A_2501 = arith.constant 10 : i32
    %get3A_2502 = arith.index_cast %get3A_2501 : i32 to index
    %get3A_2503 = arith.constant 480 : index
    %get3A_2504 = tpu.vector_load %arg7[%get3A_2502, %get3A_2503] {strides = array<i32>} : memref<16x640xf32, #tpu.memory_space<vmem>>, vector<16xf32>,
    %add3A_2505 = arith.addf %add3A_2500, %get3A_2504 : vector<16xf32>
    %get3A_2506 = arith.constant 11 : i32
    %get3A_2507 = arith.index_cast %get3A_2506 : i32 to index
    %get3A_2508 = arith.constant 480 : index
    %get3A_2509 = tpu.vector_load %arg7[%get3A_2507, %get3A_2508] {strides = array<i32>} : memref<16x640xf32, #tpu.memory_space<vmem>>, vector<16xf32>,
    %add3A_2510 = arith.addf %add3A_2505, %get3A_2509 : vector<16xf32>
    %get3A_2511 = arith.constant 12 : i32
    %get3A_2512 = arith.index_cast %get3A_2511 : i32 to index
    %get3A_2513 = arith.constant 480 : index
    %get3A_2514 = tpu.vector_load %arg7[%get3A_2512, %get3A_2513] {strides = array<i32>} : memref<16x640xf32, #tpu.memory_space<vmem>>, vector<16xf32>,
    %add3A_2515 = arith.addf %add3A_2510, %get3A_2514 : vector<16xf32>
    %get3A_2516 = arith.constant 13 : i32
    %get3A_2517 = arith.index_cast %get3A_2516 : i32 to index
    %get3A_2518 = arith.constant 480 : index
    %get3A_2519 = tpu.vector_load %arg7[%get3A_2517, %get3A_2518] {strides = array<i32>} : memref<16x640xf32, #tpu.memory_space<vmem>>, vector<16xf32>,
    %add3A_2520 = arith.addf %add3A_2515, %get3A_2519 : vector<16xf32>
    %get3A_2521 = arith.constant 14 : i32
    %get3A_2522 = arith.index_cast %get3A_2521 : i32 to index
    %get3A_2523 = arith.constant 480 : index
    %get3A_2524 = tpu.vector_load %arg7[%get3A_2522, %get3A_2523] {strides = array<i32>} : memref<16x640xf32, #tpu.memory_space<vmem>>, vector<16xf32>,
    %add3A_2525 = arith.addf %add3A_2520, %get3A_2524 : vector<16xf32>
    %get3A_2526 = arith.constant 15 : i32
    %get3A_2527 = arith.index_cast %get3A_2526 : i32 to index
    %get3A_2528 = arith.constant 480 : index
    %get3A_2529 = tpu.vector_load %arg7[%get3A_2527, %get3A_2528] {strides = array<i32>} : memref<16x640xf32, #tpu.memory_space<vmem>>, vector<16xf32>,
    %add3A_2530 = arith.addf %add3A_2525, %get3A_2529 : vector<16xf32>
    %swap3A_2531 = arith.constant 480 : index
    %swap3A_2532 = tpu.vector_load %arg8[%swap3A_2531] {strides = array<i32>} : memref<640xf32, #tpu.memory_space<vmem>>, vector<16xf32>,
    tpu.vector_store %arg8[%swap3A_2531], %add3A_2530 {strides = array<i32>} : memref<640xf32, #tpu.memory_space<vmem>>, vector<16xf32>,
    %get3A_2533 = arith.constant 0 : i32
    %get3A_2534 = arith.index_cast %get3A_2533 : i32 to index
    %get3A_2535 = arith.constant 496 : index
    %get3A_2536 = tpu.vector_load %arg7[%get3A_2534, %get3A_2535] {strides = array<i32>} : memref<16x640xf32, #tpu.memory_space<vmem>>, vector<16xf32>,
    %get3A_2537 = arith.constant 1 : i32
    %get3A_2538 = arith.index_cast %get3A_2537 : i32 to index
    %get3A_2539 = arith.constant 496 : index
    %get3A_2540 = tpu.vector_load %arg7[%get3A_2538, %get3A_2539] {strides = array<i32>} : memref<16x640xf32, #tpu.memory_space<vmem>>, vector<16xf32>,
    %add3A_2541 = arith.addf %get3A_2536, %get3A_2540 : vector<16xf32>
    %get3A_2542 = arith.constant 2 : i32
    %get3A_2543 = arith.index_cast %get3A_2542 : i32 to index
    %get3A_2544 = arith.constant 496 : index
    %get3A_2545 = tpu.vector_load %arg7[%get3A_2543, %get3A_2544] {strides = array<i32>} : memref<16x640xf32, #tpu.memory_space<vmem>>, vector<16xf32>,
    %add3A_2546 = arith.addf %add3A_2541, %get3A_2545 : vector<16xf32>
    %get3A_2547 = arith.constant 3 : i32
    %get3A_2548 = arith.index_cast %get3A_2547 : i32 to index
    %get3A_2549 = arith.constant 496 : index
    %get3A_2550 = tpu.vector_load %arg7[%get3A_2548, %get3A_2549] {strides = array<i32>} : memref<16x640xf32, #tpu.memory_space<vmem>>, vector<16xf32>,
    %add3A_2551 = arith.addf %add3A_2546, %get3A_2550 : vector<16xf32>
    %get3A_2552 = arith.constant 4 : i32
    %get3A_2553 = arith.index_cast %get3A_2552 : i32 to index
    %get3A_2554 = arith.constant 496 : index
    %get3A_2555 = tpu.vector_load %arg7[%get3A_2553, %get3A_2554] {strides = array<i32>} : memref<16x640xf32, #tpu.memory_space<vmem>>, vector<16xf32>,
    %add3A_2556 = arith.addf %add3A_2551, %get3A_2555 : vector<16xf32>
    %get3A_2557 = arith.constant 5 : i32
    %get3A_2558 = arith.index_cast %get3A_2557 : i32 to index
    %get3A_2559 = arith.constant 496 : index
    %get3A_2560 = tpu.vector_load %arg7[%get3A_2558, %get3A_2559] {strides = array<i32>} : memref<16x640xf32, #tpu.memory_space<vmem>>, vector<16xf32>,
    %add3A_2561 = arith.addf %add3A_2556, %get3A_2560 : vector<16xf32>
    %get3A_2562 = arith.constant 6 : i32
    %get3A_2563 = arith.index_cast %get3A_2562 : i32 to index
    %get3A_2564 = arith.constant 496 : index
    %get3A_2565 = tpu.vector_load %arg7[%get3A_2563, %get3A_2564] {strides = array<i32>} : memref<16x640xf32, #tpu.memory_space<vmem>>, vector<16xf32>,
    %add3A_2566 = arith.addf %add3A_2561, %get3A_2565 : vector<16xf32>
    %get3A_2567 = arith.constant 7 : i32
    %get3A_2568 = arith.index_cast %get3A_2567 : i32 to index
    %get3A_2569 = arith.constant 496 : index
    %get3A_2570 = tpu.vector_load %arg7[%get3A_2568, %get3A_2569] {strides = array<i32>} : memref<16x640xf32, #tpu.memory_space<vmem>>, vector<16xf32>,
    %add3A_2571 = arith.addf %add3A_2566, %get3A_2570 : vector<16xf32>
    %get3A_2572 = arith.constant 8 : i32
    %get3A_2573 = arith.index_cast %get3A_2572 : i32 to index
    %get3A_2574 = arith.constant 496 : index
    %get3A_2575 = tpu.vector_load %arg7[%get3A_2573, %get3A_2574] {strides = array<i32>} : memref<16x640xf32, #tpu.memory_space<vmem>>, vector<16xf32>,
    %add3A_2576 = arith.addf %add3A_2571, %get3A_2575 : vector<16xf32>
    %get3A_2577 = arith.constant 9 : i32
    %get3A_2578 = arith.index_cast %get3A_2577 : i32 to index
    %get3A_2579 = arith.constant 496 : index
    %get3A_2580 = tpu.vector_load %arg7[%get3A_2578, %get3A_2579] {strides = array<i32>} : memref<16x640xf32, #tpu.memory_space<vmem>>, vector<16xf32>,
    %add3A_2581 = arith.addf %add3A_2576, %get3A_2580 : vector<16xf32>
    %get3A_2582 = arith.constant 10 : i32
    %get3A_2583 = arith.index_cast %get3A_2582 : i32 to index
    %get3A_2584 = arith.constant 496 : index
    %get3A_2585 = tpu.vector_load %arg7[%get3A_2583, %get3A_2584] {strides = array<i32>} : memref<16x640xf32, #tpu.memory_space<vmem>>, vector<16xf32>,
    %add3A_2586 = arith.addf %add3A_2581, %get3A_2585 : vector<16xf32>
    %get3A_2587 = arith.constant 11 : i32
    %get3A_2588 = arith.index_cast %get3A_2587 : i32 to index
    %get3A_2589 = arith.constant 496 : index
    %get3A_2590 = tpu.vector_load %arg7[%get3A_2588, %get3A_2589] {strides = array<i32>} : memref<16x640xf32, #tpu.memory_space<vmem>>, vector<16xf32>,
    %add3A_2591 = arith.addf %add3A_2586, %get3A_2590 : vector<16xf32>
    %get3A_2592 = arith.constant 12 : i32
    %get3A_2593 = arith.index_cast %get3A_2592 : i32 to index
    %get3A_2594 = arith.constant 496 : index
    %get3A_2595 = tpu.vector_load %arg7[%get3A_2593, %get3A_2594] {strides = array<i32>} : memref<16x640xf32, #tpu.memory_space<vmem>>, vector<16xf32>,
    %add3A_2596 = arith.addf %add3A_2591, %get3A_2595 : vector<16xf32>
    %get3A_2597 = arith.constant 13 : i32
    %get3A_2598 = arith.index_cast %get3A_2597 : i32 to index
    %get3A_2599 = arith.constant 496 : index
    %get3A_2600 = tpu.vector_load %arg7[%get3A_2598, %get3A_2599] {strides = array<i32>} : memref<16x640xf32, #tpu.memory_space<vmem>>, vector<16xf32>,
    %add3A_2601 = arith.addf %add3A_2596, %get3A_2600 : vector<16xf32>
    %get3A_2602 = arith.constant 14 : i32
    %get3A_2603 = arith.index_cast %get3A_2602 : i32 to index
    %get3A_2604 = arith.constant 496 : index
    %get3A_2605 = tpu.vector_load %arg7[%get3A_2603, %get3A_2604] {strides = array<i32>} : memref<16x640xf32, #tpu.memory_space<vmem>>, vector<16xf32>,
    %add3A_2606 = arith.addf %add3A_2601, %get3A_2605 : vector<16xf32>
    %get3A_2607 = arith.constant 15 : i32
    %get3A_2608 = arith.index_cast %get3A_2607 : i32 to index
    %get3A_2609 = arith.constant 496 : index
    %get3A_2610 = tpu.vector_load %arg7[%get3A_2608, %get3A_2609] {strides = array<i32>} : memref<16x640xf32, #tpu.memory_space<vmem>>, vector<16xf32>,
    %add3A_2611 = arith.addf %add3A_2606, %get3A_2610 : vector<16xf32>
    %swap3A_2612 = arith.constant 496 : index
    %swap3A_2613 = tpu.vector_load %arg8[%swap3A_2612] {strides = array<i32>} : memref<640xf32, #tpu.memory_space<vmem>>, vector<16xf32>,
    tpu.vector_store %arg8[%swap3A_2612], %add3A_2611 {strides = array<i32>} : memref<640xf32, #tpu.memory_space<vmem>>, vector<16xf32>,
    %get3A_2614 = arith.constant 0 : i32
    %get3A_2615 = arith.index_cast %get3A_2614 : i32 to index
    %get3A_2616 = arith.constant 512 : index
    %get3A_2617 = tpu.vector_load %arg7[%get3A_2615, %get3A_2616] {strides = array<i32>} : memref<16x640xf32, #tpu.memory_space<vmem>>, vector<16xf32>,
    %get3A_2618 = arith.constant 1 : i32
    %get3A_2619 = arith.index_cast %get3A_2618 : i32 to index
    %get3A_2620 = arith.constant 512 : index
    %get3A_2621 = tpu.vector_load %arg7[%get3A_2619, %get3A_2620] {strides = array<i32>} : memref<16x640xf32, #tpu.memory_space<vmem>>, vector<16xf32>,
    %add3A_2622 = arith.addf %get3A_2617, %get3A_2621 : vector<16xf32>
    %get3A_2623 = arith.constant 2 : i32
    %get3A_2624 = arith.index_cast %get3A_2623 : i32 to index
    %get3A_2625 = arith.constant 512 : index
    %get3A_2626 = tpu.vector_load %arg7[%get3A_2624, %get3A_2625] {strides = array<i32>} : memref<16x640xf32, #tpu.memory_space<vmem>>, vector<16xf32>,
    %add3A_2627 = arith.addf %add3A_2622, %get3A_2626 : vector<16xf32>
    %get3A_2628 = arith.constant 3 : i32
    %get3A_2629 = arith.index_cast %get3A_2628 : i32 to index
    %get3A_2630 = arith.constant 512 : index
    %get3A_2631 = tpu.vector_load %arg7[%get3A_2629, %get3A_2630] {strides = array<i32>} : memref<16x640xf32, #tpu.memory_space<vmem>>, vector<16xf32>,
    %add3A_2632 = arith.addf %add3A_2627, %get3A_2631 : vector<16xf32>
    %get3A_2633 = arith.constant 4 : i32
    %get3A_2634 = arith.index_cast %get3A_2633 : i32 to index
    %get3A_2635 = arith.constant 512 : index
    %get3A_2636 = tpu.vector_load %arg7[%get3A_2634, %get3A_2635] {strides = array<i32>} : memref<16x640xf32, #tpu.memory_space<vmem>>, vector<16xf32>,
    %add3A_2637 = arith.addf %add3A_2632, %get3A_2636 : vector<16xf32>
    %get3A_2638 = arith.constant 5 : i32
    %get3A_2639 = arith.index_cast %get3A_2638 : i32 to index
    %get3A_2640 = arith.constant 512 : index
    %get3A_2641 = tpu.vector_load %arg7[%get3A_2639, %get3A_2640] {strides = array<i32>} : memref<16x640xf32, #tpu.memory_space<vmem>>, vector<16xf32>,
    %add3A_2642 = arith.addf %add3A_2637, %get3A_2641 : vector<16xf32>
    %get3A_2643 = arith.constant 6 : i32
    %get3A_2644 = arith.index_cast %get3A_2643 : i32 to index
    %get3A_2645 = arith.constant 512 : index
    %get3A_2646 = tpu.vector_load %arg7[%get3A_2644, %get3A_2645] {strides = array<i32>} : memref<16x640xf32, #tpu.memory_space<vmem>>, vector<16xf32>,
    %add3A_2647 = arith.addf %add3A_2642, %get3A_2646 : vector<16xf32>
    %get3A_2648 = arith.constant 7 : i32
    %get3A_2649 = arith.index_cast %get3A_2648 : i32 to index
    %get3A_2650 = arith.constant 512 : index
    %get3A_2651 = tpu.vector_load %arg7[%get3A_2649, %get3A_2650] {strides = array<i32>} : memref<16x640xf32, #tpu.memory_space<vmem>>, vector<16xf32>,
    %add3A_2652 = arith.addf %add3A_2647, %get3A_2651 : vector<16xf32>
    %get3A_2653 = arith.constant 8 : i32
    %get3A_2654 = arith.index_cast %get3A_2653 : i32 to index
    %get3A_2655 = arith.constant 512 : index
    %get3A_2656 = tpu.vector_load %arg7[%get3A_2654, %get3A_2655] {strides = array<i32>} : memref<16x640xf32, #tpu.memory_space<vmem>>, vector<16xf32>,
    %add3A_2657 = arith.addf %add3A_2652, %get3A_2656 : vector<16xf32>
    %get3A_2658 = arith.constant 9 : i32
    %get3A_2659 = arith.index_cast %get3A_2658 : i32 to index
    %get3A_2660 = arith.constant 512 : index
    %get3A_2661 = tpu.vector_load %arg7[%get3A_2659, %get3A_2660] {strides = array<i32>} : memref<16x640xf32, #tpu.memory_space<vmem>>, vector<16xf32>,
    %add3A_2662 = arith.addf %add3A_2657, %get3A_2661 : vector<16xf32>
    %get3A_2663 = arith.constant 10 : i32
    %get3A_2664 = arith.index_cast %get3A_2663 : i32 to index
    %get3A_2665 = arith.constant 512 : index
    %get3A_2666 = tpu.vector_load %arg7[%get3A_2664, %get3A_2665] {strides = array<i32>} : memref<16x640xf32, #tpu.memory_space<vmem>>, vector<16xf32>,
    %add3A_2667 = arith.addf %add3A_2662, %get3A_2666 : vector<16xf32>
    %get3A_2668 = arith.constant 11 : i32
    %get3A_2669 = arith.index_cast %get3A_2668 : i32 to index
    %get3A_2670 = arith.constant 512 : index
    %get3A_2671 = tpu.vector_load %arg7[%get3A_2669, %get3A_2670] {strides = array<i32>} : memref<16x640xf32, #tpu.memory_space<vmem>>, vector<16xf32>,
    %add3A_2672 = arith.addf %add3A_2667, %get3A_2671 : vector<16xf32>
    %get3A_2673 = arith.constant 12 : i32
    %get3A_2674 = arith.index_cast %get3A_2673 : i32 to index
    %get3A_2675 = arith.constant 512 : index
    %get3A_2676 = tpu.vector_load %arg7[%get3A_2674, %get3A_2675] {strides = array<i32>} : memref<16x640xf32, #tpu.memory_space<vmem>>, vector<16xf32>,
    %add3A_2677 = arith.addf %add3A_2672, %get3A_2676 : vector<16xf32>
    %get3A_2678 = arith.constant 13 : i32
    %get3A_2679 = arith.index_cast %get3A_2678 : i32 to index
    %get3A_2680 = arith.constant 512 : index
    %get3A_2681 = tpu.vector_load %arg7[%get3A_2679, %get3A_2680] {strides = array<i32>} : memref<16x640xf32, #tpu.memory_space<vmem>>, vector<16xf32>,
    %add3A_2682 = arith.addf %add3A_2677, %get3A_2681 : vector<16xf32>
    %get3A_2683 = arith.constant 14 : i32
    %get3A_2684 = arith.index_cast %get3A_2683 : i32 to index
    %get3A_2685 = arith.constant 512 : index
    %get3A_2686 = tpu.vector_load %arg7[%get3A_2684, %get3A_2685] {strides = array<i32>} : memref<16x640xf32, #tpu.memory_space<vmem>>, vector<16xf32>,
    %add3A_2687 = arith.addf %add3A_2682, %get3A_2686 : vector<16xf32>
    %get3A_2688 = arith.constant 15 : i32
    %get3A_2689 = arith.index_cast %get3A_2688 : i32 to index
    %get3A_2690 = arith.constant 512 : index
    %get3A_2691 = tpu.vector_load %arg7[%get3A_2689, %get3A_2690] {strides = array<i32>} : memref<16x640xf32, #tpu.memory_space<vmem>>, vector<16xf32>,
    %add3A_2692 = arith.addf %add3A_2687, %get3A_2691 : vector<16xf32>
    %swap3A_2693 = arith.constant 512 : index
    %swap3A_2694 = tpu.vector_load %arg8[%swap3A_2693] {strides = array<i32>} : memref<640xf32, #tpu.memory_space<vmem>>, vector<16xf32>,
    tpu.vector_store %arg8[%swap3A_2693], %add3A_2692 {strides = array<i32>} : memref<640xf32, #tpu.memory_space<vmem>>, vector<16xf32>,
    %get3A_2695 = arith.constant 0 : i32
    %get3A_2696 = arith.index_cast %get3A_2695 : i32 to index
    %get3A_2697 = arith.constant 528 : index
    %get3A_2698 = tpu.vector_load %arg7[%get3A_2696, %get3A_2697] {strides = array<i32>} : memref<16x640xf32, #tpu.memory_space<vmem>>, vector<16xf32>,
    %get3A_2699 = arith.constant 1 : i32
    %get3A_2700 = arith.index_cast %get3A_2699 : i32 to index
    %get3A_2701 = arith.constant 528 : index
    %get3A_2702 = tpu.vector_load %arg7[%get3A_2700, %get3A_2701] {strides = array<i32>} : memref<16x640xf32, #tpu.memory_space<vmem>>, vector<16xf32>,
    %add3A_2703 = arith.addf %get3A_2698, %get3A_2702 : vector<16xf32>
    %get3A_2704 = arith.constant 2 : i32
    %get3A_2705 = arith.index_cast %get3A_2704 : i32 to index
    %get3A_2706 = arith.constant 528 : index
    %get3A_2707 = tpu.vector_load %arg7[%get3A_2705, %get3A_2706] {strides = array<i32>} : memref<16x640xf32, #tpu.memory_space<vmem>>, vector<16xf32>,
    %add3A_2708 = arith.addf %add3A_2703, %get3A_2707 : vector<16xf32>
    %get3A_2709 = arith.constant 3 : i32
    %get3A_2710 = arith.index_cast %get3A_2709 : i32 to index
    %get3A_2711 = arith.constant 528 : index
    %get3A_2712 = tpu.vector_load %arg7[%get3A_2710, %get3A_2711] {strides = array<i32>} : memref<16x640xf32, #tpu.memory_space<vmem>>, vector<16xf32>,
    %add3A_2713 = arith.addf %add3A_2708, %get3A_2712 : vector<16xf32>
    %get3A_2714 = arith.constant 4 : i32
    %get3A_2715 = arith.index_cast %get3A_2714 : i32 to index
    %get3A_2716 = arith.constant 528 : index
    %get3A_2717 = tpu.vector_load %arg7[%get3A_2715, %get3A_2716] {strides = array<i32>} : memref<16x640xf32, #tpu.memory_space<vmem>>, vector<16xf32>,
    %add3A_2718 = arith.addf %add3A_2713, %get3A_2717 : vector<16xf32>
    %get3A_2719 = arith.constant 5 : i32
    %get3A_2720 = arith.index_cast %get3A_2719 : i32 to index
    %get3A_2721 = arith.constant 528 : index
    %get3A_2722 = tpu.vector_load %arg7[%get3A_2720, %get3A_2721] {strides = array<i32>} : memref<16x640xf32, #tpu.memory_space<vmem>>, vector<16xf32>,
    %add3A_2723 = arith.addf %add3A_2718, %get3A_2722 : vector<16xf32>
    %get3A_2724 = arith.constant 6 : i32
    %get3A_2725 = arith.index_cast %get3A_2724 : i32 to index
    %get3A_2726 = arith.constant 528 : index
    %get3A_2727 = tpu.vector_load %arg7[%get3A_2725, %get3A_2726] {strides = array<i32>} : memref<16x640xf32, #tpu.memory_space<vmem>>, vector<16xf32>,
    %add3A_2728 = arith.addf %add3A_2723, %get3A_2727 : vector<16xf32>
    %get3A_2729 = arith.constant 7 : i32
    %get3A_2730 = arith.index_cast %get3A_2729 : i32 to index
    %get3A_2731 = arith.constant 528 : index
    %get3A_2732 = tpu.vector_load %arg7[%get3A_2730, %get3A_2731] {strides = array<i32>} : memref<16x640xf32, #tpu.memory_space<vmem>>, vector<16xf32>,
    %add3A_2733 = arith.addf %add3A_2728, %get3A_2732 : vector<16xf32>
    %get3A_2734 = arith.constant 8 : i32
    %get3A_2735 = arith.index_cast %get3A_2734 : i32 to index
    %get3A_2736 = arith.constant 528 : index
    %get3A_2737 = tpu.vector_load %arg7[%get3A_2735, %get3A_2736] {strides = array<i32>} : memref<16x640xf32, #tpu.memory_space<vmem>>, vector<16xf32>,
    %add3A_2738 = arith.addf %add3A_2733, %get3A_2737 : vector<16xf32>
    %get3A_2739 = arith.constant 9 : i32
    %get3A_2740 = arith.index_cast %get3A_2739 : i32 to index
    %get3A_2741 = arith.constant 528 : index
    %get3A_2742 = tpu.vector_load %arg7[%get3A_2740, %get3A_2741] {strides = array<i32>} : memref<16x640xf32, #tpu.memory_space<vmem>>, vector<16xf32>,
    %add3A_2743 = arith.addf %add3A_2738, %get3A_2742 : vector<16xf32>
    %get3A_2744 = arith.constant 10 : i32
    %get3A_2745 = arith.index_cast %get3A_2744 : i32 to index
    %get3A_2746 = arith.constant 528 : index
    %get3A_2747 = tpu.vector_load %arg7[%get3A_2745, %get3A_2746] {strides = array<i32>} : memref<16x640xf32, #tpu.memory_space<vmem>>, vector<16xf32>,
    %add3A_2748 = arith.addf %add3A_2743, %get3A_2747 : vector<16xf32>
    %get3A_2749 = arith.constant 11 : i32
    %get3A_2750 = arith.index_cast %get3A_2749 : i32 to index
    %get3A_2751 = arith.constant 528 : index
    %get3A_2752 = tpu.vector_load %arg7[%get3A_2750, %get3A_2751] {strides = array<i32>} : memref<16x640xf32, #tpu.memory_space<vmem>>, vector<16xf32>,
    %add3A_2753 = arith.addf %add3A_2748, %get3A_2752 : vector<16xf32>
    %get3A_2754 = arith.constant 12 : i32
    %get3A_2755 = arith.index_cast %get3A_2754 : i32 to index
    %get3A_2756 = arith.constant 528 : index
    %get3A_2757 = tpu.vector_load %arg7[%get3A_2755, %get3A_2756] {strides = array<i32>} : memref<16x640xf32, #tpu.memory_space<vmem>>, vector<16xf32>,
    %add3A_2758 = arith.addf %add3A_2753, %get3A_2757 : vector<16xf32>
    %get3A_2759 = arith.constant 13 : i32
    %get3A_2760 = arith.index_cast %get3A_2759 : i32 to index
    %get3A_2761 = arith.constant 528 : index
    %get3A_2762 = tpu.vector_load %arg7[%get3A_2760, %get3A_2761] {strides = array<i32>} : memref<16x640xf32, #tpu.memory_space<vmem>>, vector<16xf32>,
    %add3A_2763 = arith.addf %add3A_2758, %get3A_2762 : vector<16xf32>
    %get3A_2764 = arith.constant 14 : i32
    %get3A_2765 = arith.index_cast %get3A_2764 : i32 to index
    %get3A_2766 = arith.constant 528 : index
    %get3A_2767 = tpu.vector_load %arg7[%get3A_2765, %get3A_2766] {strides = array<i32>} : memref<16x640xf32, #tpu.memory_space<vmem>>, vector<16xf32>,
    %add3A_2768 = arith.addf %add3A_2763, %get3A_2767 : vector<16xf32>
    %get3A_2769 = arith.constant 15 : i32
    %get3A_2770 = arith.index_cast %get3A_2769 : i32 to index
    %get3A_2771 = arith.constant 528 : index
    %get3A_2772 = tpu.vector_load %arg7[%get3A_2770, %get3A_2771] {strides = array<i32>} : memref<16x640xf32, #tpu.memory_space<vmem>>, vector<16xf32>,
    %add3A_2773 = arith.addf %add3A_2768, %get3A_2772 : vector<16xf32>
    %swap3A_2774 = arith.constant 528 : index
    %swap3A_2775 = tpu.vector_load %arg8[%swap3A_2774] {strides = array<i32>} : memref<640xf32, #tpu.memory_space<vmem>>, vector<16xf32>,
    tpu.vector_store %arg8[%swap3A_2774], %add3A_2773 {strides = array<i32>} : memref<640xf32, #tpu.memory_space<vmem>>, vector<16xf32>,
    %get3A_2776 = arith.constant 0 : i32
    %get3A_2777 = arith.index_cast %get3A_2776 : i32 to index
    %get3A_2778 = arith.constant 544 : index
    %get3A_2779 = tpu.vector_load %arg7[%get3A_2777, %get3A_2778] {strides = array<i32>} : memref<16x640xf32, #tpu.memory_space<vmem>>, vector<16xf32>,
    %get3A_2780 = arith.constant 1 : i32
    %get3A_2781 = arith.index_cast %get3A_2780 : i32 to index
    %get3A_2782 = arith.constant 544 : index
    %get3A_2783 = tpu.vector_load %arg7[%get3A_2781, %get3A_2782] {strides = array<i32>} : memref<16x640xf32, #tpu.memory_space<vmem>>, vector<16xf32>,
    %add3A_2784 = arith.addf %get3A_2779, %get3A_2783 : vector<16xf32>
    %get3A_2785 = arith.constant 2 : i32
    %get3A_2786 = arith.index_cast %get3A_2785 : i32 to index
    %get3A_2787 = arith.constant 544 : index
    %get3A_2788 = tpu.vector_load %arg7[%get3A_2786, %get3A_2787] {strides = array<i32>} : memref<16x640xf32, #tpu.memory_space<vmem>>, vector<16xf32>,
    %add3A_2789 = arith.addf %add3A_2784, %get3A_2788 : vector<16xf32>
    %get3A_2790 = arith.constant 3 : i32
    %get3A_2791 = arith.index_cast %get3A_2790 : i32 to index
    %get3A_2792 = arith.constant 544 : index
    %get3A_2793 = tpu.vector_load %arg7[%get3A_2791, %get3A_2792] {strides = array<i32>} : memref<16x640xf32, #tpu.memory_space<vmem>>, vector<16xf32>,
    %add3A_2794 = arith.addf %add3A_2789, %get3A_2793 : vector<16xf32>
    %get3A_2795 = arith.constant 4 : i32
    %get3A_2796 = arith.index_cast %get3A_2795 : i32 to index
    %get3A_2797 = arith.constant 544 : index
    %get3A_2798 = tpu.vector_load %arg7[%get3A_2796, %get3A_2797] {strides = array<i32>} : memref<16x640xf32, #tpu.memory_space<vmem>>, vector<16xf32>,
    %add3A_2799 = arith.addf %add3A_2794, %get3A_2798 : vector<16xf32>
    %get3A_2800 = arith.constant 5 : i32
    %get3A_2801 = arith.index_cast %get3A_2800 : i32 to index
    %get3A_2802 = arith.constant 544 : index
    %get3A_2803 = tpu.vector_load %arg7[%get3A_2801, %get3A_2802] {strides = array<i32>} : memref<16x640xf32, #tpu.memory_space<vmem>>, vector<16xf32>,
    %add3A_2804 = arith.addf %add3A_2799, %get3A_2803 : vector<16xf32>
    %get3A_2805 = arith.constant 6 : i32
    %get3A_2806 = arith.index_cast %get3A_2805 : i32 to index
    %get3A_2807 = arith.constant 544 : index
    %get3A_2808 = tpu.vector_load %arg7[%get3A_2806, %get3A_2807] {strides = array<i32>} : memref<16x640xf32, #tpu.memory_space<vmem>>, vector<16xf32>,
    %add3A_2809 = arith.addf %add3A_2804, %get3A_2808 : vector<16xf32>
    %get3A_2810 = arith.constant 7 : i32
    %get3A_2811 = arith.index_cast %get3A_2810 : i32 to index
    %get3A_2812 = arith.constant 544 : index
    %get3A_2813 = tpu.vector_load %arg7[%get3A_2811, %get3A_2812] {strides = array<i32>} : memref<16x640xf32, #tpu.memory_space<vmem>>, vector<16xf32>,
    %add3A_2814 = arith.addf %add3A_2809, %get3A_2813 : vector<16xf32>
    %get3A_2815 = arith.constant 8 : i32
    %get3A_2816 = arith.index_cast %get3A_2815 : i32 to index
    %get3A_2817 = arith.constant 544 : index
    %get3A_2818 = tpu.vector_load %arg7[%get3A_2816, %get3A_2817] {strides = array<i32>} : memref<16x640xf32, #tpu.memory_space<vmem>>, vector<16xf32>,
    %add3A_2819 = arith.addf %add3A_2814, %get3A_2818 : vector<16xf32>
    %get3A_2820 = arith.constant 9 : i32
    %get3A_2821 = arith.index_cast %get3A_2820 : i32 to index
    %get3A_2822 = arith.constant 544 : index
    %get3A_2823 = tpu.vector_load %arg7[%get3A_2821, %get3A_2822] {strides = array<i32>} : memref<16x640xf32, #tpu.memory_space<vmem>>, vector<16xf32>,
    %add3A_2824 = arith.addf %add3A_2819, %get3A_2823 : vector<16xf32>
    %get3A_2825 = arith.constant 10 : i32
    %get3A_2826 = arith.index_cast %get3A_2825 : i32 to index
    %get3A_2827 = arith.constant 544 : index
    %get3A_2828 = tpu.vector_load %arg7[%get3A_2826, %get3A_2827] {strides = array<i32>} : memref<16x640xf32, #tpu.memory_space<vmem>>, vector<16xf32>,
    %add3A_2829 = arith.addf %add3A_2824, %get3A_2828 : vector<16xf32>
    %get3A_2830 = arith.constant 11 : i32
    %get3A_2831 = arith.index_cast %get3A_2830 : i32 to index
    %get3A_2832 = arith.constant 544 : index
    %get3A_2833 = tpu.vector_load %arg7[%get3A_2831, %get3A_2832] {strides = array<i32>} : memref<16x640xf32, #tpu.memory_space<vmem>>, vector<16xf32>,
    %add3A_2834 = arith.addf %add3A_2829, %get3A_2833 : vector<16xf32>
    %get3A_2835 = arith.constant 12 : i32
    %get3A_2836 = arith.index_cast %get3A_2835 : i32 to index
    %get3A_2837 = arith.constant 544 : index
    %get3A_2838 = tpu.vector_load %arg7[%get3A_2836, %get3A_2837] {strides = array<i32>} : memref<16x640xf32, #tpu.memory_space<vmem>>, vector<16xf32>,
    %add3A_2839 = arith.addf %add3A_2834, %get3A_2838 : vector<16xf32>
    %get3A_2840 = arith.constant 13 : i32
    %get3A_2841 = arith.index_cast %get3A_2840 : i32 to index
    %get3A_2842 = arith.constant 544 : index
    %get3A_2843 = tpu.vector_load %arg7[%get3A_2841, %get3A_2842] {strides = array<i32>} : memref<16x640xf32, #tpu.memory_space<vmem>>, vector<16xf32>,
    %add3A_2844 = arith.addf %add3A_2839, %get3A_2843 : vector<16xf32>
    %get3A_2845 = arith.constant 14 : i32
    %get3A_2846 = arith.index_cast %get3A_2845 : i32 to index
    %get3A_2847 = arith.constant 544 : index
    %get3A_2848 = tpu.vector_load %arg7[%get3A_2846, %get3A_2847] {strides = array<i32>} : memref<16x640xf32, #tpu.memory_space<vmem>>, vector<16xf32>,
    %add3A_2849 = arith.addf %add3A_2844, %get3A_2848 : vector<16xf32>
    %get3A_2850 = arith.constant 15 : i32
    %get3A_2851 = arith.index_cast %get3A_2850 : i32 to index
    %get3A_2852 = arith.constant 544 : index
    %get3A_2853 = tpu.vector_load %arg7[%get3A_2851, %get3A_2852] {strides = array<i32>} : memref<16x640xf32, #tpu.memory_space<vmem>>, vector<16xf32>,
    %add3A_2854 = arith.addf %add3A_2849, %get3A_2853 : vector<16xf32>
    %swap3A_2855 = arith.constant 544 : index
    %swap3A_2856 = tpu.vector_load %arg8[%swap3A_2855] {strides = array<i32>} : memref<640xf32, #tpu.memory_space<vmem>>, vector<16xf32>,
    tpu.vector_store %arg8[%swap3A_2855], %add3A_2854 {strides = array<i32>} : memref<640xf32, #tpu.memory_space<vmem>>, vector<16xf32>,
    %get3A_2857 = arith.constant 0 : i32
    %get3A_2858 = arith.index_cast %get3A_2857 : i32 to index
    %get3A_2859 = arith.constant 560 : index
    %get3A_2860 = tpu.vector_load %arg7[%get3A_2858, %get3A_2859] {strides = array<i32>} : memref<16x640xf32, #tpu.memory_space<vmem>>, vector<16xf32>,
    %get3A_2861 = arith.constant 1 : i32
    %get3A_2862 = arith.index_cast %get3A_2861 : i32 to index
    %get3A_2863 = arith.constant 560 : index
    %get3A_2864 = tpu.vector_load %arg7[%get3A_2862, %get3A_2863] {strides = array<i32>} : memref<16x640xf32, #tpu.memory_space<vmem>>, vector<16xf32>,
    %add3A_2865 = arith.addf %get3A_2860, %get3A_2864 : vector<16xf32>
    %get3A_2866 = arith.constant 2 : i32
    %get3A_2867 = arith.index_cast %get3A_2866 : i32 to index
    %get3A_2868 = arith.constant 560 : index
    %get3A_2869 = tpu.vector_load %arg7[%get3A_2867, %get3A_2868] {strides = array<i32>} : memref<16x640xf32, #tpu.memory_space<vmem>>, vector<16xf32>,
    %add3A_2870 = arith.addf %add3A_2865, %get3A_2869 : vector<16xf32>
    %get3A_2871 = arith.constant 3 : i32
    %get3A_2872 = arith.index_cast %get3A_2871 : i32 to index
    %get3A_2873 = arith.constant 560 : index
    %get3A_2874 = tpu.vector_load %arg7[%get3A_2872, %get3A_2873] {strides = array<i32>} : memref<16x640xf32, #tpu.memory_space<vmem>>, vector<16xf32>,
    %add3A_2875 = arith.addf %add3A_2870, %get3A_2874 : vector<16xf32>
    %get3A_2876 = arith.constant 4 : i32
    %get3A_2877 = arith.index_cast %get3A_2876 : i32 to index
    %get3A_2878 = arith.constant 560 : index
    %get3A_2879 = tpu.vector_load %arg7[%get3A_2877, %get3A_2878] {strides = array<i32>} : memref<16x640xf32, #tpu.memory_space<vmem>>, vector<16xf32>,
    %add3A_2880 = arith.addf %add3A_2875, %get3A_2879 : vector<16xf32>
    %get3A_2881 = arith.constant 5 : i32
    %get3A_2882 = arith.index_cast %get3A_2881 : i32 to index
    %get3A_2883 = arith.constant 560 : index
    %get3A_2884 = tpu.vector_load %arg7[%get3A_2882, %get3A_2883] {strides = array<i32>} : memref<16x640xf32, #tpu.memory_space<vmem>>, vector<16xf32>,
    %add3A_2885 = arith.addf %add3A_2880, %get3A_2884 : vector<16xf32>
    %get3A_2886 = arith.constant 6 : i32
    %get3A_2887 = arith.index_cast %get3A_2886 : i32 to index
    %get3A_2888 = arith.constant 560 : index
    %get3A_2889 = tpu.vector_load %arg7[%get3A_2887, %get3A_2888] {strides = array<i32>} : memref<16x640xf32, #tpu.memory_space<vmem>>, vector<16xf32>,
    %add3A_2890 = arith.addf %add3A_2885, %get3A_2889 : vector<16xf32>
    %get3A_2891 = arith.constant 7 : i32
    %get3A_2892 = arith.index_cast %get3A_2891 : i32 to index
    %get3A_2893 = arith.constant 560 : index
    %get3A_2894 = tpu.vector_load %arg7[%get3A_2892, %get3A_2893] {strides = array<i32>} : memref<16x640xf32, #tpu.memory_space<vmem>>, vector<16xf32>,
    %add3A_2895 = arith.addf %add3A_2890, %get3A_2894 : vector<16xf32>
    %get3A_2896 = arith.constant 8 : i32
    %get3A_2897 = arith.index_cast %get3A_2896 : i32 to index
    %get3A_2898 = arith.constant 560 : index
    %get3A_2899 = tpu.vector_load %arg7[%get3A_2897, %get3A_2898] {strides = array<i32>} : memref<16x640xf32, #tpu.memory_space<vmem>>, vector<16xf32>,
    %add3A_2900 = arith.addf %add3A_2895, %get3A_2899 : vector<16xf32>
    %get3A_2901 = arith.constant 9 : i32
    %get3A_2902 = arith.index_cast %get3A_2901 : i32 to index
    %get3A_2903 = arith.constant 560 : index
    %get3A_2904 = tpu.vector_load %arg7[%get3A_2902, %get3A_2903] {strides = array<i32>} : memref<16x640xf32, #tpu.memory_space<vmem>>, vector<16xf32>,
    %add3A_2905 = arith.addf %add3A_2900, %get3A_2904 : vector<16xf32>
    %get3A_2906 = arith.constant 10 : i32
    %get3A_2907 = arith.index_cast %get3A_2906 : i32 to index
    %get3A_2908 = arith.constant 560 : index
    %get3A_2909 = tpu.vector_load %arg7[%get3A_2907, %get3A_2908] {strides = array<i32>} : memref<16x640xf32, #tpu.memory_space<vmem>>, vector<16xf32>,
    %add3A_2910 = arith.addf %add3A_2905, %get3A_2909 : vector<16xf32>
    %get3A_2911 = arith.constant 11 : i32
    %get3A_2912 = arith.index_cast %get3A_2911 : i32 to index
    %get3A_2913 = arith.constant 560 : index
    %get3A_2914 = tpu.vector_load %arg7[%get3A_2912, %get3A_2913] {strides = array<i32>} : memref<16x640xf32, #tpu.memory_space<vmem>>, vector<16xf32>,
    %add3A_2915 = arith.addf %add3A_2910, %get3A_2914 : vector<16xf32>
    %get3A_2916 = arith.constant 12 : i32
    %get3A_2917 = arith.index_cast %get3A_2916 : i32 to index
    %get3A_2918 = arith.constant 560 : index
    %get3A_2919 = tpu.vector_load %arg7[%get3A_2917, %get3A_2918] {strides = array<i32>} : memref<16x640xf32, #tpu.memory_space<vmem>>, vector<16xf32>,
    %add3A_2920 = arith.addf %add3A_2915, %get3A_2919 : vector<16xf32>
    %get3A_2921 = arith.constant 13 : i32
    %get3A_2922 = arith.index_cast %get3A_2921 : i32 to index
    %get3A_2923 = arith.constant 560 : index
    %get3A_2924 = tpu.vector_load %arg7[%get3A_2922, %get3A_2923] {strides = array<i32>} : memref<16x640xf32, #tpu.memory_space<vmem>>, vector<16xf32>,
    %add3A_2925 = arith.addf %add3A_2920, %get3A_2924 : vector<16xf32>
    %get3A_2926 = arith.constant 14 : i32
    %get3A_2927 = arith.index_cast %get3A_2926 : i32 to index
    %get3A_2928 = arith.constant 560 : index
    %get3A_2929 = tpu.vector_load %arg7[%get3A_2927, %get3A_2928] {strides = array<i32>} : memref<16x640xf32, #tpu.memory_space<vmem>>, vector<16xf32>,
    %add3A_2930 = arith.addf %add3A_2925, %get3A_2929 : vector<16xf32>
    %get3A_2931 = arith.constant 15 : i32
    %get3A_2932 = arith.index_cast %get3A_2931 : i32 to index
    %get3A_2933 = arith.constant 560 : index
    %get3A_2934 = tpu.vector_load %arg7[%get3A_2932, %get3A_2933] {strides = array<i32>} : memref<16x640xf32, #tpu.memory_space<vmem>>, vector<16xf32>,
    %add3A_2935 = arith.addf %add3A_2930, %get3A_2934 : vector<16xf32>
    %swap3A_2936 = arith.constant 560 : index
    %swap3A_2937 = tpu.vector_load %arg8[%swap3A_2936] {strides = array<i32>} : memref<640xf32, #tpu.memory_space<vmem>>, vector<16xf32>,
    tpu.vector_store %arg8[%swap3A_2936], %add3A_2935 {strides = array<i32>} : memref<640xf32, #tpu.memory_space<vmem>>, vector<16xf32>,
    %get3A_2938 = arith.constant 0 : i32
    %get3A_2939 = arith.index_cast %get3A_2938 : i32 to index
    %get3A_2940 = arith.constant 576 : index
    %get3A_2941 = tpu.vector_load %arg7[%get3A_2939, %get3A_2940] {strides = array<i32>} : memref<16x640xf32, #tpu.memory_space<vmem>>, vector<16xf32>,
    %get3A_2942 = arith.constant 1 : i32
    %get3A_2943 = arith.index_cast %get3A_2942 : i32 to index
    %get3A_2944 = arith.constant 576 : index
    %get3A_2945 = tpu.vector_load %arg7[%get3A_2943, %get3A_2944] {strides = array<i32>} : memref<16x640xf32, #tpu.memory_space<vmem>>, vector<16xf32>,
    %add3A_2946 = arith.addf %get3A_2941, %get3A_2945 : vector<16xf32>
    %get3A_2947 = arith.constant 2 : i32
    %get3A_2948 = arith.index_cast %get3A_2947 : i32 to index
    %get3A_2949 = arith.constant 576 : index
    %get3A_2950 = tpu.vector_load %arg7[%get3A_2948, %get3A_2949] {strides = array<i32>} : memref<16x640xf32, #tpu.memory_space<vmem>>, vector<16xf32>,
    %add3A_2951 = arith.addf %add3A_2946, %get3A_2950 : vector<16xf32>
    %get3A_2952 = arith.constant 3 : i32
    %get3A_2953 = arith.index_cast %get3A_2952 : i32 to index
    %get3A_2954 = arith.constant 576 : index
    %get3A_2955 = tpu.vector_load %arg7[%get3A_2953, %get3A_2954] {strides = array<i32>} : memref<16x640xf32, #tpu.memory_space<vmem>>, vector<16xf32>,
    %add3A_2956 = arith.addf %add3A_2951, %get3A_2955 : vector<16xf32>
    %get3A_2957 = arith.constant 4 : i32
    %get3A_2958 = arith.index_cast %get3A_2957 : i32 to index
    %get3A_2959 = arith.constant 576 : index
    %get3A_2960 = tpu.vector_load %arg7[%get3A_2958, %get3A_2959] {strides = array<i32>} : memref<16x640xf32, #tpu.memory_space<vmem>>, vector<16xf32>,
    %add3A_2961 = arith.addf %add3A_2956, %get3A_2960 : vector<16xf32>
    %get3A_2962 = arith.constant 5 : i32
    %get3A_2963 = arith.index_cast %get3A_2962 : i32 to index
    %get3A_2964 = arith.constant 576 : index
    %get3A_2965 = tpu.vector_load %arg7[%get3A_2963, %get3A_2964] {strides = array<i32>} : memref<16x640xf32, #tpu.memory_space<vmem>>, vector<16xf32>,
    %add3A_2966 = arith.addf %add3A_2961, %get3A_2965 : vector<16xf32>
    %get3A_2967 = arith.constant 6 : i32
    %get3A_2968 = arith.index_cast %get3A_2967 : i32 to index
    %get3A_2969 = arith.constant 576 : index
    %get3A_2970 = tpu.vector_load %arg7[%get3A_2968, %get3A_2969] {strides = array<i32>} : memref<16x640xf32, #tpu.memory_space<vmem>>, vector<16xf32>,
    %add3A_2971 = arith.addf %add3A_2966, %get3A_2970 : vector<16xf32>
    %get3A_2972 = arith.constant 7 : i32
    %get3A_2973 = arith.index_cast %get3A_2972 : i32 to index
    %get3A_2974 = arith.constant 576 : index
    %get3A_2975 = tpu.vector_load %arg7[%get3A_2973, %get3A_2974] {strides = array<i32>} : memref<16x640xf32, #tpu.memory_space<vmem>>, vector<16xf32>,
    %add3A_2976 = arith.addf %add3A_2971, %get3A_2975 : vector<16xf32>
    %get3A_2977 = arith.constant 8 : i32
    %get3A_2978 = arith.index_cast %get3A_2977 : i32 to index
    %get3A_2979 = arith.constant 576 : index
    %get3A_2980 = tpu.vector_load %arg7[%get3A_2978, %get3A_2979] {strides = array<i32>} : memref<16x640xf32, #tpu.memory_space<vmem>>, vector<16xf32>,
    %add3A_2981 = arith.addf %add3A_2976, %get3A_2980 : vector<16xf32>
    %get3A_2982 = arith.constant 9 : i32
    %get3A_2983 = arith.index_cast %get3A_2982 : i32 to index
    %get3A_2984 = arith.constant 576 : index
    %get3A_2985 = tpu.vector_load %arg7[%get3A_2983, %get3A_2984] {strides = array<i32>} : memref<16x640xf32, #tpu.memory_space<vmem>>, vector<16xf32>,
    %add3A_2986 = arith.addf %add3A_2981, %get3A_2985 : vector<16xf32>
    %get3A_2987 = arith.constant 10 : i32
    %get3A_2988 = arith.index_cast %get3A_2987 : i32 to index
    %get3A_2989 = arith.constant 576 : index
    %get3A_2990 = tpu.vector_load %arg7[%get3A_2988, %get3A_2989] {strides = array<i32>} : memref<16x640xf32, #tpu.memory_space<vmem>>, vector<16xf32>,
    %add3A_2991 = arith.addf %add3A_2986, %get3A_2990 : vector<16xf32>
    %get3A_2992 = arith.constant 11 : i32
    %get3A_2993 = arith.index_cast %get3A_2992 : i32 to index
    %get3A_2994 = arith.constant 576 : index
    %get3A_2995 = tpu.vector_load %arg7[%get3A_2993, %get3A_2994] {strides = array<i32>} : memref<16x640xf32, #tpu.memory_space<vmem>>, vector<16xf32>,
    %add3A_2996 = arith.addf %add3A_2991, %get3A_2995 : vector<16xf32>
    %get3A_2997 = arith.constant 12 : i32
    %get3A_2998 = arith.index_cast %get3A_2997 : i32 to index
    %get3A_2999 = arith.constant 576 : index
    %get3A_3000 = tpu.vector_load %arg7[%get3A_2998, %get3A_2999] {strides = array<i32>} : memref<16x640xf32, #tpu.memory_space<vmem>>, vector<16xf32>,
    %add3A_3001 = arith.addf %add3A_2996, %get3A_3000 : vector<16xf32>
    %get3A_3002 = arith.constant 13 : i32
    %get3A_3003 = arith.index_cast %get3A_3002 : i32 to index
    %get3A_3004 = arith.constant 576 : index
    %get3A_3005 = tpu.vector_load %arg7[%get3A_3003, %get3A_3004] {strides = array<i32>} : memref<16x640xf32, #tpu.memory_space<vmem>>, vector<16xf32>,
    %add3A_3006 = arith.addf %add3A_3001, %get3A_3005 : vector<16xf32>
    %get3A_3007 = arith.constant 14 : i32
    %get3A_3008 = arith.index_cast %get3A_3007 : i32 to index
    %get3A_3009 = arith.constant 576 : index
    %get3A_3010 = tpu.vector_load %arg7[%get3A_3008, %get3A_3009] {strides = array<i32>} : memref<16x640xf32, #tpu.memory_space<vmem>>, vector<16xf32>,
    %add3A_3011 = arith.addf %add3A_3006, %get3A_3010 : vector<16xf32>
    %get3A_3012 = arith.constant 15 : i32
    %get3A_3013 = arith.index_cast %get3A_3012 : i32 to index
    %get3A_3014 = arith.constant 576 : index
    %get3A_3015 = tpu.vector_load %arg7[%get3A_3013, %get3A_3014] {strides = array<i32>} : memref<16x640xf32, #tpu.memory_space<vmem>>, vector<16xf32>,
    %add3A_3016 = arith.addf %add3A_3011, %get3A_3015 : vector<16xf32>
    %swap3A_3017 = arith.constant 576 : index
    %swap3A_3018 = tpu.vector_load %arg8[%swap3A_3017] {strides = array<i32>} : memref<640xf32, #tpu.memory_space<vmem>>, vector<16xf32>,
    tpu.vector_store %arg8[%swap3A_3017], %add3A_3016 {strides = array<i32>} : memref<640xf32, #tpu.memory_space<vmem>>, vector<16xf32>,
    %get3A_3019 = arith.constant 0 : i32
    %get3A_3020 = arith.index_cast %get3A_3019 : i32 to index
    %get3A_3021 = arith.constant 592 : index
    %get3A_3022 = tpu.vector_load %arg7[%get3A_3020, %get3A_3021] {strides = array<i32>} : memref<16x640xf32, #tpu.memory_space<vmem>>, vector<16xf32>,
    %get3A_3023 = arith.constant 1 : i32
    %get3A_3024 = arith.index_cast %get3A_3023 : i32 to index
    %get3A_3025 = arith.constant 592 : index
    %get3A_3026 = tpu.vector_load %arg7[%get3A_3024, %get3A_3025] {strides = array<i32>} : memref<16x640xf32, #tpu.memory_space<vmem>>, vector<16xf32>,
    %add3A_3027 = arith.addf %get3A_3022, %get3A_3026 : vector<16xf32>
    %get3A_3028 = arith.constant 2 : i32
    %get3A_3029 = arith.index_cast %get3A_3028 : i32 to index
    %get3A_3030 = arith.constant 592 : index
    %get3A_3031 = tpu.vector_load %arg7[%get3A_3029, %get3A_3030] {strides = array<i32>} : memref<16x640xf32, #tpu.memory_space<vmem>>, vector<16xf32>,
    %add3A_3032 = arith.addf %add3A_3027, %get3A_3031 : vector<16xf32>
    %get3A_3033 = arith.constant 3 : i32
    %get3A_3034 = arith.index_cast %get3A_3033 : i32 to index
    %get3A_3035 = arith.constant 592 : index
    %get3A_3036 = tpu.vector_load %arg7[%get3A_3034, %get3A_3035] {strides = array<i32>} : memref<16x640xf32, #tpu.memory_space<vmem>>, vector<16xf32>,
    %add3A_3037 = arith.addf %add3A_3032, %get3A_3036 : vector<16xf32>
    %get3A_3038 = arith.constant 4 : i32
    %get3A_3039 = arith.index_cast %get3A_3038 : i32 to index
    %get3A_3040 = arith.constant 592 : index
    %get3A_3041 = tpu.vector_load %arg7[%get3A_3039, %get3A_3040] {strides = array<i32>} : memref<16x640xf32, #tpu.memory_space<vmem>>, vector<16xf32>,
    %add3A_3042 = arith.addf %add3A_3037, %get3A_3041 : vector<16xf32>
    %get3A_3043 = arith.constant 5 : i32
    %get3A_3044 = arith.index_cast %get3A_3043 : i32 to index
    %get3A_3045 = arith.constant 592 : index
    %get3A_3046 = tpu.vector_load %arg7[%get3A_3044, %get3A_3045] {strides = array<i32>} : memref<16x640xf32, #tpu.memory_space<vmem>>, vector<16xf32>,
    %add3A_3047 = arith.addf %add3A_3042, %get3A_3046 : vector<16xf32>
    %get3A_3048 = arith.constant 6 : i32
    %get3A_3049 = arith.index_cast %get3A_3048 : i32 to index
    %get3A_3050 = arith.constant 592 : index
    %get3A_3051 = tpu.vector_load %arg7[%get3A_3049, %get3A_3050] {strides = array<i32>} : memref<16x640xf32, #tpu.memory_space<vmem>>, vector<16xf32>,
    %add3A_3052 = arith.addf %add3A_3047, %get3A_3051 : vector<16xf32>
    %get3A_3053 = arith.constant 7 : i32
    %get3A_3054 = arith.index_cast %get3A_3053 : i32 to index
    %get3A_3055 = arith.constant 592 : index
    %get3A_3056 = tpu.vector_load %arg7[%get3A_3054, %get3A_3055] {strides = array<i32>} : memref<16x640xf32, #tpu.memory_space<vmem>>, vector<16xf32>,
    %add3A_3057 = arith.addf %add3A_3052, %get3A_3056 : vector<16xf32>
    %get3A_3058 = arith.constant 8 : i32
    %get3A_3059 = arith.index_cast %get3A_3058 : i32 to index
    %get3A_3060 = arith.constant 592 : index
    %get3A_3061 = tpu.vector_load %arg7[%get3A_3059, %get3A_3060] {strides = array<i32>} : memref<16x640xf32, #tpu.memory_space<vmem>>, vector<16xf32>,
    %add3A_3062 = arith.addf %add3A_3057, %get3A_3061 : vector<16xf32>
    %get3A_3063 = arith.constant 9 : i32
    %get3A_3064 = arith.index_cast %get3A_3063 : i32 to index
    %get3A_3065 = arith.constant 592 : index
    %get3A_3066 = tpu.vector_load %arg7[%get3A_3064, %get3A_3065] {strides = array<i32>} : memref<16x640xf32, #tpu.memory_space<vmem>>, vector<16xf32>,
    %add3A_3067 = arith.addf %add3A_3062, %get3A_3066 : vector<16xf32>
    %get3A_3068 = arith.constant 10 : i32
    %get3A_3069 = arith.index_cast %get3A_3068 : i32 to index
    %get3A_3070 = arith.constant 592 : index
    %get3A_3071 = tpu.vector_load %arg7[%get3A_3069, %get3A_3070] {strides = array<i32>} : memref<16x640xf32, #tpu.memory_space<vmem>>, vector<16xf32>,
    %add3A_3072 = arith.addf %add3A_3067, %get3A_3071 : vector<16xf32>
    %get3A_3073 = arith.constant 11 : i32
    %get3A_3074 = arith.index_cast %get3A_3073 : i32 to index
    %get3A_3075 = arith.constant 592 : index
    %get3A_3076 = tpu.vector_load %arg7[%get3A_3074, %get3A_3075] {strides = array<i32>} : memref<16x640xf32, #tpu.memory_space<vmem>>, vector<16xf32>,
    %add3A_3077 = arith.addf %add3A_3072, %get3A_3076 : vector<16xf32>
    %get3A_3078 = arith.constant 12 : i32
    %get3A_3079 = arith.index_cast %get3A_3078 : i32 to index
    %get3A_3080 = arith.constant 592 : index
    %get3A_3081 = tpu.vector_load %arg7[%get3A_3079, %get3A_3080] {strides = array<i32>} : memref<16x640xf32, #tpu.memory_space<vmem>>, vector<16xf32>,
    %add3A_3082 = arith.addf %add3A_3077, %get3A_3081 : vector<16xf32>
    %get3A_3083 = arith.constant 13 : i32
    %get3A_3084 = arith.index_cast %get3A_3083 : i32 to index
    %get3A_3085 = arith.constant 592 : index
    %get3A_3086 = tpu.vector_load %arg7[%get3A_3084, %get3A_3085] {strides = array<i32>} : memref<16x640xf32, #tpu.memory_space<vmem>>, vector<16xf32>,
    %add3A_3087 = arith.addf %add3A_3082, %get3A_3086 : vector<16xf32>
    %get3A_3088 = arith.constant 14 : i32
    %get3A_3089 = arith.index_cast %get3A_3088 : i32 to index
    %get3A_3090 = arith.constant 592 : index
    %get3A_3091 = tpu.vector_load %arg7[%get3A_3089, %get3A_3090] {strides = array<i32>} : memref<16x640xf32, #tpu.memory_space<vmem>>, vector<16xf32>,
    %add3A_3092 = arith.addf %add3A_3087, %get3A_3091 : vector<16xf32>
    %get3A_3093 = arith.constant 15 : i32
    %get3A_3094 = arith.index_cast %get3A_3093 : i32 to index
    %get3A_3095 = arith.constant 592 : index
    %get3A_3096 = tpu.vector_load %arg7[%get3A_3094, %get3A_3095] {strides = array<i32>} : memref<16x640xf32, #tpu.memory_space<vmem>>, vector<16xf32>,
    %add3A_3097 = arith.addf %add3A_3092, %get3A_3096 : vector<16xf32>
    %swap3A_3098 = arith.constant 592 : index
    %swap3A_3099 = tpu.vector_load %arg8[%swap3A_3098] {strides = array<i32>} : memref<640xf32, #tpu.memory_space<vmem>>, vector<16xf32>,
    tpu.vector_store %arg8[%swap3A_3098], %add3A_3097 {strides = array<i32>} : memref<640xf32, #tpu.memory_space<vmem>>, vector<16xf32>,
    %get3A_3100 = arith.constant 0 : i32
    %get3A_3101 = arith.index_cast %get3A_3100 : i32 to index
    %get3A_3102 = arith.constant 608 : index
    %get3A_3103 = tpu.vector_load %arg7[%get3A_3101, %get3A_3102] {strides = array<i32>} : memref<16x640xf32, #tpu.memory_space<vmem>>, vector<16xf32>,
    %get3A_3104 = arith.constant 1 : i32
    %get3A_3105 = arith.index_cast %get3A_3104 : i32 to index
    %get3A_3106 = arith.constant 608 : index
    %get3A_3107 = tpu.vector_load %arg7[%get3A_3105, %get3A_3106] {strides = array<i32>} : memref<16x640xf32, #tpu.memory_space<vmem>>, vector<16xf32>,
    %add3A_3108 = arith.addf %get3A_3103, %get3A_3107 : vector<16xf32>
    %get3A_3109 = arith.constant 2 : i32
    %get3A_3110 = arith.index_cast %get3A_3109 : i32 to index
    %get3A_3111 = arith.constant 608 : index
    %get3A_3112 = tpu.vector_load %arg7[%get3A_3110, %get3A_3111] {strides = array<i32>} : memref<16x640xf32, #tpu.memory_space<vmem>>, vector<16xf32>,
    %add3A_3113 = arith.addf %add3A_3108, %get3A_3112 : vector<16xf32>
    %get3A_3114 = arith.constant 3 : i32
    %get3A_3115 = arith.index_cast %get3A_3114 : i32 to index
    %get3A_3116 = arith.constant 608 : index
    %get3A_3117 = tpu.vector_load %arg7[%get3A_3115, %get3A_3116] {strides = array<i32>} : memref<16x640xf32, #tpu.memory_space<vmem>>, vector<16xf32>,
    %add3A_3118 = arith.addf %add3A_3113, %get3A_3117 : vector<16xf32>
    %get3A_3119 = arith.constant 4 : i32
    %get3A_3120 = arith.index_cast %get3A_3119 : i32 to index
    %get3A_3121 = arith.constant 608 : index
    %get3A_3122 = tpu.vector_load %arg7[%get3A_3120, %get3A_3121] {strides = array<i32>} : memref<16x640xf32, #tpu.memory_space<vmem>>, vector<16xf32>,
    %add3A_3123 = arith.addf %add3A_3118, %get3A_3122 : vector<16xf32>
    %get3A_3124 = arith.constant 5 : i32
    %get3A_3125 = arith.index_cast %get3A_3124 : i32 to index
    %get3A_3126 = arith.constant 608 : index
    %get3A_3127 = tpu.vector_load %arg7[%get3A_3125, %get3A_3126] {strides = array<i32>} : memref<16x640xf32, #tpu.memory_space<vmem>>, vector<16xf32>,
    %add3A_3128 = arith.addf %add3A_3123, %get3A_3127 : vector<16xf32>
    %get3A_3129 = arith.constant 6 : i32
    %get3A_3130 = arith.index_cast %get3A_3129 : i32 to index
    %get3A_3131 = arith.constant 608 : index
    %get3A_3132 = tpu.vector_load %arg7[%get3A_3130, %get3A_3131] {strides = array<i32>} : memref<16x640xf32, #tpu.memory_space<vmem>>, vector<16xf32>,
    %add3A_3133 = arith.addf %add3A_3128, %get3A_3132 : vector<16xf32>
    %get3A_3134 = arith.constant 7 : i32
    %get3A_3135 = arith.index_cast %get3A_3134 : i32 to index
    %get3A_3136 = arith.constant 608 : index
    %get3A_3137 = tpu.vector_load %arg7[%get3A_3135, %get3A_3136] {strides = array<i32>} : memref<16x640xf32, #tpu.memory_space<vmem>>, vector<16xf32>,
    %add3A_3138 = arith.addf %add3A_3133, %get3A_3137 : vector<16xf32>
    %get3A_3139 = arith.constant 8 : i32
    %get3A_3140 = arith.index_cast %get3A_3139 : i32 to index
    %get3A_3141 = arith.constant 608 : index
    %get3A_3142 = tpu.vector_load %arg7[%get3A_3140, %get3A_3141] {strides = array<i32>} : memref<16x640xf32, #tpu.memory_space<vmem>>, vector<16xf32>,
    %add3A_3143 = arith.addf %add3A_3138, %get3A_3142 : vector<16xf32>
    %get3A_3144 = arith.constant 9 : i32
    %get3A_3145 = arith.index_cast %get3A_3144 : i32 to index
    %get3A_3146 = arith.constant 608 : index
    %get3A_3147 = tpu.vector_load %arg7[%get3A_3145, %get3A_3146] {strides = array<i32>} : memref<16x640xf32, #tpu.memory_space<vmem>>, vector<16xf32>,
    %add3A_3148 = arith.addf %add3A_3143, %get3A_3147 : vector<16xf32>
    %get3A_3149 = arith.constant 10 : i32
    %get3A_3150 = arith.index_cast %get3A_3149 : i32 to index
    %get3A_3151 = arith.constant 608 : index
    %get3A_3152 = tpu.vector_load %arg7[%get3A_3150, %get3A_3151] {strides = array<i32>} : memref<16x640xf32, #tpu.memory_space<vmem>>, vector<16xf32>,
    %add3A_3153 = arith.addf %add3A_3148, %get3A_3152 : vector<16xf32>
    %get3A_3154 = arith.constant 11 : i32
    %get3A_3155 = arith.index_cast %get3A_3154 : i32 to index
    %get3A_3156 = arith.constant 608 : index
    %get3A_3157 = tpu.vector_load %arg7[%get3A_3155, %get3A_3156] {strides = array<i32>} : memref<16x640xf32, #tpu.memory_space<vmem>>, vector<16xf32>,
    %add3A_3158 = arith.addf %add3A_3153, %get3A_3157 : vector<16xf32>
    %get3A_3159 = arith.constant 12 : i32
    %get3A_3160 = arith.index_cast %get3A_3159 : i32 to index
    %get3A_3161 = arith.constant 608 : index
    %get3A_3162 = tpu.vector_load %arg7[%get3A_3160, %get3A_3161] {strides = array<i32>} : memref<16x640xf32, #tpu.memory_space<vmem>>, vector<16xf32>,
    %add3A_3163 = arith.addf %add3A_3158, %get3A_3162 : vector<16xf32>
    %get3A_3164 = arith.constant 13 : i32
    %get3A_3165 = arith.index_cast %get3A_3164 : i32 to index
    %get3A_3166 = arith.constant 608 : index
    %get3A_3167 = tpu.vector_load %arg7[%get3A_3165, %get3A_3166] {strides = array<i32>} : memref<16x640xf32, #tpu.memory_space<vmem>>, vector<16xf32>,
    %add3A_3168 = arith.addf %add3A_3163, %get3A_3167 : vector<16xf32>
    %get3A_3169 = arith.constant 14 : i32
    %get3A_3170 = arith.index_cast %get3A_3169 : i32 to index
    %get3A_3171 = arith.constant 608 : index
    %get3A_3172 = tpu.vector_load %arg7[%get3A_3170, %get3A_3171] {strides = array<i32>} : memref<16x640xf32, #tpu.memory_space<vmem>>, vector<16xf32>,
    %add3A_3173 = arith.addf %add3A_3168, %get3A_3172 : vector<16xf32>
    %get3A_3174 = arith.constant 15 : i32
    %get3A_3175 = arith.index_cast %get3A_3174 : i32 to index
    %get3A_3176 = arith.constant 608 : index
    %get3A_3177 = tpu.vector_load %arg7[%get3A_3175, %get3A_3176] {strides = array<i32>} : memref<16x640xf32, #tpu.memory_space<vmem>>, vector<16xf32>,
    %add3A_3178 = arith.addf %add3A_3173, %get3A_3177 : vector<16xf32>
    %swap3A_3179 = arith.constant 608 : index
    %swap3A_3180 = tpu.vector_load %arg8[%swap3A_3179] {strides = array<i32>} : memref<640xf32, #tpu.memory_space<vmem>>, vector<16xf32>,
    tpu.vector_store %arg8[%swap3A_3179], %add3A_3178 {strides = array<i32>} : memref<640xf32, #tpu.memory_space<vmem>>, vector<16xf32>,
    %get3A_3181 = arith.constant 0 : i32
    %get3A_3182 = arith.index_cast %get3A_3181 : i32 to index
    %get3A_3183 = arith.constant 624 : index
    %get3A_3184 = tpu.vector_load %arg7[%get3A_3182, %get3A_3183] {strides = array<i32>} : memref<16x640xf32, #tpu.memory_space<vmem>>, vector<16xf32>,
    %get3A_3185 = arith.constant 1 : i32
    %get3A_3186 = arith.index_cast %get3A_3185 : i32 to index
    %get3A_3187 = arith.constant 624 : index
    %get3A_3188 = tpu.vector_load %arg7[%get3A_3186, %get3A_3187] {strides = array<i32>} : memref<16x640xf32, #tpu.memory_space<vmem>>, vector<16xf32>,
    %add3A_3189 = arith.addf %get3A_3184, %get3A_3188 : vector<16xf32>
    %get3A_3190 = arith.constant 2 : i32
    %get3A_3191 = arith.index_cast %get3A_3190 : i32 to index
    %get3A_3192 = arith.constant 624 : index
    %get3A_3193 = tpu.vector_load %arg7[%get3A_3191, %get3A_3192] {strides = array<i32>} : memref<16x640xf32, #tpu.memory_space<vmem>>, vector<16xf32>,
    %add3A_3194 = arith.addf %add3A_3189, %get3A_3193 : vector<16xf32>
    %get3A_3195 = arith.constant 3 : i32
    %get3A_3196 = arith.index_cast %get3A_3195 : i32 to index
    %get3A_3197 = arith.constant 624 : index
    %get3A_3198 = tpu.vector_load %arg7[%get3A_3196, %get3A_3197] {strides = array<i32>} : memref<16x640xf32, #tpu.memory_space<vmem>>, vector<16xf32>,
    %add3A_3199 = arith.addf %add3A_3194, %get3A_3198 : vector<16xf32>
    %get3A_3200 = arith.constant 4 : i32
    %get3A_3201 = arith.index_cast %get3A_3200 : i32 to index
    %get3A_3202 = arith.constant 624 : index
    %get3A_3203 = tpu.vector_load %arg7[%get3A_3201, %get3A_3202] {strides = array<i32>} : memref<16x640xf32, #tpu.memory_space<vmem>>, vector<16xf32>,
    %add3A_3204 = arith.addf %add3A_3199, %get3A_3203 : vector<16xf32>
    %get3A_3205 = arith.constant 5 : i32
    %get3A_3206 = arith.index_cast %get3A_3205 : i32 to index
    %get3A_3207 = arith.constant 624 : index
    %get3A_3208 = tpu.vector_load %arg7[%get3A_3206, %get3A_3207] {strides = array<i32>} : memref<16x640xf32, #tpu.memory_space<vmem>>, vector<16xf32>,
    %add3A_3209 = arith.addf %add3A_3204, %get3A_3208 : vector<16xf32>
    %get3A_3210 = arith.constant 6 : i32
    %get3A_3211 = arith.index_cast %get3A_3210 : i32 to index
    %get3A_3212 = arith.constant 624 : index
    %get3A_3213 = tpu.vector_load %arg7[%get3A_3211, %get3A_3212] {strides = array<i32>} : memref<16x640xf32, #tpu.memory_space<vmem>>, vector<16xf32>,
    %add3A_3214 = arith.addf %add3A_3209, %get3A_3213 : vector<16xf32>
    %get3A_3215 = arith.constant 7 : i32
    %get3A_3216 = arith.index_cast %get3A_3215 : i32 to index
    %get3A_3217 = arith.constant 624 : index
    %get3A_3218 = tpu.vector_load %arg7[%get3A_3216, %get3A_3217] {strides = array<i32>} : memref<16x640xf32, #tpu.memory_space<vmem>>, vector<16xf32>,
    %add3A_3219 = arith.addf %add3A_3214, %get3A_3218 : vector<16xf32>
    %get3A_3220 = arith.constant 8 : i32
    %get3A_3221 = arith.index_cast %get3A_3220 : i32 to index
    %get3A_3222 = arith.constant 624 : index
    %get3A_3223 = tpu.vector_load %arg7[%get3A_3221, %get3A_3222] {strides = array<i32>} : memref<16x640xf32, #tpu.memory_space<vmem>>, vector<16xf32>,
    %add3A_3224 = arith.addf %add3A_3219, %get3A_3223 : vector<16xf32>
    %get3A_3225 = arith.constant 9 : i32
    %get3A_3226 = arith.index_cast %get3A_3225 : i32 to index
    %get3A_3227 = arith.constant 624 : index
    %get3A_3228 = tpu.vector_load %arg7[%get3A_3226, %get3A_3227] {strides = array<i32>} : memref<16x640xf32, #tpu.memory_space<vmem>>, vector<16xf32>,
    %add3A_3229 = arith.addf %add3A_3224, %get3A_3228 : vector<16xf32>
    %get3A_3230 = arith.constant 10 : i32
    %get3A_3231 = arith.index_cast %get3A_3230 : i32 to index
    %get3A_3232 = arith.constant 624 : index
    %get3A_3233 = tpu.vector_load %arg7[%get3A_3231, %get3A_3232] {strides = array<i32>} : memref<16x640xf32, #tpu.memory_space<vmem>>, vector<16xf32>,
    %add3A_3234 = arith.addf %add3A_3229, %get3A_3233 : vector<16xf32>
    %get3A_3235 = arith.constant 11 : i32
    %get3A_3236 = arith.index_cast %get3A_3235 : i32 to index
    %get3A_3237 = arith.constant 624 : index
    %get3A_3238 = tpu.vector_load %arg7[%get3A_3236, %get3A_3237] {strides = array<i32>} : memref<16x640xf32, #tpu.memory_space<vmem>>, vector<16xf32>,
    %add3A_3239 = arith.addf %add3A_3234, %get3A_3238 : vector<16xf32>
    %get3A_3240 = arith.constant 12 : i32
    %get3A_3241 = arith.index_cast %get3A_3240 : i32 to index
    %get3A_3242 = arith.constant 624 : index
    %get3A_3243 = tpu.vector_load %arg7[%get3A_3241, %get3A_3242] {strides = array<i32>} : memref<16x640xf32, #tpu.memory_space<vmem>>, vector<16xf32>,
    %add3A_3244 = arith.addf %add3A_3239, %get3A_3243 : vector<16xf32>
    %get3A_3245 = arith.constant 13 : i32
    %get3A_3246 = arith.index_cast %get3A_3245 : i32 to index
    %get3A_3247 = arith.constant 624 : index
    %get3A_3248 = tpu.vector_load %arg7[%get3A_3246, %get3A_3247] {strides = array<i32>} : memref<16x640xf32, #tpu.memory_space<vmem>>, vector<16xf32>,
    %add3A_3249 = arith.addf %add3A_3244, %get3A_3248 : vector<16xf32>
    %get3A_3250 = arith.constant 14 : i32
    %get3A_3251 = arith.index_cast %get3A_3250 : i32 to index
    %get3A_3252 = arith.constant 624 : index
    %get3A_3253 = tpu.vector_load %arg7[%get3A_3251, %get3A_3252] {strides = array<i32>} : memref<16x640xf32, #tpu.memory_space<vmem>>, vector<16xf32>,
    %add3A_3254 = arith.addf %add3A_3249, %get3A_3253 : vector<16xf32>
    %get3A_3255 = arith.constant 15 : i32
    %get3A_3256 = arith.index_cast %get3A_3255 : i32 to index
    %get3A_3257 = arith.constant 624 : index
    %get3A_3258 = tpu.vector_load %arg7[%get3A_3256, %get3A_3257] {strides = array<i32>} : memref<16x640xf32, #tpu.memory_space<vmem>>, vector<16xf32>,
    %add3A_3259 = arith.addf %add3A_3254, %get3A_3258 : vector<16xf32>
    %swap3A_3260 = arith.constant 624 : index
    %swap3A_3261 = tpu.vector_load %arg8[%swap3A_3260] {strides = array<i32>} : memref<640xf32, #tpu.memory_space<vmem>>, vector<16xf32>,
    tpu.vector_store %arg8[%swap3A_3260], %add3A_3259 {strides = array<i32>} : memref<640xf32, #tpu.memory_space<vmem>>, vector<16xf32>,
    "tpu.region"() ({
      %run_scoped3A = tpu.sem_alloc : memref<!tpu.dma_semaphore, #tpu.memory_space<semaphore_mem>>
      %dma_start3A = tpu.memref_slice %arg4[%arg0, %multiple_of3A_23] : memref<2x10240xf32, #tpu.memory_space<hbm>> -> memref<1x640xf32, #tpu.memory_space<hbm>>
      %dma_start3A_3262 = tpu.memref_squeeze %dma_start3A : memref<1x640xf32, #tpu.memory_space<hbm>> -> memref<640xf32, #tpu.memory_space<hbm>>
      %dma_start3A_3263 = tpu.memref_slice %arg4[%arg0, %multiple_of3A_23] : memref<2x10240xf32, #tpu.memory_space<hbm>> -> memref<1x640xf32, #tpu.memory_space<hbm>>
      %dma_start3A_3264 = tpu.memref_squeeze %dma_start3A_3263 : memref<1x640xf32, #tpu.memory_space<hbm>> -> memref<640xf32, #tpu.memory_space<hbm>>
      tpu.enqueue_dma source(%arg8 : memref<640xf32, #tpu.memory_space<vmem>>) target(%dma_start3A_3264 : memref<640xf32, #tpu.memory_space<hbm>>) target_semaphore(%run_scoped3A : memref<!tpu.dma_semaphore, #tpu.memory_space<semaphore_mem>>)
      %dma_wait3A = tpu.memref_slice %arg4[%arg0, %multiple_of3A_23] : memref<2x10240xf32, #tpu.memory_space<hbm>> -> memref<1x640xf32, #tpu.memory_space<hbm>>
      %dma_wait3A_3265 = tpu.memref_squeeze %dma_wait3A : memref<1x640xf32, #tpu.memory_space<hbm>> -> memref<640xf32, #tpu.memory_space<hbm>>
      %dma_wait3A_3266 = tpu.memref_slice %arg4[%arg0, %multiple_of3A_23] : memref<2x10240xf32, #tpu.memory_space<hbm>> -> memref<1x640xf32, #tpu.memory_space<hbm>>
      %dma_wait3A_3267 = tpu.memref_squeeze %dma_wait3A_3266 : memref<1x640xf32, #tpu.memory_space<hbm>> -> memref<640xf32, #tpu.memory_space<hbm>>
      tpu.wait_dma2 semaphore(%run_scoped3A : memref<!tpu.dma_semaphore, #tpu.memory_space<semaphore_mem>>) src(%arg8 : memref<640xf32, #tpu.memory_space<vmem>>) dst(%dma_wait3A_3267 : memref<640xf32, #tpu.memory_space<hbm>>)
      tpu.yield
    }) : () -> ()
    return
  }
}

#map = affine_map<(d0, d1) -> (0, 0, 0)>
#map1 = affine_map<(d0, d1) -> (0, 0)>
module attributes {stable_mosaic.version = 14 : i64} {
  func.func @_sc_agg(%arg0: i32, %arg1: i32, %arg2: memref<16x80x125xi32, #tpu.memory_space<hbm>>, %arg3: memref<16x80x125xi32, #tpu.memory_space<hbm>>, %arg4: memref<10000x128xf32, #tpu.memory_space<hbm>>, %arg5: memref<10000x128xf32, #tpu.memory_space<hbm>>, %arg6: memref<10000x256xf32, #tpu.memory_space<hbm>>, %arg7: memref<125xi32, #tpu.memory_space<vmem>>, %arg8: memref<125xi32, #tpu.memory_space<vmem>>, %arg9: memref<125xi32, #tpu.memory_space<vmem>>, %arg10: memref<125xi32, #tpu.memory_space<vmem>>, %arg11: memref<125x128xf32, #tpu.memory_space<vmem>>, %arg12: memref<125x128xf32, #tpu.memory_space<vmem>>, %arg13: memref<10000x128xf32, #tpu.memory_space<vmem_shared>>, %arg14: memref<!tpu.dma_semaphore, #tpu.memory_space<semaphore_mem>>, %arg15: memref<!tpu.dma_semaphore, #tpu.memory_space<semaphore_mem>>, %arg16: memref<!tpu.dma_semaphore, #tpu.memory_space<semaphore_mem>>, %arg17: memref<!tpu.dma_semaphore, #tpu.memory_space<semaphore_mem>>, %arg18: memref<!tpu.dma_semaphore, #tpu.memory_space<semaphore_mem>>, %arg19: memref<!tpu.dma_semaphore, #tpu.memory_space<semaphore_mem>>, %arg20: memref<!tpu.dma_semaphore, #tpu.memory_space<semaphore_mem>>, %arg21: memref<!tpu.dma_semaphore, #tpu.memory_space<semaphore_mem>>) attributes {dimension_semantics = [#tpu.dimension_semantics<core_parallel>, #tpu.dimension_semantics<subcore_parallel>], iteration_bounds = array<i64: 2, 16>, scalar_prefetch = 0 : i64, scratch_operands = 15 : i64, tpu.core_type = #tpu.core_type<sc_vector_subcore>, window_params = [{transform_indices = #map}, {transform_indices = #map}, {transform_indices = #map1}, {transform_indices = #map1}, {transform_indices = #map1}]} {
    %run_scoped3A = arith.constant 0 : i32
    "tpu.region"() ({
      %run_scoped3A_67 = tpu.sem_alloc : memref<!tpu.dma_semaphore, #tpu.memory_space<semaphore_mem>>
      %dma_start3A_68 = arith.constant 0 : i32
      %dma_start3A_69 = tpu.memref_slice %arg2[%arg1, %run_scoped3A, %dma_start3A_68] : memref<16x80x125xi32, #tpu.memory_space<hbm>> -> memref<1x1x125xi32, #tpu.memory_space<hbm>>
      %dma_start3A_70 = tpu.memref_squeeze %dma_start3A_69 : memref<1x1x125xi32, #tpu.memory_space<hbm>> -> memref<125xi32, #tpu.memory_space<hbm>>
      %dma_start3A_71 = arith.constant 0 : i32
      %dma_start3A_72 = tpu.memref_slice %arg2[%arg1, %run_scoped3A, %dma_start3A_71] : memref<16x80x125xi32, #tpu.memory_space<hbm>> -> memref<1x1x125xi32, #tpu.memory_space<hbm>>
      %dma_start3A_73 = tpu.memref_squeeze %dma_start3A_72 : memref<1x1x125xi32, #tpu.memory_space<hbm>> -> memref<125xi32, #tpu.memory_space<hbm>>
      tpu.enqueue_dma source(%dma_start3A_73 : memref<125xi32, #tpu.memory_space<hbm>>) target(%arg7 : memref<125xi32, #tpu.memory_space<vmem>>) target_semaphore(%run_scoped3A_67 : memref<!tpu.dma_semaphore, #tpu.memory_space<semaphore_mem>>)
      %dma_wait3A_74 = arith.constant 0 : i32
      %dma_wait3A_75 = tpu.memref_slice %arg2[%arg1, %run_scoped3A, %dma_wait3A_74] : memref<16x80x125xi32, #tpu.memory_space<hbm>> -> memref<1x1x125xi32, #tpu.memory_space<hbm>>
      %dma_wait3A_76 = tpu.memref_squeeze %dma_wait3A_75 : memref<1x1x125xi32, #tpu.memory_space<hbm>> -> memref<125xi32, #tpu.memory_space<hbm>>
      %dma_wait3A_77 = arith.constant 0 : i32
      %dma_wait3A_78 = tpu.memref_slice %arg2[%arg1, %run_scoped3A, %dma_wait3A_77] : memref<16x80x125xi32, #tpu.memory_space<hbm>> -> memref<1x1x125xi32, #tpu.memory_space<hbm>>
      %dma_wait3A_79 = tpu.memref_squeeze %dma_wait3A_78 : memref<1x1x125xi32, #tpu.memory_space<hbm>> -> memref<125xi32, #tpu.memory_space<hbm>>
      tpu.wait_dma2 semaphore(%run_scoped3A_67 : memref<!tpu.dma_semaphore, #tpu.memory_space<semaphore_mem>>) src(%dma_wait3A_79 : memref<125xi32, #tpu.memory_space<hbm>>) dst(%arg7 : memref<125xi32, #tpu.memory_space<vmem>>)
      tpu.yield
    }) : () -> ()
    %run_scoped3A_0 = arith.constant 0 : i32
    "tpu.region"() ({
      %run_scoped3A_67 = tpu.sem_alloc : memref<!tpu.dma_semaphore, #tpu.memory_space<semaphore_mem>>
      %dma_start3A_68 = arith.constant 0 : i32
      %dma_start3A_69 = tpu.memref_slice %arg3[%arg1, %run_scoped3A_0, %dma_start3A_68] : memref<16x80x125xi32, #tpu.memory_space<hbm>> -> memref<1x1x125xi32, #tpu.memory_space<hbm>>
      %dma_start3A_70 = tpu.memref_squeeze %dma_start3A_69 : memref<1x1x125xi32, #tpu.memory_space<hbm>> -> memref<125xi32, #tpu.memory_space<hbm>>
      %dma_start3A_71 = arith.constant 0 : i32
      %dma_start3A_72 = tpu.memref_slice %arg3[%arg1, %run_scoped3A_0, %dma_start3A_71] : memref<16x80x125xi32, #tpu.memory_space<hbm>> -> memref<1x1x125xi32, #tpu.memory_space<hbm>>
      %dma_start3A_73 = tpu.memref_squeeze %dma_start3A_72 : memref<1x1x125xi32, #tpu.memory_space<hbm>> -> memref<125xi32, #tpu.memory_space<hbm>>
      tpu.enqueue_dma source(%dma_start3A_73 : memref<125xi32, #tpu.memory_space<hbm>>) target(%arg9 : memref<125xi32, #tpu.memory_space<vmem>>) target_semaphore(%run_scoped3A_67 : memref<!tpu.dma_semaphore, #tpu.memory_space<semaphore_mem>>)
      %dma_wait3A_74 = arith.constant 0 : i32
      %dma_wait3A_75 = tpu.memref_slice %arg3[%arg1, %run_scoped3A_0, %dma_wait3A_74] : memref<16x80x125xi32, #tpu.memory_space<hbm>> -> memref<1x1x125xi32, #tpu.memory_space<hbm>>
      %dma_wait3A_76 = tpu.memref_squeeze %dma_wait3A_75 : memref<1x1x125xi32, #tpu.memory_space<hbm>> -> memref<125xi32, #tpu.memory_space<hbm>>
      %dma_wait3A_77 = arith.constant 0 : i32
      %dma_wait3A_78 = tpu.memref_slice %arg3[%arg1, %run_scoped3A_0, %dma_wait3A_77] : memref<16x80x125xi32, #tpu.memory_space<hbm>> -> memref<1x1x125xi32, #tpu.memory_space<hbm>>
      %dma_wait3A_79 = tpu.memref_squeeze %dma_wait3A_78 : memref<1x1x125xi32, #tpu.memory_space<hbm>> -> memref<125xi32, #tpu.memory_space<hbm>>
      tpu.wait_dma2 semaphore(%run_scoped3A_67 : memref<!tpu.dma_semaphore, #tpu.memory_space<semaphore_mem>>) src(%dma_wait3A_79 : memref<125xi32, #tpu.memory_space<hbm>>) dst(%arg9 : memref<125xi32, #tpu.memory_space<vmem>>)
      tpu.yield
    }) : () -> ()
    %run_scoped3A_1 = arith.constant 1 : i32
    "tpu.region"() ({
      %run_scoped3A_67 = tpu.sem_alloc : memref<!tpu.dma_semaphore, #tpu.memory_space<semaphore_mem>>
      %dma_start3A_68 = arith.constant 0 : i32
      %dma_start3A_69 = tpu.memref_slice %arg2[%arg1, %run_scoped3A_1, %dma_start3A_68] : memref<16x80x125xi32, #tpu.memory_space<hbm>> -> memref<1x1x125xi32, #tpu.memory_space<hbm>>
      %dma_start3A_70 = tpu.memref_squeeze %dma_start3A_69 : memref<1x1x125xi32, #tpu.memory_space<hbm>> -> memref<125xi32, #tpu.memory_space<hbm>>
      %dma_start3A_71 = arith.constant 0 : i32
      %dma_start3A_72 = tpu.memref_slice %arg2[%arg1, %run_scoped3A_1, %dma_start3A_71] : memref<16x80x125xi32, #tpu.memory_space<hbm>> -> memref<1x1x125xi32, #tpu.memory_space<hbm>>
      %dma_start3A_73 = tpu.memref_squeeze %dma_start3A_72 : memref<1x1x125xi32, #tpu.memory_space<hbm>> -> memref<125xi32, #tpu.memory_space<hbm>>
      tpu.enqueue_dma source(%dma_start3A_73 : memref<125xi32, #tpu.memory_space<hbm>>) target(%arg8 : memref<125xi32, #tpu.memory_space<vmem>>) target_semaphore(%run_scoped3A_67 : memref<!tpu.dma_semaphore, #tpu.memory_space<semaphore_mem>>)
      %dma_wait3A_74 = arith.constant 0 : i32
      %dma_wait3A_75 = tpu.memref_slice %arg2[%arg1, %run_scoped3A_1, %dma_wait3A_74] : memref<16x80x125xi32, #tpu.memory_space<hbm>> -> memref<1x1x125xi32, #tpu.memory_space<hbm>>
      %dma_wait3A_76 = tpu.memref_squeeze %dma_wait3A_75 : memref<1x1x125xi32, #tpu.memory_space<hbm>> -> memref<125xi32, #tpu.memory_space<hbm>>
      %dma_wait3A_77 = arith.constant 0 : i32
      %dma_wait3A_78 = tpu.memref_slice %arg2[%arg1, %run_scoped3A_1, %dma_wait3A_77] : memref<16x80x125xi32, #tpu.memory_space<hbm>> -> memref<1x1x125xi32, #tpu.memory_space<hbm>>
      %dma_wait3A_79 = tpu.memref_squeeze %dma_wait3A_78 : memref<1x1x125xi32, #tpu.memory_space<hbm>> -> memref<125xi32, #tpu.memory_space<hbm>>
      tpu.wait_dma2 semaphore(%run_scoped3A_67 : memref<!tpu.dma_semaphore, #tpu.memory_space<semaphore_mem>>) src(%dma_wait3A_79 : memref<125xi32, #tpu.memory_space<hbm>>) dst(%arg8 : memref<125xi32, #tpu.memory_space<vmem>>)
      tpu.yield
    }) : () -> ()
    %run_scoped3A_2 = arith.constant 1 : i32
    "tpu.region"() ({
      %run_scoped3A_67 = tpu.sem_alloc : memref<!tpu.dma_semaphore, #tpu.memory_space<semaphore_mem>>
      %dma_start3A_68 = arith.constant 0 : i32
      %dma_start3A_69 = tpu.memref_slice %arg3[%arg1, %run_scoped3A_2, %dma_start3A_68] : memref<16x80x125xi32, #tpu.memory_space<hbm>> -> memref<1x1x125xi32, #tpu.memory_space<hbm>>
      %dma_start3A_70 = tpu.memref_squeeze %dma_start3A_69 : memref<1x1x125xi32, #tpu.memory_space<hbm>> -> memref<125xi32, #tpu.memory_space<hbm>>
      %dma_start3A_71 = arith.constant 0 : i32
      %dma_start3A_72 = tpu.memref_slice %arg3[%arg1, %run_scoped3A_2, %dma_start3A_71] : memref<16x80x125xi32, #tpu.memory_space<hbm>> -> memref<1x1x125xi32, #tpu.memory_space<hbm>>
      %dma_start3A_73 = tpu.memref_squeeze %dma_start3A_72 : memref<1x1x125xi32, #tpu.memory_space<hbm>> -> memref<125xi32, #tpu.memory_space<hbm>>
      tpu.enqueue_dma source(%dma_start3A_73 : memref<125xi32, #tpu.memory_space<hbm>>) target(%arg10 : memref<125xi32, #tpu.memory_space<vmem>>) target_semaphore(%run_scoped3A_67 : memref<!tpu.dma_semaphore, #tpu.memory_space<semaphore_mem>>)
      %dma_wait3A_74 = arith.constant 0 : i32
      %dma_wait3A_75 = tpu.memref_slice %arg3[%arg1, %run_scoped3A_2, %dma_wait3A_74] : memref<16x80x125xi32, #tpu.memory_space<hbm>> -> memref<1x1x125xi32, #tpu.memory_space<hbm>>
      %dma_wait3A_76 = tpu.memref_squeeze %dma_wait3A_75 : memref<1x1x125xi32, #tpu.memory_space<hbm>> -> memref<125xi32, #tpu.memory_space<hbm>>
      %dma_wait3A_77 = arith.constant 0 : i32
      %dma_wait3A_78 = tpu.memref_slice %arg3[%arg1, %run_scoped3A_2, %dma_wait3A_77] : memref<16x80x125xi32, #tpu.memory_space<hbm>> -> memref<1x1x125xi32, #tpu.memory_space<hbm>>
      %dma_wait3A_79 = tpu.memref_squeeze %dma_wait3A_78 : memref<1x1x125xi32, #tpu.memory_space<hbm>> -> memref<125xi32, #tpu.memory_space<hbm>>
      tpu.wait_dma2 semaphore(%run_scoped3A_67 : memref<!tpu.dma_semaphore, #tpu.memory_space<semaphore_mem>>) src(%dma_wait3A_79 : memref<125xi32, #tpu.memory_space<hbm>>) dst(%arg10 : memref<125xi32, #tpu.memory_space<vmem>>)
      tpu.yield
    }) : () -> ()
    %eq3A = arith.constant 0 : i32
    %eq3A_3 = arith.cmpi eq, %arg0, %eq3A : i32
    %convert_element_type3A = arith.extui %eq3A_3 : i1 to i32
    %cond3A = arith.constant 0 : i32
    %cond3A_4 = arith.cmpi ne, %convert_element_type3A, %cond3A : i32
    scf.if %cond3A_4 {
      %dma_start3A_67 = arith.constant 0 : i32
      %dma_start3A_68 = arith.constant 0 : i32
      %dma_start3A_69 = tpu.memref_slice %arg4[%dma_start3A_67, %dma_start3A_68] : memref<10000x128xf32, #tpu.memory_space<hbm>> -> memref<10000x128xf32, #tpu.memory_space<hbm>>
      tpu.enqueue_indirect_dma source(%dma_start3A_69 : memref<10000x128xf32, #tpu.memory_space<hbm>>) target(%arg11 : memref<125x128xf32, #tpu.memory_space<vmem>>) offsets(%arg7 : memref<125xi32, #tpu.memory_space<vmem>>) semaphore(%arg14 : memref<!tpu.dma_semaphore, #tpu.memory_space<semaphore_mem>>)
    } else {
    }
    %eq3A_5 = arith.constant 1 : i32
    %eq3A_6 = arith.cmpi eq, %arg0, %eq3A_5 : i32
    %convert_element_type3A_7 = arith.extui %eq3A_6 : i1 to i32
    %cond3A_8 = arith.constant 0 : i32
    %cond3A_9 = arith.cmpi ne, %convert_element_type3A_7, %cond3A_8 : i32
    scf.if %cond3A_9 {
      %dma_start3A_67 = arith.constant 0 : i32
      %dma_start3A_68 = arith.constant 0 : i32
      %dma_start3A_69 = tpu.memref_slice %arg5[%dma_start3A_67, %dma_start3A_68] : memref<10000x128xf32, #tpu.memory_space<hbm>> -> memref<10000x128xf32, #tpu.memory_space<hbm>>
      tpu.enqueue_indirect_dma source(%dma_start3A_69 : memref<10000x128xf32, #tpu.memory_space<hbm>>) target(%arg11 : memref<125x128xf32, #tpu.memory_space<vmem>>) offsets(%arg7 : memref<125xi32, #tpu.memory_space<vmem>>) semaphore(%arg14 : memref<!tpu.dma_semaphore, #tpu.memory_space<semaphore_mem>>)
    } else {
    }
    %eq3A_10 = arith.constant 0 : i32
    %eq3A_11 = arith.cmpi eq, %arg0, %eq3A_10 : i32
    %convert_element_type3A_12 = arith.extui %eq3A_11 : i1 to i32
    %cond3A_13 = arith.constant 0 : i32
    %cond3A_14 = arith.cmpi ne, %convert_element_type3A_12, %cond3A_13 : i32
    scf.if %cond3A_14 {
      %dma_start3A_67 = arith.constant 0 : i32
      %dma_start3A_68 = arith.constant 0 : i32
      %dma_start3A_69 = tpu.memref_slice %arg4[%dma_start3A_67, %dma_start3A_68] : memref<10000x128xf32, #tpu.memory_space<hbm>> -> memref<10000x128xf32, #tpu.memory_space<hbm>>
      tpu.enqueue_indirect_dma source(%dma_start3A_69 : memref<10000x128xf32, #tpu.memory_space<hbm>>) target(%arg12 : memref<125x128xf32, #tpu.memory_space<vmem>>) offsets(%arg8 : memref<125xi32, #tpu.memory_space<vmem>>) semaphore(%arg15 : memref<!tpu.dma_semaphore, #tpu.memory_space<semaphore_mem>>)
    } else {
    }
    %eq3A_15 = arith.constant 1 : i32
    %eq3A_16 = arith.cmpi eq, %arg0, %eq3A_15 : i32
    %convert_element_type3A_17 = arith.extui %eq3A_16 : i1 to i32
    %cond3A_18 = arith.constant 0 : i32
    %cond3A_19 = arith.cmpi ne, %convert_element_type3A_17, %cond3A_18 : i32
    scf.if %cond3A_19 {
      %dma_start3A_67 = arith.constant 0 : i32
      %dma_start3A_68 = arith.constant 0 : i32
      %dma_start3A_69 = tpu.memref_slice %arg5[%dma_start3A_67, %dma_start3A_68] : memref<10000x128xf32, #tpu.memory_space<hbm>> -> memref<10000x128xf32, #tpu.memory_space<hbm>>
      tpu.enqueue_indirect_dma source(%dma_start3A_69 : memref<10000x128xf32, #tpu.memory_space<hbm>>) target(%arg12 : memref<125x128xf32, #tpu.memory_space<vmem>>) offsets(%arg8 : memref<125xi32, #tpu.memory_space<vmem>>) semaphore(%arg15 : memref<!tpu.dma_semaphore, #tpu.memory_space<semaphore_mem>>)
    } else {
    }
    %mul3A = arith.constant 624 : i32
    %mul3A_20 = arith.muli %arg1, %mul3A : i32
    %multiple_of3A = tpu.assume_multiple %mul3A_20, 8 : i32
    %eq3A_21 = arith.constant 0 : i32
    %eq3A_22 = arith.cmpi eq, %arg0, %eq3A_21 : i32
    %convert_element_type3A_23 = arith.extui %eq3A_22 : i1 to i32
    %cond3A_24 = arith.constant 0 : i32
    %cond3A_25 = arith.cmpi ne, %convert_element_type3A_23, %cond3A_24 : i32
    scf.if %cond3A_25 {
      "tpu.region"() ({
        %run_scoped3A_67 = tpu.sem_alloc : memref<!tpu.dma_semaphore, #tpu.memory_space<semaphore_mem>>
        %dma_start3A_68 = arith.constant 0 : i32
        %dma_start3A_69 = tpu.memref_slice %arg13[%multiple_of3A, %dma_start3A_68] : memref<10000x128xf32, #tpu.memory_space<vmem_shared>> -> memref<624x128xf32, #tpu.memory_space<vmem_shared>>
        %dma_start3A_70 = arith.constant 0 : i32
        %dma_start3A_71 = tpu.memref_slice %arg4[%multiple_of3A, %dma_start3A_70] : memref<10000x128xf32, #tpu.memory_space<hbm>> -> memref<624x128xf32, #tpu.memory_space<hbm>>
        tpu.enqueue_dma source(%dma_start3A_71 : memref<624x128xf32, #tpu.memory_space<hbm>>) target(%dma_start3A_69 : memref<624x128xf32, #tpu.memory_space<vmem_shared>>) target_semaphore(%run_scoped3A_67 : memref<!tpu.dma_semaphore, #tpu.memory_space<semaphore_mem>>)
        %dma_wait3A_72 = arith.constant 0 : i32
        %dma_wait3A_73 = tpu.memref_slice %arg13[%multiple_of3A, %dma_wait3A_72] : memref<10000x128xf32, #tpu.memory_space<vmem_shared>> -> memref<624x128xf32, #tpu.memory_space<vmem_shared>>
        %dma_wait3A_74 = arith.constant 0 : i32
        %dma_wait3A_75 = tpu.memref_slice %arg4[%multiple_of3A, %dma_wait3A_74] : memref<10000x128xf32, #tpu.memory_space<hbm>> -> memref<624x128xf32, #tpu.memory_space<hbm>>
        tpu.wait_dma2 semaphore(%run_scoped3A_67 : memref<!tpu.dma_semaphore, #tpu.memory_space<semaphore_mem>>) src(%dma_wait3A_75 : memref<624x128xf32, #tpu.memory_space<hbm>>) dst(%dma_wait3A_73 : memref<624x128xf32, #tpu.memory_space<vmem_shared>>)
        tpu.yield
      }) : () -> ()
    } else {
    }
    %eq3A_26 = arith.constant 1 : i32
    %eq3A_27 = arith.cmpi eq, %arg0, %eq3A_26 : i32
    %convert_element_type3A_28 = arith.extui %eq3A_27 : i1 to i32
    %cond3A_29 = arith.constant 0 : i32
    %cond3A_30 = arith.cmpi ne, %convert_element_type3A_28, %cond3A_29 : i32
    scf.if %cond3A_30 {
      "tpu.region"() ({
        %run_scoped3A_67 = tpu.sem_alloc : memref<!tpu.dma_semaphore, #tpu.memory_space<semaphore_mem>>
        %dma_start3A_68 = arith.constant 0 : i32
        %dma_start3A_69 = tpu.memref_slice %arg13[%multiple_of3A, %dma_start3A_68] : memref<10000x128xf32, #tpu.memory_space<vmem_shared>> -> memref<624x128xf32, #tpu.memory_space<vmem_shared>>
        %dma_start3A_70 = arith.constant 0 : i32
        %dma_start3A_71 = tpu.memref_slice %arg5[%multiple_of3A, %dma_start3A_70] : memref<10000x128xf32, #tpu.memory_space<hbm>> -> memref<624x128xf32, #tpu.memory_space<hbm>>
        tpu.enqueue_dma source(%dma_start3A_71 : memref<624x128xf32, #tpu.memory_space<hbm>>) target(%dma_start3A_69 : memref<624x128xf32, #tpu.memory_space<vmem_shared>>) target_semaphore(%run_scoped3A_67 : memref<!tpu.dma_semaphore, #tpu.memory_space<semaphore_mem>>)
        %dma_wait3A_72 = arith.constant 0 : i32
        %dma_wait3A_73 = tpu.memref_slice %arg13[%multiple_of3A, %dma_wait3A_72] : memref<10000x128xf32, #tpu.memory_space<vmem_shared>> -> memref<624x128xf32, #tpu.memory_space<vmem_shared>>
        %dma_wait3A_74 = arith.constant 0 : i32
        %dma_wait3A_75 = tpu.memref_slice %arg5[%multiple_of3A, %dma_wait3A_74] : memref<10000x128xf32, #tpu.memory_space<hbm>> -> memref<624x128xf32, #tpu.memory_space<hbm>>
        tpu.wait_dma2 semaphore(%run_scoped3A_67 : memref<!tpu.dma_semaphore, #tpu.memory_space<semaphore_mem>>) src(%dma_wait3A_75 : memref<624x128xf32, #tpu.memory_space<hbm>>) dst(%dma_wait3A_73 : memref<624x128xf32, #tpu.memory_space<vmem_shared>>)
        tpu.yield
      }) : () -> ()
    } else {
    }
    %eq3A_31 = arith.constant 15 : i32
    %eq3A_32 = arith.cmpi eq, %arg1, %eq3A_31 : i32
    %convert_element_type3A_33 = arith.extui %eq3A_32 : i1 to i32
    %cond3A_34 = arith.constant 0 : i32
    %cond3A_35 = arith.cmpi ne, %convert_element_type3A_33, %cond3A_34 : i32
    scf.if %cond3A_35 {
      %eq3A_67 = arith.constant 0 : i32
      %eq3A_68 = arith.cmpi eq, %arg0, %eq3A_67 : i32
      %convert_element_type3A_69 = arith.extui %eq3A_68 : i1 to i32
      %cond3A_70 = arith.constant 0 : i32
      %cond3A_71 = arith.cmpi ne, %convert_element_type3A_69, %cond3A_70 : i32
      scf.if %cond3A_71 {
        "tpu.region"() ({
          %run_scoped3A_77 = tpu.sem_alloc : memref<!tpu.dma_semaphore, #tpu.memory_space<semaphore_mem>>
          %dma_start3A_78 = arith.constant 9984 : i32
          %dma_start3A_79 = arith.constant 0 : i32
          %dma_start3A_80 = tpu.memref_slice %arg13[%dma_start3A_78, %dma_start3A_79] : memref<10000x128xf32, #tpu.memory_space<vmem_shared>> -> memref<16x128xf32, #tpu.memory_space<vmem_shared>>
          %dma_start3A_81 = arith.constant 9984 : i32
          %dma_start3A_82 = arith.constant 0 : i32
          %dma_start3A_83 = tpu.memref_slice %arg4[%dma_start3A_81, %dma_start3A_82] : memref<10000x128xf32, #tpu.memory_space<hbm>> -> memref<16x128xf32, #tpu.memory_space<hbm>>
          tpu.enqueue_dma source(%dma_start3A_83 : memref<16x128xf32, #tpu.memory_space<hbm>>) target(%dma_start3A_80 : memref<16x128xf32, #tpu.memory_space<vmem_shared>>) target_semaphore(%run_scoped3A_77 : memref<!tpu.dma_semaphore, #tpu.memory_space<semaphore_mem>>)
          %dma_wait3A_84 = arith.constant 9984 : i32
          %dma_wait3A_85 = arith.constant 0 : i32
          %dma_wait3A_86 = tpu.memref_slice %arg13[%dma_wait3A_84, %dma_wait3A_85] : memref<10000x128xf32, #tpu.memory_space<vmem_shared>> -> memref<16x128xf32, #tpu.memory_space<vmem_shared>>
          %dma_wait3A_87 = arith.constant 9984 : i32
          %dma_wait3A_88 = arith.constant 0 : i32
          %dma_wait3A_89 = tpu.memref_slice %arg4[%dma_wait3A_87, %dma_wait3A_88] : memref<10000x128xf32, #tpu.memory_space<hbm>> -> memref<16x128xf32, #tpu.memory_space<hbm>>
          tpu.wait_dma2 semaphore(%run_scoped3A_77 : memref<!tpu.dma_semaphore, #tpu.memory_space<semaphore_mem>>) src(%dma_wait3A_89 : memref<16x128xf32, #tpu.memory_space<hbm>>) dst(%dma_wait3A_86 : memref<16x128xf32, #tpu.memory_space<vmem_shared>>)
          tpu.yield
        }) : () -> ()
      } else {
      }
      %eq3A_72 = arith.constant 1 : i32
      %eq3A_73 = arith.cmpi eq, %arg0, %eq3A_72 : i32
      %convert_element_type3A_74 = arith.extui %eq3A_73 : i1 to i32
      %cond3A_75 = arith.constant 0 : i32
      %cond3A_76 = arith.cmpi ne, %convert_element_type3A_74, %cond3A_75 : i32
      scf.if %cond3A_76 {
        "tpu.region"() ({
          %run_scoped3A_77 = tpu.sem_alloc : memref<!tpu.dma_semaphore, #tpu.memory_space<semaphore_mem>>
          %dma_start3A_78 = arith.constant 9984 : i32
          %dma_start3A_79 = arith.constant 0 : i32
          %dma_start3A_80 = tpu.memref_slice %arg13[%dma_start3A_78, %dma_start3A_79] : memref<10000x128xf32, #tpu.memory_space<vmem_shared>> -> memref<16x128xf32, #tpu.memory_space<vmem_shared>>
          %dma_start3A_81 = arith.constant 9984 : i32
          %dma_start3A_82 = arith.constant 0 : i32
          %dma_start3A_83 = tpu.memref_slice %arg5[%dma_start3A_81, %dma_start3A_82] : memref<10000x128xf32, #tpu.memory_space<hbm>> -> memref<16x128xf32, #tpu.memory_space<hbm>>
          tpu.enqueue_dma source(%dma_start3A_83 : memref<16x128xf32, #tpu.memory_space<hbm>>) target(%dma_start3A_80 : memref<16x128xf32, #tpu.memory_space<vmem_shared>>) target_semaphore(%run_scoped3A_77 : memref<!tpu.dma_semaphore, #tpu.memory_space<semaphore_mem>>)
          %dma_wait3A_84 = arith.constant 9984 : i32
          %dma_wait3A_85 = arith.constant 0 : i32
          %dma_wait3A_86 = tpu.memref_slice %arg13[%dma_wait3A_84, %dma_wait3A_85] : memref<10000x128xf32, #tpu.memory_space<vmem_shared>> -> memref<16x128xf32, #tpu.memory_space<vmem_shared>>
          %dma_wait3A_87 = arith.constant 9984 : i32
          %dma_wait3A_88 = arith.constant 0 : i32
          %dma_wait3A_89 = tpu.memref_slice %arg5[%dma_wait3A_87, %dma_wait3A_88] : memref<10000x128xf32, #tpu.memory_space<hbm>> -> memref<16x128xf32, #tpu.memory_space<hbm>>
          tpu.wait_dma2 semaphore(%run_scoped3A_77 : memref<!tpu.dma_semaphore, #tpu.memory_space<semaphore_mem>>) src(%dma_wait3A_89 : memref<16x128xf32, #tpu.memory_space<hbm>>) dst(%dma_wait3A_86 : memref<16x128xf32, #tpu.memory_space<vmem_shared>>)
          tpu.yield
        }) : () -> ()
      } else {
      }
    } else {
    }
    %barrier3A = arith.constant 0 : index
    tpu.barrier barrier_id(%barrier3A)
    %scan3A = arith.constant 0 : i32
    %scan3A_36 = arith.constant 39 : i32
    %scan3A_37 = arith.addi %scan3A, %scan3A_36 : i32
    %scan3A_38 = arith.constant 1 : i32
    scf.for %scan3A_67 = %scan3A to %scan3A_37 step %scan3A_38  : i32 {
      %mul3A_68 = arith.constant 2 : i32
      %mul3A_69 = arith.muli %scan3A_67, %mul3A_68 : i32
      %dma_wait3A_70 = arith.constant 0 : i32
      %dma_wait3A_71 = arith.constant 0 : i32
      %dma_wait3A_72 = tpu.memref_slice %arg4[%dma_wait3A_70, %dma_wait3A_71] : memref<10000x128xf32, #tpu.memory_space<hbm>> -> memref<10000x128xf32, #tpu.memory_space<hbm>>
      tpu.wait_indirect_dma semaphore(%arg14 : memref<!tpu.dma_semaphore, #tpu.memory_space<semaphore_mem>>) src(%dma_wait3A_72 : memref<10000x128xf32, #tpu.memory_space<hbm>>) dst(%arg11 : memref<125x128xf32, #tpu.memory_space<vmem>>)
      %dma_start3A_73 = arith.constant 0 : i32
      %dma_start3A_74 = arith.constant 0 : i32
      %dma_start3A_75 = tpu.memref_slice %arg13[%dma_start3A_73, %dma_start3A_74] : memref<10000x128xf32, #tpu.memory_space<vmem_shared>> -> memref<10000x128xf32, #tpu.memory_space<vmem_shared>>
      tpu.enqueue_indirect_dma source(%arg11 : memref<125x128xf32, #tpu.memory_space<vmem>>) target(%dma_start3A_75 : memref<10000x128xf32, #tpu.memory_space<vmem_shared>>) offsets(%arg9 : memref<125xi32, #tpu.memory_space<vmem>>) semaphore(%arg16 : memref<!tpu.dma_semaphore, #tpu.memory_space<semaphore_mem>>) {add = true}
      %add3A = arith.constant 2 : i32
      %add3A_76 = arith.addi %mul3A_69, %add3A : i32
      %dma_start3A_77 = arith.constant 0 : i32
      %dma_start3A_78 = tpu.memref_slice %arg2[%arg1, %add3A_76, %dma_start3A_77] : memref<16x80x125xi32, #tpu.memory_space<hbm>> -> memref<1x1x125xi32, #tpu.memory_space<hbm>>
      %dma_start3A_79 = tpu.memref_squeeze %dma_start3A_78 : memref<1x1x125xi32, #tpu.memory_space<hbm>> -> memref<125xi32, #tpu.memory_space<hbm>>
      %dma_start3A_80 = arith.constant 0 : i32
      %dma_start3A_81 = tpu.memref_slice %arg2[%arg1, %add3A_76, %dma_start3A_80] : memref<16x80x125xi32, #tpu.memory_space<hbm>> -> memref<1x1x125xi32, #tpu.memory_space<hbm>>
      %dma_start3A_82 = tpu.memref_squeeze %dma_start3A_81 : memref<1x1x125xi32, #tpu.memory_space<hbm>> -> memref<125xi32, #tpu.memory_space<hbm>>
      tpu.enqueue_dma source(%dma_start3A_82 : memref<125xi32, #tpu.memory_space<hbm>>) target(%arg7 : memref<125xi32, #tpu.memory_space<vmem>>) target_semaphore(%arg18 : memref<!tpu.dma_semaphore, #tpu.memory_space<semaphore_mem>>)
      %dma_wait3A_83 = arith.constant 0 : i32
      %dma_wait3A_84 = arith.constant 0 : i32
      %dma_wait3A_85 = tpu.memref_slice %arg4[%dma_wait3A_83, %dma_wait3A_84] : memref<10000x128xf32, #tpu.memory_space<hbm>> -> memref<10000x128xf32, #tpu.memory_space<hbm>>
      tpu.wait_indirect_dma semaphore(%arg15 : memref<!tpu.dma_semaphore, #tpu.memory_space<semaphore_mem>>) src(%dma_wait3A_85 : memref<10000x128xf32, #tpu.memory_space<hbm>>) dst(%arg12 : memref<125x128xf32, #tpu.memory_space<vmem>>)
      %dma_wait3A_86 = arith.constant 0 : i32
      %dma_wait3A_87 = arith.constant 0 : i32
      %dma_wait3A_88 = tpu.memref_slice %arg13[%dma_wait3A_86, %dma_wait3A_87] : memref<10000x128xf32, #tpu.memory_space<vmem_shared>> -> memref<10000x128xf32, #tpu.memory_space<vmem_shared>>
      tpu.wait_indirect_dma semaphore(%arg16 : memref<!tpu.dma_semaphore, #tpu.memory_space<semaphore_mem>>) src(%arg11 : memref<125x128xf32, #tpu.memory_space<vmem>>) dst(%dma_wait3A_88 : memref<10000x128xf32, #tpu.memory_space<vmem_shared>>)
      %add3A_89 = arith.constant 2 : i32
      %add3A_90 = arith.addi %mul3A_69, %add3A_89 : i32
      %dma_start3A_91 = arith.constant 0 : i32
      %dma_start3A_92 = tpu.memref_slice %arg3[%arg1, %add3A_90, %dma_start3A_91] : memref<16x80x125xi32, #tpu.memory_space<hbm>> -> memref<1x1x125xi32, #tpu.memory_space<hbm>>
      %dma_start3A_93 = tpu.memref_squeeze %dma_start3A_92 : memref<1x1x125xi32, #tpu.memory_space<hbm>> -> memref<125xi32, #tpu.memory_space<hbm>>
      %dma_start3A_94 = arith.constant 0 : i32
      %dma_start3A_95 = tpu.memref_slice %arg3[%arg1, %add3A_90, %dma_start3A_94] : memref<16x80x125xi32, #tpu.memory_space<hbm>> -> memref<1x1x125xi32, #tpu.memory_space<hbm>>
      %dma_start3A_96 = tpu.memref_squeeze %dma_start3A_95 : memref<1x1x125xi32, #tpu.memory_space<hbm>> -> memref<125xi32, #tpu.memory_space<hbm>>
      tpu.enqueue_dma source(%dma_start3A_96 : memref<125xi32, #tpu.memory_space<hbm>>) target(%arg9 : memref<125xi32, #tpu.memory_space<vmem>>) target_semaphore(%arg20 : memref<!tpu.dma_semaphore, #tpu.memory_space<semaphore_mem>>)
      %add3A_97 = arith.constant 2 : i32
      %add3A_98 = arith.addi %mul3A_69, %add3A_97 : i32
      %dma_wait3A_99 = arith.constant 0 : i32
      %dma_wait3A_100 = tpu.memref_slice %arg2[%arg1, %add3A_98, %dma_wait3A_99] : memref<16x80x125xi32, #tpu.memory_space<hbm>> -> memref<1x1x125xi32, #tpu.memory_space<hbm>>
      %dma_wait3A_101 = tpu.memref_squeeze %dma_wait3A_100 : memref<1x1x125xi32, #tpu.memory_space<hbm>> -> memref<125xi32, #tpu.memory_space<hbm>>
      %dma_wait3A_102 = arith.constant 0 : i32
      %dma_wait3A_103 = tpu.memref_slice %arg2[%arg1, %add3A_98, %dma_wait3A_102] : memref<16x80x125xi32, #tpu.memory_space<hbm>> -> memref<1x1x125xi32, #tpu.memory_space<hbm>>
      %dma_wait3A_104 = tpu.memref_squeeze %dma_wait3A_103 : memref<1x1x125xi32, #tpu.memory_space<hbm>> -> memref<125xi32, #tpu.memory_space<hbm>>
      tpu.wait_dma2 semaphore(%arg18 : memref<!tpu.dma_semaphore, #tpu.memory_space<semaphore_mem>>) src(%dma_wait3A_104 : memref<125xi32, #tpu.memory_space<hbm>>) dst(%arg7 : memref<125xi32, #tpu.memory_space<vmem>>)
      %eq3A_105 = arith.constant 0 : i32
      %eq3A_106 = arith.cmpi eq, %arg0, %eq3A_105 : i32
      %convert_element_type3A_107 = arith.extui %eq3A_106 : i1 to i32
      %cond3A_108 = arith.constant 0 : i32
      %cond3A_109 = arith.cmpi ne, %convert_element_type3A_107, %cond3A_108 : i32
      scf.if %cond3A_109 {
        %dma_start3A_171 = arith.constant 0 : i32
        %dma_start3A_172 = arith.constant 0 : i32
        %dma_start3A_173 = tpu.memref_slice %arg4[%dma_start3A_171, %dma_start3A_172] : memref<10000x128xf32, #tpu.memory_space<hbm>> -> memref<10000x128xf32, #tpu.memory_space<hbm>>
        tpu.enqueue_indirect_dma source(%dma_start3A_173 : memref<10000x128xf32, #tpu.memory_space<hbm>>) target(%arg11 : memref<125x128xf32, #tpu.memory_space<vmem>>) offsets(%arg7 : memref<125xi32, #tpu.memory_space<vmem>>) semaphore(%arg14 : memref<!tpu.dma_semaphore, #tpu.memory_space<semaphore_mem>>)
      } else {
      }
      %eq3A_110 = arith.constant 1 : i32
      %eq3A_111 = arith.cmpi eq, %arg0, %eq3A_110 : i32
      %convert_element_type3A_112 = arith.extui %eq3A_111 : i1 to i32
      %cond3A_113 = arith.constant 0 : i32
      %cond3A_114 = arith.cmpi ne, %convert_element_type3A_112, %cond3A_113 : i32
      scf.if %cond3A_114 {
        %dma_start3A_171 = arith.constant 0 : i32
        %dma_start3A_172 = arith.constant 0 : i32
        %dma_start3A_173 = tpu.memref_slice %arg5[%dma_start3A_171, %dma_start3A_172] : memref<10000x128xf32, #tpu.memory_space<hbm>> -> memref<10000x128xf32, #tpu.memory_space<hbm>>
        tpu.enqueue_indirect_dma source(%dma_start3A_173 : memref<10000x128xf32, #tpu.memory_space<hbm>>) target(%arg11 : memref<125x128xf32, #tpu.memory_space<vmem>>) offsets(%arg7 : memref<125xi32, #tpu.memory_space<vmem>>) semaphore(%arg14 : memref<!tpu.dma_semaphore, #tpu.memory_space<semaphore_mem>>)
      } else {
      }
      %dma_start3A_115 = arith.constant 0 : i32
      %dma_start3A_116 = arith.constant 0 : i32
      %dma_start3A_117 = tpu.memref_slice %arg13[%dma_start3A_115, %dma_start3A_116] : memref<10000x128xf32, #tpu.memory_space<vmem_shared>> -> memref<10000x128xf32, #tpu.memory_space<vmem_shared>>
      tpu.enqueue_indirect_dma source(%arg12 : memref<125x128xf32, #tpu.memory_space<vmem>>) target(%dma_start3A_117 : memref<10000x128xf32, #tpu.memory_space<vmem_shared>>) offsets(%arg10 : memref<125xi32, #tpu.memory_space<vmem>>) semaphore(%arg17 : memref<!tpu.dma_semaphore, #tpu.memory_space<semaphore_mem>>) {add = true}
      %add3A_118 = arith.constant 3 : i32
      %add3A_119 = arith.addi %mul3A_69, %add3A_118 : i32
      %dma_start3A_120 = arith.constant 0 : i32
      %dma_start3A_121 = tpu.memref_slice %arg2[%arg1, %add3A_119, %dma_start3A_120] : memref<16x80x125xi32, #tpu.memory_space<hbm>> -> memref<1x1x125xi32, #tpu.memory_space<hbm>>
      %dma_start3A_122 = tpu.memref_squeeze %dma_start3A_121 : memref<1x1x125xi32, #tpu.memory_space<hbm>> -> memref<125xi32, #tpu.memory_space<hbm>>
      %dma_start3A_123 = arith.constant 0 : i32
      %dma_start3A_124 = tpu.memref_slice %arg2[%arg1, %add3A_119, %dma_start3A_123] : memref<16x80x125xi32, #tpu.memory_space<hbm>> -> memref<1x1x125xi32, #tpu.memory_space<hbm>>
      %dma_start3A_125 = tpu.memref_squeeze %dma_start3A_124 : memref<1x1x125xi32, #tpu.memory_space<hbm>> -> memref<125xi32, #tpu.memory_space<hbm>>
      tpu.enqueue_dma source(%dma_start3A_125 : memref<125xi32, #tpu.memory_space<hbm>>) target(%arg8 : memref<125xi32, #tpu.memory_space<vmem>>) target_semaphore(%arg19 : memref<!tpu.dma_semaphore, #tpu.memory_space<semaphore_mem>>)
      %dma_wait3A_126 = arith.constant 0 : i32
      %dma_wait3A_127 = arith.constant 0 : i32
      %dma_wait3A_128 = tpu.memref_slice %arg13[%dma_wait3A_126, %dma_wait3A_127] : memref<10000x128xf32, #tpu.memory_space<vmem_shared>> -> memref<10000x128xf32, #tpu.memory_space<vmem_shared>>
      tpu.wait_indirect_dma semaphore(%arg17 : memref<!tpu.dma_semaphore, #tpu.memory_space<semaphore_mem>>) src(%arg12 : memref<125x128xf32, #tpu.memory_space<vmem>>) dst(%dma_wait3A_128 : memref<10000x128xf32, #tpu.memory_space<vmem_shared>>)
      %add3A_129 = arith.constant 3 : i32
      %add3A_130 = arith.addi %mul3A_69, %add3A_129 : i32
      %dma_start3A_131 = arith.constant 0 : i32
      %dma_start3A_132 = tpu.memref_slice %arg3[%arg1, %add3A_130, %dma_start3A_131] : memref<16x80x125xi32, #tpu.memory_space<hbm>> -> memref<1x1x125xi32, #tpu.memory_space<hbm>>
      %dma_start3A_133 = tpu.memref_squeeze %dma_start3A_132 : memref<1x1x125xi32, #tpu.memory_space<hbm>> -> memref<125xi32, #tpu.memory_space<hbm>>
      %dma_start3A_134 = arith.constant 0 : i32
      %dma_start3A_135 = tpu.memref_slice %arg3[%arg1, %add3A_130, %dma_start3A_134] : memref<16x80x125xi32, #tpu.memory_space<hbm>> -> memref<1x1x125xi32, #tpu.memory_space<hbm>>
      %dma_start3A_136 = tpu.memref_squeeze %dma_start3A_135 : memref<1x1x125xi32, #tpu.memory_space<hbm>> -> memref<125xi32, #tpu.memory_space<hbm>>
      tpu.enqueue_dma source(%dma_start3A_136 : memref<125xi32, #tpu.memory_space<hbm>>) target(%arg10 : memref<125xi32, #tpu.memory_space<vmem>>) target_semaphore(%arg21 : memref<!tpu.dma_semaphore, #tpu.memory_space<semaphore_mem>>)
      %add3A_137 = arith.constant 3 : i32
      %add3A_138 = arith.addi %mul3A_69, %add3A_137 : i32
      %dma_wait3A_139 = arith.constant 0 : i32
      %dma_wait3A_140 = tpu.memref_slice %arg2[%arg1, %add3A_138, %dma_wait3A_139] : memref<16x80x125xi32, #tpu.memory_space<hbm>> -> memref<1x1x125xi32, #tpu.memory_space<hbm>>
      %dma_wait3A_141 = tpu.memref_squeeze %dma_wait3A_140 : memref<1x1x125xi32, #tpu.memory_space<hbm>> -> memref<125xi32, #tpu.memory_space<hbm>>
      %dma_wait3A_142 = arith.constant 0 : i32
      %dma_wait3A_143 = tpu.memref_slice %arg2[%arg1, %add3A_138, %dma_wait3A_142] : memref<16x80x125xi32, #tpu.memory_space<hbm>> -> memref<1x1x125xi32, #tpu.memory_space<hbm>>
      %dma_wait3A_144 = tpu.memref_squeeze %dma_wait3A_143 : memref<1x1x125xi32, #tpu.memory_space<hbm>> -> memref<125xi32, #tpu.memory_space<hbm>>
      tpu.wait_dma2 semaphore(%arg19 : memref<!tpu.dma_semaphore, #tpu.memory_space<semaphore_mem>>) src(%dma_wait3A_144 : memref<125xi32, #tpu.memory_space<hbm>>) dst(%arg8 : memref<125xi32, #tpu.memory_space<vmem>>)
      %eq3A_145 = arith.constant 0 : i32
      %eq3A_146 = arith.cmpi eq, %arg0, %eq3A_145 : i32
      %convert_element_type3A_147 = arith.extui %eq3A_146 : i1 to i32
      %cond3A_148 = arith.constant 0 : i32
      %cond3A_149 = arith.cmpi ne, %convert_element_type3A_147, %cond3A_148 : i32
      scf.if %cond3A_149 {
        %dma_start3A_171 = arith.constant 0 : i32
        %dma_start3A_172 = arith.constant 0 : i32
        %dma_start3A_173 = tpu.memref_slice %arg4[%dma_start3A_171, %dma_start3A_172] : memref<10000x128xf32, #tpu.memory_space<hbm>> -> memref<10000x128xf32, #tpu.memory_space<hbm>>
        tpu.enqueue_indirect_dma source(%dma_start3A_173 : memref<10000x128xf32, #tpu.memory_space<hbm>>) target(%arg12 : memref<125x128xf32, #tpu.memory_space<vmem>>) offsets(%arg8 : memref<125xi32, #tpu.memory_space<vmem>>) semaphore(%arg15 : memref<!tpu.dma_semaphore, #tpu.memory_space<semaphore_mem>>)
      } else {
      }
      %eq3A_150 = arith.constant 1 : i32
      %eq3A_151 = arith.cmpi eq, %arg0, %eq3A_150 : i32
      %convert_element_type3A_152 = arith.extui %eq3A_151 : i1 to i32
      %cond3A_153 = arith.constant 0 : i32
      %cond3A_154 = arith.cmpi ne, %convert_element_type3A_152, %cond3A_153 : i32
      scf.if %cond3A_154 {
        %dma_start3A_171 = arith.constant 0 : i32
        %dma_start3A_172 = arith.constant 0 : i32
        %dma_start3A_173 = tpu.memref_slice %arg5[%dma_start3A_171, %dma_start3A_172] : memref<10000x128xf32, #tpu.memory_space<hbm>> -> memref<10000x128xf32, #tpu.memory_space<hbm>>
        tpu.enqueue_indirect_dma source(%dma_start3A_173 : memref<10000x128xf32, #tpu.memory_space<hbm>>) target(%arg12 : memref<125x128xf32, #tpu.memory_space<vmem>>) offsets(%arg8 : memref<125xi32, #tpu.memory_space<vmem>>) semaphore(%arg15 : memref<!tpu.dma_semaphore, #tpu.memory_space<semaphore_mem>>)
      } else {
      }
      %add3A_155 = arith.constant 2 : i32
      %add3A_156 = arith.addi %mul3A_69, %add3A_155 : i32
      %dma_wait3A_157 = arith.constant 0 : i32
      %dma_wait3A_158 = tpu.memref_slice %arg3[%arg1, %add3A_156, %dma_wait3A_157] : memref<16x80x125xi32, #tpu.memory_space<hbm>> -> memref<1x1x125xi32, #tpu.memory_space<hbm>>
      %dma_wait3A_159 = tpu.memref_squeeze %dma_wait3A_158 : memref<1x1x125xi32, #tpu.memory_space<hbm>> -> memref<125xi32, #tpu.memory_space<hbm>>
      %dma_wait3A_160 = arith.constant 0 : i32
      %dma_wait3A_161 = tpu.memref_slice %arg3[%arg1, %add3A_156, %dma_wait3A_160] : memref<16x80x125xi32, #tpu.memory_space<hbm>> -> memref<1x1x125xi32, #tpu.memory_space<hbm>>
      %dma_wait3A_162 = tpu.memref_squeeze %dma_wait3A_161 : memref<1x1x125xi32, #tpu.memory_space<hbm>> -> memref<125xi32, #tpu.memory_space<hbm>>
      tpu.wait_dma2 semaphore(%arg20 : memref<!tpu.dma_semaphore, #tpu.memory_space<semaphore_mem>>) src(%dma_wait3A_162 : memref<125xi32, #tpu.memory_space<hbm>>) dst(%arg9 : memref<125xi32, #tpu.memory_space<vmem>>)
      %add3A_163 = arith.constant 3 : i32
      %add3A_164 = arith.addi %mul3A_69, %add3A_163 : i32
      %dma_wait3A_165 = arith.constant 0 : i32
      %dma_wait3A_166 = tpu.memref_slice %arg3[%arg1, %add3A_164, %dma_wait3A_165] : memref<16x80x125xi32, #tpu.memory_space<hbm>> -> memref<1x1x125xi32, #tpu.memory_space<hbm>>
      %dma_wait3A_167 = tpu.memref_squeeze %dma_wait3A_166 : memref<1x1x125xi32, #tpu.memory_space<hbm>> -> memref<125xi32, #tpu.memory_space<hbm>>
      %dma_wait3A_168 = arith.constant 0 : i32
      %dma_wait3A_169 = tpu.memref_slice %arg3[%arg1, %add3A_164, %dma_wait3A_168] : memref<16x80x125xi32, #tpu.memory_space<hbm>> -> memref<1x1x125xi32, #tpu.memory_space<hbm>>
      %dma_wait3A_170 = tpu.memref_squeeze %dma_wait3A_169 : memref<1x1x125xi32, #tpu.memory_space<hbm>> -> memref<125xi32, #tpu.memory_space<hbm>>
      tpu.wait_dma2 semaphore(%arg21 : memref<!tpu.dma_semaphore, #tpu.memory_space<semaphore_mem>>) src(%dma_wait3A_170 : memref<125xi32, #tpu.memory_space<hbm>>) dst(%arg10 : memref<125xi32, #tpu.memory_space<vmem>>)
    }
    %scan3A_39 = arith.constant 39 : i32
    %dma_wait3A = arith.constant 0 : i32
    %dma_wait3A_40 = arith.constant 0 : i32
    %dma_wait3A_41 = tpu.memref_slice %arg4[%dma_wait3A, %dma_wait3A_40] : memref<10000x128xf32, #tpu.memory_space<hbm>> -> memref<10000x128xf32, #tpu.memory_space<hbm>>
    tpu.wait_indirect_dma semaphore(%arg14 : memref<!tpu.dma_semaphore, #tpu.memory_space<semaphore_mem>>) src(%dma_wait3A_41 : memref<10000x128xf32, #tpu.memory_space<hbm>>) dst(%arg11 : memref<125x128xf32, #tpu.memory_space<vmem>>)
    %dma_start3A = arith.constant 0 : i32
    %dma_start3A_42 = arith.constant 0 : i32
    %dma_start3A_43 = tpu.memref_slice %arg13[%dma_start3A, %dma_start3A_42] : memref<10000x128xf32, #tpu.memory_space<vmem_shared>> -> memref<10000x128xf32, #tpu.memory_space<vmem_shared>>
    tpu.enqueue_indirect_dma source(%arg11 : memref<125x128xf32, #tpu.memory_space<vmem>>) target(%dma_start3A_43 : memref<10000x128xf32, #tpu.memory_space<vmem_shared>>) offsets(%arg9 : memref<125xi32, #tpu.memory_space<vmem>>) semaphore(%arg16 : memref<!tpu.dma_semaphore, #tpu.memory_space<semaphore_mem>>) {add = true}
    %dma_wait3A_44 = arith.constant 0 : i32
    %dma_wait3A_45 = arith.constant 0 : i32
    %dma_wait3A_46 = tpu.memref_slice %arg4[%dma_wait3A_44, %dma_wait3A_45] : memref<10000x128xf32, #tpu.memory_space<hbm>> -> memref<10000x128xf32, #tpu.memory_space<hbm>>
    tpu.wait_indirect_dma semaphore(%arg15 : memref<!tpu.dma_semaphore, #tpu.memory_space<semaphore_mem>>) src(%dma_wait3A_46 : memref<10000x128xf32, #tpu.memory_space<hbm>>) dst(%arg12 : memref<125x128xf32, #tpu.memory_space<vmem>>)
    %dma_wait3A_47 = arith.constant 0 : i32
    %dma_wait3A_48 = arith.constant 0 : i32
    %dma_wait3A_49 = tpu.memref_slice %arg13[%dma_wait3A_47, %dma_wait3A_48] : memref<10000x128xf32, #tpu.memory_space<vmem_shared>> -> memref<10000x128xf32, #tpu.memory_space<vmem_shared>>
    tpu.wait_indirect_dma semaphore(%arg16 : memref<!tpu.dma_semaphore, #tpu.memory_space<semaphore_mem>>) src(%arg11 : memref<125x128xf32, #tpu.memory_space<vmem>>) dst(%dma_wait3A_49 : memref<10000x128xf32, #tpu.memory_space<vmem_shared>>)
    %dma_start3A_50 = arith.constant 0 : i32
    %dma_start3A_51 = arith.constant 0 : i32
    %dma_start3A_52 = tpu.memref_slice %arg13[%dma_start3A_50, %dma_start3A_51] : memref<10000x128xf32, #tpu.memory_space<vmem_shared>> -> memref<10000x128xf32, #tpu.memory_space<vmem_shared>>
    tpu.enqueue_indirect_dma source(%arg12 : memref<125x128xf32, #tpu.memory_space<vmem>>) target(%dma_start3A_52 : memref<10000x128xf32, #tpu.memory_space<vmem_shared>>) offsets(%arg10 : memref<125xi32, #tpu.memory_space<vmem>>) semaphore(%arg17 : memref<!tpu.dma_semaphore, #tpu.memory_space<semaphore_mem>>) {add = true}
    %dma_wait3A_53 = arith.constant 0 : i32
    %dma_wait3A_54 = arith.constant 0 : i32
    %dma_wait3A_55 = tpu.memref_slice %arg13[%dma_wait3A_53, %dma_wait3A_54] : memref<10000x128xf32, #tpu.memory_space<vmem_shared>> -> memref<10000x128xf32, #tpu.memory_space<vmem_shared>>
    tpu.wait_indirect_dma semaphore(%arg17 : memref<!tpu.dma_semaphore, #tpu.memory_space<semaphore_mem>>) src(%arg12 : memref<125x128xf32, #tpu.memory_space<vmem>>) dst(%dma_wait3A_55 : memref<10000x128xf32, #tpu.memory_space<vmem_shared>>)
    %barrier3A_56 = arith.constant 0 : index
    tpu.barrier barrier_id(%barrier3A_56)
    %mul3A_57 = arith.constant 624 : i32
    %mul3A_58 = arith.muli %arg1, %mul3A_57 : i32
    %multiple_of3A_59 = tpu.assume_multiple %mul3A_58, 8 : i32
    %mul3A_60 = arith.constant 128 : i32
    %mul3A_61 = arith.muli %arg0, %mul3A_60 : i32
    "tpu.region"() ({
      %run_scoped3A_67 = tpu.sem_alloc : memref<!tpu.dma_semaphore, #tpu.memory_space<semaphore_mem>>
      %dma_start3A_68 = tpu.memref_slice %arg6[%multiple_of3A_59, %mul3A_61] : memref<10000x256xf32, #tpu.memory_space<hbm>> -> memref<624x128xf32, #tpu.memory_space<hbm>>
      %dma_start3A_69 = arith.constant 0 : i32
      %dma_start3A_70 = tpu.memref_slice %arg13[%multiple_of3A_59, %dma_start3A_69] : memref<10000x128xf32, #tpu.memory_space<vmem_shared>> -> memref<624x128xf32, #tpu.memory_space<vmem_shared>>
      tpu.enqueue_dma source(%dma_start3A_70 : memref<624x128xf32, #tpu.memory_space<vmem_shared>>) target(%dma_start3A_68 : memref<624x128xf32, #tpu.memory_space<hbm>>) target_semaphore(%run_scoped3A_67 : memref<!tpu.dma_semaphore, #tpu.memory_space<semaphore_mem>>)
      %dma_wait3A_71 = tpu.memref_slice %arg6[%multiple_of3A_59, %mul3A_61] : memref<10000x256xf32, #tpu.memory_space<hbm>> -> memref<624x128xf32, #tpu.memory_space<hbm>>
      %dma_wait3A_72 = arith.constant 0 : i32
      %dma_wait3A_73 = tpu.memref_slice %arg13[%multiple_of3A_59, %dma_wait3A_72] : memref<10000x128xf32, #tpu.memory_space<vmem_shared>> -> memref<624x128xf32, #tpu.memory_space<vmem_shared>>
      tpu.wait_dma2 semaphore(%run_scoped3A_67 : memref<!tpu.dma_semaphore, #tpu.memory_space<semaphore_mem>>) src(%dma_wait3A_73 : memref<624x128xf32, #tpu.memory_space<vmem_shared>>) dst(%dma_wait3A_71 : memref<624x128xf32, #tpu.memory_space<hbm>>)
      tpu.yield
    }) : () -> ()
    %eq3A_62 = arith.constant 15 : i32
    %eq3A_63 = arith.cmpi eq, %arg1, %eq3A_62 : i32
    %convert_element_type3A_64 = arith.extui %eq3A_63 : i1 to i32
    %cond3A_65 = arith.constant 0 : i32
    %cond3A_66 = arith.cmpi ne, %convert_element_type3A_64, %cond3A_65 : i32
    scf.if %cond3A_66 {
      %mul3A_67 = arith.constant 128 : i32
      %mul3A_68 = arith.muli %arg0, %mul3A_67 : i32
      "tpu.region"() ({
        %run_scoped3A_69 = tpu.sem_alloc : memref<!tpu.dma_semaphore, #tpu.memory_space<semaphore_mem>>
        %dma_start3A_70 = arith.constant 9984 : i32
        %dma_start3A_71 = tpu.memref_slice %arg6[%dma_start3A_70, %mul3A_68] : memref<10000x256xf32, #tpu.memory_space<hbm>> -> memref<16x128xf32, #tpu.memory_space<hbm>>
        %dma_start3A_72 = arith.constant 9984 : i32
        %dma_start3A_73 = arith.constant 0 : i32
        %dma_start3A_74 = tpu.memref_slice %arg13[%dma_start3A_72, %dma_start3A_73] : memref<10000x128xf32, #tpu.memory_space<vmem_shared>> -> memref<16x128xf32, #tpu.memory_space<vmem_shared>>
        tpu.enqueue_dma source(%dma_start3A_74 : memref<16x128xf32, #tpu.memory_space<vmem_shared>>) target(%dma_start3A_71 : memref<16x128xf32, #tpu.memory_space<hbm>>) target_semaphore(%run_scoped3A_69 : memref<!tpu.dma_semaphore, #tpu.memory_space<semaphore_mem>>)
        %dma_wait3A_75 = arith.constant 9984 : i32
        %dma_wait3A_76 = tpu.memref_slice %arg6[%dma_wait3A_75, %mul3A_68] : memref<10000x256xf32, #tpu.memory_space<hbm>> -> memref<16x128xf32, #tpu.memory_space<hbm>>
        %dma_wait3A_77 = arith.constant 9984 : i32
        %dma_wait3A_78 = arith.constant 0 : i32
        %dma_wait3A_79 = tpu.memref_slice %arg13[%dma_wait3A_77, %dma_wait3A_78] : memref<10000x128xf32, #tpu.memory_space<vmem_shared>> -> memref<16x128xf32, #tpu.memory_space<vmem_shared>>
        tpu.wait_dma2 semaphore(%run_scoped3A_69 : memref<!tpu.dma_semaphore, #tpu.memory_space<semaphore_mem>>) src(%dma_wait3A_79 : memref<16x128xf32, #tpu.memory_space<vmem_shared>>) dst(%dma_wait3A_76 : memref<16x128xf32, #tpu.memory_space<hbm>>)
        tpu.yield
      }) : () -> ()
    } else {
    }
    return
  }
}

module attributes {stable_mosaic.version = 14 : i64} {
  func.func @_tc_lin_body(%arg0: i32, %arg1: memref<2000x256xf32, #tpu.memory_space<vmem>>, %arg2: memref<256x256xf32, #tpu.memory_space<vmem>>, %arg3: memref<2000x1xf32, #tpu.memory_space<vmem>>, %arg4: memref<2000x1xf32, #tpu.memory_space<vmem>>, %arg5: memref<2000x128xf32, #tpu.memory_space<vmem>>, %arg6: memref<2000x128xf32, #tpu.memory_space<vmem>>, %arg7: memref<2000x1xf32, #tpu.memory_space<vmem>>) attributes {dimension_semantics = [#tpu.dimension_semantics<arbitrary>], iteration_bounds = array<i64: 5>, scalar_prefetch = 0 : i64, scratch_operands = 0 : i64, tpu.core_type = #tpu.core_type<tc>, window_params = [{transform_indices = @transform_0, window_bounds = array<i64: 2000, 256>}, {pipeline_mode = #tpu.pipeline_mode<synchronous>, transform_indices = @transform_1, window_bounds = array<i64: 256, 256>}, {transform_indices = @transform_2, window_bounds = array<i64: 2000, 1>}, {transform_indices = @transform_3, window_bounds = array<i64: 2000, 1>}, {transform_indices = @transform_4, window_bounds = array<i64: 2000, 128>}, {transform_indices = @transform_5, window_bounds = array<i64: 2000, 128>}, {transform_indices = @transform_6, window_bounds = array<i64: 2000, 1>}]} {
    %get3A = arith.constant 0 : index
    %get3A_0 = arith.constant 0 : index
    %get3A_1 = vector.load %arg1[%get3A, %get3A_0] : memref<2000x256xf32, #tpu.memory_space<vmem>>, vector<2000x256xf32>
    %get3A_2 = arith.constant 0 : index
    %get3A_3 = arith.constant 0 : index
    %get3A_4 = vector.load %arg2[%get3A_2, %get3A_3] : memref<256x256xf32, #tpu.memory_space<vmem>>, vector<256x256xf32>
    %dot_general3A = arith.constant dense<0.000000e+00> : vector<2000x256xf32>
    %dot_general3A_5 = tpu.matmul %get3A_1, %get3A_4, %dot_general3A {dimension_numbers = #tpu.dot_dimension_numbers<[1], [0], [0], [1], [0, 0, 1, 1], [], []>, transpose_lhs_hint = false} : vector<2000x256xf32>, vector<256x256xf32>, vector<2000x256xf32> -> vector<2000x256xf32>
    %get3A_6 = arith.constant 0 : index
    %get3A_7 = arith.constant 0 : index
    %get3A_8 = vector.load %arg3[%get3A_6, %get3A_7] : memref<2000x1xf32, #tpu.memory_space<vmem>>, vector<2000x1xf32>
    %get3A_9 = arith.constant 0 : index
    %get3A_10 = arith.constant 0 : index
    %get3A_11 = vector.load %arg4[%get3A_9, %get3A_10] : memref<2000x1xf32, #tpu.memory_space<vmem>>, vector<2000x1xf32>
    %add3A = arith.addf %get3A_8, %get3A_11 : vector<2000x1xf32>
    %add3A_12 = arith.constant 1.000000e+00 : f32
    %add3A_13 = vector.broadcast %add3A_12 : f32 to vector<2000x1xf32>
    %add3A_14 = arith.addf %add3A, %add3A_13 : vector<2000x1xf32>
    %rsqrt3A = math.rsqrt %add3A_14 : vector<2000x1xf32>
    %slice3A = vector.extract_strided_slice %dot_general3A_5 {offsets = [0, 0], sizes = [2000, 128], strides = [1, 1]} : vector<2000x256xf32> to vector<2000x128xf32>
    %mul3A = vector.broadcast %rsqrt3A : vector<2000x1xf32> to vector<2000x128xf32>
    %mul3A_15 = arith.mulf %slice3A, %mul3A : vector<2000x128xf32>
    %swap3A = arith.constant 0 : index
    %swap3A_16 = arith.constant 0 : index
    %swap3A_17 = vector.load %arg5[%swap3A, %swap3A_16] : memref<2000x128xf32, #tpu.memory_space<vmem>>, vector<2000x128xf32>
    tpu.vector_store %arg5[%swap3A, %swap3A_16], %mul3A_15 {strides = array<i32>} : memref<2000x128xf32, #tpu.memory_space<vmem>>, vector<2000x128xf32>,
    %slice3A_18 = vector.extract_strided_slice %dot_general3A_5 {offsets = [0, 128], sizes = [2000, 128], strides = [1, 1]} : vector<2000x256xf32> to vector<2000x128xf32>
    %mul3A_19 = vector.broadcast %rsqrt3A : vector<2000x1xf32> to vector<2000x128xf32>
    %mul3A_20 = arith.mulf %slice3A_18, %mul3A_19 : vector<2000x128xf32>
    %swap3A_21 = arith.constant 0 : index
    %swap3A_22 = arith.constant 0 : index
    %swap3A_23 = vector.load %arg6[%swap3A_21, %swap3A_22] : memref<2000x128xf32, #tpu.memory_space<vmem>>, vector<2000x128xf32>
    tpu.vector_store %arg6[%swap3A_21, %swap3A_22], %mul3A_20 {strides = array<i32>} : memref<2000x128xf32, #tpu.memory_space<vmem>>, vector<2000x128xf32>,
    %swap3A_24 = arith.constant 0 : index
    %swap3A_25 = arith.constant 0 : index
    %swap3A_26 = vector.load %arg7[%swap3A_24, %swap3A_25] : memref<2000x1xf32, #tpu.memory_space<vmem>>, vector<2000x1xf32>
    tpu.vector_store %arg7[%swap3A_24, %swap3A_25], %rsqrt3A {strides = array<i32>} : memref<2000x1xf32, #tpu.memory_space<vmem>>, vector<2000x1xf32>,
    return
  }
  func.func @transform_0(%arg0: i32) -> (i32, i32) {
    %c0_i32 = arith.constant 0 : i32
    %c0_i32_0 = arith.constant 0 : i32
    return %arg0, %c0_i32 : i32, i32
  }
  func.func @transform_1(%arg0: i32) -> (i32, i32) {
    %c0_i32 = arith.constant 0 : i32
    %c0_i32_0 = arith.constant 0 : i32
    %c0_i32_1 = arith.constant 0 : i32
    return %c0_i32, %c0_i32_0 : i32, i32
  }
  func.func @transform_2(%arg0: i32) -> (i32, i32) {
    %c0_i32 = arith.constant 0 : i32
    %c0_i32_0 = arith.constant 0 : i32
    return %arg0, %c0_i32 : i32, i32
  }
  func.func @transform_3(%arg0: i32) -> (i32, i32) {
    %c0_i32 = arith.constant 0 : i32
    %c0_i32_0 = arith.constant 0 : i32
    return %arg0, %c0_i32 : i32, i32
  }
  func.func @transform_4(%arg0: i32) -> (i32, i32) {
    %c0_i32 = arith.constant 0 : i32
    %c0_i32_0 = arith.constant 0 : i32
    return %arg0, %c0_i32 : i32, i32
  }
  func.func @transform_5(%arg0: i32) -> (i32, i32) {
    %c0_i32 = arith.constant 0 : i32
    %c0_i32_0 = arith.constant 0 : i32
    return %arg0, %c0_i32 : i32, i32
  }
  func.func @transform_6(%arg0: i32) -> (i32, i32) {
    %c0_i32 = arith.constant 0 : i32
    %c0_i32_0 = arith.constant 0 : i32
    return %arg0, %c0_i32 : i32, i32
  }
}

module attributes {stable_mosaic.version = 14 : i64} {
  func.func @_tc_out_body(%arg0: i32, %arg1: memref<1000x256xf32, #tpu.memory_space<vmem>>, %arg2: memref<1000x1xf32, #tpu.memory_space<vmem>>, %arg3: memref<1x256xf32, #tpu.memory_space<vmem>>, %arg4: memref<1000x256xf32, #tpu.memory_space<vmem>>) attributes {dimension_semantics = [#tpu.dimension_semantics<arbitrary>], iteration_bounds = array<i64: 10>, scalar_prefetch = 0 : i64, scratch_operands = 0 : i64, tpu.core_type = #tpu.core_type<tc>, window_params = [{transform_indices = @transform_0, window_bounds = array<i64: 1000, 256>}, {transform_indices = @transform_1, window_bounds = array<i64: 1000, 1>}, {pipeline_mode = #tpu.pipeline_mode<synchronous>, transform_indices = @transform_2, window_bounds = array<i64: 1, 256>}, {transform_indices = @transform_3, window_bounds = array<i64: 1000, 256>}]} {
    %get3A = arith.constant 0 : index
    %get3A_0 = arith.constant 0 : index
    %get3A_1 = vector.load %arg1[%get3A, %get3A_0] : memref<1000x256xf32, #tpu.memory_space<vmem>>, vector<1000x256xf32>
    %get3A_2 = arith.constant 0 : index
    %get3A_3 = arith.constant 0 : index
    %get3A_4 = vector.load %arg2[%get3A_2, %get3A_3] : memref<1000x1xf32, #tpu.memory_space<vmem>>, vector<1000x1xf32>
    %mul3A = vector.broadcast %get3A_4 : vector<1000x1xf32> to vector<1000x256xf32>
    %mul3A_5 = arith.mulf %get3A_1, %mul3A : vector<1000x256xf32>
    %get3A_6 = arith.constant 0 : index
    %get3A_7 = arith.constant 0 : index
    %get3A_8 = vector.load %arg3[%get3A_6, %get3A_7] : memref<1x256xf32, #tpu.memory_space<vmem>>, vector<1x256xf32>
    %add3A = vector.broadcast %get3A_8 : vector<1x256xf32> to vector<1000x256xf32>
    %add3A_9 = arith.addf %mul3A_5, %add3A : vector<1000x256xf32>
    %swap3A = arith.constant 0 : index
    %swap3A_10 = arith.constant 0 : index
    %swap3A_11 = vector.load %arg4[%swap3A, %swap3A_10] : memref<1000x256xf32, #tpu.memory_space<vmem>>, vector<1000x256xf32>
    tpu.vector_store %arg4[%swap3A, %swap3A_10], %add3A_9 {strides = array<i32>} : memref<1000x256xf32, #tpu.memory_space<vmem>>, vector<1000x256xf32>,
    return
  }
  func.func @transform_0(%arg0: i32) -> (i32, i32) {
    %c0_i32 = arith.constant 0 : i32
    %c0_i32_0 = arith.constant 0 : i32
    return %arg0, %c0_i32 : i32, i32
  }
  func.func @transform_1(%arg0: i32) -> (i32, i32) {
    %c0_i32 = arith.constant 0 : i32
    %c0_i32_0 = arith.constant 0 : i32
    return %arg0, %c0_i32 : i32, i32
  }
  func.func @transform_2(%arg0: i32) -> (i32, i32) {
    %c0_i32 = arith.constant 0 : i32
    %c0_i32_0 = arith.constant 0 : i32
    %c0_i32_1 = arith.constant 0 : i32
    return %c0_i32, %c0_i32_0 : i32, i32
  }
  func.func @transform_3(%arg0: i32) -> (i32, i32) {
    %c0_i32 = arith.constant 0 : i32
    %c0_i32_0 = arith.constant 0 : i32
    return %arg0, %c0_i32 : i32, i32
  }
}

</mosaic_0001>

<sc_bundles>
// kernel: kernel.6.cloned.1.call-start
scs
__scs_entry_jumppad:
0x0: {  	(pc) =	sbr.rel $0x88, $3  }
0x1: {  	(tag) =	ssettag $0x0;
	lr =	simm.s32 $0x1  }
0x2: {  	[smem:$0x3F9D] =	sst lr;
	_ =	strace $0xD0000000  }
0x3: {  	_ = 	snop  }
0x4: {  	_ = 	snop  }
0x5: {  	_ = 	snop  }
0x6: {  	_ = 	snop  }
0x7: {  	_ = 	snop  }
__scs_overlays_trampoline_lowered:
0x8: {  	[smem:$0x3FAC] =	sst s0  }
0x9: {  	[smem:$0x3FAD] =	sst s1  }
0xa: {  	[smem:$0x3FAE] =	sst s2  }
0xb: {  	[smem:$0x3FAF] =	sst s3  }
0xc: {  	[smem:$0x3FB0] =	sst s4  }
0xd: {  	[smem:$0x3FB1] =	sst s5  }
0xe: {  	[smem:$0x3FB2] =	sst s6  }
0xf: {  	[smem:$0x3FB3] =	sst s7  }
0x10: {  	[smem:$0x3FB4] =	sst s8  }
0x11: {  	[smem:$0x3FB5] =	sst s9;
	s0 =	simm.s32 @!p0 $0x0  }
0x12: {  	s1 =	sld [smem:$0x3F9B];
	s0 =	simm.s32 @p0 $0x1  }
0x13: {  	[smem:$0x3FB6] =	sst s0;
	s0 =	simm.s32 @!p1 $0x0  }
0x14: {  	s2 =	sld [smem:$0x3F9A];
	s0 =	simm.s32 @p1 $0x1  }
0x15: {  	[smem:$0x3FB7] =	sst s0;
	s0 =	simm.s32 @!p2 $0x0  }
0x16: {  	s3 =	sld [smem:$0x3FDB];
	s0 =	simm.s32 @p2 $0x1  }
0x17: {  	s4 =	simm.s32 $0x1BF5;
	[smem:$0x3FB9] =	sst s0  }
0x18: {  	s0 =	sld [smem:$0x3F9C];
	_ =	swait.ge [sflag:s4], $0x0  }
0x19: {  	s7 =	sld [smem:$0x3F9D]  }
0x1a: {  	s8 =	sadd.s32 $0xFFFFE003, lr  }
0x1b: {  	s9 =	sadd.s32 $0xFFFFFEF7, lr;
	s5 =	simm.s32 $0xFFFFFFFF;
	p2 =	slt.u32 s8, $0xFFFFF086  }
0x1c: {  	p1 =	slt.u32 s9, $0xF7A;
	s5 =	simm.s32 @!p2 $0x0  }
0x1d: {  	s5 =	simm.s32 @p1 $0x1;
	p0 =	seq.s32 s7, s2  }
0x1e: {  	s7 =	smul.u32 @!p0 $0xF7A, s2;
	p2 =	seq.s32 @!p0 s5, $0x0  }
0x1f: {  	s9 =	smul.u32 $0xF7A, s1;
	s8 =	simm.s32 @!p0 $0x1BF5;
	p2 =	por !p2, p0  }
0x20: {  	[sflag:s8] =	ssyncset.s32 @!p0 $0xFFFFF086;
	s6 =	sadd.s32 @!p0 s3, s7;
	s7 =	simm.s32 @!p0 $0x108  }
0x21: {  	s3 =	sadd.s32 s3, s9;
	s6 =	sadd.s32 @!p0 $0x88, s6;
	s7 =	simm.s32 @p2 $0x1082  }
0x22: {  	[simem:s7], [sflag:s8] =	dma.local @!p0 [hbm:s6], $0xF7A  }
0x23: {  	s9 =	sor.u32 $0xD0000000, s2;
	s6 =	simm.s32 $0x108;
	_ =	swait.ge @!p0 [sflag:s8], $0x0  }
0x24: {  	s3 =	sadd.s32 $0x88, s3;
	s6 =	simm.s32 @!p1 $0x1082;
	[sflag:s4] =	ssyncset.s32 $0xFFFFF086  }
0x25: {  	[simem:s6], [sflag:s4] =	dma.local [hbm:s3], $0xF7A  }
0x26: {  	[smem:$0x3F9D] =	sst s1;
	(tag) =	ssettag s2;
	_ =	strace s9  }
0x27: {  	s1 =	sld [smem:$0x3FAD]  }
0x28: {  	s2 =	sld [smem:$0x3FAE]  }
0x29: {  	s4 =	sld [smem:$0x3FB0]  }
0x2a: {  	p0 =	seq.s32 s5, $0x0;
	s5 =	sld [smem:$0x3FB1]  }
0x2b: {  	s6 =	sld [smem:$0x3FB2]  }
0x2c: {  	s7 =	sld [smem:$0x3FB3]  }
0x2d: {  	s3 =	simm.s32 $0x108;
	s8 =	sld [smem:$0x3FB4]  }
0x2e: {  	s3 =	simm.s32 @!p0 $0x1082;
	s9 =	sld [smem:$0x3FB5]  }
0x2f: {  	lr =	sadd.s32 s0, s3;
	s0 =	sld [smem:$0x3FAC]  }
0x30: {  	s3 =	sld [smem:$0x3FAF]  }
0x31: {  	[smem:$0x3FB8] =	sst s10  }
0x32: {  	s10 =	sld [smem:$0x3FB6];
	_ =	sdelay $0x3  }
0x33: {  	p0 =	seq.s32 s10, $0x1;
	s10 =	sld [smem:$0x3FB8];
	_ =	sdelay $0x3  }
0x34: {  	[smem:$0x3FB8] =	sst s10  }
0x35: {  	s10 =	sld [smem:$0x3FB7];
	_ =	sdelay $0x3  }
0x36: {  	p1 =	seq.s32 s10, $0x1;
	s10 =	sld [smem:$0x3FB8];
	_ =	sdelay $0x3  }
0x37: {  	[smem:$0x3FB8] =	sst s10  }
0x38: {  	s10 =	sld [smem:$0x3FB9]  }
0x39: {  	_ = 	snop;
	(pc) =	sbr.ind lr, $3  }
0x3a: {  	_ = 	snop  }
0x3b: {  	_ = 	snop  }
0x3c: {  	p2 =	seq.s32 s10, $0x1;
	s10 =	sld [smem:$0x3FB8]  }
0x3d: {  	_ =	shalt  }
0x3e: {  	_ =	shalt  }
0x3f: {  	_ =	shalt  }
0x40: {  	_ =	shalt  }
0x41: {  	_ =	shalt  }
0x42: {  	_ =	shalt  }
0x43: {  	_ =	shalt  }
0x44: {  	_ =	shalt  }
0x45: {  	_ =	shalt  }
0x46: {  	_ =	shalt  }
0x47: {  	_ =	shalt  }
0x48: {  	_ =	shalt  }
0x49: {  	_ =	shalt  }
0x4a: {  	_ =	shalt  }
0x4b: {  	_ =	shalt  }
0x4c: {  	_ =	shalt  }
0x4d: {  	_ =	shalt  }
0x4e: {  	_ =	shalt  }
0x4f: {  	_ =	shalt  }
0x50: {  	_ =	shalt  }
0x51: {  	_ =	shalt  }
0x52: {  	_ =	shalt  }
0x53: {  	_ =	shalt  }
0x54: {  	_ =	shalt  }
0x55: {  	_ =	shalt  }
0x56: {  	_ =	shalt  }
0x57: {  	_ =	shalt  }
0x58: {  	_ =	shalt  }
0x59: {  	_ =	shalt  }
0x5a: {  	_ =	shalt  }
0x5b: {  	_ =	shalt  }
0x5c: {  	_ =	shalt  }
0x5d: {  	_ =	shalt  }
0x5e: {  	_ =	shalt  }
0x5f: {  	_ =	shalt  }
0x60: {  	_ =	shalt  }
0x61: {  	_ =	shalt  }
0x62: {  	_ =	shalt  }
0x63: {  	_ =	shalt  }
0x64: {  	_ =	shalt  }
0x65: {  	_ =	shalt  }
0x66: {  	_ =	shalt  }
0x67: {  	_ =	shalt  }
0x68: {  	_ =	shalt  }
0x69: {  	_ =	shalt  }
0x6a: {  	_ =	shalt  }
0x6b: {  	_ =	shalt  }
0x6c: {  	_ =	shalt  }
0x6d: {  	_ =	shalt  }
0x6e: {  	_ =	shalt  }
0x6f: {  	_ =	shalt  }
0x70: {  	_ =	shalt  }
0x71: {  	_ =	shalt  }
0x72: {  	_ =	shalt  }
0x73: {  	_ =	shalt  }
0x74: {  	_ =	shalt  }
0x75: {  	_ =	shalt  }
0x76: {  	_ =	shalt  }
0x77: {  	_ =	shalt  }
0x78: {  	_ =	shalt  }
0x79: {  	_ =	shalt  }
0x7a: {  	_ =	shalt  }
0x7b: {  	_ =	shalt  }
0x7c: {  	_ =	shalt  }
0x7d: {  	_ =	shalt  }
0x7e: {  	_ =	shalt  }
0x7f: {  	_ =	shalt  }
0x80: {  	_ =	shalt  }
0x81: {  	_ =	shalt  }
0x82: {  	_ =	shalt  }
0x83: {  	_ =	shalt  }
0x84: {  	_ =	shalt  }
0x85: {  	_ =	shalt  }
0x86: {  	_ =	shalt  }
0x87: {  	_ =	shalt  }
.Lfunc_end0:
.L_simem_size_0:
called_computation_lowered:
.L_overlay_start_0:
0x88: {  	s2 =	sld [smem:$0x3FD9]  }
0x89: {  	s3 =	sld [smem:$0x3FFE];
	_ =	sdelay $0x1  }
0x8a: {  	s1 =	srdreg.scid  }
0x8b: {  	s0 =	sand.u32 $0x1, s1  }
0x8c: {  	s17 =	sshll.u32 s0, $0xA;
	s2 =	sadd.s32 s3, s2  }
0x8d: {  	s2 =	sadd.s32 s2, s17  }
0x8e: {  	[smem:$0x3FC4] =	sst s2  }
0x8f: {  	_ = 	snop  }
0x90: {  	s2 =	sld [smem:$0x3FD0];
	(tm) =	ssettm $0x1  }
0x91: {  	s18 =	sld [smem:$0x3FFB];
	_ =	sdelay $0x3  }
0x92: {  	_ =	strace s18  }
0x93: {  	s3 =	sld [smem:$0x3FFC];
	_ =	sdelay $0x3  }
0x94: {  	_ =	strace s3  }
0x95: {  	s3 =	sld [smem:$0x3FFD];
	_ =	sdelay $0x3  }
0x96: {  	_ =	strace s3  }
0x97: {  	_ =	strace $0x8FFFFFFF  }
0x98: {  	s19 =	sld [smem:$0x3FDB];
	_ =	sdelay $0x1  }
0x99: {  	s4 =	simm.s32 $_scs_section_size  }
0x9a: {  	s5 =	simm.s32 $_size__tile_overlayer_lowered;
	s6 =	simm.s32 $_tile_overlayer_lowered  }
0x9b: {  	s22 =	simm.s32 $0x1BFF;
	s21 =	sshll.u32 s6, $0x1;
	s3 =	sadd.s32 s4, s19  }
0x9c: {  	s7 =	simm.s32 $0x0;
	s20 =	sshll.u32 s5, $0x1;
	s5 =	sadd.s32 s21, s3  }
0x9d: {  	[timem:s7], [sflag:s22] =	dma.local [hbm:s5], s20  }
0x9e: {  	_ =	swait.ge [sflag:s22], s20  }
0x9f: {  	s4 =	ssub.s32 $0x0, s20;
	[sflag:s22] =	ssyncset.done $0x0  }
0xa0: {  	[sflag:s22] =	ssyncadd.s32 s4;
	_ =	sdelay $0x1  }
0xa1: {  	s23 =	simm.s32 $0x1B8B  }
0xa2: {  	_ =	swait.ge [sflag:s23], $0x1  }
0xa3: {  	[sflag:s23] =	ssyncset.done $0x0  }
0xa4: {  	s25 =	simm.s32 $0x1B8E;
	s24 =	sld [smem:$0x3FFE];
	[sflag:s23] =	ssyncadd.s32 $0xFFFFFFFF  }
0xa5: {  	s26 =	simm.s32 $execute0_lowered;
	[smem:$0x3FD2] =	sst s25  }
0xa6: {  	s5 =	sshll.u32 s26, $0x1;
	_ =	strace $0x80000046;
	[dreg:$0x1] =	wrdreg $0xFFFFFFFF  }
0xa7: {  	s28 =	simm.s32 $_size_execute0_lowered;
	s3 =	sadd.s32 s3, s5;
	[dreg:$0x0] =	wrdreg $0x0  }
0xa8: {  	s5 =	sshll.u32 s28, $0x1;
	[dreg:$0x2] =	wrdreg s3  }
0xa9: {  	[dreg:$0x3] =	wrdreg s5  }
0xaa: {  	[dreg:$0x4] =	wrdreg $0xC0  }
0xab: {  	_ =	task [dreg:s7], $0x5FFFF  }
0xac: {  	[dreg:$0x1] =	wrdreg $0xFFFFFFFF  }
0xad: {  	[dreg:$0x0] =	wrdreg $0x60  }
0xae: {  	[dreg:$0x2] =	wrdreg s2  }
0xaf: {  	[dreg:$0x3] =	wrdreg s24  }
0xb0: {  	[dreg:$0x4] =	wrdreg $0x67000  }
0xb1: {  	[dreg:$0x5] =	wrdreg $0x9  }
0xb2: {  	_ =	task.clear_ibuf [dreg:s7], $0x6FFFF;
	_ =	strace $0x90000046  }
0xb3: {  	s29 =	simm.s32 $0x9;
	_ =	strace $0x80000048  }
0xb4: {  	_ =	swait.ge [sflag:s29], $0x1  }
0xb5: {  	[sflag:s29] =	ssyncadd.s32 $0xFFFFFFFF  }
0xb6: {  	_ =	strace $0x90000048  }
0xb7: {  	_ =	sfence  }
0xb8: {  	s30 =	sld [smem:$0x0];
	_ =	sdelay $0x2  }
0xb9: {  	s31 =	sshll.u32 s1, $0xD;
	s1 =	sshrl.u32 s1, $0x2  }
0xba: {  	s3 =	sand.u32 $0x4000, s31;
	s1 =	sadd.s32 s1, s30  }
0xbb: {  	s0 =	sor.u32 s3, s0;
	s1 =	sshll.u32 s1, $0x11  }
0xbc: {  	s0 =	sor.u32 s1, s0  }
0xbd: {  	s0 =	sadd.s32 $0x8F2B, s0  }
0xbe: {  	[sflag:s0] =	ssyncadd.remote.s32 $0x1  }
0xbf: {  	_ =	sfence.sel $0xFFFF  }
0xc0: {  	[dreg:$0x0] =	wrdreg $0xFFFFFFFF;
	(pc) =	sbr.abs _section_cstart, $3  }
0xc1: {  	[dreg:$0x1] =	wrdreg $0xFFFFFFFF  }
0xc2: {  	_ =	task.clear_ibuf [dreg:s7], $0x2FFFF;
	_ =	strace $0x9FFFFFFF  }
0xc3: {  	(tm) =	ssettm $0x7FFFFFFF  }
tec
execute0_lowered:
.L_overlay_start_1:
0x0: {  	(tag) =	ssettag $0x1  }
0x1: {  	s5 =	rddreg [dreg:$0x0]  }
0x2: {  	s4 =	rddreg [dreg:$0x1]  }
0x3: {  	s7 =	rddreg [dreg:$0x2]  }
0x4: {  	s0 =	rddreg [dreg:$0x3];
	s3 =	srdreg.scid  }
0x5: {  	s1 =	stileid.u32;
	s2 =	simm.s32 $0x0;
	s14 =	simm.s32 $0x1400  }
0x6: {  	s15 =	simm.s32 $0x14000;
	s16 =	simm.s32 $0x3C80;
	s17 =	simm.s32 $0x100  }
0x7: {  	s18 =	simm.s32 $0x6480;
	s19 =	simm.s32 $0x0;
	s6 =	sand.u32 $0x1, s3  }
0x8: {  	s28 =	smul.u32 $0x500, s1;
	[smem:$0x7FF] =	sst s2;
	s3 =	sadd.s32 $0xE00, s4  }
0x9: {  	s11 =	sshrl.u32 s1, $0x3;
	s30 =	smul.u32 $0x5000, s1;
	s31 =	sshll.u32 s1, $0x7  }
0xa: {  	s8 =	sshll.u32 s6, $0x7;
	_ =	strace $0x80000047;
	s9 =	sshll.u32 s6, $0x4  }
0xb: {  	s6 =	ssub.s32 $0x2, s6;
	s11 =	smul.u32 $0x50000, s11;
	s8 =	sor.u32 s8, s28  }
0xc: {  	s10 =	sor.u32 s1, s9;
	s29 =	sshrl.u32 s6, $0x1;
	s13 =	sshrl.u32 s30, $0x2  }
0xd: {  	s8 =	sshrl.u32 s8, $0x3;
	s9 =	smul.u32 $0x270, s10;
	s12 =	ssub.s32 s6, s29  }
0xe: {  	s11 =	sshrl.u32 s11, $0x2;
	p0 =	seq.s32 s10, $0x1F;
	s10 =	simm.s32 $0x1480  }
0xf: {  	s8 =	sadd.s32 s8, s4;
	s11 =	sadd.s32 s11, s7;
	s7 =	sadd.s32 s13, s7  }
0x10: {  	s13 =	simm.s32 $0x400;
	s4 =	sadd.s32 s5, s9;
	s9 =	sand.u32 $0x380, s31  }
0x11: {  	s5 =	sadd.s32 $0x4B90, s5;
	s8 =	sadd.s32 $0x1400, s8;
	s6 =	sadd.s32 s9, s11  }
0x12: {  	v0 =	vimm.f32 $1.000000000e+00;
	s9 =	smax.u32 s12, $0x1;
	s11 =	simm.s32 $0x1;
	s12 =	simm.s32 $0x80  }
.LBB2_1:
0x13: {  	[tilespmem:s10], [sflag:$0x1] =	stream.linear.gather [hbm4b:s3+s2], $0x2800, $0x38;
	[tilespmem:$0x8F00] =	vst v63  }
0x14: {  	_ =	swait.ge [sflag:s11], $0x2800  }
0x15: {  	[sflag:s11] =	ssyncset.done $0x0  }
0x16: {  	s20 =	simm.s32 @p0 $0x0;
	[sflag:s11] =	ssyncadd.s32 $0xFFFFD800  }
0x17: {  	[tilespmem:s20], [sflag:$0x1] =	stream.linear.gather @p0 [hbm4b:s5+s20], $0x1480, $0x38;
	[tilespmem:$0x8F00] =	vst v63  }
0x18: {  	s20 =	simm.s32 @p0 $0x1  }
0x19: {  	s21 =	simm.s32 @!p0 $0x138;
	_ =	swait.ge @p0 [sflag:s20], $0x1480  }
0x1a: {  	s21 =	simm.s32 @p0 $0x148;
	[sflag:s20] =	ssyncset.done @p0 $0x0  }
0x1b: {  	p1 =	sne.s32 s21, $0x1;
	[sflag:s20] =	ssyncadd.s32 @p0 $0xFFFFEB80;
	s20 =	simm.s32 @!p0 $0x0  }
0x1c: {  	[tilespmem:s20], [sflag:$0x1] =	stream.linear.gather @!p0 [hbm4b:s4+s20], $0x1380, $0x38;
	[tilespmem:$0x8F00] =	vst v63  }
.Ltmp0:
0x1d: {  	s20 =	simm.s32 @!p0 $0x1;
	(pc) =	sbr.rel @!p1 .LBB2_3-.Ltmp0, $4  }
0x1e: {  	_ =	swait.ge @!p0 [sflag:s20], $0x1380  }
0x1f: {  	[sflag:s20] =	ssyncset.done @!p0 $0x0  }
0x20: {  	[sflag:s20] =	ssyncadd.s32 @!p0 $0xFFFFEC80  }
0x21: {  	s20 =	sadd.s32 $0xFFFFFFFF, s21;
	s21 =	simm.s32 $0x0;
	v1 =	vld [tilespmem:s2+$0x0]  }
.LBB2_2:
0x22: {  	p1 =	sne.s32 s20, $0x1;
	_ =	sdelay $0x3  }
.Ltmp1:
0x23: {  	(pc) =	sbr.rel @p1 .LBB2_2-.Ltmp1, $3  }
0x24: {  	_ =	sdelay $0x1  }
0x25: {  	s21 =	sadd.s32 $0x10, s21;
	[tilespmem:v1+s10+$0x0] =	vst.idx.add.f32.msk $0xffff, v0  }
0x26: {  	s20 =	sadd.s32 $0xFFFFFFFF, s20;
	v1 =	vld [tilespmem:s21+$0x0]  }
.LBB2_3:
0x27: {  	_ =	sdelay $0x7  }
0x28: {  	[tilespmem:v1+s10+$0x0] =	vst.idx.add.f32.msk $0xffff, v0  }
0x29: {  	[spmem:s6] =	stream.strided.scatter [tilespmem:s10], [sflag:$0x1], $0x2800, s13, s12, $0x38;
	[tilespmem:$0x8F00] =	vst v63  }
0x2a: {  	_ =	swait.ge [sflag:s11], $0x2800  }
0x2b: {  	[sflag:s11] =	ssyncset.done $0x0  }
0x2c: {  	[sflag:s11] =	ssyncadd.s32 $0xFFFFD800  }
0x2d: {  	[bflag:$0x0] =	sbarrier.arrive $0xFFFF  }
0x2e: {  	[tilespmem:s16], [sflag:$0x1] =	stream.strided.gather [spmem:s7], $0x2800, s15, s14, $0x38;
	[tilespmem:$0x8F00] =	vst v63  }
0x2f: {  	_ =	swait.ge [sflag:s11], $0x2800  }
0x30: {  	[sflag:s11] =	ssyncset.done $0x0  }
0x31: {  	[sflag:s11] =	ssyncadd.s32 $0xFFFFD800  }
0x32: {  	v5 =	vld [tilespmem:$0x3C80]  }
0x33: {  	v4 =	vld [tilespmem:$0x3D00]  }
0x34: {  	v1 =	vld [tilespmem:$0x4020]  }
0x35: {  	v6 =	vld [tilespmem:$0x3D80]  }
0x36: {  	v8 =	vld [tilespmem:$0x3E00]  }
0x37: {  	v9 =	vld [tilespmem:$0x3E80]  }
0x38: {  	v11 =	vld [tilespmem:$0x3F00]  }
0x39: {  	[tilespmem:$0x1ED80] =	vst v1;
	v1 =	vld [tilespmem:$0x50A0]  }
0x3a: {  	v14 =	vld [tilespmem:$0x3F80]  }
0x3b: {  	v17 =	vld [tilespmem:$0x4000]  }
0x3c: {  	v20 =	vld [tilespmem:$0x5080]  }
0x3d: {  	v24 =	vld [tilespmem:$0x5100]  }
0x3e: {  	[tilespmem:$0x1ED90] =	vst v1;
	v1 =	vld [tilespmem:$0x5120]  }
0x3f: {  	v27 =	vld [tilespmem:$0x5180]  }
0x40: {  	v31 =	vld [tilespmem:$0x5200]  }
0x41: {  	v36 =	vld [tilespmem:$0x5280]  }
0x42: {  	v37 =	vld [tilespmem:$0x5300]  }
0x43: {  	[tilespmem:$0x1EDA0] =	vst v1;
	v1 =	vld [tilespmem:$0x51A0]  }
0x44: {  	v38 =	vld [tilespmem:$0x5380]  }
0x45: {  	v39 =	vld [tilespmem:$0x5400]  }
0x46: {  	v35 =	vld [tilespmem:$0x3C90]  }
0x47: {  	v40 =	vld [tilespmem:$0x3D10]  }
0x48: {  	[tilespmem:$0x1EDC0] =	vst v1;
	v1 =	vld [tilespmem:$0x5220]  }
0x49: {  	v41 =	vld [tilespmem:$0x3D90]  }
0x4a: {  	v42 =	vld [tilespmem:$0x3E10]  }
0x4b: {  	v43 =	vld [tilespmem:$0x3E90]  }
0x4c: {  	v44 =	vld [tilespmem:$0x3F10]  }
0x4d: {  	[tilespmem:$0x1EDE0] =	vst v1;
	v1 =	vld [tilespmem:$0x52A0]  }
0x4e: {  	v45 =	vld [tilespmem:$0x3F90]  }
0x4f: {  	v46 =	vld [tilespmem:$0x4010]  }
0x50: {  	v47 =	vld [tilespmem:$0x5090]  }
0x51: {  	v48 =	vld [tilespmem:$0x5110]  }
0x52: {  	[tilespmem:$0x1EE00] =	vst v1;
	v1 =	vld [tilespmem:$0x5320]  }
0x53: {  	v49 =	vld [tilespmem:$0x5190]  }
0x54: {  	v50 =	vld [tilespmem:$0x5210]  }
0x55: {  	v51 =	vld [tilespmem:$0x5290]  }
0x56: {  	v52 =	vld [tilespmem:$0x5310]  }
0x57: {  	[tilespmem:$0x1EE20] =	vst v1;
	v1 =	vld [tilespmem:$0x53A0]  }
0x58: {  	v53 =	vld [tilespmem:$0x5390]  }
0x59: {  	v54 =	vld [tilespmem:$0x5410]  }
0x5a: {  	v55 =	vld [tilespmem:$0x3CA0]  }
0x5b: {  	v56 =	vld [tilespmem:$0x3D20]  }
0x5c: {  	[tilespmem:$0x1EE50] =	vst v1;
	v1 =	vld [tilespmem:$0x5420]  }
0x5d: {  	v57 =	vld [tilespmem:$0x3DA0]  }
0x5e: {  	v58 =	vld [tilespmem:$0x3E20]  }
0x5f: {  	v59 =	vld [tilespmem:$0x3EA0]  }
0x60: {  	v60 =	vld [tilespmem:$0x3F20]  }
0x61: {  	[tilespmem:$0x1EE80] =	vst v1;
	v1 =	vld [tilespmem:$0x5130]  }
0x62: {  	v33 =	vld [tilespmem:$0x3FA0]  }
0x63: {  	v61 =	vld [tilespmem:$0x3CB0]  }
0x64: {  	v62 =	vld [tilespmem:$0x3D30]  }
0x65: {  	v63 =	vld [tilespmem:$0x3DB0]  }
0x66: {  	[tilespmem:$0x1EDB0] =	vst v1;
	v1 =	vld [tilespmem:$0x51B0]  }
0x67: {  	v15 =	vld [tilespmem:$0x3E30]  }
0x68: {  	v18 =	vld [tilespmem:$0x3EB0]  }
0x69: {  	v21 =	vld [tilespmem:$0x3F30]  }
0x6a: {  	v23 =	vld [tilespmem:$0x3FB0]  }
0x6b: {  	[tilespmem:$0x1EDD0] =	vst v1;
	v1 =	vld [tilespmem:$0x5230]  }
0x6c: {  	v28 =	vld [tilespmem:$0x4030]  }
0x6d: {  	v32 =	vld [tilespmem:$0x50B0]  }
0x6e: {  	v3 =	vld [tilespmem:$0x3CC0]  }
0x6f: {  	v2 =	vld [tilespmem:$0x3D40]  }
0x70: {  	[tilespmem:$0x1EDF0] =	vst v1;
	v1 =	vld [tilespmem:$0x52B0]  }
0x71: {  	v7 =	vld [tilespmem:$0x3DC0]  }
0x72: {  	v10 =	vld [tilespmem:$0x3E40]  }
0x73: {  	v12 =	vld [tilespmem:$0x3EC0]  }
0x74: {  	v13 =	vld [tilespmem:$0x3F40]  }
0x75: {  	[tilespmem:$0x1EE10] =	vst v1;
	v1 =	vld [tilespmem:$0x5330]  }
0x76: {  	v16 =	vld [tilespmem:$0x3FC0]  }
0x77: {  	v19 =	vld [tilespmem:$0x4040]  }
0x78: {  	v22 =	vld [tilespmem:$0x50C0]  }
0x79: {  	v25 =	vld [tilespmem:$0x5140]  }
0x7a: {  	[tilespmem:$0x1EE40] =	vst v1;
	v1 =	vld [tilespmem:$0x53B0]  }
0x7b: {  	v29 =	vld [tilespmem:$0x51C0]  }
0x7c: {  	v34 =	vld [tilespmem:$0x5240]  }
0x7d: {  	v30 =	vld [tilespmem:$0x3EE0]  }
0x7e: {  	v4 =	vadd.f32 v4, v5;
	v5 =	vld [tilespmem:$0x3D50]  }
0x7f: {  	v35 =	vadd.f32 v40, v35;
	[tilespmem:$0x1EE70] =	vst v1;
	v1 =	vld [tilespmem:$0x5430]  }
0x80: {  	v40 =	vld [tilespmem:$0x3DD0];
	v4 =	vadd.f32 v6, v4  }
0x81: {  	v3 =	vadd.f32 v2, v3;
	v6 =	vld [tilespmem:$0x3E50];
	v35 =	vadd.f32 v41, v35  }
0x82: {  	v41 =	vld [tilespmem:$0x3ED0];
	v4 =	vadd.f32 v8, v4  }
0x83: {  	v3 =	vadd.f32 v7, v3;
	v7 =	vld [tilespmem:$0x3D70];
	v35 =	vadd.f32 v42, v35  }
0x84: {  	v4 =	vadd.f32 v9, v4;
	[tilespmem:$0x1EEA0] =	vst v1;
	v1 =	vld [tilespmem:$0x52C0]  }
0x85: {  	v8 =	vld [tilespmem:$0x3F50];
	v35 =	vadd.f32 v43, v35  }
0x86: {  	v42 =	vld [tilespmem:$0x3FD0];
	v4 =	vadd.f32 v11, v4  }
0x87: {  	v3 =	vadd.f32 v10, v3;
	v10 =	vld [tilespmem:$0x3E70];
	v35 =	vadd.f32 v44, v35  }
0x88: {  	v9 =	vld [tilespmem:$0x4050];
	v4 =	vadd.f32 v14, v4  }
0x89: {  	v35 =	vadd.f32 v45, v35;
	[tilespmem:$0x1EE30] =	vst v1;
	v1 =	vld [tilespmem:$0x5340]  }
0x8a: {  	v43 =	vld [tilespmem:$0x50D0];
	v4 =	vadd.f32 v17, v4  }
0x8b: {  	v3 =	vadd.f32 v12, v3;
	v11 =	vld [tilespmem:$0x5150];
	v35 =	vadd.f32 v46, v35  }
0x8c: {  	v44 =	vld [tilespmem:$0x51D0];
	v4 =	vadd.f32 v20, v4  }
0x8d: {  	v3 =	vadd.f32 v13, v3;
	v14 =	vld [tilespmem:$0x5250];
	v35 =	vadd.f32 v47, v35  }
0x8e: {  	v4 =	vadd.f32 v24, v4;
	[tilespmem:$0x1EE60] =	vst v1;
	v1 =	vld [tilespmem:$0x53C0]  }
0x8f: {  	v45 =	vld [tilespmem:$0x52D0];
	v3 =	vadd.f32 v16, v3;
	v35 =	vadd.f32 v48, v35  }
0x90: {  	v17 =	vld [tilespmem:$0x5350];
	v4 =	vadd.f32 v27, v4  }
0x91: {  	v3 =	vadd.f32 v19, v3;
	v47 =	vld [tilespmem:$0x3CE0];
	v24 =	vadd.f32 v49, v35  }
0x92: {  	v20 =	vld [tilespmem:$0x3D60];
	v4 =	vadd.f32 v31, v4  }
0x93: {  	v3 =	vadd.f32 v22, v3;
	v24 =	vadd.f32 v50, v24;
	[tilespmem:$0x1EE90] =	vst v1;
	v1 =	vld [tilespmem:$0x5440]  }
0x94: {  	v48 =	vld [tilespmem:$0x3DE0];
	v36 =	vadd.f32 v36, v4  }
0x95: {  	v3 =	vadd.f32 v25, v3;
	v27 =	vld [tilespmem:$0x3E60];
	v49 =	vadd.f32 v51, v24  }
0x96: {  	v35 =	vld [tilespmem:$0x3F60];
	v36 =	vadd.f32 v37, v36  }
0x97: {  	v3 =	vadd.f32 v29, v3;
	v29 =	vld [tilespmem:$0x4100];
	v37 =	vadd.f32 v52, v49  }
0x98: {  	v62 =	vadd.f32 v62, v61;
	v36 =	vadd.f32 v38, v36;
	[tilespmem:$0x1EEB0] =	vst v1;
	v1 =	vld [tilespmem:$0x3CD0]  }
0x99: {  	v20 =	vadd.f32 v20, v47;
	v47 =	vld [tilespmem:$0x5600];
	v53 =	vadd.f32 v53, v37  }
0x9a: {  	v31 =	vld [tilespmem:$0x3FE0];
	v37 =	vadd.f32 v39, v36  }
0x9b: {  	v50 =	vld [tilespmem:$0x5160];
	v36 =	vadd.f32 v54, v53;
	v53 =	vadd.f32 v63, v62  }
0x9c: {  	v55 =	vadd.f32 v56, v55;
	v3 =	vadd.f32 v34, v3;
	v34 =	vld [tilespmem:$0x4300]  }
0x9d: {  	v4 =	vld [tilespmem:$0x4060];
	v15 =	vadd.f32 v15, v53;
	v1 =	vadd.f32 v5, v1  }
0x9e: {  	v57 =	vadd.f32 v57, v55;
	v24 =	vld [tilespmem:$0x50E0]  }
0x9f: {  	v51 =	vld [tilespmem:$0x52E0];
	v15 =	vadd.f32 v18, v15;
	v1 =	vadd.f32 v40, v1  }
0xa0: {  	v52 =	vld [tilespmem:$0x51E0];
	v54 =	vadd.f32 v58, v57  }
0xa1: {  	v49 =	vld [tilespmem:$0x5260];
	v15 =	vadd.f32 v21, v15;
	v1 =	vadd.f32 v6, v1  }
0xa2: {  	v38 =	vld [tilespmem:$0x5360];
	v59 =	vadd.f32 v59, v54  }
0xa3: {  	v62 =	vld [tilespmem:$0x1ED80];
	v15 =	vadd.f32 v23, v15;
	v1 =	vadd.f32 v41, v1  }
0xa4: {  	v39 =	vld [tilespmem:$0x53E0];
	v61 =	vadd.f32 v60, v59  }
0xa5: {  	v63 =	vld [tilespmem:$0x1ED90];
	v15 =	vadd.f32 v28, v15;
	v1 =	vadd.f32 v8, v1  }
0xa6: {  	v54 =	vld [tilespmem:$0x1EE00];
	v18 =	vadd.f32 v33, v61  }
0xa7: {  	v15 =	vadd.f32 v32, v15;
	v32 =	vld [tilespmem:$0x1EDA0];
	v1 =	vadd.f32 v42, v1  }
0xa8: {  	v56 =	vld [tilespmem:$0x1EE20];
	v18 =	vadd.f32 v62, v18  }
0xa9: {  	v33 =	vld [tilespmem:$0x1EDB0];
	v1 =	vadd.f32 v9, v1  }
0xaa: {  	v59 =	vld [tilespmem:$0x1EE50];
	v18 =	vadd.f32 v63, v18  }
0xab: {  	v20 =	vadd.f32 v48, v20;
	v62 =	vld [tilespmem:$0x4090];
	v1 =	vadd.f32 v43, v1  }
0xac: {  	v18 =	vadd.f32 v32, v18;
	v32 =	vld [tilespmem:$0x4180]  }
0xad: {  	v20 =	vadd.f32 v27, v20;
	v1 =	vadd.f32 v11, v1;
	v11 =	vld [tilespmem:$0x4080]  }
0xae: {  	v15 =	vadd.f32 v33, v15;
	v33 =	vld [tilespmem:$0x4200]  }
0xaf: {  	v20 =	vadd.f32 v30, v20;
	v53 =	vld [tilespmem:$0x1EDF0]  }
0xb0: {  	v57 =	vld [tilespmem:$0x1EE30]  }
0xb1: {  	v20 =	vadd.f32 v35, v20;
	v41 =	vld [tilespmem:$0x1EDC0];
	v1 =	vadd.f32 v44, v1  }
0xb2: {  	v42 =	vld [tilespmem:$0x1EDD0];
	v11 =	vadd.f32 v29, v11  }
0xb3: {  	v20 =	vadd.f32 v31, v20;
	v1 =	vadd.f32 v14, v1;
	v14 =	vld [tilespmem:$0x4280]  }
0xb4: {  	v43 =	vld [tilespmem:$0x1EDE0];
	v11 =	vadd.f32 v32, v11  }
0xb5: {  	v4 =	vadd.f32 v4, v20;
	v55 =	vld [tilespmem:$0x1EE10]  }
0xb6: {  	v60 =	vld [tilespmem:$0x1EE60];
	v11 =	vadd.f32 v33, v11  }
0xb7: {  	v4 =	vadd.f32 v24, v4;
	v18 =	vadd.f32 v41, v18;
	v41 =	vld [tilespmem:$0x4380]  }
0xb8: {  	v3 =	vadd.f32 v57, v3;
	v57 =	vld [tilespmem:$0x5500];
	v11 =	vadd.f32 v14, v11  }
0xb9: {  	v15 =	vadd.f32 v42, v15;
	v42 =	vld [tilespmem:$0x4400];
	v18 =	vadd.f32 v43, v18  }
0xba: {  	v4 =	vadd.f32 v50, v4;
	v5 =	vld [tilespmem:$0x3CF0];
	v11 =	vadd.f32 v34, v11  }
0xbb: {  	v44 =	vld [tilespmem:$0x5480];
	v18 =	vadd.f32 v54, v18  }
0xbc: {  	v4 =	vadd.f32 v52, v4;
	v40 =	vld [tilespmem:$0x3DF0];
	v11 =	vadd.f32 v41, v11  }
0xbd: {  	v15 =	vadd.f32 v53, v15;
	v53 =	vld [tilespmem:$0x4110];
	v18 =	vadd.f32 v56, v18  }
0xbe: {  	v1 =	vadd.f32 v45, v1;
	v45 =	vld [tilespmem:$0x1EE90];
	v11 =	vadd.f32 v42, v11  }
0xbf: {  	v4 =	vadd.f32 v49, v4;
	v18 =	vadd.f32 v59, v18;
	v59 =	vld [tilespmem:$0x5580]  }
0xc0: {  	v15 =	vadd.f32 v55, v15;
	v55 =	vld [tilespmem:$0x1EEB0];
	v11 =	vadd.f32 v44, v11  }
0xc1: {  	v58 =	vld [tilespmem:$0x1EE40];
	v3 =	vadd.f32 v60, v3;
	v5 =	vadd.f32 v7, v5  }
0xc2: {  	v6 =	vld [tilespmem:$0x3EF0];
	v1 =	vadd.f32 v17, v1;
	v7 =	vadd.f32 v57, v11  }
0xc3: {  	v17 =	vadd.f32 v53, v62;
	v53 =	vld [tilespmem:$0x5680];
	v3 =	vadd.f32 v45, v3  }
0xc4: {  	v61 =	vld [tilespmem:$0x1EE70];
	v5 =	vadd.f32 v40, v5;
	v7 =	vadd.f32 v59, v7  }
0xc5: {  	v4 =	vadd.f32 v51, v4;
	v3 =	vadd.f32 v55, v3;
	v55 =	vld [tilespmem:$0x5700]  }
0xc6: {  	v2 =	vld [tilespmem:$0x5460];
	v5 =	vadd.f32 v10, v5;
	v7 =	vadd.f32 v47, v7  }
0xc7: {  	v4 =	vadd.f32 v38, v4;
	v43 =	vld [tilespmem:$0x5780];
	v15 =	vadd.f32 v58, v15  }
0xc8: {  	v5 =	vadd.f32 v6, v5;
	v6 =	vadd.f32 v53, v7  }
0xc9: {  	v15 =	vadd.f32 v61, v15;
	v61 =	vld [tilespmem:$0x5800]  }
0xca: {  	v26 =	vld [tilespmem:$0x5450];
	v4 =	vadd.f32 v39, v4;
	v6 =	vadd.f32 v55, v6  }
0xcb: {  	v12 =	vld [tilespmem:$0x3F70]  }
0xcc: {  	v13 =	vld [tilespmem:$0x4070];
	v2 =	vadd.f32 v2, v4;
	[tilespmem:$0x64C0] =	vst v3;
	v3 =	vadd.f32 v43, v6  }
0xcd: {  	v16 =	vld [tilespmem:$0x5170]  }
0xce: {  	v46 =	vld [tilespmem:$0x53D0];
	[tilespmem:$0x64E0] =	vst v2;
	v2 =	vadd.f32 v61, v3  }
0xcf: {  	v19 =	vld [tilespmem:$0x5270]  }
0xd0: {  	[tilespmem:$0x6500] =	vst v2;
	v2 =	vld [tilespmem:$0x5620]  }
0xd1: {  	v22 =	vld [tilespmem:$0x5370]  }
0xd2: {  	v25 =	vld [tilespmem:$0x5470]  }
0xd3: {  	v48 =	vld [tilespmem:$0x4310]  }
0xd4: {  	v30 =	vld [tilespmem:$0x5590]  }
0xd5: {  	[tilespmem:$0x1EEC0] =	vst v2;
	v2 =	vld [tilespmem:$0x4240]  }
0xd6: {  	v35 =	vld [tilespmem:$0x5810]  }
0xd7: {  	v31 =	vld [tilespmem:$0x5610]  }
0xd8: {  	[tilespmem:$0x6480] =	vst v37;
	v37 =	vld [tilespmem:$0x5730]  }
0xd9: {  	v20 =	vld [tilespmem:$0x5530]  }
0xda: {  	[tilespmem:$0x1EF10] =	vst v2;
	v2 =	vld [tilespmem:$0x42C0]  }
0xdb: {  	v21 =	vld [tilespmem:$0x3FF0]  }
0xdc: {  	v50 =	vld [tilespmem:$0x4220]  }
0xdd: {  	v23 =	vld [tilespmem:$0x51F0]  }
0xde: {  	v52 =	vld [tilespmem:$0x4320]  }
0xdf: {  	[tilespmem:$0x1EF20] =	vst v2;
	v2 =	vld [tilespmem:$0x4340]  }
0xe0: {  	v56 =	vld [tilespmem:$0x4190]  }
0xe1: {  	v54 =	vld [tilespmem:$0x1EEA0]  }
0xe2: {  	v58 =	vld [tilespmem:$0x4210]  }
0xe3: {  	v1 =	vadd.f32 v46, v1;
	v46 =	vld [tilespmem:$0x4290]  }
0xe4: {  	[tilespmem:$0x1EF30] =	vst v2;
	v2 =	vld [tilespmem:$0x43C0]  }
0xe5: {  	v28 =	vld [tilespmem:$0x53F0];
	v17 =	vadd.f32 v56, v17  }
0xe6: {  	v63 =	vld [tilespmem:$0x1EE80]  }
0xe7: {  	v8 =	vld [tilespmem:$0x50F0];
	v17 =	vadd.f32 v58, v17  }
0xe8: {  	v5 =	vadd.f32 v12, v5;
	v15 =	vadd.f32 v54, v15;
	v54 =	vld [tilespmem:$0x4390]  }
0xe9: {  	v17 =	vadd.f32 v46, v17;
	[tilespmem:$0x1EF40] =	vst v2;
	v2 =	vld [tilespmem:$0x4440]  }
0xea: {  	v40 =	vld [tilespmem:$0x4410];
	v5 =	vadd.f32 v21, v5  }
0xeb: {  	v51 =	vld [tilespmem:$0x42A0];
	v17 =	vadd.f32 v48, v17  }
0xec: {  	v60 =	vld [tilespmem:$0x5490];
	v5 =	vadd.f32 v13, v5  }
0xed: {  	v62 =	vld [tilespmem:$0x5510];
	v14 =	vadd.f32 v54, v17  }
0xee: {  	v5 =	vadd.f32 v8, v5;
	[tilespmem:$0x1EF60] =	vst v2;
	v2 =	vld [tilespmem:$0x54C0]  }
0xef: {  	v10 =	vld [tilespmem:$0x4330];
	v18 =	vadd.f32 v63, v18;
	v63 =	vadd.f32 v40, v14  }
0xf0: {  	v9 =	vld [tilespmem:$0x52F0];
	v5 =	vadd.f32 v16, v5  }
0xf1: {  	v13 =	vld [tilespmem:$0x43B0];
	v8 =	vadd.f32 v60, v63  }
0xf2: {  	v32 =	vld [tilespmem:$0x5690];
	v5 =	vadd.f32 v23, v5  }
0xf3: {  	v8 =	vadd.f32 v62, v8;
	[tilespmem:$0x1EF80] =	vst v2;
	v2 =	vld [tilespmem:$0x5540]  }
0xf4: {  	v33 =	vld [tilespmem:$0x5710];
	v5 =	vadd.f32 v19, v5  }
0xf5: {  	[tilespmem:$0x64B0] =	vst v15;
	v15 =	vld [tilespmem:$0x4430];
	v8 =	vadd.f32 v30, v8  }
0xf6: {  	v5 =	vadd.f32 v9, v5;
	v56 =	vld [tilespmem:$0x41C0]  }
0xf7: {  	v34 =	vld [tilespmem:$0x5790];
	v8 =	vadd.f32 v31, v8  }
0xf8: {  	v5 =	vadd.f32 v22, v5;
	[tilespmem:$0x1EFA0] =	vst v2;
	v2 =	vld [tilespmem:$0x55C0]  }
0xf9: {  	[tilespmem:$0x64A0] =	vst v18;
	v18 =	vld [tilespmem:$0x54B0];
	v38 =	vadd.f32 v32, v8  }
0xfa: {  	v1 =	vadd.f32 v26, v1;
	v5 =	vadd.f32 v28, v5;
	v28 =	vld [tilespmem:$0x5630]  }
0xfb: {  	v41 =	vld [tilespmem:$0x4140];
	v7 =	vadd.f32 v33, v38  }
0xfc: {  	[tilespmem:$0x64D0] =	vst v1;
	v46 =	vld [tilespmem:$0x4120]  }
0xfd: {  	v1 =	vadd.f32 v25, v5;
	v39 =	vadd.f32 v34, v7;
	[tilespmem:$0x1EFD0] =	vst v2;
	v2 =	vld [tilespmem:$0x5640]  }
0xfe: {  	v5 =	vld [tilespmem:$0x41B0]  }
0xff: {  	v25 =	vld [tilespmem:$0x55B0];
	[tilespmem:$0x64F0] =	vst v1;
	v1 =	vadd.f32 v35, v39  }
0x100: {  	v42 =	vld [tilespmem:$0x40C0]  }
0x101: {  	[tilespmem:$0x6510] =	vst v1;
	v1 =	vld [tilespmem:$0x56A0]  }
0x102: {  	[tilespmem:$0x1F000] =	vst v2;
	v2 =	vld [tilespmem:$0x56C0]  }
0x103: {  	v48 =	vld [tilespmem:$0x41A0]  }
0x104: {  	v54 =	vld [tilespmem:$0x54A0]  }
0x105: {  	v57 =	vld [tilespmem:$0x40A0]  }
0x106: {  	[tilespmem:$0x1EED0] =	vst v1;
	v1 =	vld [tilespmem:$0x5720]  }
0x107: {  	[tilespmem:$0x1F040] =	vst v2;
	v2 =	vld [tilespmem:$0x5740]  }
0x108: {  	v59 =	vld [tilespmem:$0x55A0]  }
0x109: {  	v60 =	vld [tilespmem:$0x5830]  }
0x10a: {  	v47 =	vld [tilespmem:$0x4420]  }
0x10b: {  	[tilespmem:$0x1EEE0] =	vst v1;
	v1 =	vld [tilespmem:$0x57A0]  }
0x10c: {  	[tilespmem:$0x1F080] =	vst v2;
	v2 =	vld [tilespmem:$0x57C0]  }
0x10d: {  	v53 =	vld [tilespmem:$0x43A0]  }
0x10e: {  	v55 =	vld [tilespmem:$0x5520]  }
0x10f: {  	v8 =	vld [tilespmem:$0x42B0]  }
0x110: {  	[tilespmem:$0x1EEF0] =	vst v1;
	v1 =	vld [tilespmem:$0x5820]  }
0x111: {  	[tilespmem:$0x1F0C0] =	vst v2;
	v2 =	vld [tilespmem:$0x5840]  }
0x112: {  	v3 =	vld [tilespmem:$0x40B0]  }
0x113: {  	v33 =	vld [tilespmem:$0x56B0]  }
0x114: {  	[tilespmem:$0x6490] =	vst v36;
	v7 =	vld [tilespmem:$0x4230]  }
0x115: {  	v39 =	vld [tilespmem:$0x57B0];
	[tilespmem:$0x1EF00] =	vst v1  }
0x116: {  	v1 =	vld [tilespmem:$0x4130];
	[tilespmem:$0x1F100] =	vst v2  }
0x117: {  	v62 =	vld [tilespmem:$0x57F0];
	_ =	sdelay $0x4  }
0x118: {  	[tilespmem:$0x1F130] =	vst v62;
	v62 =	vld [tilespmem:$0x4780];
	_ =	sdelay $0x4  }
0x119: {  	[tilespmem:$0x1F240] =	vst v62;
	v62 =	vld [tilespmem:$0x5B80];
	_ =	sdelay $0x4  }
0x11a: {  	[tilespmem:$0x1F440] =	vst v62;
	v62 =	vld [tilespmem:$0x4790];
	_ =	sdelay $0x4  }
0x11b: {  	[tilespmem:$0x1F260] =	vst v62;
	v62 =	vld [tilespmem:$0x5B90];
	_ =	sdelay $0x4  }
0x11c: {  	[tilespmem:$0x1F460] =	vst v62;
	v62 =	vld [tilespmem:$0x47A0];
	_ =	sdelay $0x4  }
0x11d: {  	[tilespmem:$0x1F290] =	vst v62;
	v62 =	vld [tilespmem:$0x5A20];
	_ =	sdelay $0x4  }
0x11e: {  	[tilespmem:$0x1F3D0] =	vst v62;
	v62 =	vld [tilespmem:$0x4730];
	_ =	sdelay $0x4  }
0x11f: {  	[tilespmem:$0x1F270] =	vst v62;
	v62 =	vld [tilespmem:$0x47B0];
	_ =	sdelay $0x4  }
0x120: {  	[tilespmem:$0x1F2B0] =	vst v62;
	v62 =	vld [tilespmem:$0x4830];
	_ =	sdelay $0x4  }
0x121: {  	[tilespmem:$0x1F2F0] =	vst v62;
	v62 =	vld [tilespmem:$0x58B0];
	_ =	sdelay $0x4  }
0x122: {  	[tilespmem:$0x1F330] =	vst v62;
	v62 =	vld [tilespmem:$0x5930];
	_ =	sdelay $0x4  }
0x123: {  	[tilespmem:$0x1F370] =	vst v62;
	v62 =	vld [tilespmem:$0x59B0];
	_ =	sdelay $0x4  }
0x124: {  	[tilespmem:$0x1F3B0] =	vst v62;
	v62 =	vld [tilespmem:$0x5A30];
	_ =	sdelay $0x4  }
0x125: {  	[tilespmem:$0x1F3F0] =	vst v62;
	v62 =	vld [tilespmem:$0x5AB0];
	_ =	sdelay $0x4  }
0x126: {  	[tilespmem:$0x1F430] =	vst v62;
	v62 =	vld [tilespmem:$0x5B30];
	_ =	sdelay $0x4  }
0x127: {  	[tilespmem:$0x1F470] =	vst v62;
	v62 =	vld [tilespmem:$0x5BB0];
	_ =	sdelay $0x4  }
0x128: {  	[tilespmem:$0x1F4B0] =	vst v62;
	v62 =	vld [tilespmem:$0x5C30];
	_ =	sdelay $0x4  }
0x129: {  	[tilespmem:$0x1F4F0] =	vst v62;
	v62 =	vld [tilespmem:$0x44C0];
	_ =	sdelay $0x4  }
0x12a: {  	[tilespmem:$0x1F4D0] =	vst v62;
	v62 =	vld [tilespmem:$0x4540];
	_ =	sdelay $0x4  }
0x12b: {  	[tilespmem:$0x1F4E0] =	vst v62;
	v62 =	vld [tilespmem:$0x45C0];
	_ =	sdelay $0x4  }
0x12c: {  	[tilespmem:$0x1F520] =	vst v62;
	v62 =	vld [tilespmem:$0x4640];
	_ =	sdelay $0x4  }
0x12d: {  	[tilespmem:$0x1F580] =	vst v62;
	v62 =	vld [tilespmem:$0x46C0];
	_ =	sdelay $0x4  }
0x12e: {  	[tilespmem:$0x1F5C0] =	vst v62;
	v62 =	vld [tilespmem:$0x4740];
	_ =	sdelay $0x4  }
0x12f: {  	[tilespmem:$0x1F600] =	vst v62;
	v62 =	vld [tilespmem:$0x47C0];
	_ =	sdelay $0x4  }
0x130: {  	[tilespmem:$0x1F640] =	vst v62;
	v62 =	vld [tilespmem:$0x4840];
	_ =	sdelay $0x4  }
0x131: {  	[tilespmem:$0x1F680] =	vst v62;
	v62 =	vld [tilespmem:$0x58C0];
	_ =	sdelay $0x4  }
0x132: {  	[tilespmem:$0x1F6C0] =	vst v62;
	v62 =	vld [tilespmem:$0x5940];
	_ =	sdelay $0x4  }
0x133: {  	[tilespmem:$0x1F700] =	vst v62;
	v62 =	vld [tilespmem:$0x59C0];
	_ =	sdelay $0x4  }
0x134: {  	[tilespmem:$0x1F740] =	vst v62;
	v62 =	vld [tilespmem:$0x5A40];
	_ =	sdelay $0x4  }
0x135: {  	[tilespmem:$0x1F780] =	vst v62;
	v62 =	vld [tilespmem:$0x5AC0];
	_ =	sdelay $0x4  }
0x136: {  	[tilespmem:$0x1F7C0] =	vst v62;
	v62 =	vld [tilespmem:$0x5B40];
	_ =	sdelay $0x4  }
0x137: {  	[tilespmem:$0x1F800] =	vst v62;
	v62 =	vld [tilespmem:$0x5BC0];
	_ =	sdelay $0x4  }
0x138: {  	[tilespmem:$0x1F840] =	vst v62;
	v62 =	vld [tilespmem:$0x5C40];
	_ =	sdelay $0x4  }
0x139: {  	[tilespmem:$0x1F880] =	vst v62;
	v62 =	vld [tilespmem:$0x44D0];
	_ =	sdelay $0x4  }
0x13a: {  	[tilespmem:$0x1F500] =	vst v62;
	v62 =	vld [tilespmem:$0x4550];
	_ =	sdelay $0x4  }
0x13b: {  	[tilespmem:$0x1F510] =	vst v62;
	v62 =	vld [tilespmem:$0x45D0];
	_ =	sdelay $0x4  }
0x13c: {  	[tilespmem:$0x1F550] =	vst v62;
	v62 =	vld [tilespmem:$0x4650];
	_ =	sdelay $0x4  }
0x13d: {  	[tilespmem:$0x1F5A0] =	vst v62;
	v62 =	vld [tilespmem:$0x46D0];
	_ =	sdelay $0x4  }
0x13e: {  	[tilespmem:$0x1F5E0] =	vst v62;
	v62 =	vld [tilespmem:$0x4750];
	_ =	sdelay $0x4  }
0x13f: {  	[tilespmem:$0x1F620] =	vst v62;
	v62 =	vld [tilespmem:$0x47D0];
	_ =	sdelay $0x4  }
0x140: {  	[tilespmem:$0x1F660] =	vst v62;
	v62 =	vld [tilespmem:$0x4850];
	_ =	sdelay $0x4  }
0x141: {  	[tilespmem:$0x1F6A0] =	vst v62;
	v62 =	vld [tilespmem:$0x58D0];
	_ =	sdelay $0x4  }
0x142: {  	[tilespmem:$0x1F6E0] =	vst v62;
	v62 =	vld [tilespmem:$0x5950];
	_ =	sdelay $0x4  }
0x143: {  	[tilespmem:$0x1F720] =	vst v62;
	v62 =	vld [tilespmem:$0x59D0];
	_ =	sdelay $0x4  }
0x144: {  	[tilespmem:$0x1F760] =	vst v62;
	v62 =	vld [tilespmem:$0x5A50];
	_ =	sdelay $0x4  }
0x145: {  	[tilespmem:$0x1F7A0] =	vst v62;
	v62 =	vld [tilespmem:$0x5AD0];
	_ =	sdelay $0x4  }
0x146: {  	[tilespmem:$0x1F7E0] =	vst v62;
	v62 =	vld [tilespmem:$0x5B50];
	_ =	sdelay $0x4  }
0x147: {  	[tilespmem:$0x1F820] =	vst v62;
	v62 =	vld [tilespmem:$0x5BD0];
	_ =	sdelay $0x4  }
0x148: {  	[tilespmem:$0x1F860] =	vst v62;
	v62 =	vld [tilespmem:$0x5C50];
	_ =	sdelay $0x4  }
0x149: {  	[tilespmem:$0x1F8A0] =	vst v62;
	v62 =	vld [tilespmem:$0x44E0];
	_ =	sdelay $0x4  }
0x14a: {  	[tilespmem:$0x1F530] =	vst v62;
	v62 =	vld [tilespmem:$0x4560];
	_ =	sdelay $0x4  }
0x14b: {  	[tilespmem:$0x1F540] =	vst v62;
	v62 =	vld [tilespmem:$0x45E0];
	_ =	sdelay $0x4  }
0x14c: {  	[tilespmem:$0x1F590] =	vst v62;
	v62 =	vld [tilespmem:$0x4660];
	_ =	sdelay $0x4  }
0x14d: {  	[tilespmem:$0x1F5D0] =	vst v62;
	v62 =	vld [tilespmem:$0x46E0];
	_ =	sdelay $0x4  }
0x14e: {  	[tilespmem:$0x1F610] =	vst v62;
	v62 =	vld [tilespmem:$0x4760];
	_ =	sdelay $0x4  }
0x14f: {  	[tilespmem:$0x1F650] =	vst v62;
	v62 =	vld [tilespmem:$0x47E0];
	_ =	sdelay $0x4  }
0x150: {  	[tilespmem:$0x1F690] =	vst v62;
	v62 =	vld [tilespmem:$0x4860];
	_ =	sdelay $0x2  }
0x151: {  	v26 =	vld [tilespmem:$0x40D0]  }
0x152: {  	v23 =	vld [tilespmem:$0x4150]  }
0x153: {  	[tilespmem:$0x1F6D0] =	vst v62;
	v62 =	vld [tilespmem:$0x58E0]  }
0x154: {  	v29 =	vld [tilespmem:$0x41D0]  }
0x155: {  	v35 =	vld [tilespmem:$0x4250]  }
0x156: {  	v43 =	vld [tilespmem:$0x42D0]  }
0x157: {  	v63 =	vld [tilespmem:$0x4350]  }
0x158: {  	[tilespmem:$0x1F710] =	vst v62;
	v62 =	vld [tilespmem:$0x5960]  }
0x159: {  	v2 =	vld [tilespmem:$0x43D0]  }
0x15a: {  	v12 =	vld [tilespmem:$0x40E0]  }
0x15b: {  	v11 =	vld [tilespmem:$0x4160]  }
0x15c: {  	v16 =	vld [tilespmem:$0x41E0]  }
0x15d: {  	[tilespmem:$0x1F750] =	vst v62;
	v62 =	vld [tilespmem:$0x59E0]  }
0x15e: {  	v19 =	vld [tilespmem:$0x4260]  }
0x15f: {  	v27 =	vld [tilespmem:$0x42E0]  }
0x160: {  	v32 =	vld [tilespmem:$0x4360]  }
0x161: {  	v38 =	vld [tilespmem:$0x43E0]  }
0x162: {  	[tilespmem:$0x1F790] =	vst v62;
	v62 =	vld [tilespmem:$0x5A60]  }
0x163: {  	v58 =	vld [tilespmem:$0x4460]  }
0x164: {  	v4 =	vld [tilespmem:$0x40F0]  }
0x165: {  	v6 =	vld [tilespmem:$0x41F0]  }
0x166: {  	v9 =	vld [tilespmem:$0x4270]  }
0x167: {  	v1 =	vadd.f32 v1, v3;
	[tilespmem:$0x1F7D0] =	vst v62;
	v62 =	vld [tilespmem:$0x5AE0]  }
0x168: {  	v14 =	vld [tilespmem:$0x42F0]  }
0x169: {  	v1 =	vadd.f32 v5, v1;
	v17 =	vld [tilespmem:$0x4370]  }
0x16a: {  	v21 =	vld [tilespmem:$0x43F0]  }
0x16b: {  	v1 =	vadd.f32 v7, v1;
	v30 =	vld [tilespmem:$0x4470]  }
0x16c: {  	[tilespmem:$0x1F810] =	vst v62;
	v62 =	vld [tilespmem:$0x5B60]  }
0x16d: {  	v1 =	vadd.f32 v8, v1;
	v34 =	vld [tilespmem:$0x54F0]  }
0x16e: {  	v44 =	vld [tilespmem:$0x5570]  }
0x16f: {  	v1 =	vadd.f32 v10, v1;
	v40 =	vld [tilespmem:$0x55F0]  }
0x170: {  	v45 =	vld [tilespmem:$0x5670]  }
0x171: {  	v1 =	vadd.f32 v13, v1;
	[tilespmem:$0x1F850] =	vst v62;
	v62 =	vld [tilespmem:$0x5BE0]  }
0x172: {  	v49 =	vld [tilespmem:$0x56F0]  }
0x173: {  	v1 =	vadd.f32 v15, v1;
	v61 =	vld [tilespmem:$0x5770]  }
0x174: {  	v24 =	vld [tilespmem:$0x5870]  }
0x175: {  	v1 =	vadd.f32 v18, v1;
	v31 =	vld [tilespmem:$0x4480]  }
0x176: {  	[tilespmem:$0x1F890] =	vst v62;
	v62 =	vld [tilespmem:$0x5C60]  }
0x177: {  	v1 =	vadd.f32 v20, v1;
	v36 =	vld [tilespmem:$0x4500]  }
0x178: {  	v22 =	vld [tilespmem:$0x4530]  }
0x179: {  	v1 =	vadd.f32 v25, v1;
	v3 =	vld [tilespmem:$0x4B90]  }
0x17a: {  	v46 =	vadd.f32 v46, v57;
	v57 =	vld [tilespmem:$0x5F90]  }
0x17b: {  	v1 =	vadd.f32 v28, v1;
	[tilespmem:$0x1F8C0] =	vst v62;
	v62 =	vld [tilespmem:$0x44F0]  }
0x17c: {  	v8 =	vld [tilespmem:$0x48A0]  }
0x17d: {  	v1 =	vadd.f32 v33, v1;
	v10 =	vld [tilespmem:$0x4920]  }
0x17e: {  	v13 =	vld [tilespmem:$0x49A0]  }
0x17f: {  	v1 =	vadd.f32 v37, v1;
	v15 =	vld [tilespmem:$0x4A20]  }
0x180: {  	[tilespmem:$0x1F560] =	vst v62;
	v62 =	vld [tilespmem:$0x4570]  }
0x181: {  	v1 =	vadd.f32 v39, v1;
	v18 =	vld [tilespmem:$0x5F20]  }
0x182: {  	v28 =	vld [tilespmem:$0x1EF10]  }
0x183: {  	v1 =	vadd.f32 v60, v1;
	v60 =	vld [tilespmem:$0x5CB0]  }
0x184: {  	v37 =	vld [tilespmem:$0x1EF40]  }
0x185: {  	[tilespmem:$0x1F570] =	vst v62;
	v62 =	vld [tilespmem:$0x45F0]  }
0x186: {  	v20 =	vadd.f32 v41, v42;
	v41 =	vld [tilespmem:$0x1EF60]  }
0x187: {  	[tilespmem:$0x1EF50] =	vst v2;
	v2 =	vld [tilespmem:$0x4450]  }
0x188: {  	[tilespmem:$0x1F030] =	vst v40;
	v40 =	vld [tilespmem:$0x4580]  }
0x189: {  	[tilespmem:$0x1F070] =	vst v45;
	v45 =	vld [tilespmem:$0x4600]  }
0x18a: {  	[tilespmem:$0x1F5B0] =	vst v62;
	v62 =	vld [tilespmem:$0x4670]  }
0x18b: {  	[tilespmem:$0x1F0B0] =	vst v49;
	v49 =	vld [tilespmem:$0x4680]  }
0x18c: {  	[tilespmem:$0x1F0F0] =	vst v61;
	v61 =	vld [tilespmem:$0x4700]  }
0x18d: {  	[tilespmem:$0x1F170] =	vst v24;
	v24 =	vld [tilespmem:$0x4800]  }
0x18e: {  	[tilespmem:$0x1F150] =	vst v31;
	v31 =	vld [tilespmem:$0x5880]  }
0x18f: {  	[tilespmem:$0x1F5F0] =	vst v62;
	v62 =	vld [tilespmem:$0x46F0]  }
0x190: {  	[tilespmem:$0x1F160] =	vst v36;
	v36 =	vld [tilespmem:$0x5900]  }
0x191: {  	[tilespmem:$0x1FA10] =	vst v3;
	v3 =	vadd.f32 v48, v46;
	v46 =	vld [tilespmem:$0x5C90]  }
0x192: {  	v48 =	vld [tilespmem:$0x5D10]  }
0x193: {  	[tilespmem:$0x1F970] =	vst v13;
	v13 =	vld [tilespmem:$0x5DA0]  }
0x194: {  	[tilespmem:$0x1F630] =	vst v62;
	v62 =	vld [tilespmem:$0x4770]  }
0x195: {  	[tilespmem:$0x1F940] =	vst v10;
	v10 =	vld [tilespmem:$0x5EA0]  }
0x196: {  	[tilespmem:$0x1FB20] =	vst v57;
	v57 =	vld [tilespmem:$0x1EEE0]  }
0x197: {  	[tilespmem:$0x1F930] =	vst v8;
	v8 =	vld [tilespmem:$0x1EEF0]  }
0x198: {  	[tilespmem:$0x1F9A0] =	vst v15;
	v15 =	vld [tilespmem:$0x1EF00]  }
0x199: {  	[tilespmem:$0x1F670] =	vst v62;
	v62 =	vld [tilespmem:$0x47F0]  }
0x19a: {  	v25 =	vadd.f32 v11, v12;
	v12 =	vld [tilespmem:$0x5DB0]  }
0x19b: {  	v11 =	vld [tilespmem:$0x5EB0]  }
0x19c: {  	[tilespmem:$0x1FEF0] =	vst v1;
	v1 =	vadd.f32 v23, v26;
	v23 =	vld [tilespmem:$0x48C0]  }
0x19d: {  	v39 =	vld [tilespmem:$0x1EF50]  }
0x19e: {  	[tilespmem:$0x1F6B0] =	vst v62;
	v62 =	vld [tilespmem:$0x4870]  }
0x19f: {  	v3 =	vadd.f32 v50, v3;
	v50 =	vld [tilespmem:$0x5E10]  }
0x1a0: {  	v26 =	vadd.f32 v29, v1;
	v1 =	vld [tilespmem:$0x4AB0]  }
0x1a1: {  	v29 =	vadd.f32 v16, v25;
	v16 =	vld [tilespmem:$0x5D30]  }
0x1a2: {  	v25 =	vld [tilespmem:$0x4A40]  }
0x1a3: {  	[tilespmem:$0x1F6F0] =	vst v62;
	v62 =	vld [tilespmem:$0x58F0]  }
0x1a4: {  	v3 =	vadd.f32 v51, v3;
	v51 =	vld [tilespmem:$0x5E90]  }
0x1a5: {  	v33 =	vadd.f32 v35, v26;
	v35 =	vld [tilespmem:$0x1EF30]  }
0x1a6: {  	v26 =	vld [tilespmem:$0x6030]  }
0x1a7: {  	[tilespmem:$0x1EF70] =	vst v2;
	v2 =	vld [tilespmem:$0x54D0]  }
0x1a8: {  	[tilespmem:$0x1F730] =	vst v62;
	v62 =	vld [tilespmem:$0x5970]  }
0x1a9: {  	[tilespmem:$0x1F1A0] =	vst v40;
	v40 =	vld [tilespmem:$0x5980]  }
0x1aa: {  	[tilespmem:$0x1F1C0] =	vst v45;
	v45 =	vld [tilespmem:$0x5A00]  }
0x1ab: {  	[tilespmem:$0x1F1E0] =	vst v49;
	v49 =	vld [tilespmem:$0x5A80]  }
0x1ac: {  	[tilespmem:$0x1F210] =	vst v61;
	v61 =	vld [tilespmem:$0x5B00]  }
0x1ad: {  	[tilespmem:$0x1F770] =	vst v62;
	v62 =	vld [tilespmem:$0x59F0]  }
0x1ae: {  	[tilespmem:$0x1F280] =	vst v24;
	v24 =	vld [tilespmem:$0x5C00]  }
0x1af: {  	[tilespmem:$0x1F2C0] =	vst v31;
	v31 =	vld [tilespmem:$0x4490]  }
0x1b0: {  	[tilespmem:$0x1F300] =	vst v36;
	v36 =	vld [tilespmem:$0x4510]  }
0x1b1: {  	[tilespmem:$0x1FA70] =	vst v48;
	v48 =	vld [tilespmem:$0x6010]  }
0x1b2: {  	[tilespmem:$0x1F7B0] =	vst v62;
	v62 =	vld [tilespmem:$0x5A70]  }
0x1b3: {  	[tilespmem:$0x1FA50] =	vst v46;
	v46 =	vld [tilespmem:$0x4AA0]  }
0x1b4: {  	v3 =	vadd.f32 v52, v3;
	v52 =	vld [tilespmem:$0x5F10]  }
0x1b5: {  	v42 =	vld [tilespmem:$0x1EF70]  }
0x1b6: {  	v7 =	vadd.f32 v43, v33;
	v43 =	vld [tilespmem:$0x1EF80]  }
0x1b7: {  	[tilespmem:$0x1F7F0] =	vst v62;
	v62 =	vld [tilespmem:$0x5AF0]  }
0x1b8: {  	[tilespmem:$0x1FAB0] =	vst v50;
	v50 =	vld [tilespmem:$0x1EEC0]  }
0x1b9: {  	v3 =	vadd.f32 v53, v3;
	v53 =	vld [tilespmem:$0x5E20]  }
0x1ba: {  	v7 =	vadd.f32 v63, v7;
	v63 =	vld [tilespmem:$0x49C0]  }
0x1bb: {  	[tilespmem:$0x1FAE0] =	vst v51;
	v51 =	vld [tilespmem:$0x5D20]  }
0x1bc: {  	[tilespmem:$0x1F830] =	vst v62;
	v62 =	vld [tilespmem:$0x5B70]  }
0x1bd: {  	[tilespmem:$0x1EF90] =	vst v2;
	v2 =	vld [tilespmem:$0x5550]  }
0x1be: {  	[tilespmem:$0x1F340] =	vst v40;
	v40 =	vld [tilespmem:$0x4590]  }
0x1bf: {  	[tilespmem:$0x1F380] =	vst v45;
	v45 =	vld [tilespmem:$0x4610]  }
0x1c0: {  	[tilespmem:$0x1F3C0] =	vst v49;
	v49 =	vld [tilespmem:$0x4690]  }
0x1c1: {  	[tilespmem:$0x1F870] =	vst v62;
	v62 =	vld [tilespmem:$0x5BF0]  }
0x1c2: {  	[tilespmem:$0x1F400] =	vst v61;
	v61 =	vld [tilespmem:$0x4710]  }
0x1c3: {  	[tilespmem:$0x1F480] =	vst v24;
	v24 =	vld [tilespmem:$0x4810]  }
0x1c4: {  	[tilespmem:$0x1F180] =	vst v31;
	v31 =	vld [tilespmem:$0x5890]  }
0x1c5: {  	[tilespmem:$0x1F190] =	vst v36;
	v36 =	vld [tilespmem:$0x5910]  }
0x1c6: {  	[tilespmem:$0x1F8B0] =	vst v62;
	v62 =	vld [tilespmem:$0x5C70]  }
0x1c7: {  	v3 =	vadd.f32 v47, v3;
	v47 =	vld [tilespmem:$0x4B20]  }
0x1c8: {  	[tilespmem:$0x1F9D0] =	vst v46;
	v46 =	vld [tilespmem:$0x4BA0]  }
0x1c9: {  	[tilespmem:$0x1EFC0] =	vst v2;
	v2 =	vld [tilespmem:$0x55D0]  }
0x1ca: {  	v7 =	vadd.f32 v39, v7;
	v39 =	vld [tilespmem:$0x4C40]  }
0x1cb: {  	[tilespmem:$0x1F8F0] =	vst v62;
	v62 =	vld [tilespmem:$0x4880]  }
0x1cc: {  	[tilespmem:$0x1FB00] =	vst v52;
	v52 =	vld [tilespmem:$0x1EED0]  }
0x1cd: {  	v3 =	vadd.f32 v54, v3;
	v54 =	vld [tilespmem:$0x5CA0]  }
0x1ce: {  	[tilespmem:$0x1EFF0] =	vst v2;
	v2 =	vld [tilespmem:$0x5650]  }
0x1cf: {  	v7 =	vadd.f32 v42, v7;
	v42 =	vld [tilespmem:$0x1F070]  }
0x1d0: {  	[tilespmem:$0x1F8D0] =	vst v62;
	v62 =	vld [tilespmem:$0x4900]  }
0x1d1: {  	[tilespmem:$0x1FAD0] =	vst v53;
	v53 =	vld [tilespmem:$0x1EF90]  }
0x1d2: {  	[tilespmem:$0x1FB90] =	vst v63;
	v63 =	vld [tilespmem:$0x1F0C0]  }
0x1d3: {  	[tilespmem:$0x1F020] =	vst v2;
	v2 =	vld [tilespmem:$0x56D0]  }
0x1d4: {  	v3 =	vadd.f32 v55, v3;
	v55 =	vld [tilespmem:$0x4C20]  }
0x1d5: {  	[tilespmem:$0x1F8E0] =	vst v62;
	v62 =	vld [tilespmem:$0x4980]  }
0x1d6: {  	[tilespmem:$0x1FA90] =	vst v51;
	v51 =	vld [tilespmem:$0x4A30]  }
0x1d7: {  	[tilespmem:$0x1F1B0] =	vst v40;
	v40 =	vld [tilespmem:$0x5990]  }
0x1d8: {  	[tilespmem:$0x1F060] =	vst v2;
	v2 =	vld [tilespmem:$0x5750]  }
0x1d9: {  	[tilespmem:$0x1F1D0] =	vst v45;
	v45 =	vld [tilespmem:$0x5A10]  }
0x1da: {  	[tilespmem:$0x1F920] =	vst v62;
	v62 =	vld [tilespmem:$0x4A00]  }
0x1db: {  	[tilespmem:$0x1F200] =	vst v49;
	v49 =	vld [tilespmem:$0x5A90]  }
0x1dc: {  	[tilespmem:$0x1F230] =	vst v61;
	v61 =	vld [tilespmem:$0x5B10]  }
0x1dd: {  	[tilespmem:$0x1F0A0] =	vst v2;
	v2 =	vld [tilespmem:$0x57D0]  }
0x1de: {  	[tilespmem:$0x1F2A0] =	vst v24;
	v24 =	vld [tilespmem:$0x5C10]  }
0x1df: {  	[tilespmem:$0x1F960] =	vst v62;
	v62 =	vld [tilespmem:$0x4A80]  }
0x1e0: {  	[tilespmem:$0x1F2E0] =	vst v31;
	v31 =	vld [tilespmem:$0x4620]  }
0x1e1: {  	[tilespmem:$0x1F320] =	vst v36;
	v36 =	vld [tilespmem:$0x46A0]  }
0x1e2: {  	[tilespmem:$0x1F0E0] =	vst v2;
	v2 =	vld [tilespmem:$0x5850]  }
0x1e3: {  	[tilespmem:$0x1FA00] =	vst v47;
	v47 =	vld [tilespmem:$0x4B30]  }
0x1e4: {  	v3 =	vadd.f32 v59, v3;
	[tilespmem:$0x1F990] =	vst v62;
	v62 =	vld [tilespmem:$0x4B00]  }
0x1e5: {  	v59 =	vld [tilespmem:$0x5FA0]  }
0x1e6: {  	v3 =	vadd.f32 v50, v3;
	v50 =	vld [tilespmem:$0x49B0]  }
0x1e7: {  	[tilespmem:$0x1F120] =	vst v2;
	v2 =	vld [tilespmem:$0x54E0]  }
0x1e8: {  	[tilespmem:$0x1F3A0] =	vst v45;
	v45 =	vld [tilespmem:$0x44A0]  }
0x1e9: {  	[tilespmem:$0x1F9C0] =	vst v62;
	v62 =	vld [tilespmem:$0x4B80]  }
0x1ea: {  	[tilespmem:$0x1F360] =	vst v40;
	v40 =	vld [tilespmem:$0x4520]  }
0x1eb: {  	[tilespmem:$0x1F420] =	vst v61;
	v61 =	vld [tilespmem:$0x45A0]  }
0x1ec: {  	[tilespmem:$0x1EFB0] =	vst v2;
	v2 =	vld [tilespmem:$0x5560]  }
0x1ed: {  	[tilespmem:$0x1F3E0] =	vst v49;
	v49 =	vld [tilespmem:$0x4720]  }
0x1ee: {  	[tilespmem:$0x1F9F0] =	vst v62;
	v62 =	vld [tilespmem:$0x4C00]  }
0x1ef: {  	[tilespmem:$0x1F4A0] =	vst v24;
	v24 =	vld [tilespmem:$0x4820]  }
0x1f0: {  	[tilespmem:$0x1F1F0] =	vst v31;
	v31 =	vld [tilespmem:$0x58A0]  }
0x1f1: {  	[tilespmem:$0x1EFE0] =	vst v2;
	v2 =	vld [tilespmem:$0x55E0]  }
0x1f2: {  	[tilespmem:$0x1F220] =	vst v36;
	v36 =	vld [tilespmem:$0x5920]  }
0x1f3: {  	v3 =	vadd.f32 v52, v3;
	[tilespmem:$0x1FA20] =	vst v62;
	v62 =	vld [tilespmem:$0x5C80]  }
0x1f4: {  	v52 =	vld [tilespmem:$0x4BB0]  }
0x1f5: {  	[tilespmem:$0x1FB40] =	vst v59;
	v59 =	vld [tilespmem:$0x1EFC0];
	v3 =	vadd.f32 v57, v3  }
0x1f6: {  	[tilespmem:$0x1F010] =	vst v2;
	v2 =	vld [tilespmem:$0x5660]  }
0x1f7: {  	v5 =	vadd.f32 v8, v3;
	v3 =	vld [tilespmem:$0x6020]  }
0x1f8: {  	[tilespmem:$0x1FA40] =	vst v62;
	v62 =	vld [tilespmem:$0x5D00]  }
0x1f9: {  	[tilespmem:$0x1F250] =	vst v49;
	v49 =	vld [tilespmem:$0x59A0]  }
0x1fa: {  	[tilespmem:$0x1F2D0] =	vst v24;
	v24 =	vld [tilespmem:$0x5AA0]  }
0x1fb: {  	[tilespmem:$0x1F050] =	vst v2;
	v2 =	vld [tilespmem:$0x56E0]  }
0x1fc: {  	[tilespmem:$0x1F310] =	vst v31;
	v31 =	vld [tilespmem:$0x5B20]  }
0x1fd: {  	[tilespmem:$0x1FA60] =	vst v62;
	v62 =	vld [tilespmem:$0x5D80]  }
0x1fe: {  	[tilespmem:$0x1F350] =	vst v36;
	v36 =	vld [tilespmem:$0x5BA0]  }
0x1ff: {  	v5 =	vadd.f32 v15, v5;
	v15 =	vld [tilespmem:$0x4930]  }
0x200: {  	[tilespmem:$0x1F090] =	vst v2;
	v2 =	vld [tilespmem:$0x5760]  }
0x201: {  	v7 =	vadd.f32 v53, v7;
	v33 =	vld [tilespmem:$0x1F020]  }
0x202: {  	[tilespmem:$0x1FA80] =	vst v62;
	v62 =	vld [tilespmem:$0x5E00]  }
0x203: {  	v7 =	vadd.f32 v59, v7;
	v59 =	vld [tilespmem:$0x5DC0]  }
0x204: {  	[tilespmem:$0x1FEE0] =	vst v5;
	v5 =	vadd.f32 v56, v20;
	v56 =	vld [tilespmem:$0x1EFA0]  }
0x205: {  	[tilespmem:$0x1F0D0] =	vst v2;
	v2 =	vld [tilespmem:$0x57E0]  }
0x206: {  	[tilespmem:$0x1FB50] =	vst v3;
	v3 =	vld [tilespmem:$0x48B0]  }
0x207: {  	[tilespmem:$0x1FAA0] =	vst v62;
	v62 =	vld [tilespmem:$0x5E80]  }
0x208: {  	[tilespmem:$0x1F390] =	vst v49;
	v49 =	vld [tilespmem:$0x5C20]  }
0x209: {  	[tilespmem:$0x1F410] =	vst v24;
	v24 =	vld [tilespmem:$0x44B0]  }
0x20a: {  	[tilespmem:$0x1F110] =	vst v2;
	v2 =	vld [tilespmem:$0x5860]  }
0x20b: {  	[tilespmem:$0x1F450] =	vst v31;
	v31 =	vld [tilespmem:$0x45B0]  }
0x20c: {  	[tilespmem:$0x1FAC0] =	vst v62;
	v62 =	vld [tilespmem:$0x5F00]  }
0x20d: {  	[tilespmem:$0x1F490] =	vst v36;
	v36 =	vld [tilespmem:$0x4630]  }
0x20e: {  	[tilespmem:$0x1F4C0] =	vst v49;
	v49 =	vld [tilespmem:$0x46B0]  }
0x20f: {  	[tilespmem:$0x1F140] =	vst v2;
	v2 =	vld [tilespmem:$0x4170]  }
0x210: {  	[tilespmem:$0x1FBB0] =	vst v25;
	v25 =	vld [tilespmem:$0x1F0E0]  }
0x211: {  	[tilespmem:$0x1FAF0] =	vst v62;
	v62 =	vld [tilespmem:$0x5F80]  }
0x212: {  	v57 =	vld [tilespmem:$0x1EFB0]  }
0x213: {  	v20 =	vld [tilespmem:$0x1EFE0]  }
0x214: {  	v53 =	vld [tilespmem:$0x1F090];
	v2 =	vadd.f32 v2, v4  }
0x215: {  	v4 =	vadd.f32 v28, v5;
	v5 =	vadd.f32 v19, v29;
	v19 =	vld [tilespmem:$0x5F30]  }
0x216: {  	[tilespmem:$0x1FB10] =	vst v62;
	v62 =	vld [tilespmem:$0x6000]  }
0x217: {  	v28 =	vld [tilespmem:$0x4AC0]  }
0x218: {  	v29 =	vld [tilespmem:$0x1F000]  }
0x219: {  	v6 =	vadd.f32 v6, v2;
	v2 =	vld [tilespmem:$0x1EF20]  }
0x21a: {  	v5 =	vadd.f32 v27, v5;
	v27 =	vld [tilespmem:$0x1EFF0]  }
0x21b: {  	[tilespmem:$0x1FB30] =	vst v62;
	v62 =	vld [tilespmem:$0x4890]  }
0x21c: {  	v6 =	vadd.f32 v9, v6;
	v5 =	vadd.f32 v32, v5;
	v32 =	vld [tilespmem:$0x4B40]  }
0x21d: {  	[tilespmem:$0x1FBD0] =	vst v28;
	v28 =	vld [tilespmem:$0x5EC0]  }
0x21e: {  	v6 =	vadd.f32 v14, v6;
	v14 =	vld [tilespmem:$0x5E30]  }
0x21f: {  	v5 =	vadd.f32 v38, v5;
	v38 =	vld [tilespmem:$0x1F050]  }
0x220: {  	v4 =	vadd.f32 v2, v4;
	[tilespmem:$0x1F900] =	vst v62;
	v62 =	vld [tilespmem:$0x4910]  }
0x221: {  	v5 =	vadd.f32 v58, v5;
	v58 =	vld [tilespmem:$0x4940]  }
0x222: {  	v6 =	vadd.f32 v17, v6;
	v17 =	vld [tilespmem:$0x1EFD0];
	v4 =	vadd.f32 v35, v4  }
0x223: {  	v35 =	vld [tilespmem:$0x4BC0]  }
0x224: {  	v7 =	vadd.f32 v27, v7;
	[tilespmem:$0x1FBF0] =	vst v32;
	v32 =	vld [tilespmem:$0x5F40];
	v4 =	vadd.f32 v37, v4  }
0x225: {  	[tilespmem:$0x1F910] =	vst v62;
	v62 =	vld [tilespmem:$0x4990]  }
0x226: {  	v7 =	vadd.f32 v33, v7;
	v33 =	vld [tilespmem:$0x1F120];
	v4 =	vadd.f32 v41, v4  }
0x227: {  	v6 =	vadd.f32 v21, v6;
	v5 =	vadd.f32 v57, v5;
	v57 =	vld [tilespmem:$0x1F0A0]  }
0x228: {  	v37 =	vld [tilespmem:$0x1F040];
	v4 =	vadd.f32 v43, v4  }
0x229: {  	v6 =	vadd.f32 v30, v6;
	v30 =	vld [tilespmem:$0x1F010]  }
0x22a: {  	v4 =	vadd.f32 v56, v4;
	[tilespmem:$0x1F950] =	vst v62;
	v62 =	vld [tilespmem:$0x4A10]  }
0x22b: {  	v5 =	vadd.f32 v20, v5;
	v20 =	vld [tilespmem:$0x5E40];
	v6 =	vadd.f32 v34, v6  }
0x22c: {  	v41 =	vld [tilespmem:$0x1F060];
	v4 =	vadd.f32 v17, v4  }
0x22d: {  	v6 =	vadd.f32 v44, v6;
	v44 =	vld [tilespmem:$0x1F080]  }
0x22e: {  	[tilespmem:$0x1FC10] =	vst v35;
	v35 =	vld [tilespmem:$0x5FC0];
	v4 =	vadd.f32 v29, v4  }
0x22f: {  	[tilespmem:$0x1F980] =	vst v62;
	v62 =	vld [tilespmem:$0x4A90]  }
0x230: {  	[tilespmem:$0x1FC30] =	vst v39;
	v43 =	vld [tilespmem:$0x5CC0];
	v4 =	vadd.f32 v37, v4  }
0x231: {  	[tilespmem:$0x1FCC0] =	vst v59;
	v5 =	vadd.f32 v30, v5;
	v29 =	vld [tilespmem:$0x1F100]  }
0x232: {  	[tilespmem:$0x1FD20] =	vst v28;
	v17 =	vld [tilespmem:$0x1F0D0];
	v4 =	vadd.f32 v44, v4  }
0x233: {  	[tilespmem:$0x1FB60] =	vst v58;
	v30 =	vld [tilespmem:$0x1F110];
	v5 =	vadd.f32 v38, v5  }
0x234: {  	v7 =	vadd.f32 v41, v7;
	v4 =	vadd.f32 v63, v4;
	[tilespmem:$0x1F9B0] =	vst v62;
	v62 =	vld [tilespmem:$0x4B10]  }
0x235: {  	[tilespmem:$0x1FD50] =	vst v32;
	v56 =	vld [tilespmem:$0x5D40];
	v5 =	vadd.f32 v53, v5  }
0x236: {  	[tilespmem:$0x1FCF0] =	vst v20;
	v7 =	vadd.f32 v57, v7;
	v37 =	vld [tilespmem:$0x1F140];
	v4 =	vadd.f32 v29, v4  }
0x237: {  	v2 =	vld [tilespmem:$0x4C30];
	[tilespmem:$0x1FD80] =	vst v35;
	v5 =	vadd.f32 v17, v5  }
0x238: {  	v34 =	vld [tilespmem:$0x1F030];
	v7 =	vadd.f32 v25, v7;
	[tilespmem:$0x1FF00] =	vst v4  }
0x239: {  	v4 =	vadd.f32 v30, v5;
	[tilespmem:$0x1F9E0] =	vst v62;
	v62 =	vld [tilespmem:$0x4C10]  }
0x23a: {  	v27 =	vld [tilespmem:$0x1F0F0];
	[tilespmem:$0x1FC60] =	vst v43;
	v5 =	vadd.f32 v33, v7  }
0x23b: {  	v21 =	vld [tilespmem:$0x5FB0];
	[tilespmem:$0x1FC90] =	vst v56;
	v4 =	vadd.f32 v37, v4  }
0x23c: {  	v58 =	vld [tilespmem:$0x1F0B0];
	[tilespmem:$0x1FF10] =	vst v5  }
0x23d: {  	v6 =	vadd.f32 v34, v6;
	v34 =	vld [tilespmem:$0x1F130];
	[tilespmem:$0x1FF20] =	vst v4  }
0x23e: {  	[tilespmem:$0x1FA30] =	vst v62;
	v62 =	vld [tilespmem:$0x5D90]  }
0x23f: {  	v4 =	vld [tilespmem:$0x1F150]  }
0x240: {  	v38 =	vld [tilespmem:$0x1F160]  }
0x241: {  	v39 =	vld [tilespmem:$0x6040]  }
0x242: {  	v41 =	vld [tilespmem:$0x1F170]  }
0x243: {  	v6 =	vadd.f32 v42, v6;
	v42 =	vld [tilespmem:$0x1F180]  }
0x244: {  	v43 =	vld [tilespmem:$0x1F190]  }
0x245: {  	v44 =	vld [tilespmem:$0x48D0]  }
0x246: {  	v53 =	vld [tilespmem:$0x1F1A0]  }
0x247: {  	v57 =	vld [tilespmem:$0x4950]  }
0x248: {  	v6 =	vadd.f32 v58, v6;
	v58 =	vld [tilespmem:$0x1F1B0]  }
0x249: {  	v63 =	vld [tilespmem:$0x49D0]  }
0x24a: {  	v17 =	vld [tilespmem:$0x1F1C0]  }
0x24b: {  	v20 =	vld [tilespmem:$0x4A50]  }
0x24c: {  	v59 =	vadd.f32 v22, v24;
	v22 =	vld [tilespmem:$0x1F1D0]  }
0x24d: {  	v24 =	vld [tilespmem:$0x4AD0]  }
0x24e: {  	v25 =	vld [tilespmem:$0x1F1E0]  }
0x24f: {  	v6 =	vadd.f32 v27, v6;
	v27 =	vld [tilespmem:$0x1F1F0]  }
0x250: {  	v28 =	vld [tilespmem:$0x4B50]  }
0x251: {  	v29 =	vld [tilespmem:$0x1F200]  }
0x252: {  	v30 =	vld [tilespmem:$0x4BD0]  }
0x253: {  	v7 =	vadd.f32 v31, v59;
	v31 =	vld [tilespmem:$0x1F210]  }
0x254: {  	v32 =	vld [tilespmem:$0x1F220]  }
0x255: {  	v33 =	vld [tilespmem:$0x4C50]  }
0x256: {  	v5 =	vadd.f32 v34, v6;
	v34 =	vld [tilespmem:$0x1F230]  }
0x257: {  	v35 =	vld [tilespmem:$0x5CD0]  }
0x258: {  	v3 =	vadd.f32 v15, v3;
	v7 =	vadd.f32 v36, v7;
	v36 =	vld [tilespmem:$0x1F240]  }
0x259: {  	v37 =	vld [tilespmem:$0x1F250]  }
0x25a: {  	v3 =	vadd.f32 v50, v3;
	v56 =	vadd.f32 v40, v45;
	v40 =	vld [tilespmem:$0x1F270]  }
0x25b: {  	v45 =	vld [tilespmem:$0x1F2A0]  }
0x25c: {  	v3 =	vadd.f32 v51, v3;
	v7 =	vadd.f32 v49, v7;
	v49 =	vld [tilespmem:$0x1F2B0]  }
0x25d: {  	v6 =	vadd.f32 v61, v56;
	v56 =	vld [tilespmem:$0x1F2C0]  }
0x25e: {  	v1 =	vadd.f32 v1, v3;
	v59 =	vld [tilespmem:$0x1F2E0]  }
0x25f: {  	v61 =	vld [tilespmem:$0x1F2F0]  }
0x260: {  	v1 =	vadd.f32 v47, v1;
	v8 =	vld [tilespmem:$0x48F0]  }
0x261: {  	v9 =	vld [tilespmem:$0x6100]  }
0x262: {  	v1 =	vadd.f32 v52, v1;
	v15 =	vld [tilespmem:$0x1F9A0]  }
0x263: {  	v3 =	vld [tilespmem:$0x1F9F0]  }
0x264: {  	v1 =	vadd.f32 v2, v1;
	v47 =	vld [tilespmem:$0x1FA20]  }
0x265: {  	v50 =	vld [tilespmem:$0x1FA30]  }
0x266: {  	v1 =	vadd.f32 v60, v1;
	v51 =	vld [tilespmem:$0x1FA40]  }
0x267: {  	v52 =	vld [tilespmem:$0x1FA50]  }
0x268: {  	v1 =	vadd.f32 v16, v1;
	v2 =	vld [tilespmem:$0x1FA60]  }
0x269: {  	v60 =	vld [tilespmem:$0x1FA90]  }
0x26a: {  	v1 =	vadd.f32 v12, v1;
	v16 =	vld [tilespmem:$0x1FAD0]  }
0x26b: {  	v12 =	vld [tilespmem:$0x4D20]  }
0x26c: {  	v1 =	vadd.f32 v14, v1;
	v14 =	vld [tilespmem:$0x4DA0]  }
0x26d: {  	v4 =	vadd.f32 v38, v4;
	v38 =	vld [tilespmem:$0x5D50]  }
0x26e: {  	[tilespmem:$0x1FDB0] =	vst v39;
	v39 =	vld [tilespmem:$0x1F260]  }
0x26f: {  	v5 =	vadd.f32 v41, v5;
	v41 =	vld [tilespmem:$0x5DD0]  }
0x270: {  	[tilespmem:$0x1FB70] =	vst v44;
	v44 =	vld [tilespmem:$0x5E50]  }
0x271: {  	[tilespmem:$0x1FB80] =	vst v57;
	v57 =	vld [tilespmem:$0x1F2D0]  }
0x272: {  	[tilespmem:$0x1FBA0] =	vst v63;
	v63 =	vld [tilespmem:$0x5FD0]  }
0x273: {  	[tilespmem:$0x1FBC0] =	vst v20;
	v20 =	vld [tilespmem:$0x1F310]  }
0x274: {  	[tilespmem:$0x1FBE0] =	vst v24;
	v24 =	vld [tilespmem:$0x1F320]  }
0x275: {  	v6 =	vadd.f32 v27, v6;
	v27 =	vld [tilespmem:$0x1F340]  }
0x276: {  	[tilespmem:$0x1FC00] =	vst v28;
	v28 =	vld [tilespmem:$0x1F350]  }
0x277: {  	[tilespmem:$0x1FC20] =	vst v30;
	v30 =	vld [tilespmem:$0x1F370]  }
0x278: {  	[tilespmem:$0x1FC50] =	vst v33;
	v33 =	vld [tilespmem:$0x1F3A0]  }
0x279: {  	[tilespmem:$0x1FC80] =	vst v35;
	v35 =	vld [tilespmem:$0x1F3B0]  }
0x27a: {  	v7 =	vadd.f32 v40, v7;
	v40 =	vld [tilespmem:$0x1F3E0]  }
0x27b: {  	[tilespmem:$0x1FE70] =	vst v9;
	v9 =	vld [tilespmem:$0x6280]  }
0x27c: {  	[tilespmem:$0x1FF30] =	vst v5;
	v5 =	vadd.f32 v43, v42;
	v42 =	vld [tilespmem:$0x1F280]  }
0x27d: {  	v43 =	vld [tilespmem:$0x1F290]  }
0x27e: {  	v4 =	vadd.f32 v53, v4;
	v53 =	vld [tilespmem:$0x5ED0]  }
0x27f: {  	v6 =	vadd.f32 v32, v6;
	v32 =	vld [tilespmem:$0x1F390]  }
0x280: {  	v7 =	vadd.f32 v49, v7;
	v49 =	vld [tilespmem:$0x1F420]  }
0x281: {  	v5 =	vadd.f32 v58, v5;
	v58 =	vld [tilespmem:$0x5F50]  }
0x282: {  	v4 =	vadd.f32 v17, v4;
	v17 =	vld [tilespmem:$0x1F300]  }
0x283: {  	v7 =	vadd.f32 v61, v7;
	v61 =	vld [tilespmem:$0x4A60]  }
0x284: {  	v6 =	vadd.f32 v37, v6;
	v37 =	vld [tilespmem:$0x1F3C0]  }
0x285: {  	[tilespmem:$0x1FCB0] =	vst v38;
	v38 =	vld [tilespmem:$0x1F3D0]  }
0x286: {  	[tilespmem:$0x1FCE0] =	vst v41;
	v41 =	vld [tilespmem:$0x1F3F0]  }
0x287: {  	[tilespmem:$0x1FD10] =	vst v44;
	v44 =	vld [tilespmem:$0x1F410]  }
0x288: {  	[tilespmem:$0x1FDA0] =	vst v63;
	v63 =	vld [tilespmem:$0x1F450]  }
0x289: {  	[tilespmem:$0x1FEA0] =	vst v9;
	v9 =	vld [tilespmem:$0x1F990]  }
0x28a: {  	v5 =	vadd.f32 v22, v5;
	v22 =	vld [tilespmem:$0x6050]  }
0x28b: {  	v4 =	vadd.f32 v25, v4;
	v25 =	vld [tilespmem:$0x1F330]  }
0x28c: {  	v6 =	vadd.f32 v43, v6;
	v43 =	vld [tilespmem:$0x1F400]  }
0x28d: {  	[tilespmem:$0x1FD40] =	vst v53;
	v53 =	vld [tilespmem:$0x1F430]  }
0x28e: {  	v5 =	vadd.f32 v29, v5;
	v29 =	vld [tilespmem:$0x1F360]  }
0x28f: {  	v4 =	vadd.f32 v31, v4;
	v31 =	vld [tilespmem:$0x1F380]  }
0x290: {  	v6 =	vadd.f32 v57, v6;
	v57 =	vld [tilespmem:$0x4AE0]  }
0x291: {  	[tilespmem:$0x1FD70] =	vst v58;
	v58 =	vld [tilespmem:$0x1F440]  }
0x292: {  	v5 =	vadd.f32 v34, v5;
	v34 =	vld [tilespmem:$0x4960]  }
0x293: {  	v4 =	vadd.f32 v36, v4;
	v36 =	vld [tilespmem:$0x49E0]  }
0x294: {  	v6 =	vadd.f32 v20, v6;
	v20 =	vld [tilespmem:$0x1F460]  }
0x295: {  	[tilespmem:$0x1FDD0] =	vst v22;
	v22 =	vld [tilespmem:$0x1F470]  }
0x296: {  	v7 =	vadd.f32 v25, v7;
	v25 =	vld [tilespmem:$0x1F480]  }
0x297: {  	v5 =	vadd.f32 v39, v5;
	v39 =	vld [tilespmem:$0x48E0]  }
0x298: {  	v4 =	vadd.f32 v42, v4;
	v42 =	vld [tilespmem:$0x4BE0]  }
0x299: {  	v6 =	vadd.f32 v28, v6;
	v28 =	vld [tilespmem:$0x5E60]  }
0x29a: {  	v7 =	vadd.f32 v30, v7;
	v30 =	vld [tilespmem:$0x1F4B0]  }
0x29b: {  	v5 =	vadd.f32 v45, v5;
	v45 =	vld [tilespmem:$0x4C60]  }
0x29c: {  	v4 =	vadd.f32 v56, v4;
	v56 =	vld [tilespmem:$0x5CE0]  }
0x29d: {  	v6 =	vadd.f32 v32, v6;
	v32 =	vld [tilespmem:$0x1F4C0]  }
0x29e: {  	v7 =	vadd.f32 v35, v7;
	v35 =	vld [tilespmem:$0x1F4E0]  }
0x29f: {  	v5 =	vadd.f32 v59, v5;
	v59 =	vld [tilespmem:$0x4B60]  }
0x2a0: {  	v4 =	vadd.f32 v17, v4;
	v17 =	vld [tilespmem:$0x5D60]  }
0x2a1: {  	v6 =	vadd.f32 v38, v6;
	v38 =	vld [tilespmem:$0x1F4F0]  }
0x2a2: {  	v7 =	vadd.f32 v41, v7;
	v41 =	vld [tilespmem:$0x1F510]  }
0x2a3: {  	[tilespmem:$0x1FC40] =	vst v42;
	v42 =	vld [tilespmem:$0x5FE0]  }
0x2a4: {  	v34 =	vadd.f32 v34, v39;
	v39 =	vld [tilespmem:$0x6220]  }
0x2a5: {  	v5 =	vadd.f32 v24, v5;
	v24 =	vld [tilespmem:$0x5DE0]  }
0x2a6: {  	v4 =	vadd.f32 v27, v4;
	v27 =	vld [tilespmem:$0x1F490]  }
0x2a7: {  	[tilespmem:$0x1FD30] =	vst v28;
	v28 =	vld [tilespmem:$0x1F5F0]  }
0x2a8: {  	v6 =	vadd.f32 v44, v6;
	v44 =	vld [tilespmem:$0x1F530]  }
0x2a9: {  	[tilespmem:$0x1FC70] =	vst v45;
	v45 =	vld [tilespmem:$0x1F540]  }
0x2aa: {  	v7 =	vadd.f32 v53, v7;
	v53 =	vld [tilespmem:$0x1F550]  }
0x2ab: {  	[tilespmem:$0x1FCA0] =	vst v56;
	v56 =	vld [tilespmem:$0x1F560]  }
0x2ac: {  	v34 =	vadd.f32 v36, v34;
	v36 =	vld [tilespmem:$0x63A0]  }
0x2ad: {  	v5 =	vadd.f32 v29, v5;
	v29 =	vld [tilespmem:$0x1F4A0]  }
0x2ae: {  	v4 =	vadd.f32 v31, v4;
	v31 =	vld [tilespmem:$0x5EE0]  }
0x2af: {  	v6 =	vadd.f32 v63, v6;
	v63 =	vld [tilespmem:$0x1F580]  }
0x2b0: {  	[tilespmem:$0x1FCD0] =	vst v17;
	v17 =	vld [tilespmem:$0x1F590]  }
0x2b1: {  	v7 =	vadd.f32 v22, v7;
	v22 =	vld [tilespmem:$0x1F5B0]  }
0x2b2: {  	v5 =	vadd.f32 v33, v5;
	v33 =	vld [tilespmem:$0x1F4D0]  }
0x2b3: {  	v4 =	vadd.f32 v37, v4;
	v37 =	vld [tilespmem:$0x5F60]  }
0x2b4: {  	[tilespmem:$0x1FDC0] =	vst v42;
	v42 =	vld [tilespmem:$0x1F690]  }
0x2b5: {  	[tilespmem:$0x1FD00] =	vst v24;
	v24 =	vld [tilespmem:$0x1F5C0]  }
0x2b6: {  	v5 =	vadd.f32 v40, v5;
	v40 =	vld [tilespmem:$0x1F500]  }
0x2b7: {  	v4 =	vadd.f32 v43, v4;
	v43 =	vld [tilespmem:$0x1F520]  }
0x2b8: {  	[tilespmem:$0x1FD60] =	vst v31;
	v31 =	vld [tilespmem:$0x1F620]  }
0x2b9: {  	v5 =	vadd.f32 v49, v5;
	v49 =	vld [tilespmem:$0x6060]  }
0x2ba: {  	v4 =	vadd.f32 v58, v4;
	v58 =	vld [tilespmem:$0x1F570]  }
0x2bb: {  	[tilespmem:$0x1FD90] =	vst v37;
	v37 =	vld [tilespmem:$0x4970]  }
0x2bc: {  	v5 =	vadd.f32 v20, v5;
	v4 =	vadd.f32 v25, v4;
	v20 =	vld [tilespmem:$0x1F5A0]  }
0x2bd: {  	v25 =	vld [tilespmem:$0x1F5D0]  }
0x2be: {  	[tilespmem:$0x1FF40] =	vst v4;
	v4 =	vadd.f32 v27, v6;
	v27 =	vld [tilespmem:$0x1F5E0]  }
0x2bf: {  	v5 =	vadd.f32 v29, v5;
	v29 =	vld [tilespmem:$0x1F600]  }
0x2c0: {  	v6 =	vadd.f32 v45, v44;
	v44 =	vld [tilespmem:$0x1F6B0]  }
0x2c1: {  	v45 =	vld [tilespmem:$0x1F6C0]  }
0x2c2: {  	[tilespmem:$0x1FDF0] =	vst v49;
	v49 =	vld [tilespmem:$0x1F6D0]  }
0x2c3: {  	[tilespmem:$0x1FF50] =	vst v5;
	v5 =	vadd.f32 v30, v7;
	v30 =	vld [tilespmem:$0x1F610]  }
0x2c4: {  	v4 =	vadd.f32 v32, v4;
	v32 =	vld [tilespmem:$0x1F630]  }
0x2c5: {  	v7 =	vadd.f32 v58, v56;
	v56 =	vld [tilespmem:$0x1F6F0]  }
0x2c6: {  	v58 =	vld [tilespmem:$0x1F700]  }
0x2c7: {  	v6 =	vadd.f32 v17, v6;
	v17 =	vld [tilespmem:$0x1F720]  }
0x2c8: {  	v7 =	vadd.f32 v22, v7;
	v22 =	vld [tilespmem:$0x49F0]  }
0x2c9: {  	v6 =	vadd.f32 v25, v6;
	v25 =	vld [tilespmem:$0x4A70]  }
0x2ca: {  	[tilespmem:$0x1FF60] =	vst v4;
	v4 =	vadd.f32 v35, v33;
	v33 =	vld [tilespmem:$0x1F640]  }
0x2cb: {  	v5 =	vadd.f32 v38, v5;
	v35 =	vld [tilespmem:$0x1F650]  }
0x2cc: {  	v38 =	vld [tilespmem:$0x1F660]  }
0x2cd: {  	[tilespmem:$0x1FF70] =	vst v5;
	v5 =	vadd.f32 v41, v40;
	v40 =	vld [tilespmem:$0x1F670]  }
0x2ce: {  	v41 =	vld [tilespmem:$0x1F680]  }
0x2cf: {  	v4 =	vadd.f32 v43, v4;
	v43 =	vld [tilespmem:$0x1F6A0]  }
0x2d0: {  	v7 =	vadd.f32 v28, v7;
	v28 =	vld [tilespmem:$0x1F740]  }
0x2d1: {  	v6 =	vadd.f32 v30, v6;
	v30 =	vld [tilespmem:$0x1F750]  }
0x2d2: {  	v5 =	vadd.f32 v53, v5;
	v53 =	vld [tilespmem:$0x1F6E0]  }
0x2d3: {  	v4 =	vadd.f32 v63, v4;
	v63 =	vld [tilespmem:$0x1F710]  }
0x2d4: {  	v7 =	vadd.f32 v32, v7;
	v32 =	vld [tilespmem:$0x6070]  }
0x2d5: {  	v6 =	vadd.f32 v35, v6;
	v35 =	vld [tilespmem:$0x1F760]  }
0x2d6: {  	v5 =	vadd.f32 v20, v5;
	v20 =	vld [tilespmem:$0x1F730]  }
0x2d7: {  	v4 =	vadd.f32 v24, v4;
	v24 =	vld [tilespmem:$0x5FF0]  }
0x2d8: {  	v7 =	vadd.f32 v40, v7;
	v40 =	vld [tilespmem:$0x5D70]  }
0x2d9: {  	v6 =	vadd.f32 v42, v6;
	v42 =	vld [tilespmem:$0x1F770]  }
0x2da: {  	v5 =	vadd.f32 v27, v5;
	v27 =	vld [tilespmem:$0x4AF0]  }
0x2db: {  	v4 =	vadd.f32 v29, v4;
	v29 =	vld [tilespmem:$0x4B70]  }
0x2dc: {  	v7 =	vadd.f32 v44, v7;
	v44 =	vld [tilespmem:$0x1F780]  }
0x2dd: {  	v6 =	vadd.f32 v49, v6;
	v49 =	vld [tilespmem:$0x1F790]  }
0x2de: {  	[tilespmem:$0x1FE00] =	vst v32;
	v32 =	vld [tilespmem:$0x4E80]  }
0x2df: {  	v5 =	vadd.f32 v31, v5;
	v31 =	vld [tilespmem:$0x4BF0]  }
0x2e0: {  	v4 =	vadd.f32 v33, v4;
	v33 =	vld [tilespmem:$0x4C70]  }
0x2e1: {  	v7 =	vadd.f32 v56, v7;
	v56 =	vld [tilespmem:$0x4C80]  }
0x2e2: {  	v6 =	vadd.f32 v63, v6;
	v63 =	vld [tilespmem:$0x1F7B0]  }
0x2e3: {  	[tilespmem:$0x1FDE0] =	vst v24;
	v24 =	vld [tilespmem:$0x4E00]  }
0x2e4: {  	v5 =	vadd.f32 v38, v5;
	v38 =	vld [tilespmem:$0x5CF0]  }
0x2e5: {  	v4 =	vadd.f32 v41, v4;
	v41 =	vld [tilespmem:$0x5DF0]  }
0x2e6: {  	v7 =	vadd.f32 v20, v7;
	v20 =	vld [tilespmem:$0x1F7D0]  }
0x2e7: {  	v6 =	vadd.f32 v30, v6;
	v30 =	vld [tilespmem:$0x1F7F0]  }
0x2e8: {  	v5 =	vadd.f32 v43, v5;
	v43 =	vld [tilespmem:$0x5E70]  }
0x2e9: {  	v4 =	vadd.f32 v45, v4;
	v45 =	vld [tilespmem:$0x5EF0]  }
0x2ea: {  	[tilespmem:$0x1FE20] =	vst v32;
	v32 =	vld [tilespmem:$0x1F860]  }
0x2eb: {  	v6 =	vadd.f32 v49, v6;
	v49 =	vld [tilespmem:$0x4D00]  }
0x2ec: {  	v7 =	vadd.f32 v42, v7;
	v42 =	vld [tilespmem:$0x1F810]  }
0x2ed: {  	v5 =	vadd.f32 v53, v5;
	v53 =	vld [tilespmem:$0x5F70]  }
0x2ee: {  	v4 =	vadd.f32 v58, v4;
	v58 =	vld [tilespmem:$0x1F7A0]  }
0x2ef: {  	[tilespmem:$0x1FE10] =	vst v24;
	v24 =	vld [tilespmem:$0x1F840]  }
0x2f0: {  	v7 =	vadd.f32 v63, v7;
	v63 =	vld [tilespmem:$0x4D80]  }
0x2f1: {  	v5 =	vadd.f32 v17, v5;
	v17 =	vld [tilespmem:$0x1F7C0]  }
0x2f2: {  	v4 =	vadd.f32 v28, v4;
	v28 =	vld [tilespmem:$0x1F7E0]  }
0x2f3: {  	v6 =	vadd.f32 v20, v6;
	v20 =	vld [tilespmem:$0x4F80]  }
0x2f4: {  	v7 =	vadd.f32 v30, v7;
	v30 =	vld [tilespmem:$0x5000]  }
0x2f5: {  	v5 =	vadd.f32 v35, v5;
	v35 =	vld [tilespmem:$0x1F800]  }
0x2f6: {  	v4 =	vadd.f32 v44, v4;
	v44 =	vld [tilespmem:$0x4F00]  }
0x2f7: {  	v6 =	vadd.f32 v42, v6;
	v42 =	vld [tilespmem:$0x6080]  }
0x2f8: {  	v5 =	vadd.f32 v58, v5;
	v58 =	vld [tilespmem:$0x1F820]  }
0x2f9: {  	v4 =	vadd.f32 v17, v4;
	v17 =	vld [tilespmem:$0x1F830]  }
0x2fa: {  	[tilespmem:$0x1FE40] =	vst v20;
	v20 =	vld [tilespmem:$0x1F8B0]  }
0x2fb: {  	v5 =	vadd.f32 v28, v5;
	v28 =	vld [tilespmem:$0x1F850]  }
0x2fc: {  	[tilespmem:$0x1FE50] =	vst v30;
	v30 =	vld [tilespmem:$0x1F8D0]  }
0x2fd: {  	v4 =	vadd.f32 v35, v4;
	v35 =	vld [tilespmem:$0x1F870]  }
0x2fe: {  	[tilespmem:$0x1FE30] =	vst v44;
	v44 =	vld [tilespmem:$0x1F880]  }
0x2ff: {  	[tilespmem:$0x1FE60] =	vst v42;
	v42 =	vld [tilespmem:$0x1F8F0]  }
0x300: {  	v5 =	vadd.f32 v58, v5;
	v58 =	vld [tilespmem:$0x1F890]  }
0x301: {  	v4 =	vadd.f32 v24, v4;
	v24 =	vld [tilespmem:$0x6180]  }
0x302: {  	v7 =	vadd.f32 v17, v7;
	v17 =	vld [tilespmem:$0x1F8A0]  }
0x303: {  	v6 =	vadd.f32 v28, v6;
	v28 =	vld [tilespmem:$0x1F8C0]  }
0x304: {  	v5 =	vadd.f32 v32, v5;
	v32 =	vld [tilespmem:$0x1F8E0]  }
0x305: {  	v7 =	vadd.f32 v35, v7;
	v4 =	vadd.f32 v44, v4;
	v35 =	vld [tilespmem:$0x6200]  }
0x306: {  	v44 =	vld [tilespmem:$0x1F900]  }
0x307: {  	[tilespmem:$0x1FF80] =	vst v4;
	v4 =	vadd.f32 v58, v6;
	v58 =	vld [tilespmem:$0x1F910]  }
0x308: {  	[tilespmem:$0x1FE80] =	vst v24;
	v24 =	vld [tilespmem:$0x1F940]  }
0x309: {  	v5 =	vadd.f32 v17, v5;
	v17 =	vld [tilespmem:$0x1F920]  }
0x30a: {  	v4 =	vadd.f32 v28, v4;
	v28 =	vld [tilespmem:$0x6300]  }
0x30b: {  	[tilespmem:$0x1FF90] =	vst v5;
	v5 =	vadd.f32 v20, v7;
	v20 =	vld [tilespmem:$0x1F930]  }
0x30c: {  	[tilespmem:$0x1FE90] =	vst v35;
	v35 =	vld [tilespmem:$0x1F960]  }
0x30d: {  	[tilespmem:$0x1FFA0] =	vst v4;
	v4 =	vadd.f32 v32, v30;
	v30 =	vld [tilespmem:$0x1F950]  }
0x30e: {  	v32 =	vld [tilespmem:$0x6380]  }
0x30f: {  	v5 =	vadd.f32 v42, v5;
	v42 =	vld [tilespmem:$0x1F970]  }
0x310: {  	v4 =	vadd.f32 v17, v4;
	v17 =	vld [tilespmem:$0x1F9B0]  }
0x311: {  	[tilespmem:$0x1FFB0] =	vst v5;
	v5 =	vadd.f32 v58, v44;
	v44 =	vld [tilespmem:$0x6400]  }
0x312: {  	v58 =	vld [tilespmem:$0x1F980]  }
0x313: {  	[tilespmem:$0x1FEB0] =	vst v28;
	v28 =	vld [tilespmem:$0x4D90]  }
0x314: {  	v6 =	vadd.f32 v24, v20;
	v20 =	vld [tilespmem:$0x4D10]  }
0x315: {  	v24 =	vld [tilespmem:$0x1F9C0]  }
0x316: {  	v4 =	vadd.f32 v35, v4;
	v35 =	vld [tilespmem:$0x1F9E0]  }
0x317: {  	v5 =	vadd.f32 v30, v5;
	v30 =	vld [tilespmem:$0x4C90]  }
0x318: {  	[tilespmem:$0x1FEC0] =	vst v32;
	v32 =	vld [tilespmem:$0x1F9D0]  }
0x319: {  	v6 =	vadd.f32 v42, v6;
	v42 =	vld [tilespmem:$0x1FA00]  }
0x31a: {  	v4 =	vadd.f32 v9, v4;
	v9 =	vld [tilespmem:$0x1FAA0]  }
0x31b: {  	[tilespmem:$0x1FED0] =	vst v44;
	v44 =	vld [tilespmem:$0x1FA10]  }
0x31c: {  	v5 =	vadd.f32 v58, v5;
	v58 =	vld [tilespmem:$0x1FA80]  }
0x31d: {  	v6 =	vadd.f32 v15, v6;
	v15 =	vld [tilespmem:$0x1FAC0]  }
0x31e: {  	v4 =	vadd.f32 v24, v4;
	v24 =	vld [tilespmem:$0x1FAF0]  }
0x31f: {  	v5 =	vadd.f32 v17, v5;
	v6 =	vadd.f32 v32, v6;
	v32 =	vld [tilespmem:$0x4E10]  }
0x320: {  	v17 =	vld [tilespmem:$0x1FAE0]  }
0x321: {  	v3 =	vadd.f32 v3, v4;
	v5 =	vadd.f32 v35, v5;
	v35 =	vld [tilespmem:$0x4E90]  }
0x322: {  	v4 =	vadd.f32 v42, v6;
	v42 =	vld [tilespmem:$0x4F10]  }
0x323: {  	v3 =	vadd.f32 v47, v3;
	v47 =	vld [tilespmem:$0x1FB00]  }
0x324: {  	v5 =	vadd.f32 v44, v5;
	v44 =	vld [tilespmem:$0x4F90]  }
0x325: {  	v4 =	vadd.f32 v46, v4;
	v46 =	vld [tilespmem:$0x5010];
	v3 =	vadd.f32 v51, v3  }
0x326: {  	v51 =	vld [tilespmem:$0x6110];
	v5 =	vadd.f32 v50, v5  }
0x327: {  	v4 =	vadd.f32 v55, v4;
	v55 =	vld [tilespmem:$0x1FA70];
	v2 =	vadd.f32 v2, v3  }
0x328: {  	v50 =	vld [tilespmem:$0x6090];
	v5 =	vadd.f32 v52, v5  }
0x329: {  	v52 =	vld [tilespmem:$0x6190];
	v3 =	vadd.f32 v54, v4;
	v2 =	vadd.f32 v58, v2  }
0x32a: {  	v54 =	vld [tilespmem:$0x6210]  }
0x32b: {  	v58 =	vld [tilespmem:$0x6310];
	v3 =	vadd.f32 v60, v3;
	v2 =	vadd.f32 v9, v2  }
0x32c: {  	v4 =	vadd.f32 v55, v5;
	v5 =	vadd.f32 v11, v1;
	v1 =	vld [tilespmem:$0x1FB10]  }
0x32d: {  	v60 =	vld [tilespmem:$0x6390];
	v2 =	vadd.f32 v15, v2  }
0x32e: {  	v3 =	vadd.f32 v13, v3;
	v13 =	vld [tilespmem:$0x1FAB0]  }
0x32f: {  	v55 =	vld [tilespmem:$0x6290];
	v2 =	vadd.f32 v24, v2  }
0x330: {  	v11 =	vld [tilespmem:$0x1FBF0]  }
0x331: {  	v4 =	vadd.f32 v62, v4;
	v6 =	vadd.f32 v1, v2;
	v2 =	vld [tilespmem:$0x1FB30]  }
0x332: {  	v62 =	vld [tilespmem:$0x6410]  }
0x333: {  	v15 =	vld [tilespmem:$0x4E20];
	v4 =	vadd.f32 v13, v4  }
0x334: {  	v1 =	vld [tilespmem:$0x1FB20]  }
0x335: {  	v9 =	vadd.f32 v19, v5;
	v19 =	vld [tilespmem:$0x5020];
	v4 =	vadd.f32 v17, v4  }
0x336: {  	v5 =	vld [tilespmem:$0x6130];
	v2 =	vadd.f32 v2, v6  }
0x337: {  	v3 =	vadd.f32 v16, v3;
	v16 =	vld [tilespmem:$0x4EA0];
	v4 =	vadd.f32 v47, v4  }
0x338: {  	[tilespmem:$0x1FFC0] =	vst v2;
	v2 =	vld [tilespmem:$0x1FB40]  }
0x339: {  	v3 =	vadd.f32 v10, v3;
	v10 =	vld [tilespmem:$0x1FBE0];
	v1 =	vadd.f32 v1, v4  }
0x33a: {  	v13 =	vld [tilespmem:$0x4CA0]  }
0x33b: {  	v7 =	vadd.f32 v18, v3;
	v18 =	vld [tilespmem:$0x4FA0];
	v1 =	vadd.f32 v48, v1  }
0x33c: {  	v3 =	vld [tilespmem:$0x1FB80]  }
0x33d: {  	[tilespmem:$0x1FFD0] =	vst v1;
	v1 =	vadd.f32 v21, v9;
	v24 =	vadd.f32 v2, v7;
	v2 =	vld [tilespmem:$0x1FB50]  }
0x33e: {  	v17 =	vld [tilespmem:$0x4F20]  }
0x33f: {  	v47 =	vld [tilespmem:$0x1FBB0];
	v1 =	vadd.f32 v26, v1  }
0x340: {  	v6 =	vld [tilespmem:$0x6230]  }
0x341: {  	v12 =	vadd.f32 v12, v13;
	[tilespmem:$0x1FFF0] =	vst v1;
	v1 =	vld [tilespmem:$0x1FB70]  }
0x342: {  	v4 =	vld [tilespmem:$0x4F30];
	v2 =	vadd.f32 v2, v24  }
0x343: {  	v14 =	vadd.f32 v14, v12;
	v12 =	vld [tilespmem:$0x6240]  }
0x344: {  	[tilespmem:$0x1FFE0] =	vst v2;
	v2 =	vld [tilespmem:$0x1FB60]  }
0x345: {  	v48 =	vld [tilespmem:$0x1FBC0]  }
0x346: {  	v1 =	vadd.f32 v3, v1;
	v3 =	vld [tilespmem:$0x1FB90]  }
0x347: {  	v21 =	vld [tilespmem:$0x60A0]  }
0x348: {  	v9 =	vadd.f32 v61, v34;
	v34 =	vld [tilespmem:$0x6420]  }
0x349: {  	v61 =	vld [tilespmem:$0x4CB0];
	v2 =	vadd.f32 v2, v23  }
0x34a: {  	v26 =	vld [tilespmem:$0x62A0]  }
0x34b: {  	v2 =	vadd.f32 v3, v2;
	v3 =	vld [tilespmem:$0x1FBA0]  }
0x34c: {  	v7 =	vld [tilespmem:$0x4D40]  }
0x34d: {  	v24 =	vld [tilespmem:$0x61A0]  }
0x34e: {  	v23 =	vld [tilespmem:$0x6120]  }
0x34f: {  	v2 =	vadd.f32 v47, v2;
	v47 =	vld [tilespmem:$0x1FC10]  }
0x350: {  	v1 =	vadd.f32 v3, v1;
	v3 =	vadd.f32 v37, v8;
	v37 =	vld [tilespmem:$0x6320]  }
0x351: {  	v8 =	vld [tilespmem:$0x1FBD0]  }
0x352: {  	v3 =	vadd.f32 v22, v3;
	v22 =	vadd.f32 v57, v9;
	v57 =	vld [tilespmem:$0x4D30]  }
0x353: {  	v1 =	vadd.f32 v48, v1;
	v48 =	vld [tilespmem:$0x1FC20]  }
0x354: {  	v9 =	vld [tilespmem:$0x1FC40]  }
0x355: {  	v3 =	vadd.f32 v25, v3;
	v25 =	vld [tilespmem:$0x1FC00]  }
0x356: {  	v22 =	vadd.f32 v59, v22;
	v59 =	vld [tilespmem:$0x4E30]  }
0x357: {  	v1 =	vadd.f32 v10, v1;
	v10 =	vld [tilespmem:$0x1FC50]  }
0x358: {  	v2 =	vadd.f32 v8, v2;
	v8 =	vld [tilespmem:$0x1FC30]  }
0x359: {  	v3 =	vadd.f32 v27, v3;
	v27 =	vld [tilespmem:$0x1FC70]  }
0x35a: {  	v2 =	vadd.f32 v11, v2;
	v11 =	vld [tilespmem:$0x1FC60]  }
0x35b: {  	v22 =	vadd.f32 v9, v22;
	v9 =	vld [tilespmem:$0x1FCB0]  }
0x35c: {  	v61 =	vadd.f32 v57, v61;
	v57 =	vld [tilespmem:$0x1FE20]  }
0x35d: {  	v3 =	vadd.f32 v29, v3;
	v29 =	vld [tilespmem:$0x4EB0]  }
0x35e: {  	v1 =	vadd.f32 v25, v1;
	v25 =	vld [tilespmem:$0x4DB0]  }
0x35f: {  	v2 =	vadd.f32 v47, v2;
	v47 =	vld [tilespmem:$0x1FC80]  }
0x360: {  	v3 =	vadd.f32 v31, v3;
	v31 =	vld [tilespmem:$0x4FB0]  }
0x361: {  	v1 =	vadd.f32 v48, v1;
	v48 =	vld [tilespmem:$0x1FC90]  }
0x362: {  	v2 =	vadd.f32 v8, v2;
	v22 =	vadd.f32 v27, v22;
	v27 =	vld [tilespmem:$0x5030]  }
0x363: {  	v8 =	vld [tilespmem:$0x1FCA0]  }
0x364: {  	v1 =	vadd.f32 v10, v1;
	v2 =	vadd.f32 v11, v2;
	v10 =	vld [tilespmem:$0x1FCC0]  }
0x365: {  	v11 =	vld [tilespmem:$0x1FCD0]  }
0x366: {  	v1 =	vadd.f32 v47, v1;
	v2 =	vadd.f32 v48, v2;
	v48 =	vld [tilespmem:$0x1FCF0]  }
0x367: {  	v47 =	vld [tilespmem:$0x1FCE0]  }
0x368: {  	v1 =	vadd.f32 v9, v1;
	v9 =	vld [tilespmem:$0x1FD00]  }
0x369: {  	v2 =	vadd.f32 v10, v2;
	v10 =	vld [tilespmem:$0x1FD10]  }
0x36a: {  	v3 =	vadd.f32 v33, v3;
	v33 =	vld [tilespmem:$0x60B0];
	v22 =	vadd.f32 v8, v22  }
0x36b: {  	v2 =	vadd.f32 v48, v2;
	v48 =	vld [tilespmem:$0x1FD40]  }
0x36c: {  	v22 =	vadd.f32 v11, v22;
	v11 =	vld [tilespmem:$0x1FD20];
	v1 =	vadd.f32 v47, v1  }
0x36d: {  	v3 =	vadd.f32 v38, v3;
	v47 =	vld [tilespmem:$0x1FD30]  }
0x36e: {  	v22 =	vadd.f32 v9, v22;
	v9 =	vld [tilespmem:$0x1FD50];
	v1 =	vadd.f32 v10, v1  }
0x36f: {  	v38 =	vld [tilespmem:$0x61B0]  }
0x370: {  	v3 =	vadd.f32 v40, v3;
	v1 =	vadd.f32 v48, v1;
	v48 =	vld [tilespmem:$0x1FD80]  }
0x371: {  	v40 =	vld [tilespmem:$0x62B0];
	v2 =	vadd.f32 v11, v2  }
0x372: {  	v8 =	vld [tilespmem:$0x6330];
	v3 =	vadd.f32 v41, v3  }
0x373: {  	v22 =	vadd.f32 v47, v22;
	v47 =	vld [tilespmem:$0x1FD70];
	v2 =	vadd.f32 v9, v2  }
0x374: {  	v41 =	vld [tilespmem:$0x63B0];
	v3 =	vadd.f32 v43, v3  }
0x375: {  	v2 =	vadd.f32 v48, v2;
	v48 =	vld [tilespmem:$0x1FDA0]  }
0x376: {  	v43 =	vld [tilespmem:$0x4CC0];
	v3 =	vadd.f32 v45, v3  }
0x377: {  	v11 =	vld [tilespmem:$0x1FD60]  }
0x378: {  	v3 =	vadd.f32 v53, v3;
	v53 =	vld [tilespmem:$0x1FDB0];
	v1 =	vadd.f32 v47, v1  }
0x379: {  	v47 =	vld [tilespmem:$0x1FD90]  }
0x37a: {  	v1 =	vadd.f32 v48, v1;
	v48 =	vld [tilespmem:$0x1FDD0]  }
0x37b: {  	v45 =	vld [tilespmem:$0x4DC0]  }
0x37c: {  	v10 =	vld [tilespmem:$0x6430]  }
0x37d: {  	v22 =	vadd.f32 v11, v22;
	v53 =	vadd.f32 v53, v2;
	v2 =	vld [tilespmem:$0x1FDC0]  }
0x37e: {  	v7 =	vadd.f32 v7, v43;
	v43 =	vld [tilespmem:$0x1FEE0]  }
0x37f: {  	v22 =	vadd.f32 v47, v22;
	v47 =	vadd.f32 v48, v1;
	v48 =	vld [tilespmem:$0x1FDF0]  }
0x380: {  	v9 =	vld [tilespmem:$0x4E40]  }
0x381: {  	v7 =	vadd.f32 v45, v7;
	v45 =	vld [tilespmem:$0x4EF0]  }
0x382: {  	v22 =	vadd.f32 v2, v22;
	v1 =	vld [tilespmem:$0x1FDE0]  }
0x383: {  	v11 =	vld [tilespmem:$0x4EC0]  }
0x384: {  	v48 =	vadd.f32 v48, v22;
	v22 =	vadd.f32 v49, v56;
	v49 =	vld [tilespmem:$0x1FE00]  }
0x385: {  	[tilespmem:$0x6520] =	vst v43;
	v43 =	vld [tilespmem:$0x1FFA0]  }
0x386: {  	v2 =	vld [tilespmem:$0x4F40]  }
0x387: {  	v1 =	vadd.f32 v1, v3;
	v3 =	vld [tilespmem:$0x4FC0]  }
0x388: {  	v7 =	vadd.f32 v9, v7;
	v56 =	vld [tilespmem:$0x5040]  }
0x389: {  	v49 =	vadd.f32 v49, v1;
	v1 =	vadd.f32 v20, v30;
	v20 =	vld [tilespmem:$0x60C0]  }
0x38a: {  	v7 =	vadd.f32 v11, v7;
	v30 =	vadd.f32 v63, v22;
	v22 =	vld [tilespmem:$0x6140]  }
0x38b: {  	v63 =	vld [tilespmem:$0x1FE10]  }
0x38c: {  	v2 =	vadd.f32 v2, v7;
	v13 =	vadd.f32 v28, v1;
	v1 =	vld [tilespmem:$0x61C0]  }
0x38d: {  	v28 =	vadd.f32 v25, v61;
	v25 =	vld [tilespmem:$0x62C0]  }
0x38e: {  	v2 =	vadd.f32 v3, v2;
	v61 =	vadd.f32 v15, v14;
	v14 =	vld [tilespmem:$0x6340]  }
0x38f: {  	v15 =	vld [tilespmem:$0x63C0]  }
0x390: {  	v2 =	vadd.f32 v56, v2;
	v56 =	vld [tilespmem:$0x1FFF0]  }
0x391: {  	v28 =	vadd.f32 v59, v28;
	v59 =	vld [tilespmem:$0x1FE50]  }
0x392: {  	v13 =	vadd.f32 v32, v13;
	v16 =	vadd.f32 v16, v61;
	v61 =	vld [tilespmem:$0x1FE60]  }
0x393: {  	v30 =	vadd.f32 v63, v30;
	v63 =	vld [tilespmem:$0x1FE30]  }
0x394: {  	v35 =	vadd.f32 v35, v13;
	v13 =	vld [tilespmem:$0x6440]  }
0x395: {  	v28 =	vadd.f32 v29, v28;
	v29 =	vld [tilespmem:$0x4CD0]  }
0x396: {  	v16 =	vadd.f32 v17, v16;
	v17 =	vld [tilespmem:$0x4D50]  }
0x397: {  	v30 =	vadd.f32 v57, v30;
	v57 =	vld [tilespmem:$0x1FE40]  }
0x398: {  	v4 =	vadd.f32 v4, v28;
	v28 =	vld [tilespmem:$0x4DD0]  }
0x399: {  	v16 =	vadd.f32 v18, v16;
	v18 =	vld [tilespmem:$0x4E50]  }
0x39a: {  	v42 =	vadd.f32 v42, v35;
	v35 =	vld [tilespmem:$0x62D0]  }
0x39b: {  	v4 =	vadd.f32 v31, v4;
	v31 =	vld [tilespmem:$0x4ED0]  }
0x39c: {  	v16 =	vadd.f32 v19, v16;
	v19 =	vld [tilespmem:$0x4F50]  }
0x39d: {  	v30 =	vadd.f32 v63, v30;
	v63 =	vld [tilespmem:$0x1FE70]  }
0x39e: {  	v32 =	vadd.f32 v44, v42;
	v42 =	vld [tilespmem:$0x1FE80]  }
0x39f: {  	v44 =	vld [tilespmem:$0x1FE90]  }
0x3a0: {  	v4 =	vadd.f32 v27, v4;
	v27 =	vld [tilespmem:$0x4FD0]  }
0x3a1: {  	v16 =	vadd.f32 v21, v16;
	v21 =	vld [tilespmem:$0x5050]  }
0x3a2: {  	v32 =	vadd.f32 v46, v32;
	v46 =	vld [tilespmem:$0x1FEA0]  }
0x3a3: {  	v30 =	vadd.f32 v57, v30;
	v57 =	vld [tilespmem:$0x1FED0]  }
0x3a4: {  	v4 =	vadd.f32 v33, v4;
	v33 =	vld [tilespmem:$0x60D0]  }
0x3a5: {  	v16 =	vadd.f32 v23, v16;
	v23 =	vld [tilespmem:$0x6150]  }
0x3a6: {  	v32 =	vadd.f32 v50, v32;
	v50 =	vld [tilespmem:$0x1FEB0]  }
0x3a7: {  	v30 =	vadd.f32 v59, v30;
	v59 =	vld [tilespmem:$0x4DE0]  }
0x3a8: {  	v4 =	vadd.f32 v5, v4;
	v5 =	vld [tilespmem:$0x61D0]  }
0x3a9: {  	v16 =	vadd.f32 v24, v16;
	v24 =	vld [tilespmem:$0x6250]  }
0x3aa: {  	v32 =	vadd.f32 v51, v32;
	v51 =	vld [tilespmem:$0x4CE0]  }
0x3ab: {  	v30 =	vadd.f32 v61, v30;
	v61 =	vadd.f32 v17, v29;
	v29 =	vld [tilespmem:$0x60E0]  }
0x3ac: {  	v4 =	vadd.f32 v38, v4;
	v38 =	vld [tilespmem:$0x6350]  }
0x3ad: {  	v32 =	vadd.f32 v52, v32;
	v52 =	vld [tilespmem:$0x1FEC0]  }
0x3ae: {  	v16 =	vadd.f32 v39, v16;
	v39 =	vld [tilespmem:$0x1FF80]  }
0x3af: {  	v4 =	vadd.f32 v6, v4;
	v6 =	vld [tilespmem:$0x63D0]  }
0x3b0: {  	v30 =	vadd.f32 v63, v30;
	v16 =	vadd.f32 v26, v16;
	v26 =	vld [tilespmem:$0x6450]  }
0x3b1: {  	v32 =	vadd.f32 v54, v32;
	v54 =	vld [tilespmem:$0x4D60]  }
0x3b2: {  	v30 =	vadd.f32 v42, v30;
	v42 =	vld [tilespmem:$0x4EE0]  }
0x3b3: {  	v32 =	vadd.f32 v55, v32;
	v55 =	vld [tilespmem:$0x4CF0]  }
0x3b4: {  	v16 =	vadd.f32 v37, v16;
	v37 =	vld [tilespmem:$0x6160]  }
0x3b5: {  	v30 =	vadd.f32 v44, v30;
	v4 =	vadd.f32 v40, v4;
	v40 =	vld [tilespmem:$0x6170]  }
0x3b6: {  	v32 =	vadd.f32 v58, v32;
	v58 =	vld [tilespmem:$0x4D70]  }
0x3b7: {  	v30 =	vadd.f32 v46, v30;
	v46 =	vld [tilespmem:$0x1FEF0]  }
0x3b8: {  	v16 =	vadd.f32 v36, v16;
	v36 =	vld [tilespmem:$0x1FF70]  }
0x3b9: {  	v63 =	vadd.f32 v54, v51;
	v51 =	vld [tilespmem:$0x1FF00]  }
0x3ba: {  	v4 =	vadd.f32 v8, v4;
	v54 =	vld [tilespmem:$0x1FF10]  }
0x3bb: {  	v2 =	vadd.f32 v20, v2;
	v32 =	vadd.f32 v60, v32;
	v60 =	vld [tilespmem:$0x4DF0]  }
0x3bc: {  	v4 =	vadd.f32 v41, v4;
	v41 =	vld [tilespmem:$0x4E70]  }
0x3bd: {  	v2 =	vadd.f32 v22, v2;
	v30 =	vadd.f32 v50, v30;
	v50 =	vld [tilespmem:$0x4F60]  }
0x3be: {  	v16 =	vadd.f32 v34, v16;
	v34 =	vld [tilespmem:$0x60F0]  }
0x3bf: {  	v1 =	vadd.f32 v1, v2;
	v44 =	vadd.f32 v59, v63;
	v59 =	vld [tilespmem:$0x4FF0]  }
0x3c0: {  	v63 =	vld [tilespmem:$0x5070]  }
0x3c1: {  	v1 =	vadd.f32 v12, v1;
	v32 =	vadd.f32 v62, v32;
	v62 =	vld [tilespmem:$0x4E60]  }
0x3c2: {  	v30 =	vadd.f32 v52, v30;
	v4 =	vadd.f32 v10, v4;
	v52 =	vld [tilespmem:$0x4F70]  }
0x3c3: {  	v10 =	vadd.f32 v28, v61;
	v61 =	vld [tilespmem:$0x5060];
	v8 =	vadd.f32 v58, v55  }
0x3c4: {  	v1 =	vadd.f32 v25, v1;
	v28 =	vld [tilespmem:$0x1FF50]  }
0x3c5: {  	[tilespmem:$0x65E0] =	vst v43;
	v55 =	vld [tilespmem:$0x4FE0];
	v10 =	vadd.f32 v18, v10;
	v8 =	vadd.f32 v60, v8  }
0x3c6: {  	[tilespmem:$0x6530] =	vst v46;
	v46 =	vld [tilespmem:$0x6260];
	v30 =	vadd.f32 v57, v30;
	v9 =	vadd.f32 v62, v44  }
0x3c7: {  	[tilespmem:$0x6640] =	vst v53;
	v57 =	vld [tilespmem:$0x1FF20];
	v10 =	vadd.f32 v31, v10;
	v8 =	vadd.f32 v41, v8  }
0x3c8: {  	v1 =	vadd.f32 v14, v1;
	[tilespmem:$0x6540] =	vst v51;
	v51 =	vld [tilespmem:$0x1FFD0];
	v58 =	vadd.f32 v42, v9  }
0x3c9: {  	[tilespmem:$0x6550] =	vst v54;
	v54 =	vld [tilespmem:$0x1FFE0];
	v10 =	vadd.f32 v19, v10;
	v8 =	vadd.f32 v45, v8  }
0x3ca: {  	[tilespmem:$0x6650] =	vst v47;
	v1 =	vadd.f32 v15, v1;
	v60 =	vld [tilespmem:$0x1FF30];
	v3 =	vadd.f32 v50, v58  }
0x3cb: {  	[tilespmem:$0x6660] =	vst v48;
	v31 =	vld [tilespmem:$0x1FF60];
	v10 =	vadd.f32 v27, v10;
	v8 =	vadd.f32 v52, v8  }
0x3cc: {  	[tilespmem:$0x6670] =	vst v49;
	v1 =	vadd.f32 v13, v1;
	v62 =	vld [tilespmem:$0x1FF40];
	v3 =	vadd.f32 v55, v3  }
0x3cd: {  	[tilespmem:$0x6630] =	vst v56;
	v41 =	vld [tilespmem:$0x1FF90];
	v10 =	vadd.f32 v21, v10;
	v8 =	vadd.f32 v59, v8  }
0x3ce: {  	[tilespmem:$0x66C0] =	vst v1;
	v44 =	vld [tilespmem:$0x61F0];
	v3 =	vadd.f32 v61, v3  }
0x3cf: {  	[tilespmem:$0x65C0] =	vst v39;
	v42 =	vld [tilespmem:$0x61E0];
	v10 =	vadd.f32 v33, v10;
	v7 =	vadd.f32 v63, v8  }
0x3d0: {  	[tilespmem:$0x66A0] =	vst v16;
	v45 =	vld [tilespmem:$0x1FFB0];
	v3 =	vadd.f32 v29, v3  }
0x3d1: {  	[tilespmem:$0x6560] =	vst v57;
	v57 =	vld [tilespmem:$0x6360];
	v10 =	vadd.f32 v23, v10;
	v7 =	vadd.f32 v34, v7  }
0x3d2: {  	[tilespmem:$0x65B0] =	vst v36;
	v2 =	vadd.f32 v37, v3;
	v3 =	vld [tilespmem:$0x6270]  }
0x3d3: {  	[tilespmem:$0x6690] =	vst v32;
	v52 =	vld [tilespmem:$0x62E0];
	v5 =	vadd.f32 v5, v10;
	v7 =	vadd.f32 v40, v7  }
0x3d4: {  	[tilespmem:$0x66B0] =	vst v4;
	v55 =	vld [tilespmem:$0x62F0];
	v2 =	vadd.f32 v42, v2  }
0x3d5: {  	[tilespmem:$0x6570] =	vst v60;
	v60 =	vld [tilespmem:$0x63F0];
	v5 =	vadd.f32 v24, v5;
	v7 =	vadd.f32 v44, v7  }
0x3d6: {  	[tilespmem:$0x6680] =	vst v30;
	v58 =	vld [tilespmem:$0x6370];
	v2 =	vadd.f32 v46, v2  }
0x3d7: {  	[tilespmem:$0x6590] =	vst v28;
	v59 =	vld [tilespmem:$0x63E0];
	v5 =	vadd.f32 v35, v5;
	v3 =	vadd.f32 v3, v7  }
0x3d8: {  	[tilespmem:$0x6610] =	vst v51;
	v50 =	vld [tilespmem:$0x1FFC0];
	v2 =	vadd.f32 v52, v2  }
0x3d9: {  	[tilespmem:$0x6620] =	vst v54;
	v61 =	vld [tilespmem:$0x6460];
	v5 =	vadd.f32 v38, v5;
	v3 =	vadd.f32 v55, v3  }
0x3da: {  	[tilespmem:$0x6580] =	vst v62;
	v62 =	vld [tilespmem:$0x6470];
	v2 =	vadd.f32 v57, v2  }
0x3db: {  	[tilespmem:$0x65A0] =	vst v31;
	v5 =	vadd.f32 v6, v5;
	v3 =	vadd.f32 v58, v3  }
0x3dc: {  	[tilespmem:$0x65D0] =	vst v41;
	v2 =	vadd.f32 v59, v2  }
0x3dd: {  	[tilespmem:$0x65F0] =	vst v45;
	v63 =	vadd.f32 v26, v5;
	v3 =	vadd.f32 v60, v3  }
0x3de: {  	[tilespmem:$0x6600] =	vst v50;
	v1 =	vadd.f32 v61, v2  }
0x3df: {  	s19 =	sadd.s32 $0x1, s19;
	[tilespmem:$0x66D0] =	vst v63;
	v2 =	vadd.f32 v62, v3  }
0x3e0: {  	p1 =	sne.s32 s19, s9;
	[tilespmem:$0x66E0] =	vst v1  }
.Ltmp2:
0x3e1: {  	[tilespmem:$0x66F0] =	vst v2;
	(pc) =	sbr.rel @p1 .LBB2_1-.Ltmp2, $4  }
0x3e2: {  	[hbm4b:s8+s12] =	stream.strided.scatter [tilespmem:s18], [sflag:$0x1], $0x280, s17, s12, $0x38;
	[tilespmem:$0x8F00] =	vst v63  }
0x3e3: {  	_ =	swait.ge [sflag:s11], $0x280  }
0x3e4: {  	[sflag:s11] =	ssyncset.done $0x0  }
0x3e5: {  	[sflag:s11] =	ssyncadd.s32 $0xFFFFFD80  }
0x3e6: {  	_ =	sfence.sel $0x180000  }
0x3e7: {  	[bflag:$0x0] =	sbarrier.arrive $0xFFFF  }
0x3e8: {  	p0 =	sne.s32 s1, $0x0;
	_ =	strace $0x90000047  }
0x3e9: {  	s0 =	sadd.s32 @!p0 $0x100000, s0;
	[bflag:$0x2] =	sbarrier.arrive $0xFFFF  }
0x3ea: {  	[sflag:s0] =	ssyncadd.tile.s32 @!p0 $0x1;
	_ =	shalt  }
.Lfunc_end2:
_tile_overlayer_lowered:
.L_overlay_start_2:
0x3eb: {  	(tag) =	ssettag $0x2  }
0x3ec: {  	s0 =	rddreg [dreg:$0x0];
	s2 =	stileid.u32  }
0x3ed: {  	s1 =	rddreg [dreg:$0x1];
	p0 =	sne.s32 s2, $0x0  }
0x3ee: {  	s3 =	rddreg [dreg:$0x2];
	[bflag:$0x3] =	sbarrier.arrive $0xFFFF;
	s2 =	simm.s32 @!p0 $0x1C01  }
0x3ef: {  	[timem:s3], [sflag:s2] =	dma.local @!p0 [hbm:s0], s1  }
0x3f0: {  	s0 =	simm.s32 @!p0 $0x1  }
0x3f1: {  	_ =	swait.ge @!p0 [sflag:s0], s1  }
0x3f2: {  	s1 =	ssub.s32 @!p0 $0x0, s1;
	[sflag:s0] =	ssyncset.done @!p0 $0x0  }
0x3f3: {  	[sflag:s0] =	ssyncadd.s32 @!p0 s1  }
0x3f4: {  	[bflag:$0x3] =	sbarrier.arrive $0xFFFF  }
0x3f5: {  	_ =	shalt  }

// kernel: kernel.9.cloned.1.call-start
scs
__scs_entry_jumppad:
0x0: {  	(pc) =	sbr.rel $0x88, $3  }
0x1: {  	(tag) =	ssettag $0x0;
	lr =	simm.s32 $0x1  }
0x2: {  	[smem:$0x3F9D] =	sst lr;
	_ =	strace $0xD0000000  }
0x3: {  	_ = 	snop  }
0x4: {  	_ = 	snop  }
0x5: {  	_ = 	snop  }
0x6: {  	_ = 	snop  }
0x7: {  	_ = 	snop  }
__scs_overlays_trampoline_lowered:
0x8: {  	[smem:$0x3FAC] =	sst s0  }
0x9: {  	[smem:$0x3FAD] =	sst s1  }
0xa: {  	[smem:$0x3FAE] =	sst s2  }
0xb: {  	[smem:$0x3FAF] =	sst s3  }
0xc: {  	[smem:$0x3FB0] =	sst s4  }
0xd: {  	[smem:$0x3FB1] =	sst s5  }
0xe: {  	[smem:$0x3FB2] =	sst s6  }
0xf: {  	[smem:$0x3FB3] =	sst s7  }
0x10: {  	[smem:$0x3FB4] =	sst s8  }
0x11: {  	[smem:$0x3FB5] =	sst s9;
	s0 =	simm.s32 @!p0 $0x0  }
0x12: {  	s1 =	sld [smem:$0x3F9B];
	s0 =	simm.s32 @p0 $0x1  }
0x13: {  	[smem:$0x3FB6] =	sst s0;
	s0 =	simm.s32 @!p1 $0x0  }
0x14: {  	s2 =	sld [smem:$0x3F9A];
	s0 =	simm.s32 @p1 $0x1  }
0x15: {  	[smem:$0x3FB7] =	sst s0;
	s0 =	simm.s32 @!p2 $0x0  }
0x16: {  	s3 =	sld [smem:$0x3FDB];
	s0 =	simm.s32 @p2 $0x1  }
0x17: {  	s4 =	simm.s32 $0x1BF5;
	[smem:$0x3FB9] =	sst s0  }
0x18: {  	s0 =	sld [smem:$0x3F9C];
	_ =	swait.ge [sflag:s4], $0x0  }
0x19: {  	s7 =	sld [smem:$0x3F9D]  }
0x1a: {  	s8 =	sadd.s32 $0xFFFFE003, lr  }
0x1b: {  	s9 =	sadd.s32 $0xFFFFFEF7, lr;
	s5 =	simm.s32 $0xFFFFFFFF;
	p2 =	slt.u32 s8, $0xFFFFF086  }
0x1c: {  	p1 =	slt.u32 s9, $0xF7A;
	s5 =	simm.s32 @!p2 $0x0  }
0x1d: {  	s5 =	simm.s32 @p1 $0x1;
	p0 =	seq.s32 s7, s2  }
0x1e: {  	s7 =	smul.u32 @!p0 $0xF7A, s2;
	p2 =	seq.s32 @!p0 s5, $0x0  }
0x1f: {  	s9 =	smul.u32 $0xF7A, s1;
	s8 =	simm.s32 @!p0 $0x1BF5;
	p2 =	por !p2, p0  }
0x20: {  	[sflag:s8] =	ssyncset.s32 @!p0 $0xFFFFF086;
	s6 =	sadd.s32 @!p0 s3, s7;
	s7 =	simm.s32 @!p0 $0x108  }
0x21: {  	s3 =	sadd.s32 s3, s9;
	s6 =	sadd.s32 @!p0 $0x88, s6;
	s7 =	simm.s32 @p2 $0x1082  }
0x22: {  	[simem:s7], [sflag:s8] =	dma.local @!p0 [hbm:s6], $0xF7A  }
0x23: {  	s9 =	sor.u32 $0xD0000000, s2;
	s6 =	simm.s32 $0x108;
	_ =	swait.ge @!p0 [sflag:s8], $0x0  }
0x24: {  	s3 =	sadd.s32 $0x88, s3;
	s6 =	simm.s32 @!p1 $0x1082;
	[sflag:s4] =	ssyncset.s32 $0xFFFFF086  }
0x25: {  	[simem:s6], [sflag:s4] =	dma.local [hbm:s3], $0xF7A  }
0x26: {  	[smem:$0x3F9D] =	sst s1;
	(tag) =	ssettag s2;
	_ =	strace s9  }
0x27: {  	s1 =	sld [smem:$0x3FAD]  }
0x28: {  	s2 =	sld [smem:$0x3FAE]  }
0x29: {  	s4 =	sld [smem:$0x3FB0]  }
0x2a: {  	p0 =	seq.s32 s5, $0x0;
	s5 =	sld [smem:$0x3FB1]  }
0x2b: {  	s6 =	sld [smem:$0x3FB2]  }
0x2c: {  	s7 =	sld [smem:$0x3FB3]  }
0x2d: {  	s3 =	simm.s32 $0x108;
	s8 =	sld [smem:$0x3FB4]  }
0x2e: {  	s3 =	simm.s32 @!p0 $0x1082;
	s9 =	sld [smem:$0x3FB5]  }
0x2f: {  	lr =	sadd.s32 s0, s3;
	s0 =	sld [smem:$0x3FAC]  }
0x30: {  	s3 =	sld [smem:$0x3FAF]  }
0x31: {  	[smem:$0x3FB8] =	sst s10  }
0x32: {  	s10 =	sld [smem:$0x3FB6];
	_ =	sdelay $0x3  }
0x33: {  	p0 =	seq.s32 s10, $0x1;
	s10 =	sld [smem:$0x3FB8];
	_ =	sdelay $0x3  }
0x34: {  	[smem:$0x3FB8] =	sst s10  }
0x35: {  	s10 =	sld [smem:$0x3FB7];
	_ =	sdelay $0x3  }
0x36: {  	p1 =	seq.s32 s10, $0x1;
	s10 =	sld [smem:$0x3FB8];
	_ =	sdelay $0x3  }
0x37: {  	[smem:$0x3FB8] =	sst s10  }
0x38: {  	s10 =	sld [smem:$0x3FB9]  }
0x39: {  	_ = 	snop;
	(pc) =	sbr.ind lr, $3  }
0x3a: {  	_ = 	snop  }
0x3b: {  	_ = 	snop  }
0x3c: {  	p2 =	seq.s32 s10, $0x1;
	s10 =	sld [smem:$0x3FB8]  }
0x3d: {  	_ =	shalt  }
0x3e: {  	_ =	shalt  }
0x3f: {  	_ =	shalt  }
0x40: {  	_ =	shalt  }
0x41: {  	_ =	shalt  }
0x42: {  	_ =	shalt  }
0x43: {  	_ =	shalt  }
0x44: {  	_ =	shalt  }
0x45: {  	_ =	shalt  }
0x46: {  	_ =	shalt  }
0x47: {  	_ =	shalt  }
0x48: {  	_ =	shalt  }
0x49: {  	_ =	shalt  }
0x4a: {  	_ =	shalt  }
0x4b: {  	_ =	shalt  }
0x4c: {  	_ =	shalt  }
0x4d: {  	_ =	shalt  }
0x4e: {  	_ =	shalt  }
0x4f: {  	_ =	shalt  }
0x50: {  	_ =	shalt  }
0x51: {  	_ =	shalt  }
0x52: {  	_ =	shalt  }
0x53: {  	_ =	shalt  }
0x54: {  	_ =	shalt  }
0x55: {  	_ =	shalt  }
0x56: {  	_ =	shalt  }
0x57: {  	_ =	shalt  }
0x58: {  	_ =	shalt  }
0x59: {  	_ =	shalt  }
0x5a: {  	_ =	shalt  }
0x5b: {  	_ =	shalt  }
0x5c: {  	_ =	shalt  }
0x5d: {  	_ =	shalt  }
0x5e: {  	_ =	shalt  }
0x5f: {  	_ =	shalt  }
0x60: {  	_ =	shalt  }
0x61: {  	_ =	shalt  }
0x62: {  	_ =	shalt  }
0x63: {  	_ =	shalt  }
0x64: {  	_ =	shalt  }
0x65: {  	_ =	shalt  }
0x66: {  	_ =	shalt  }
0x67: {  	_ =	shalt  }
0x68: {  	_ =	shalt  }
0x69: {  	_ =	shalt  }
0x6a: {  	_ =	shalt  }
0x6b: {  	_ =	shalt  }
0x6c: {  	_ =	shalt  }
0x6d: {  	_ =	shalt  }
0x6e: {  	_ =	shalt  }
0x6f: {  	_ =	shalt  }
0x70: {  	_ =	shalt  }
0x71: {  	_ =	shalt  }
0x72: {  	_ =	shalt  }
0x73: {  	_ =	shalt  }
0x74: {  	_ =	shalt  }
0x75: {  	_ =	shalt  }
0x76: {  	_ =	shalt  }
0x77: {  	_ =	shalt  }
0x78: {  	_ =	shalt  }
0x79: {  	_ =	shalt  }
0x7a: {  	_ =	shalt  }
0x7b: {  	_ =	shalt  }
0x7c: {  	_ =	shalt  }
0x7d: {  	_ =	shalt  }
0x7e: {  	_ =	shalt  }
0x7f: {  	_ =	shalt  }
0x80: {  	_ =	shalt  }
0x81: {  	_ =	shalt  }
0x82: {  	_ =	shalt  }
0x83: {  	_ =	shalt  }
0x84: {  	_ =	shalt  }
0x85: {  	_ =	shalt  }
0x86: {  	_ =	shalt  }
0x87: {  	_ =	shalt  }
.Lfunc_end0:
.L_simem_size_0:
called_computation.1_lowered:
.L_overlay_start_0:
0x88: {  	s2 =	sld [smem:$0x3FD9]  }
0x89: {  	s3 =	sld [smem:$0x3FFE];
	_ =	sdelay $0x1  }
0x8a: {  	s1 =	srdreg.scid  }
0x8b: {  	s0 =	sand.u32 $0x1, s1  }
0x8c: {  	s17 =	sshll.u32 s0, $0xA;
	s2 =	sadd.s32 s3, s2  }
0x8d: {  	s2 =	sadd.s32 s2, s17  }
0x8e: {  	[smem:$0x3FC4] =	sst s2  }
0x8f: {  	_ = 	snop  }
0x90: {  	s2 =	sld [smem:$0x3FD0];
	(tm) =	ssettm $0x1  }
0x91: {  	s18 =	sld [smem:$0x3FFB];
	_ =	sdelay $0x3  }
0x92: {  	_ =	strace s18  }
0x93: {  	s3 =	sld [smem:$0x3FFC];
	_ =	sdelay $0x3  }
0x94: {  	_ =	strace s3  }
0x95: {  	s3 =	sld [smem:$0x3FFD];
	_ =	sdelay $0x3  }
0x96: {  	_ =	strace s3  }
0x97: {  	_ =	strace $0x8FFFFFFF  }
0x98: {  	s19 =	sld [smem:$0x3FDB];
	_ =	sdelay $0x1  }
0x99: {  	s4 =	simm.s32 $_scs_section_size  }
0x9a: {  	s5 =	simm.s32 $_size__tile_overlayer_lowered;
	s6 =	simm.s32 $_tile_overlayer_lowered  }
0x9b: {  	s22 =	simm.s32 $0x1BFF;
	s21 =	sshll.u32 s6, $0x1;
	s3 =	sadd.s32 s4, s19  }
0x9c: {  	s7 =	simm.s32 $0x0;
	s20 =	sshll.u32 s5, $0x1;
	s5 =	sadd.s32 s21, s3  }
0x9d: {  	[timem:s7], [sflag:s22] =	dma.local [hbm:s5], s20  }
0x9e: {  	_ =	swait.ge [sflag:s22], s20  }
0x9f: {  	s4 =	ssub.s32 $0x0, s20;
	[sflag:s22] =	ssyncset.done $0x0  }
0xa0: {  	[sflag:s22] =	ssyncadd.s32 s4;
	_ =	sdelay $0x1  }
0xa1: {  	s23 =	simm.s32 $0x1B8B  }
0xa2: {  	_ =	swait.ge [sflag:s23], $0x1  }
0xa3: {  	[sflag:s23] =	ssyncset.done $0x0  }
0xa4: {  	s25 =	simm.s32 $0x1B8E;
	s24 =	sld [smem:$0x3FFE];
	[sflag:s23] =	ssyncadd.s32 $0xFFFFFFFF  }
0xa5: {  	s26 =	simm.s32 $execute0_lowered;
	[smem:$0x3FD2] =	sst s25  }
0xa6: {  	s5 =	sshll.u32 s26, $0x1;
	_ =	strace $0x80000049;
	[dreg:$0x1] =	wrdreg $0xFFFFFFFF  }
0xa7: {  	s28 =	simm.s32 $_size_execute0_lowered;
	s3 =	sadd.s32 s3, s5;
	[dreg:$0x0] =	wrdreg $0x0  }
0xa8: {  	s5 =	sshll.u32 s28, $0x1;
	[dreg:$0x2] =	wrdreg s3  }
0xa9: {  	[dreg:$0x3] =	wrdreg s5  }
0xaa: {  	[dreg:$0x4] =	wrdreg $0xC0  }
0xab: {  	_ =	task [dreg:s7], $0x5FFFF  }
0xac: {  	[dreg:$0x1] =	wrdreg $0xFFFFFFFF  }
0xad: {  	[dreg:$0x0] =	wrdreg $0x60  }
0xae: {  	[dreg:$0x2] =	wrdreg s24  }
0xaf: {  	[dreg:$0x3] =	wrdreg s2  }
0xb0: {  	[dreg:$0x4] =	wrdreg $0x82000  }
0xb1: {  	[dreg:$0x5] =	wrdreg $0x9  }
0xb2: {  	_ =	task.clear_ibuf [dreg:s7], $0x6FFFF;
	_ =	strace $0x90000049  }
0xb3: {  	s29 =	simm.s32 $0x9;
	_ =	strace $0x8000004B  }
0xb4: {  	_ =	swait.ge [sflag:s29], $0x1  }
0xb5: {  	[sflag:s29] =	ssyncadd.s32 $0xFFFFFFFF  }
0xb6: {  	_ =	strace $0x9000004B  }
0xb7: {  	_ =	sfence  }
0xb8: {  	s30 =	sld [smem:$0x0];
	_ =	sdelay $0x2  }
0xb9: {  	s31 =	sshll.u32 s1, $0xD;
	s1 =	sshrl.u32 s1, $0x2  }
0xba: {  	s3 =	sand.u32 $0x4000, s31;
	s1 =	sadd.s32 s1, s30  }
0xbb: {  	s0 =	sor.u32 s3, s0;
	s1 =	sshll.u32 s1, $0x11  }
0xbc: {  	s0 =	sor.u32 s1, s0  }
0xbd: {  	s0 =	sadd.s32 $0x8F2B, s0  }
0xbe: {  	[sflag:s0] =	ssyncadd.remote.s32 $0x1  }
0xbf: {  	_ =	sfence.sel $0xFFFF  }
0xc0: {  	[dreg:$0x0] =	wrdreg $0xFFFFFFFF;
	(pc) =	sbr.abs _section_cstart, $3  }
0xc1: {  	[dreg:$0x1] =	wrdreg $0xFFFFFFFF  }
0xc2: {  	_ =	task.clear_ibuf [dreg:s7], $0x2FFFF;
	_ =	strace $0x9FFFFFFF  }
0xc3: {  	(tm) =	ssettm $0x7FFFFFFF  }
tec
execute0_lowered:
.L_overlay_start_1:
0x0: {  	(tag) =	ssettag $0x1  }
0x1: {  	s0 =	rddreg [dreg:$0x0]  }
0x2: {  	s2 =	rddreg [dreg:$0x1]  }
0x3: {  	s1 =	rddreg [dreg:$0x2];
	s3 =	simm.s32 $0x0;
	s4 =	srdreg.scid  }
0x4: {  	s13 =	stileid.u32;
	s28 =	simm.s32 $0x4200;
	s30 =	simm.s32 $0x1  }
0x5: {  	s31 =	simm.s32 $0x2;
	s9 =	sand.u32 $0x1, s4;
	s4 =	smul.u32 $0x2800, s13  }
0x6: {  	s29 =	simm.s32 $0x5;
	[smem:$0x7FF] =	sst s3;
	s18 =	smul.u32 $0x4E000, s13  }
0x7: {  	s5 =	sadd.s32 $0x6E00, s0;
	s6 =	sadd.s32 $0x1E00, s0;
	s19 =	smul.u32 $0x2700, s13  }
0x8: {  	s7 =	sadd.s32 $0xBE00, s0;
	s8 =	sadd.s32 $0x33000, s0;
	s20 =	smul.u32 $0x27000, s13  }
0x9: {  	p1 =	seq.s32 s13, $0xF;
	p2 =	sne.s32 s13, $0xF;
	_ =	strace $0x8000004A  }
0xa: {  	s10 =	ssub.s32 $0x2, s9;
	p0 =	seq.s32 s9, $0x0;
	s22 =	sshll.u32 s9, $0xA  }
0xb: {  	s23 =	sshll.u32 s9, $0x7;
	s11 =	sshrl.u32 s10, $0x1;
	s12 =	sshrl.u32 s4, $0x3  }
0xc: {  	s21 =	sadd.s32 s8, s19;
	s25 =	sadd.s32 s23, s2;
	s23 =	simm.s32 $0x80  }
0xd: {  	s14 =	ssub.s32 s10, s11;
	s15 =	sadd.s32 s5, s12;
	s16 =	sadd.s32 s6, s12  }
0xe: {  	s17 =	sor.u32 $0x10, s12;
	s11 =	sshrl.u32 s18, $0x2;
	[dreg:$0x9] =	wrdreg s21  }
0xf: {  	s26 =	sadd.s32 $0x4E000, s25;
	s21 =	simm.s32 $0x9;
	[dreg:$0x4] =	wrdreg s15  }
0x10: {  	s25 =	simm.s32 $0x7D;
	[dreg:$0x5] =	wrdreg s16;
	s12 =	sadd.s32 s5, s17  }
0x11: {  	s10 =	sadd.s32 s6, s17;
	s11 =	sadd.s32 s11, s1;
	[dreg:$0xc] =	wrdreg s26  }
0x12: {  	s15 =	sadd.s32 $0x138000, s1;
	s0 =	smax.u32 s14, $0x1;
	[dreg:$0x6] =	wrdreg s12  }
0x13: {  	s26 =	simm.s32 $0x200;
	s14 =	simm.s32 $0x4;
	[dreg:$0x7] =	wrdreg s10  }
0x14: {  	s16 =	simm.s32 $0x6;
	[dreg:$0x8] =	wrdreg s11;
	s11 =	sor.u32 s22, s20  }
0x15: {  	s10 =	sadd.s32 s7, s19;
	[dreg:$0xd] =	wrdreg s0;
	s20 =	smov.u32 s8  }
0x16: {  	s22 =	simm.s32 $0x100;
	s0 =	simm.s32 $0x3;
	[dreg:$0xa] =	wrdreg s10  }
0x17: {  	s24 =	sshrl.u32 s11, $0x3;
	s20 =	smov.u32 @p0 s7;
	p0 =	sne.s32 s9, $0x0  }
0x18: {  	s9 =	simm.s32 $0x8;
	s10 =	simm.s32 $0x0;
	s2 =	sadd.s32 s2, s24  }
0x19: {  	s24 =	simm.s32 $0x180;
	[dreg:$0xb] =	wrdreg s2;
	s2 =	simm.s32 $0x7  }
.LBB2_1:
0x1a: {  	s11 =	rddreg [dreg:$0x4]  }
0x1b: {  	[tilespmem:s3], [sflag:$0x9] =	stream.linear.gather [hbm4b:s11+s3], $0x80, $0x38;
	[tilespmem:$0x1BA80] =	vst v63  }
0x1c: {  	_ =	swait.ge [sflag:s21], $0x80  }
0x1d: {  	[sflag:s21] =	ssyncset.done $0x0  }
0x1e: {  	s13 =	rddreg [dreg:$0x5];
	[sflag:s21] =	ssyncadd.s32 $0xFFFFFF80  }
0x1f: {  	[tilespmem:s22], [sflag:$0x9] =	stream.linear.gather [hbm4b:s13+s3], $0x80, $0x38;
	[tilespmem:$0x1BA80] =	vst v63  }
0x20: {  	_ =	swait.ge [sflag:s21], $0x80  }
0x21: {  	[sflag:s21] =	ssyncset.done $0x0  }
0x22: {  	s17 =	rddreg [dreg:$0x6];
	[sflag:s21] =	ssyncadd.s32 $0xFFFFFF80  }
0x23: {  	[tilespmem:s23], [sflag:$0x9] =	stream.linear.gather [hbm4b:s17+s3], $0x80, $0x38;
	[tilespmem:$0x1BA80] =	vst v63  }
0x24: {  	_ =	swait.ge [sflag:s21], $0x80  }
0x25: {  	[sflag:s21] =	ssyncset.done $0x0  }
.Ltmp0:
0x26: {  	s18 =	rddreg [dreg:$0x7];
	[sflag:s21] =	ssyncadd.s32 $0xFFFFFF80;
	(pc) =	sbr.rel @p0 .LBB2_3-.Ltmp0, $4  }
0x27: {  	[tilespmem:s24], [sflag:$0x9] =	stream.linear.gather [hbm4b:s18+s3], $0x80, $0x38;
	[tilespmem:$0x1BA80] =	vst v63  }
0x28: {  	s19 =	stileid.u32;
	_ =	swait.ge [sflag:s21], $0x80  }
0x29: {  	s11 =	sshll.u32 s19, $0x6;
	[sflag:s21] =	ssyncset.done $0x0;
	s12 =	rddreg [dreg:$0x8]  }
0x2a: {  	s11 =	sor.u32 $0x1C09, s11;
	[sflag:s21] =	ssyncadd.s32 $0xFFFFFF80;
	s12 =	sshrl.u32 s12, $0x3  }
0x2b: {  	[tilespmem:s26], [sflag:$0x1] =	stream.indirect.gather [hbm4b:s7+s25], $0x80, s3, s25, $0xb8;
	[tilespmem:$0x1BA80] =	vst v63  }
0x2c: {  	s13 =	rddreg [dreg:$0xa]  }
0x2d: {  	[tilespmem:s28], [sflag:$0x2] =	stream.indirect.gather [hbm4b:s7+s25], $0x80, s23, s25, $0xb8;
	[tilespmem:$0x1BA80] =	vst v63  }
0x2e: {  	[spmem:s12], [sflag:s11] =	dma.local [hbm:s13], $0x2700  }
.Ltmp1:
0x2f: {  	_ = 	snop;
	(pc) =	sbr.rel @p1 .LBB2_4-.Ltmp1, $4  }
.Ltmp2:
0x30: {  	_ = 	snop;
	(pc) =	sbr.rel @!p1 .LBB2_5-.Ltmp2, $4  }
0x31: {  	_ =	swait.ge [sflag:s21], $0x2700  }
0x32: {  	[sflag:s21] =	ssyncset.done $0x0  }
0x33: {  	p3 =	por $0x0, $0x0;
	s13 =	smov.u32 s7;
	[sflag:s21] =	ssyncadd.s32 $0xFFFFD900  }
0x34: {  	_ = 	snop  }
.LBB2_3:
0x35: {  	[tilespmem:s26], [sflag:$0x1] =	stream.indirect.gather [hbm4b:s8+s25], $0x80, s3, s25, $0xb8;
	[tilespmem:$0x1BA80] =	vst v63  }
0x36: {  	_ = 	snop  }
0x37: {  	[tilespmem:s28], [sflag:$0x2] =	stream.indirect.gather [hbm4b:s8+s25], $0x80, s23, s25, $0xb8;
	[tilespmem:$0x1BA80] =	vst v63  }
.Ltmp3:
0x38: {  	s13 =	rddreg [dreg:$0x9];
	(pc) =	sbr.rel @p2 .LBB2_5-.Ltmp3, $4  }
0x39: {  	[spmem:s12], [sflag:s11] =	dma.local [hbm:s13], $0x2700  }
0x3a: {  	_ =	swait.ge [sflag:s21], $0x2700  }
0x3b: {  	[sflag:s21] =	ssyncset.done $0x0  }
0x3c: {  	p3 =	por $0x0, $0x0;
	s13 =	smov.u32 s8;
	[sflag:s21] =	ssyncadd.s32 $0xFFFFD900  }
.LBB2_4:
0x3d: {  	s13 =	sadd.s32 $0x27000, s13;
	s17 =	sshrl.u32 s15, $0x3;
	s18 =	simm.s32 $0x1FC9  }
0x3e: {  	[spmem:s17], [sflag:s18] =	dma.local [hbm:s13], $0x100  }
0x3f: {  	_ =	swait.ge [sflag:s21], $0x100  }
0x40: {  	[sflag:s21] =	ssyncset.done $0x0  }
0x41: {  	p3 =	por $0x1, $0x1;
	[sflag:s21] =	ssyncadd.s32 $0xFFFFFF00  }
.LBB2_5:
0x42: {  	s13 =	simm.s32 $0x100  }
0x43: {  	[bflag:$0x0] =	sbarrier.arrive $0xFFFF;
	s17 =	sand.u32 $0x7C00, s13  }
0x44: {  	s13 =	sand.u32 $0x300, s13;
	_ =	swait.ge [sflag:s30], $0x3E80;
	s17 =	sadd.s32 s4, s17  }
0x45: {  	[sflag:s30] =	ssyncset.done $0x0;
	s13 =	sor.u32 s13, s17  }
0x46: {  	[sflag:s30] =	ssyncadd.s32 $0xFFFFC180;
	s13 =	sshrl.u32 s13, $0x3  }
0x47: {  	[spmem:s1] =	stream.indirect.scatter.add.f32 [tilespmem:s26], [sflag:$0x3], $0x80, s22, s25, $0xb8;
	[tilespmem:$0x1BA80] =	vst v63  }
0x48: {  	s18 =	sadd.s32 s5, s13  }
0x49: {  	[tilespmem:s3], [sflag:$0x5] =	stream.linear.gather [hbm4b:s18+s3], $0x80, $0x38;
	[tilespmem:$0x1BA80] =	vst v63  }
0x4a: {  	_ =	swait.ge [sflag:s31], $0x3E80  }
0x4b: {  	[sflag:s31] =	ssyncset.done $0x0  }
0x4c: {  	[sflag:s31] =	ssyncadd.s32 $0xFFFFC180  }
0x4d: {  	_ =	swait.ge [sflag:s0], $0x3E80  }
0x4e: {  	[sflag:s0] =	ssyncset.done $0x0  }
0x4f: {  	s19 =	simm.s32 $0x180;
	s13 =	sadd.s32 s6, s13;
	[sflag:s0] =	ssyncadd.s32 $0xFFFFC180  }
0x50: {  	[tilespmem:s22], [sflag:$0x7] =	stream.linear.gather [hbm4b:s13+s3], $0x80, $0x38;
	[tilespmem:$0x1BA80] =	vst v63  }
0x51: {  	s18 =	sand.u32 $0x7C00, s19;
	_ =	swait.ge [sflag:s29], $0x80  }
0x52: {  	s17 =	sand.u32 $0x380, s19;
	s13 =	sadd.s32 s4, s18;
	[sflag:s29] =	ssyncset.done $0x0  }
0x53: {  	s13 =	sor.u32 s17, s13;
	[sflag:s29] =	ssyncadd.s32 $0xFFFFFF80  }
0x54: {  	[tilespmem:s26], [sflag:$0x1] =	stream.indirect.gather [hbm4b:s20+s25], $0x80, s3, s25, $0xb8;
	[tilespmem:$0x1BA80] =	vst v63  }
0x55: {  	s13 =	sshrl.u32 s13, $0x3  }
0x56: {  	[spmem:s1] =	stream.indirect.scatter.add.f32 [tilespmem:s28], [sflag:$0x4], $0x80, s24, s25, $0xb8;
	[tilespmem:$0x1BA80] =	vst v63  }
0x57: {  	s19 =	sadd.s32 s5, s13  }
0x58: {  	[tilespmem:s23], [sflag:$0x6] =	stream.linear.gather [hbm4b:s19+s3], $0x80, $0x38;
	[tilespmem:$0x1BA80] =	vst v63  }
0x59: {  	_ =	swait.ge [sflag:s14], $0x3E80  }
0x5a: {  	[sflag:s14] =	ssyncset.done $0x0  }
0x5b: {  	s13 =	sadd.s32 s6, s13;
	[sflag:s14] =	ssyncadd.s32 $0xFFFFC180  }
0x5c: {  	[tilespmem:s24], [sflag:$0x8] =	stream.linear.gather [hbm4b:s13+s3], $0x80, $0x38;
	[tilespmem:$0x1BA80] =	vst v63  }
0x5d: {  	_ =	swait.ge [sflag:s16], $0x80  }
0x5e: {  	[sflag:s16] =	ssyncset.done $0x0  }
0x5f: {  	[sflag:s16] =	ssyncadd.s32 $0xFFFFFF80  }
0x60: {  	[tilespmem:s28], [sflag:$0x2] =	stream.indirect.gather [hbm4b:s20+s25], $0x80, s23, s25, $0xb8;
	[tilespmem:$0x1BA80] =	vst v63  }
0x61: {  	_ =	swait.ge [sflag:s2], $0x80  }
0x62: {  	[sflag:s2] =	ssyncset.done $0x0  }
0x63: {  	s13 =	simm.s32 $0x280;
	[sflag:s2] =	ssyncadd.s32 $0xFFFFFF80  }
.LBB2_6:
0x64: {  	p4 =	sne.s32 s13, $0x2780  }
0x65: {  	_ =	swait.ge [sflag:s9], $0x80;
	s17 =	smov.u32 s13;
	s13 =	sadd.s32 $0x100, s13  }
0x66: {  	s18 =	sadd.s32 $0xFFFFFF80, s17;
	[sflag:s9] =	ssyncset.done $0x0  }
0x67: {  	s19 =	sand.u32 $0x7C00, s18;
	[sflag:s9] =	ssyncadd.s32 $0xFFFFFF80  }
0x68: {  	s18 =	sand.u32 $0x300, s18;
	s19 =	sadd.s32 s4, s19  }
0x69: {  	_ =	swait.ge [sflag:s30], $0x3E80;
	s18 =	sor.u32 s18, s19  }
0x6a: {  	[sflag:s30] =	ssyncset.done $0x0;
	s18 =	sshrl.u32 s18, $0x3  }
0x6b: {  	[sflag:s30] =	ssyncadd.s32 $0xFFFFC180;
	s19 =	sadd.s32 s5, s18  }
0x6c: {  	[spmem:s1] =	stream.indirect.scatter.add.f32 [tilespmem:s26], [sflag:$0x3], $0x80, s22, s25, $0xb8;
	[tilespmem:$0x1BA80] =	vst v63  }
0x6d: {  	_ = 	snop  }
0x6e: {  	[tilespmem:s3], [sflag:$0x5] =	stream.linear.gather [hbm4b:s19+s3], $0x80, $0x38;
	[tilespmem:$0x1BA80] =	vst v63  }
0x6f: {  	_ =	swait.ge [sflag:s31], $0x3E80  }
0x70: {  	[sflag:s31] =	ssyncset.done $0x0  }
0x71: {  	[sflag:s31] =	ssyncadd.s32 $0xFFFFC180  }
0x72: {  	s18 =	sadd.s32 s6, s18;
	_ =	swait.ge [sflag:s0], $0x3E80  }
0x73: {  	[sflag:s0] =	ssyncset.done $0x0  }
0x74: {  	[sflag:s0] =	ssyncadd.s32 $0xFFFFC180  }
0x75: {  	[tilespmem:s22], [sflag:$0x7] =	stream.linear.gather [hbm4b:s18+s3], $0x80, $0x38;
	[tilespmem:$0x1BA80] =	vst v63  }
0x76: {  	s18 =	sand.u32 $0x7C00, s17;
	_ =	swait.ge [sflag:s29], $0x80  }
0x77: {  	s17 =	sand.u32 $0x380, s17;
	s18 =	sadd.s32 s4, s18;
	[sflag:s29] =	ssyncset.done $0x0  }
0x78: {  	s17 =	sor.u32 s17, s18;
	[sflag:s29] =	ssyncadd.s32 $0xFFFFFF80  }
0x79: {  	[tilespmem:s26], [sflag:$0x1] =	stream.indirect.gather [hbm4b:s20+s25], $0x80, s3, s25, $0xb8;
	[tilespmem:$0x1BA80] =	vst v63  }
0x7a: {  	s17 =	sshrl.u32 s17, $0x3  }
0x7b: {  	[spmem:s1] =	stream.indirect.scatter.add.f32 [tilespmem:s28], [sflag:$0x4], $0x80, s24, s25, $0xb8;
	[tilespmem:$0x1BA80] =	vst v63  }
0x7c: {  	s18 =	sadd.s32 s5, s17  }
0x7d: {  	[tilespmem:s23], [sflag:$0x6] =	stream.linear.gather [hbm4b:s18+s3], $0x80, $0x38;
	[tilespmem:$0x1BA80] =	vst v63  }
0x7e: {  	_ =	swait.ge [sflag:s14], $0x3E80  }
0x7f: {  	[sflag:s14] =	ssyncset.done $0x0  }
0x80: {  	s17 =	sadd.s32 s6, s17;
	[sflag:s14] =	ssyncadd.s32 $0xFFFFC180  }
0x81: {  	[tilespmem:s24], [sflag:$0x8] =	stream.linear.gather [hbm4b:s17+s3], $0x80, $0x38;
	[tilespmem:$0x1BA80] =	vst v63  }
0x82: {  	_ =	swait.ge [sflag:s16], $0x80  }
0x83: {  	[sflag:s16] =	ssyncset.done $0x0  }
.Ltmp4:
0x84: {  	[sflag:s16] =	ssyncadd.s32 $0xFFFFFF80;
	(pc) =	sbr.rel @p4 .LBB2_6-.Ltmp4, $4  }
0x85: {  	[tilespmem:s28], [sflag:$0x2] =	stream.indirect.gather [hbm4b:s20+s25], $0x80, s23, s25, $0xb8;
	[tilespmem:$0x1BA80] =	vst v63  }
0x86: {  	_ =	swait.ge [sflag:s2], $0x80  }
0x87: {  	[sflag:s2] =	ssyncset.done $0x0  }
0x88: {  	[sflag:s2] =	ssyncadd.s32 $0xFFFFFF80  }
0x89: {  	_ =	swait.ge [sflag:s9], $0x80  }
0x8a: {  	[sflag:s9] =	ssyncset.done $0x0  }
0x8b: {  	[sflag:s9] =	ssyncadd.s32 $0xFFFFFF80  }
0x8c: {  	_ =	swait.ge [sflag:s30], $0x3E80  }
0x8d: {  	[sflag:s30] =	ssyncset.done $0x0  }
0x8e: {  	[sflag:s30] =	ssyncadd.s32 $0xFFFFC180  }
0x8f: {  	[spmem:s1] =	stream.indirect.scatter.add.f32 [tilespmem:s26], [sflag:$0x3], $0x80, s22, s25, $0xb8;
	[tilespmem:$0x1BA80] =	vst v63  }
0x90: {  	_ =	swait.ge [sflag:s31], $0x3E80  }
0x91: {  	[sflag:s31] =	ssyncset.done $0x0  }
0x92: {  	[sflag:s31] =	ssyncadd.s32 $0xFFFFC180  }
0x93: {  	_ =	swait.ge [sflag:s0], $0x3E80  }
0x94: {  	[sflag:s0] =	ssyncset.done $0x0  }
0x95: {  	[sflag:s0] =	ssyncadd.s32 $0xFFFFC180  }
0x96: {  	[spmem:s1] =	stream.indirect.scatter.add.f32 [tilespmem:s28], [sflag:$0x4], $0x80, s24, s25, $0xb8;
	[tilespmem:$0x1BA80] =	vst v63  }
0x97: {  	_ =	swait.ge [sflag:s14], $0x3E80  }
0x98: {  	[sflag:s14] =	ssyncset.done $0x0  }
0x99: {  	[sflag:s14] =	ssyncadd.s32 $0xFFFFC180  }
0x9a: {  	[bflag:$0x0] =	sbarrier.arrive $0xFFFF  }
0x9b: {  	s13 =	rddreg [dreg:$0xb]  }
0x9c: {  	[hbm:s13@s22], [sflag:s11] =	dma.strided [spmem:s12@s23], $0x2700, s9, $0x10   }
0x9d: {  	s17 =	simm.s32 @p3 $0x100;
	_ =	swait.ge [sflag:s21], $0x2700  }
0x9e: {  	s18 =	simm.s32 @p3 $0x80;
	s12 =	sshrl.u32 @p3 s15, $0x3;
	[sflag:s21] =	ssyncset.done $0x0  }
0x9f: {  	s13 =	simm.s32 @p3 $0x8;
	s19 =	rddreg [dreg:$0xc];
	[sflag:s21] =	ssyncadd.s32 $0xFFFFD900  }
0xa0: {  	[hbm:s19@s17], [sflag:s11] =	dma.strided @p3 [spmem:s12@s18], $0x100, s13, $0x10   }
0xa1: {  	s11 =	simm.s32 @p3 $0x9  }
0xa2: {  	_ =	swait.ge @p3 [sflag:s11], $0x100  }
0xa3: {  	s10 =	sadd.s32 $0x1, s10;
	s19 =	rddreg [dreg:$0xd]  }
0xa4: {  	p4 =	sne.s32 s10, s19  }
.Ltmp5:
0xa5: {  	_ = 	snop;
	(pc) =	sbr.rel @p4 .LBB2_1-.Ltmp5, $3  }
0xa6: {  	_ =	sdelay $0x1  }
0xa7: {  	[sflag:s11] =	ssyncset.done @p3 $0x0  }
0xa8: {  	[sflag:s11] =	ssyncadd.s32 @p3 $0xFFFFFF00  }
0xa9: {  	_ =	sfence.sel $0x180000  }
0xaa: {  	[bflag:$0x0] =	sbarrier.arrive $0xFFFF  }
0xab: {  	_ =	strace $0x9000004A  }
0xac: {  	s0 =	stileid.u32;
	[bflag:$0x2] =	sbarrier.arrive $0xFFFF  }
0xad: {  	p0 =	sne.s32 s0, $0x0;
	s0 =	rddreg [dreg:$0x3]  }
0xae: {  	s0 =	sadd.s32 @!p0 $0x100000, s0  }
0xaf: {  	[sflag:s0] =	ssyncadd.tile.s32 @!p0 $0x1;
	_ =	shalt  }
.Lfunc_end2:
_tile_overlayer_lowered:
.L_overlay_start_2:
0xb0: {  	(tag) =	ssettag $0x2  }
0xb1: {  	s0 =	rddreg [dreg:$0x0];
	s2 =	stileid.u32  }
0xb2: {  	s1 =	rddreg [dreg:$0x1];
	p0 =	sne.s32 s2, $0x0  }
0xb3: {  	s3 =	rddreg [dreg:$0x2];
	[bflag:$0x3] =	sbarrier.arrive $0xFFFF;
	s2 =	simm.s32 @!p0 $0x1C09  }
0xb4: {  	[timem:s3], [sflag:s2] =	dma.local @!p0 [hbm:s0], s1  }
0xb5: {  	s0 =	simm.s32 @!p0 $0x9  }
0xb6: {  	_ =	swait.ge @!p0 [sflag:s0], s1  }
0xb7: {  	s1 =	ssub.s32 @!p0 $0x0, s1;
	[sflag:s0] =	ssyncset.done @!p0 $0x0  }
0xb8: {  	[sflag:s0] =	ssyncadd.s32 @!p0 s1  }
0xb9: {  	[bflag:$0x3] =	sbarrier.arrive $0xFFFF  }
0xba: {  	_ =	shalt  }

</sc_bundles>
